<compile_context>
chip_gen: v7x
topology: tpu7x:2x2x1
jax: 0.10.2.dev20260603
libtpu: 0.0.44.dev20260713+nightly
codegen_flags: <defaults>
</compile_context>

<pallas_src>
import functools

import jax
import jax.numpy as jnp
from jax import lax
from jax.experimental import pallas as pl
from jax.experimental.pallas import tpu as pltpu
from jax.experimental.pallas import tpu_sc as plsc

NP = 128
LANES = 16


def _build_sc_kernel(C, D, H, W, P):
  info = plsc.get_sparse_core_info()
  NW = info.num_cores * info.num_subcores
  assert P % (NW * NP) == 0
  ppw = P // NW
  nchunks = ppw // NP
  ngroups = NP // LANES

  mesh = plsc.VectorSubcoreMesh(core_axis_name="c", subcore_axis_name="s")

  sx = jnp.float32(W / 2.0)
  ox = jnp.float32((W - 1) / 2.0)
  sy = jnp.float32(H / 2.0)
  oy = jnp.float32((H - 1) / 2.0)
  sz = jnp.float32(D / 2.0)
  oz = jnp.float32((D - 1) / 2.0)

  def axis_prep(g, scale, off, hi):
    ix = g * scale + off
    ix = jnp.clip(ix, -1.5, hi + 0.5)
    t = ix.astype(jnp.int32)
    tf = t.astype(jnp.float32)
    i0 = jnp.where(tf > ix, t - 1, t)
    f1 = ix - i0.astype(jnp.float32)
    f0 = 1.0 - f1
    i1 = i0 + 1
    v0 = jnp.where((i0 >= 0) & (i0 < hi), jnp.float32(1.0), jnp.float32(0.0))
    v1 = jnp.where((i1 >= 0) & (i1 < hi), jnp.float32(1.0), jnp.float32(0.0))
    w0 = f0 * v0
    w1 = f1 * v1
    c0 = jnp.clip(i0, 0, hi - 1)
    c1 = jnp.clip(i1, 0, hi - 1)
    return w0, w1, c0, c1

  @functools.partial(
      pl.kernel,
      out_type=jax.ShapeDtypeStruct((P * C,), jnp.float32),
      mesh=mesh,
      scratch_types=[
          pltpu.VMEM((3, NP), jnp.float32),
          pltpu.VMEM((8, NP), jnp.int32),
          pltpu.VMEM((8, NP), jnp.float32),
          pltpu.VMEM((8 * NP, C), jnp.float32),
          pltpu.VMEM((NP * C,), jnp.float32),
          pltpu.SemaphoreType.DMA,
      ],
      compiler_params=pltpu.CompilerParams(
          needs_layout_passes=False, use_tc_tiling_on_sc=False),
  )
  def sc_kernel(table_hbm, grid_hbm, out_hbm, grid_v, idx_v, w_v, rows_v,
                out_v, sem):
    wid = lax.axis_index("c") * info.num_subcores + lax.axis_index("s")
    base_pt = wid * ppw
    iota = lax.iota(jnp.int32, LANES)

    def chunk_body(i, carry):
      cb = base_pt + i * NP
      pltpu.sync_copy(grid_hbm.at[:, pl.ds(cb, NP)], grid_v)

      for g in range(ngroups):
        s = g * LANES
        gx = grid_v[0, pl.ds(s, LANES)]
        gy = grid_v[1, pl.ds(s, LANES)]
        gz = grid_v[2, pl.ds(s, LANES)]
        wx0, wx1, x0, x1 = axis_prep(gx, sx, ox, W)
        wy0, wy1, y0, y1 = axis_prep(gy, sy, oy, H)
        wz0, wz1, z0, z1 = axis_prep(gz, sz, oz, D)

        rz0 = z0 * (H * W)
        rz1 = z1 * (H * W)
        ry0 = y0 * W
        ry1 = y1 * W
        b00 = rz0 + ry0
        b01 = rz0 + ry1
        b10 = rz1 + ry0
        b11 = rz1 + ry1
        wzy00 = wz0 * wy0
        wzy01 = wz0 * wy1
        wzy10 = wz1 * wy0
        wzy11 = wz1 * wy1

        idx_v[0, pl.ds(s, LANES)] = b00 + x0
        idx_v[1, pl.ds(s, LANES)] = b00 + x1
        idx_v[2, pl.ds(s, LANES)] = b01 + x0
        idx_v[3, pl.ds(s, LANES)] = b01 + x1
        idx_v[4, pl.ds(s, LANES)] = b10 + x0
        idx_v[5, pl.ds(s, LANES)] = b10 + x1
        idx_v[6, pl.ds(s, LANES)] = b11 + x0
        idx_v[7, pl.ds(s, LANES)] = b11 + x1
        w_v[0, pl.ds(s, LANES)] = wzy00 * wx0
        w_v[1, pl.ds(s, LANES)] = wzy00 * wx1
        w_v[2, pl.ds(s, LANES)] = wzy01 * wx0
        w_v[3, pl.ds(s, LANES)] = wzy01 * wx1
        w_v[4, pl.ds(s, LANES)] = wzy10 * wx0
        w_v[5, pl.ds(s, LANES)] = wzy10 * wx1
        w_v[6, pl.ds(s, LANES)] = wzy11 * wx0
        w_v[7, pl.ds(s, LANES)] = wzy11 * wx1

      copies = []
      for k in range(8):
        copies.append(
            pltpu.async_copy(
                table_hbm.at[idx_v.at[k]],
                rows_v.at[pl.ds(k * NP, NP)],
                sem,
            )
        )
      for cp in copies:
        cp.wait()

      for g in range(ngroups):
        s = g * LANES
        w = [w_v[k, pl.ds(s, LANES)] for k in range(8)]
        rowids = tuple((k * NP + s) + iota for k in range(8))
        oo0 = (s + iota) * C
        col0 = jnp.zeros((LANES,), jnp.int32)

        def ch_body(c, carry):
          col, oo = carry
          acc = w[0] * plsc.load_gather(rows_v, [rowids[0], col])
          for k in range(1, 8):
            acc = acc + w[k] * plsc.load_gather(rows_v, [rowids[k], col])
          plsc.store_scatter(out_v, [oo], acc)
          return (col + 1, oo + 1)

        lax.fori_loop(0, C, ch_body, (col0, oo0), unroll=1)

      pltpu.sync_copy(out_v, out_hbm.at[pl.ds(cb * C, NP * C)])
      return carry

    lax.fori_loop(0, nchunks, chunk_body, 0)

  return sc_kernel


@jax.jit
def kernel(x, deformation_grid):
  C, D, H, W = x.shape
  G0, G1, G2, _ = deformation_grid.shape
  P = G0 * G1 * G2
  table = x.reshape(C, D * H * W).T
  grid3 = deformation_grid.reshape(P, 3).T
  sc = _build_sc_kernel(C, D, H, W, P)
  out_flat = sc(table, grid3)
  return out_flat.reshape(P, C).T.reshape(C, G0, G1, G2)

# --- scband reference (transcript-rebuilt; emitter-appended) ---
"""Pipeline reference for scband-spatial-deformation-layer-47141561041342 (READ-ONLY COPY).

The authoritative reference and input builder live on the scoring server;
editing this copy changes nothing except your own understanding.
"""

import jax, jax.numpy as jnp
import numpy as np

GRID_SIZE = 96
C, D, H, W = 32, 96, 96, 96


def setup_inputs(seed: int = 0) -> dict:
    key = jax.random.key(seed)
    k1, k2 = jax.random.split(key)
    x = jax.random.normal(k1, (C, D, H, W), dtype=jnp.float32)
    deformation_grid = jax.random.normal(k2, (GRID_SIZE, GRID_SIZE, GRID_SIZE, 3), dtype=jnp.float32) * 0.1
    return {"x": x, "deformation_grid": deformation_grid}


def _grid_sample_3d(vol, grid):
    # vol: [C, D, H, W]; grid: [G0, G1, G2, 3] with last dim = (x, y, z) ~ (W, H, D)
    # Replicates torch F.grid_sample defaults: mode='bilinear' (trilinear),
    # padding_mode='zeros', align_corners=False.
    Cc, Dd, Hh, Ww = vol.shape
    gx = grid[..., 0]
    gy = grid[..., 1]
    gz = grid[..., 2]
    # unnormalize (align_corners=False)
    ix = ((gx + 1.0) * Ww - 1.0) / 2.0
    iy = ((gy + 1.0) * Hh - 1.0) / 2.0
    iz = ((gz + 1.0) * Dd - 1.0) / 2.0
    ix0 = jnp.floor(ix)
    iy0 = jnp.floor(iy)
    iz0 = jnp.floor(iz)
    ix1 = ix0 + 1.0
    iy1 = iy0 + 1.0
    iz1 = iz0 + 1.0
    wx1 = ix - ix0
    wy1 = iy - iy0
    wz1 = iz - iz0
    wx0 = 1.0 - wx1
    wy0 = 1.0 - wy1
    wz0 = 1.0 - wz1

    def gather(zc, yc, xc):
        zi = zc.astype(jnp.int32)
        yi = yc.astype(jnp.int32)
        xi = xc.astype(jnp.int32)
        valid = (zi >= 0) & (zi < Dd) & (yi >= 0) & (yi < Hh) & (xi >= 0) & (xi < Ww)
        zi = jnp.clip(zi, 0, Dd - 1)
        yi = jnp.clip(yi, 0, Hh - 1)
        xi = jnp.clip(xi, 0, Ww - 1)
        v = vol[:, zi, yi, xi]  # [C, G0, G1, G2]
        return v * valid.astype(vol.dtype)[None]

    out = (
        gather(iz0, iy0, ix0) * (wz0 * wy0 * wx0)[None]
        + gather(iz0, iy0, ix1) * (wz0 * wy0 * wx1)[None]
        + gather(iz0, iy1, ix0) * (wz0 * wy1 * wx0)[None]
        + gather(iz0, iy1, ix1) * (wz0 * wy1 * wx1)[None]
        + gather(iz1, iy0, ix0) * (wz1 * wy0 * wx0)[None]
        + gather(iz1, iy0, ix1) * (wz1 * wy0 * wx1)[None]
        + gather(iz1, iy1, ix0) * (wz1 * wy1 * wx0)[None]
        + gather(iz1, iy1, ix1) * (wz1 * wy1 * wx1)[None]
    )
    return out


def reference(x, deformation_grid):
    # torch: F.grid_sample(x.unsqueeze(0), grid.unsqueeze(0)).squeeze(0)
    return _grid_sample_3d(x, deformation_grid)

if __name__ == "__main__":
    import jax
    _d = setup_inputs()
    print(jax.jit(kernel)(*tuple(_d.values())))

</pallas_src>

<mosaic_0001>
#map = affine_map<(d0, d1) -> (0, 0)>
#map1 = affine_map<(d0, d1) -> (0)>
module attributes {stable_mosaic.version = 14 : i64} {
  func.func @_rewritten_body(%arg0: i32, %arg1: i32, %arg2: memref<884736x32xf32, #tpu.memory_space<hbm>>, %arg3: memref<3x884736xf32, #tpu.memory_space<hbm>>, %arg4: memref<1xf32, #tpu.memory_space<hbm>>, %arg5: memref<1xf32, #tpu.memory_space<hbm>>, %arg6: memref<1xf32, #tpu.memory_space<hbm>>, %arg7: memref<1xf32, #tpu.memory_space<hbm>>, %arg8: memref<1xf32, #tpu.memory_space<hbm>>, %arg9: memref<1xf32, #tpu.memory_space<hbm>>, %arg10: memref<28311552xf32, #tpu.memory_space<hbm>>, %arg11: memref<3x128xf32, #tpu.memory_space<vmem>>, %arg12: memref<8x128xi32, #tpu.memory_space<vmem>>, %arg13: memref<8x128xf32, #tpu.memory_space<vmem>>, %arg14: memref<1024x32xf32, #tpu.memory_space<vmem>>, %arg15: memref<4096xf32, #tpu.memory_space<vmem>>, %arg16: memref<!tpu.dma_semaphore, #tpu.memory_space<semaphore_mem>>) attributes {dimension_semantics = [#tpu.dimension_semantics<core_parallel>, #tpu.dimension_semantics<subcore_parallel>], iteration_bounds = array<i64: 2, 16>, scalar_prefetch = 0 : i64, scratch_operands = 6 : i64, tpu.core_type = #tpu.core_type<sc_vector_subcore>, window_params = [{transform_indices = #map}, {transform_indices = #map}, {transform_indices = #map1}, {transform_indices = #map1}, {transform_indices = #map1}, {transform_indices = #map1}, {transform_indices = #map1}, {transform_indices = #map1}, {transform_indices = #map1}]} {
    %empty_ref3A = memref.alloca() : memref<16xf32, #tpu.memory_space<vmem>>
    %empty_ref3A_0 = memref.alloca() : memref<16xf32, #tpu.memory_space<vmem>>
    %empty_ref3A_1 = memref.alloca() : memref<16xf32, #tpu.memory_space<vmem>>
    %empty_ref3A_2 = memref.alloca() : memref<16xf32, #tpu.memory_space<vmem>>
    %empty_ref3A_3 = memref.alloca() : memref<16xf32, #tpu.memory_space<vmem>>
    %empty_ref3A_4 = memref.alloca() : memref<16xf32, #tpu.memory_space<vmem>>
    "tpu.region"() ({
      %run_scoped3A = tpu.sem_alloc : memref<!tpu.dma_semaphore, #tpu.memory_space<semaphore_mem>>
      %dma_start3A = arith.constant 0 : i32
      %dma_start3A_34 = tpu.memref_slice %empty_ref3A[%dma_start3A] : memref<16xf32, #tpu.memory_space<vmem>> -> memref<1xf32, #tpu.memory_space<vmem>>
      %dma_start3A_35 = arith.constant 0 : i32
      %dma_start3A_36 = tpu.memref_slice %empty_ref3A[%dma_start3A_35] : memref<16xf32, #tpu.memory_space<vmem>> -> memref<1xf32, #tpu.memory_space<vmem>>
      tpu.enqueue_dma source(%arg4 : memref<1xf32, #tpu.memory_space<hbm>>) target(%dma_start3A_36 : memref<1xf32, #tpu.memory_space<vmem>>) target_semaphore(%run_scoped3A : memref<!tpu.dma_semaphore, #tpu.memory_space<semaphore_mem>>)
      %dma_start3A_37 = arith.constant 0 : i32
      %dma_start3A_38 = tpu.memref_slice %empty_ref3A_0[%dma_start3A_37] : memref<16xf32, #tpu.memory_space<vmem>> -> memref<1xf32, #tpu.memory_space<vmem>>
      %dma_start3A_39 = arith.constant 0 : i32
      %dma_start3A_40 = tpu.memref_slice %empty_ref3A_0[%dma_start3A_39] : memref<16xf32, #tpu.memory_space<vmem>> -> memref<1xf32, #tpu.memory_space<vmem>>
      tpu.enqueue_dma source(%arg5 : memref<1xf32, #tpu.memory_space<hbm>>) target(%dma_start3A_40 : memref<1xf32, #tpu.memory_space<vmem>>) target_semaphore(%run_scoped3A : memref<!tpu.dma_semaphore, #tpu.memory_space<semaphore_mem>>)
      %dma_start3A_41 = arith.constant 0 : i32
      %dma_start3A_42 = tpu.memref_slice %empty_ref3A_1[%dma_start3A_41] : memref<16xf32, #tpu.memory_space<vmem>> -> memref<1xf32, #tpu.memory_space<vmem>>
      %dma_start3A_43 = arith.constant 0 : i32
      %dma_start3A_44 = tpu.memref_slice %empty_ref3A_1[%dma_start3A_43] : memref<16xf32, #tpu.memory_space<vmem>> -> memref<1xf32, #tpu.memory_space<vmem>>
      tpu.enqueue_dma source(%arg6 : memref<1xf32, #tpu.memory_space<hbm>>) target(%dma_start3A_44 : memref<1xf32, #tpu.memory_space<vmem>>) target_semaphore(%run_scoped3A : memref<!tpu.dma_semaphore, #tpu.memory_space<semaphore_mem>>)
      %dma_start3A_45 = arith.constant 0 : i32
      %dma_start3A_46 = tpu.memref_slice %empty_ref3A_2[%dma_start3A_45] : memref<16xf32, #tpu.memory_space<vmem>> -> memref<1xf32, #tpu.memory_space<vmem>>
      %dma_start3A_47 = arith.constant 0 : i32
      %dma_start3A_48 = tpu.memref_slice %empty_ref3A_2[%dma_start3A_47] : memref<16xf32, #tpu.memory_space<vmem>> -> memref<1xf32, #tpu.memory_space<vmem>>
      tpu.enqueue_dma source(%arg7 : memref<1xf32, #tpu.memory_space<hbm>>) target(%dma_start3A_48 : memref<1xf32, #tpu.memory_space<vmem>>) target_semaphore(%run_scoped3A : memref<!tpu.dma_semaphore, #tpu.memory_space<semaphore_mem>>)
      %dma_start3A_49 = arith.constant 0 : i32
      %dma_start3A_50 = tpu.memref_slice %empty_ref3A_3[%dma_start3A_49] : memref<16xf32, #tpu.memory_space<vmem>> -> memref<1xf32, #tpu.memory_space<vmem>>
      %dma_start3A_51 = arith.constant 0 : i32
      %dma_start3A_52 = tpu.memref_slice %empty_ref3A_3[%dma_start3A_51] : memref<16xf32, #tpu.memory_space<vmem>> -> memref<1xf32, #tpu.memory_space<vmem>>
      tpu.enqueue_dma source(%arg8 : memref<1xf32, #tpu.memory_space<hbm>>) target(%dma_start3A_52 : memref<1xf32, #tpu.memory_space<vmem>>) target_semaphore(%run_scoped3A : memref<!tpu.dma_semaphore, #tpu.memory_space<semaphore_mem>>)
      %dma_start3A_53 = arith.constant 0 : i32
      %dma_start3A_54 = tpu.memref_slice %empty_ref3A_4[%dma_start3A_53] : memref<16xf32, #tpu.memory_space<vmem>> -> memref<1xf32, #tpu.memory_space<vmem>>
      %dma_start3A_55 = arith.constant 0 : i32
      %dma_start3A_56 = tpu.memref_slice %empty_ref3A_4[%dma_start3A_55] : memref<16xf32, #tpu.memory_space<vmem>> -> memref<1xf32, #tpu.memory_space<vmem>>
      tpu.enqueue_dma source(%arg9 : memref<1xf32, #tpu.memory_space<hbm>>) target(%dma_start3A_56 : memref<1xf32, #tpu.memory_space<vmem>>) target_semaphore(%run_scoped3A : memref<!tpu.dma_semaphore, #tpu.memory_space<semaphore_mem>>)
      %dma_wait3A = arith.constant 0 : i32
      %dma_wait3A_57 = tpu.memref_slice %empty_ref3A[%dma_wait3A] : memref<16xf32, #tpu.memory_space<vmem>> -> memref<1xf32, #tpu.memory_space<vmem>>
      %dma_wait3A_58 = arith.constant 0 : i32
      %dma_wait3A_59 = tpu.memref_slice %empty_ref3A[%dma_wait3A_58] : memref<16xf32, #tpu.memory_space<vmem>> -> memref<1xf32, #tpu.memory_space<vmem>>
      tpu.wait_dma2 semaphore(%run_scoped3A : memref<!tpu.dma_semaphore, #tpu.memory_space<semaphore_mem>>) src(%arg4 : memref<1xf32, #tpu.memory_space<hbm>>) dst(%dma_wait3A_59 : memref<1xf32, #tpu.memory_space<vmem>>)
      %dma_wait3A_60 = arith.constant 0 : i32
      %dma_wait3A_61 = tpu.memref_slice %empty_ref3A_0[%dma_wait3A_60] : memref<16xf32, #tpu.memory_space<vmem>> -> memref<1xf32, #tpu.memory_space<vmem>>
      %dma_wait3A_62 = arith.constant 0 : i32
      %dma_wait3A_63 = tpu.memref_slice %empty_ref3A_0[%dma_wait3A_62] : memref<16xf32, #tpu.memory_space<vmem>> -> memref<1xf32, #tpu.memory_space<vmem>>
      tpu.wait_dma2 semaphore(%run_scoped3A : memref<!tpu.dma_semaphore, #tpu.memory_space<semaphore_mem>>) src(%arg5 : memref<1xf32, #tpu.memory_space<hbm>>) dst(%dma_wait3A_63 : memref<1xf32, #tpu.memory_space<vmem>>)
      %dma_wait3A_64 = arith.constant 0 : i32
      %dma_wait3A_65 = tpu.memref_slice %empty_ref3A_1[%dma_wait3A_64] : memref<16xf32, #tpu.memory_space<vmem>> -> memref<1xf32, #tpu.memory_space<vmem>>
      %dma_wait3A_66 = arith.constant 0 : i32
      %dma_wait3A_67 = tpu.memref_slice %empty_ref3A_1[%dma_wait3A_66] : memref<16xf32, #tpu.memory_space<vmem>> -> memref<1xf32, #tpu.memory_space<vmem>>
      tpu.wait_dma2 semaphore(%run_scoped3A : memref<!tpu.dma_semaphore, #tpu.memory_space<semaphore_mem>>) src(%arg6 : memref<1xf32, #tpu.memory_space<hbm>>) dst(%dma_wait3A_67 : memref<1xf32, #tpu.memory_space<vmem>>)
      %dma_wait3A_68 = arith.constant 0 : i32
      %dma_wait3A_69 = tpu.memref_slice %empty_ref3A_2[%dma_wait3A_68] : memref<16xf32, #tpu.memory_space<vmem>> -> memref<1xf32, #tpu.memory_space<vmem>>
      %dma_wait3A_70 = arith.constant 0 : i32
      %dma_wait3A_71 = tpu.memref_slice %empty_ref3A_2[%dma_wait3A_70] : memref<16xf32, #tpu.memory_space<vmem>> -> memref<1xf32, #tpu.memory_space<vmem>>
      tpu.wait_dma2 semaphore(%run_scoped3A : memref<!tpu.dma_semaphore, #tpu.memory_space<semaphore_mem>>) src(%arg7 : memref<1xf32, #tpu.memory_space<hbm>>) dst(%dma_wait3A_71 : memref<1xf32, #tpu.memory_space<vmem>>)
      %dma_wait3A_72 = arith.constant 0 : i32
      %dma_wait3A_73 = tpu.memref_slice %empty_ref3A_3[%dma_wait3A_72] : memref<16xf32, #tpu.memory_space<vmem>> -> memref<1xf32, #tpu.memory_space<vmem>>
      %dma_wait3A_74 = arith.constant 0 : i32
      %dma_wait3A_75 = tpu.memref_slice %empty_ref3A_3[%dma_wait3A_74] : memref<16xf32, #tpu.memory_space<vmem>> -> memref<1xf32, #tpu.memory_space<vmem>>
      tpu.wait_dma2 semaphore(%run_scoped3A : memref<!tpu.dma_semaphore, #tpu.memory_space<semaphore_mem>>) src(%arg8 : memref<1xf32, #tpu.memory_space<hbm>>) dst(%dma_wait3A_75 : memref<1xf32, #tpu.memory_space<vmem>>)
      %dma_wait3A_76 = arith.constant 0 : i32
      %dma_wait3A_77 = tpu.memref_slice %empty_ref3A_4[%dma_wait3A_76] : memref<16xf32, #tpu.memory_space<vmem>> -> memref<1xf32, #tpu.memory_space<vmem>>
      %dma_wait3A_78 = arith.constant 0 : i32
      %dma_wait3A_79 = tpu.memref_slice %empty_ref3A_4[%dma_wait3A_78] : memref<16xf32, #tpu.memory_space<vmem>> -> memref<1xf32, #tpu.memory_space<vmem>>
      tpu.wait_dma2 semaphore(%run_scoped3A : memref<!tpu.dma_semaphore, #tpu.memory_space<semaphore_mem>>) src(%arg9 : memref<1xf32, #tpu.memory_space<hbm>>) dst(%dma_wait3A_79 : memref<1xf32, #tpu.memory_space<vmem>>)
      tpu.yield
    }) : () -> ()
    %get3A = arith.constant 0 : index
    %get3A_5 = tpu.vector_load %empty_ref3A[%get3A] {strides = array<i32>} : memref<16xf32, #tpu.memory_space<vmem>>, vector<16xf32>,
    %slice3A = vector.extract_strided_slice %get3A_5 {offsets = [0], sizes = [1], strides = [1]} : vector<16xf32> to vector<1xf32>
    %squeeze3A = vector.extract %slice3A[0] : f32 from vector<1xf32>
    %get3A_6 = arith.constant 0 : index
    %get3A_7 = tpu.vector_load %empty_ref3A_0[%get3A_6] {strides = array<i32>} : memref<16xf32, #tpu.memory_space<vmem>>, vector<16xf32>,
    %slice3A_8 = vector.extract_strided_slice %get3A_7 {offsets = [0], sizes = [1], strides = [1]} : vector<16xf32> to vector<1xf32>
    %squeeze3A_9 = vector.extract %slice3A_8[0] : f32 from vector<1xf32>
    %get3A_10 = arith.constant 0 : index
    %get3A_11 = tpu.vector_load %empty_ref3A_1[%get3A_10] {strides = array<i32>} : memref<16xf32, #tpu.memory_space<vmem>>, vector<16xf32>,
    %slice3A_12 = vector.extract_strided_slice %get3A_11 {offsets = [0], sizes = [1], strides = [1]} : vector<16xf32> to vector<1xf32>
    %squeeze3A_13 = vector.extract %slice3A_12[0] : f32 from vector<1xf32>
    %get3A_14 = arith.constant 0 : index
    %get3A_15 = tpu.vector_load %empty_ref3A_2[%get3A_14] {strides = array<i32>} : memref<16xf32, #tpu.memory_space<vmem>>, vector<16xf32>,
    %slice3A_16 = vector.extract_strided_slice %get3A_15 {offsets = [0], sizes = [1], strides = [1]} : vector<16xf32> to vector<1xf32>
    %squeeze3A_17 = vector.extract %slice3A_16[0] : f32 from vector<1xf32>
    %get3A_18 = arith.constant 0 : index
    %get3A_19 = tpu.vector_load %empty_ref3A_3[%get3A_18] {strides = array<i32>} : memref<16xf32, #tpu.memory_space<vmem>>, vector<16xf32>,
    %slice3A_20 = vector.extract_strided_slice %get3A_19 {offsets = [0], sizes = [1], strides = [1]} : vector<16xf32> to vector<1xf32>
    %squeeze3A_21 = vector.extract %slice3A_20[0] : f32 from vector<1xf32>
    %get3A_22 = arith.constant 0 : index
    %get3A_23 = tpu.vector_load %empty_ref3A_4[%get3A_22] {strides = array<i32>} : memref<16xf32, #tpu.memory_space<vmem>>, vector<16xf32>,
    %slice3A_24 = vector.extract_strided_slice %get3A_23 {offsets = [0], sizes = [1], strides = [1]} : vector<16xf32> to vector<1xf32>
    %squeeze3A_25 = vector.extract %slice3A_24[0] : f32 from vector<1xf32>
    %mul3A = arith.constant 16 : i32
    %mul3A_26 = arith.muli %arg0, %mul3A : i32
    %add3A = arith.addi %mul3A_26, %arg1 : i32
    %mul3A_27 = arith.constant 27648 : i32
    %mul3A_28 = arith.muli %add3A, %mul3A_27 : i32
    %iota3A = tpu.iota {dimensions = array<i32: 0>} : vector<16xi32>
    %scan3A = arith.constant 0 : i32
    %scan3A_29 = arith.constant 0 : i32
    %scan3A_30 = arith.constant 216 : i32
    %scan3A_31 = arith.addi %scan3A_29, %scan3A_30 : i32
    %scan3A_32 = arith.constant 1 : i32
    scf.for %scan3A_34 = %scan3A_29 to %scan3A_31 step %scan3A_32  : i32 {
      %mul3A_35 = arith.constant 128 : i32
      %mul3A_36 = arith.muli %scan3A_34, %mul3A_35 : i32
      %add3A_37 = arith.addi %mul3A_28, %mul3A_36 : i32
      "tpu.region"() ({
        %run_scoped3A = tpu.sem_alloc : memref<!tpu.dma_semaphore, #tpu.memory_space<semaphore_mem>>
        %dma_start3A_3154 = arith.constant 0 : i32
        %dma_start3A_3155 = tpu.memref_slice %arg3[%dma_start3A_3154, %add3A_37] : memref<3x884736xf32, #tpu.memory_space<hbm>> -> memref<3x128xf32, #tpu.memory_space<hbm>>
        %dma_start3A_3156 = arith.constant 0 : i32
        %dma_start3A_3157 = tpu.memref_slice %arg3[%dma_start3A_3156, %add3A_37] : memref<3x884736xf32, #tpu.memory_space<hbm>> -> memref<3x128xf32, #tpu.memory_space<hbm>>
        tpu.enqueue_dma source(%dma_start3A_3157 : memref<3x128xf32, #tpu.memory_space<hbm>>) target(%arg11 : memref<3x128xf32, #tpu.memory_space<vmem>>) target_semaphore(%run_scoped3A : memref<!tpu.dma_semaphore, #tpu.memory_space<semaphore_mem>>)
        %dma_wait3A_3158 = arith.constant 0 : i32
        %dma_wait3A_3159 = tpu.memref_slice %arg3[%dma_wait3A_3158, %add3A_37] : memref<3x884736xf32, #tpu.memory_space<hbm>> -> memref<3x128xf32, #tpu.memory_space<hbm>>
        %dma_wait3A_3160 = arith.constant 0 : i32
        %dma_wait3A_3161 = tpu.memref_slice %arg3[%dma_wait3A_3160, %add3A_37] : memref<3x884736xf32, #tpu.memory_space<hbm>> -> memref<3x128xf32, #tpu.memory_space<hbm>>
        tpu.wait_dma2 semaphore(%run_scoped3A : memref<!tpu.dma_semaphore, #tpu.memory_space<semaphore_mem>>) src(%dma_wait3A_3161 : memref<3x128xf32, #tpu.memory_space<hbm>>) dst(%arg11 : memref<3x128xf32, #tpu.memory_space<vmem>>)
        tpu.yield
      }) : () -> ()
      %get3A_38 = arith.constant 0 : i32
      %get3A_39 = arith.index_cast %get3A_38 : i32 to index
      %get3A_40 = arith.constant 0 : index
      %get3A_41 = tpu.vector_load %arg11[%get3A_39, %get3A_40] {strides = array<i32>} : memref<3x128xf32, #tpu.memory_space<vmem>>, vector<16xf32>,
      %get3A_42 = arith.constant 1 : i32
      %get3A_43 = arith.index_cast %get3A_42 : i32 to index
      %get3A_44 = arith.constant 0 : index
      %get3A_45 = tpu.vector_load %arg11[%get3A_43, %get3A_44] {strides = array<i32>} : memref<3x128xf32, #tpu.memory_space<vmem>>, vector<16xf32>,
      %get3A_46 = arith.constant 2 : i32
      %get3A_47 = arith.index_cast %get3A_46 : i32 to index
      %get3A_48 = arith.constant 0 : index
      %get3A_49 = tpu.vector_load %arg11[%get3A_47, %get3A_48] {strides = array<i32>} : memref<3x128xf32, #tpu.memory_space<vmem>>, vector<16xf32>,
      %mul3A_50 = vector.broadcast %squeeze3A : f32 to vector<16xf32>
      %mul3A_51 = arith.mulf %get3A_41, %mul3A_50 : vector<16xf32>
      %add3A_52 = vector.broadcast %squeeze3A_9 : f32 to vector<16xf32>
      %add3A_53 = arith.addf %mul3A_51, %add3A_52 : vector<16xf32>
      %jit3A = arith.constant -1.500000e+00 : f32
      %jit3A_54 = arith.constant 9.650000e+01 : f32
      %max3A = vector.broadcast %jit3A : f32 to vector<16xf32>
      %max3A_55 = arith.maximumf %max3A, %add3A_53 : vector<16xf32>
      %min3A = vector.broadcast %jit3A_54 : f32 to vector<16xf32>
      %min3A_56 = arith.minimumf %min3A, %max3A_55 : vector<16xf32>
      %convert_element_type3A = arith.fptosi %min3A_56 : vector<16xf32> to vector<16xi32>
      %convert_element_type3A_57 = arith.sitofp %convert_element_type3A : vector<16xi32> to vector<16xf32>
      %gt3A = arith.cmpf ogt, %convert_element_type3A_57, %min3A_56 : vector<16xf32>
      %sub3A = arith.constant 1 : i32
      %sub3A_58 = vector.broadcast %sub3A : i32 to vector<16xi32>
      %sub3A_59 = arith.subi %convert_element_type3A, %sub3A_58 : vector<16xi32>
      %select_n3A = arith.select %gt3A, %sub3A_59, %convert_element_type3A : vector<16xi1>, vector<16xi32>
      %convert_element_type3A_60 = arith.sitofp %select_n3A : vector<16xi32> to vector<16xf32>
      %sub3A_61 = arith.subf %min3A_56, %convert_element_type3A_60 : vector<16xf32>
      %sub3A_62 = arith.constant 1.000000e+00 : f32
      %sub3A_63 = vector.broadcast %sub3A_62 : f32 to vector<16xf32>
      %sub3A_64 = arith.subf %sub3A_63, %sub3A_61 : vector<16xf32>
      %add3A_65 = arith.constant 1 : i32
      %add3A_66 = vector.broadcast %add3A_65 : i32 to vector<16xi32>
      %add3A_67 = arith.addi %select_n3A, %add3A_66 : vector<16xi32>
      %ge3A = arith.constant 0 : i32
      %ge3A_68 = vector.broadcast %ge3A : i32 to vector<16xi32>
      %ge3A_69 = arith.cmpi sge, %select_n3A, %ge3A_68 : vector<16xi32>
      %lt3A = arith.constant 96 : i32
      %lt3A_70 = vector.broadcast %lt3A : i32 to vector<16xi32>
      %lt3A_71 = arith.cmpi slt, %select_n3A, %lt3A_70 : vector<16xi32>
      %and3A = arith.andi %ge3A_69, %lt3A_71 : vector<16xi1>
      %jit3A_72 = arith.constant 1.000000e+00 : f32
      %jit3A_73 = arith.constant 0.000000e+00 : f32
      %broadcast_in_dim3A = vector.broadcast %jit3A_72 : f32 to vector<16xf32>
      %broadcast_in_dim3A_74 = vector.broadcast %jit3A_73 : f32 to vector<16xf32>
      %select_n3A_75 = arith.select %and3A, %broadcast_in_dim3A, %broadcast_in_dim3A_74 : vector<16xi1>, vector<16xf32>
      %ge3A_76 = arith.constant 0 : i32
      %ge3A_77 = vector.broadcast %ge3A_76 : i32 to vector<16xi32>
      %ge3A_78 = arith.cmpi sge, %add3A_67, %ge3A_77 : vector<16xi32>
      %lt3A_79 = arith.constant 96 : i32
      %lt3A_80 = vector.broadcast %lt3A_79 : i32 to vector<16xi32>
      %lt3A_81 = arith.cmpi slt, %add3A_67, %lt3A_80 : vector<16xi32>
      %and3A_82 = arith.andi %ge3A_78, %lt3A_81 : vector<16xi1>
      %jit3A_83 = arith.constant 1.000000e+00 : f32
      %jit3A_84 = arith.constant 0.000000e+00 : f32
      %broadcast_in_dim3A_85 = vector.broadcast %jit3A_83 : f32 to vector<16xf32>
      %broadcast_in_dim3A_86 = vector.broadcast %jit3A_84 : f32 to vector<16xf32>
      %select_n3A_87 = arith.select %and3A_82, %broadcast_in_dim3A_85, %broadcast_in_dim3A_86 : vector<16xi1>, vector<16xf32>
      %mul3A_88 = arith.mulf %sub3A_64, %select_n3A_75 : vector<16xf32>
      %mul3A_89 = arith.mulf %sub3A_61, %select_n3A_87 : vector<16xf32>
      %jit3A_90 = arith.constant 0 : i32
      %jit3A_91 = arith.constant 95 : i32
      %max3A_92 = vector.broadcast %jit3A_90 : i32 to vector<16xi32>
      %max3A_93 = arith.maxsi %max3A_92, %select_n3A : vector<16xi32>
      %min3A_94 = vector.broadcast %jit3A_91 : i32 to vector<16xi32>
      %min3A_95 = arith.minsi %min3A_94, %max3A_93 : vector<16xi32>
      %jit3A_96 = arith.constant 0 : i32
      %jit3A_97 = arith.constant 95 : i32
      %max3A_98 = vector.broadcast %jit3A_96 : i32 to vector<16xi32>
      %max3A_99 = arith.maxsi %max3A_98, %add3A_67 : vector<16xi32>
      %min3A_100 = vector.broadcast %jit3A_97 : i32 to vector<16xi32>
      %min3A_101 = arith.minsi %min3A_100, %max3A_99 : vector<16xi32>
      %mul3A_102 = vector.broadcast %squeeze3A_13 : f32 to vector<16xf32>
      %mul3A_103 = arith.mulf %get3A_45, %mul3A_102 : vector<16xf32>
      %add3A_104 = vector.broadcast %squeeze3A_17 : f32 to vector<16xf32>
      %add3A_105 = arith.addf %mul3A_103, %add3A_104 : vector<16xf32>
      %jit3A_106 = arith.constant -1.500000e+00 : f32
      %jit3A_107 = arith.constant 9.650000e+01 : f32
      %max3A_108 = vector.broadcast %jit3A_106 : f32 to vector<16xf32>
      %max3A_109 = arith.maximumf %max3A_108, %add3A_105 : vector<16xf32>
      %min3A_110 = vector.broadcast %jit3A_107 : f32 to vector<16xf32>
      %min3A_111 = arith.minimumf %min3A_110, %max3A_109 : vector<16xf32>
      %convert_element_type3A_112 = arith.fptosi %min3A_111 : vector<16xf32> to vector<16xi32>
      %convert_element_type3A_113 = arith.sitofp %convert_element_type3A_112 : vector<16xi32> to vector<16xf32>
      %gt3A_114 = arith.cmpf ogt, %convert_element_type3A_113, %min3A_111 : vector<16xf32>
      %sub3A_115 = arith.constant 1 : i32
      %sub3A_116 = vector.broadcast %sub3A_115 : i32 to vector<16xi32>
      %sub3A_117 = arith.subi %convert_element_type3A_112, %sub3A_116 : vector<16xi32>
      %select_n3A_118 = arith.select %gt3A_114, %sub3A_117, %convert_element_type3A_112 : vector<16xi1>, vector<16xi32>
      %convert_element_type3A_119 = arith.sitofp %select_n3A_118 : vector<16xi32> to vector<16xf32>
      %sub3A_120 = arith.subf %min3A_111, %convert_element_type3A_119 : vector<16xf32>
      %sub3A_121 = arith.constant 1.000000e+00 : f32
      %sub3A_122 = vector.broadcast %sub3A_121 : f32 to vector<16xf32>
      %sub3A_123 = arith.subf %sub3A_122, %sub3A_120 : vector<16xf32>
      %add3A_124 = arith.constant 1 : i32
      %add3A_125 = vector.broadcast %add3A_124 : i32 to vector<16xi32>
      %add3A_126 = arith.addi %select_n3A_118, %add3A_125 : vector<16xi32>
      %ge3A_127 = arith.constant 0 : i32
      %ge3A_128 = vector.broadcast %ge3A_127 : i32 to vector<16xi32>
      %ge3A_129 = arith.cmpi sge, %select_n3A_118, %ge3A_128 : vector<16xi32>
      %lt3A_130 = arith.constant 96 : i32
      %lt3A_131 = vector.broadcast %lt3A_130 : i32 to vector<16xi32>
      %lt3A_132 = arith.cmpi slt, %select_n3A_118, %lt3A_131 : vector<16xi32>
      %and3A_133 = arith.andi %ge3A_129, %lt3A_132 : vector<16xi1>
      %jit3A_134 = arith.constant 1.000000e+00 : f32
      %jit3A_135 = arith.constant 0.000000e+00 : f32
      %broadcast_in_dim3A_136 = vector.broadcast %jit3A_134 : f32 to vector<16xf32>
      %broadcast_in_dim3A_137 = vector.broadcast %jit3A_135 : f32 to vector<16xf32>
      %select_n3A_138 = arith.select %and3A_133, %broadcast_in_dim3A_136, %broadcast_in_dim3A_137 : vector<16xi1>, vector<16xf32>
      %ge3A_139 = arith.constant 0 : i32
      %ge3A_140 = vector.broadcast %ge3A_139 : i32 to vector<16xi32>
      %ge3A_141 = arith.cmpi sge, %add3A_126, %ge3A_140 : vector<16xi32>
      %lt3A_142 = arith.constant 96 : i32
      %lt3A_143 = vector.broadcast %lt3A_142 : i32 to vector<16xi32>
      %lt3A_144 = arith.cmpi slt, %add3A_126, %lt3A_143 : vector<16xi32>
      %and3A_145 = arith.andi %ge3A_141, %lt3A_144 : vector<16xi1>
      %jit3A_146 = arith.constant 1.000000e+00 : f32
      %jit3A_147 = arith.constant 0.000000e+00 : f32
      %broadcast_in_dim3A_148 = vector.broadcast %jit3A_146 : f32 to vector<16xf32>
      %broadcast_in_dim3A_149 = vector.broadcast %jit3A_147 : f32 to vector<16xf32>
      %select_n3A_150 = arith.select %and3A_145, %broadcast_in_dim3A_148, %broadcast_in_dim3A_149 : vector<16xi1>, vector<16xf32>
      %mul3A_151 = arith.mulf %sub3A_123, %select_n3A_138 : vector<16xf32>
      %mul3A_152 = arith.mulf %sub3A_120, %select_n3A_150 : vector<16xf32>
      %jit3A_153 = arith.constant 0 : i32
      %jit3A_154 = arith.constant 95 : i32
      %max3A_155 = vector.broadcast %jit3A_153 : i32 to vector<16xi32>
      %max3A_156 = arith.maxsi %max3A_155, %select_n3A_118 : vector<16xi32>
      %min3A_157 = vector.broadcast %jit3A_154 : i32 to vector<16xi32>
      %min3A_158 = arith.minsi %min3A_157, %max3A_156 : vector<16xi32>
      %jit3A_159 = arith.constant 0 : i32
      %jit3A_160 = arith.constant 95 : i32
      %max3A_161 = vector.broadcast %jit3A_159 : i32 to vector<16xi32>
      %max3A_162 = arith.maxsi %max3A_161, %add3A_126 : vector<16xi32>
      %min3A_163 = vector.broadcast %jit3A_160 : i32 to vector<16xi32>
      %min3A_164 = arith.minsi %min3A_163, %max3A_162 : vector<16xi32>
      %mul3A_165 = vector.broadcast %squeeze3A_21 : f32 to vector<16xf32>
      %mul3A_166 = arith.mulf %get3A_49, %mul3A_165 : vector<16xf32>
      %add3A_167 = vector.broadcast %squeeze3A_25 : f32 to vector<16xf32>
      %add3A_168 = arith.addf %mul3A_166, %add3A_167 : vector<16xf32>
      %jit3A_169 = arith.constant -1.500000e+00 : f32
      %jit3A_170 = arith.constant 9.650000e+01 : f32
      %max3A_171 = vector.broadcast %jit3A_169 : f32 to vector<16xf32>
      %max3A_172 = arith.maximumf %max3A_171, %add3A_168 : vector<16xf32>
      %min3A_173 = vector.broadcast %jit3A_170 : f32 to vector<16xf32>
      %min3A_174 = arith.minimumf %min3A_173, %max3A_172 : vector<16xf32>
      %convert_element_type3A_175 = arith.fptosi %min3A_174 : vector<16xf32> to vector<16xi32>
      %convert_element_type3A_176 = arith.sitofp %convert_element_type3A_175 : vector<16xi32> to vector<16xf32>
      %gt3A_177 = arith.cmpf ogt, %convert_element_type3A_176, %min3A_174 : vector<16xf32>
      %sub3A_178 = arith.constant 1 : i32
      %sub3A_179 = vector.broadcast %sub3A_178 : i32 to vector<16xi32>
      %sub3A_180 = arith.subi %convert_element_type3A_175, %sub3A_179 : vector<16xi32>
      %select_n3A_181 = arith.select %gt3A_177, %sub3A_180, %convert_element_type3A_175 : vector<16xi1>, vector<16xi32>
      %convert_element_type3A_182 = arith.sitofp %select_n3A_181 : vector<16xi32> to vector<16xf32>
      %sub3A_183 = arith.subf %min3A_174, %convert_element_type3A_182 : vector<16xf32>
      %sub3A_184 = arith.constant 1.000000e+00 : f32
      %sub3A_185 = vector.broadcast %sub3A_184 : f32 to vector<16xf32>
      %sub3A_186 = arith.subf %sub3A_185, %sub3A_183 : vector<16xf32>
      %add3A_187 = arith.constant 1 : i32
      %add3A_188 = vector.broadcast %add3A_187 : i32 to vector<16xi32>
      %add3A_189 = arith.addi %select_n3A_181, %add3A_188 : vector<16xi32>
      %ge3A_190 = arith.constant 0 : i32
      %ge3A_191 = vector.broadcast %ge3A_190 : i32 to vector<16xi32>
      %ge3A_192 = arith.cmpi sge, %select_n3A_181, %ge3A_191 : vector<16xi32>
      %lt3A_193 = arith.constant 96 : i32
      %lt3A_194 = vector.broadcast %lt3A_193 : i32 to vector<16xi32>
      %lt3A_195 = arith.cmpi slt, %select_n3A_181, %lt3A_194 : vector<16xi32>
      %and3A_196 = arith.andi %ge3A_192, %lt3A_195 : vector<16xi1>
      %jit3A_197 = arith.constant 1.000000e+00 : f32
      %jit3A_198 = arith.constant 0.000000e+00 : f32
      %broadcast_in_dim3A_199 = vector.broadcast %jit3A_197 : f32 to vector<16xf32>
      %broadcast_in_dim3A_200 = vector.broadcast %jit3A_198 : f32 to vector<16xf32>
      %select_n3A_201 = arith.select %and3A_196, %broadcast_in_dim3A_199, %broadcast_in_dim3A_200 : vector<16xi1>, vector<16xf32>
      %ge3A_202 = arith.constant 0 : i32
      %ge3A_203 = vector.broadcast %ge3A_202 : i32 to vector<16xi32>
      %ge3A_204 = arith.cmpi sge, %add3A_189, %ge3A_203 : vector<16xi32>
      %lt3A_205 = arith.constant 96 : i32
      %lt3A_206 = vector.broadcast %lt3A_205 : i32 to vector<16xi32>
      %lt3A_207 = arith.cmpi slt, %add3A_189, %lt3A_206 : vector<16xi32>
      %and3A_208 = arith.andi %ge3A_204, %lt3A_207 : vector<16xi1>
      %jit3A_209 = arith.constant 1.000000e+00 : f32
      %jit3A_210 = arith.constant 0.000000e+00 : f32
      %broadcast_in_dim3A_211 = vector.broadcast %jit3A_209 : f32 to vector<16xf32>
      %broadcast_in_dim3A_212 = vector.broadcast %jit3A_210 : f32 to vector<16xf32>
      %select_n3A_213 = arith.select %and3A_208, %broadcast_in_dim3A_211, %broadcast_in_dim3A_212 : vector<16xi1>, vector<16xf32>
      %mul3A_214 = arith.mulf %sub3A_186, %select_n3A_201 : vector<16xf32>
      %mul3A_215 = arith.mulf %sub3A_183, %select_n3A_213 : vector<16xf32>
      %jit3A_216 = arith.constant 0 : i32
      %jit3A_217 = arith.constant 95 : i32
      %max3A_218 = vector.broadcast %jit3A_216 : i32 to vector<16xi32>
      %max3A_219 = arith.maxsi %max3A_218, %select_n3A_181 : vector<16xi32>
      %min3A_220 = vector.broadcast %jit3A_217 : i32 to vector<16xi32>
      %min3A_221 = arith.minsi %min3A_220, %max3A_219 : vector<16xi32>
      %jit3A_222 = arith.constant 0 : i32
      %jit3A_223 = arith.constant 95 : i32
      %max3A_224 = vector.broadcast %jit3A_222 : i32 to vector<16xi32>
      %max3A_225 = arith.maxsi %max3A_224, %add3A_189 : vector<16xi32>
      %min3A_226 = vector.broadcast %jit3A_223 : i32 to vector<16xi32>
      %min3A_227 = arith.minsi %min3A_226, %max3A_225 : vector<16xi32>
      %mul3A_228 = arith.constant 9216 : i32
      %mul3A_229 = vector.broadcast %mul3A_228 : i32 to vector<16xi32>
      %mul3A_230 = arith.muli %min3A_221, %mul3A_229 : vector<16xi32>
      %mul3A_231 = arith.constant 9216 : i32
      %mul3A_232 = vector.broadcast %mul3A_231 : i32 to vector<16xi32>
      %mul3A_233 = arith.muli %min3A_227, %mul3A_232 : vector<16xi32>
      %mul3A_234 = arith.constant 96 : i32
      %mul3A_235 = vector.broadcast %mul3A_234 : i32 to vector<16xi32>
      %mul3A_236 = arith.muli %min3A_158, %mul3A_235 : vector<16xi32>
      %mul3A_237 = arith.constant 96 : i32
      %mul3A_238 = vector.broadcast %mul3A_237 : i32 to vector<16xi32>
      %mul3A_239 = arith.muli %min3A_164, %mul3A_238 : vector<16xi32>
      %add3A_240 = arith.addi %mul3A_230, %mul3A_236 : vector<16xi32>
      %add3A_241 = arith.addi %mul3A_230, %mul3A_239 : vector<16xi32>
      %add3A_242 = arith.addi %mul3A_233, %mul3A_236 : vector<16xi32>
      %add3A_243 = arith.addi %mul3A_233, %mul3A_239 : vector<16xi32>
      %mul3A_244 = arith.mulf %mul3A_214, %mul3A_151 : vector<16xf32>
      %mul3A_245 = arith.mulf %mul3A_214, %mul3A_152 : vector<16xf32>
      %mul3A_246 = arith.mulf %mul3A_215, %mul3A_151 : vector<16xf32>
      %mul3A_247 = arith.mulf %mul3A_215, %mul3A_152 : vector<16xf32>
      %add3A_248 = arith.addi %add3A_240, %min3A_95 : vector<16xi32>
      %swap3A = arith.constant 0 : i32
      %swap3A_249 = arith.index_cast %swap3A : i32 to index
      %swap3A_250 = arith.constant 0 : index
      %swap3A_251 = tpu.vector_load %arg12[%swap3A_249, %swap3A_250] {strides = array<i32>} : memref<8x128xi32, #tpu.memory_space<vmem>>, vector<16xi32>,
      tpu.vector_store %arg12[%swap3A_249, %swap3A_250], %add3A_248 {strides = array<i32>} : memref<8x128xi32, #tpu.memory_space<vmem>>, vector<16xi32>,
      %add3A_252 = arith.addi %add3A_240, %min3A_101 : vector<16xi32>
      %swap3A_253 = arith.constant 1 : i32
      %swap3A_254 = arith.index_cast %swap3A_253 : i32 to index
      %swap3A_255 = arith.constant 0 : index
      %swap3A_256 = tpu.vector_load %arg12[%swap3A_254, %swap3A_255] {strides = array<i32>} : memref<8x128xi32, #tpu.memory_space<vmem>>, vector<16xi32>,
      tpu.vector_store %arg12[%swap3A_254, %swap3A_255], %add3A_252 {strides = array<i32>} : memref<8x128xi32, #tpu.memory_space<vmem>>, vector<16xi32>,
      %add3A_257 = arith.addi %add3A_241, %min3A_95 : vector<16xi32>
      %swap3A_258 = arith.constant 2 : i32
      %swap3A_259 = arith.index_cast %swap3A_258 : i32 to index
      %swap3A_260 = arith.constant 0 : index
      %swap3A_261 = tpu.vector_load %arg12[%swap3A_259, %swap3A_260] {strides = array<i32>} : memref<8x128xi32, #tpu.memory_space<vmem>>, vector<16xi32>,
      tpu.vector_store %arg12[%swap3A_259, %swap3A_260], %add3A_257 {strides = array<i32>} : memref<8x128xi32, #tpu.memory_space<vmem>>, vector<16xi32>,
      %add3A_262 = arith.addi %add3A_241, %min3A_101 : vector<16xi32>
      %swap3A_263 = arith.constant 3 : i32
      %swap3A_264 = arith.index_cast %swap3A_263 : i32 to index
      %swap3A_265 = arith.constant 0 : index
      %swap3A_266 = tpu.vector_load %arg12[%swap3A_264, %swap3A_265] {strides = array<i32>} : memref<8x128xi32, #tpu.memory_space<vmem>>, vector<16xi32>,
      tpu.vector_store %arg12[%swap3A_264, %swap3A_265], %add3A_262 {strides = array<i32>} : memref<8x128xi32, #tpu.memory_space<vmem>>, vector<16xi32>,
      %add3A_267 = arith.addi %add3A_242, %min3A_95 : vector<16xi32>
      %swap3A_268 = arith.constant 4 : i32
      %swap3A_269 = arith.index_cast %swap3A_268 : i32 to index
      %swap3A_270 = arith.constant 0 : index
      %swap3A_271 = tpu.vector_load %arg12[%swap3A_269, %swap3A_270] {strides = array<i32>} : memref<8x128xi32, #tpu.memory_space<vmem>>, vector<16xi32>,
      tpu.vector_store %arg12[%swap3A_269, %swap3A_270], %add3A_267 {strides = array<i32>} : memref<8x128xi32, #tpu.memory_space<vmem>>, vector<16xi32>,
      %add3A_272 = arith.addi %add3A_242, %min3A_101 : vector<16xi32>
      %swap3A_273 = arith.constant 5 : i32
      %swap3A_274 = arith.index_cast %swap3A_273 : i32 to index
      %swap3A_275 = arith.constant 0 : index
      %swap3A_276 = tpu.vector_load %arg12[%swap3A_274, %swap3A_275] {strides = array<i32>} : memref<8x128xi32, #tpu.memory_space<vmem>>, vector<16xi32>,
      tpu.vector_store %arg12[%swap3A_274, %swap3A_275], %add3A_272 {strides = array<i32>} : memref<8x128xi32, #tpu.memory_space<vmem>>, vector<16xi32>,
      %add3A_277 = arith.addi %add3A_243, %min3A_95 : vector<16xi32>
      %swap3A_278 = arith.constant 6 : i32
      %swap3A_279 = arith.index_cast %swap3A_278 : i32 to index
      %swap3A_280 = arith.constant 0 : index
      %swap3A_281 = tpu.vector_load %arg12[%swap3A_279, %swap3A_280] {strides = array<i32>} : memref<8x128xi32, #tpu.memory_space<vmem>>, vector<16xi32>,
      tpu.vector_store %arg12[%swap3A_279, %swap3A_280], %add3A_277 {strides = array<i32>} : memref<8x128xi32, #tpu.memory_space<vmem>>, vector<16xi32>,
      %add3A_282 = arith.addi %add3A_243, %min3A_101 : vector<16xi32>
      %swap3A_283 = arith.constant 7 : i32
      %swap3A_284 = arith.index_cast %swap3A_283 : i32 to index
      %swap3A_285 = arith.constant 0 : index
      %swap3A_286 = tpu.vector_load %arg12[%swap3A_284, %swap3A_285] {strides = array<i32>} : memref<8x128xi32, #tpu.memory_space<vmem>>, vector<16xi32>,
      tpu.vector_store %arg12[%swap3A_284, %swap3A_285], %add3A_282 {strides = array<i32>} : memref<8x128xi32, #tpu.memory_space<vmem>>, vector<16xi32>,
      %mul3A_287 = arith.mulf %mul3A_244, %mul3A_88 : vector<16xf32>
      %swap3A_288 = arith.constant 0 : i32
      %swap3A_289 = arith.index_cast %swap3A_288 : i32 to index
      %swap3A_290 = arith.constant 0 : index
      %swap3A_291 = tpu.vector_load %arg13[%swap3A_289, %swap3A_290] {strides = array<i32>} : memref<8x128xf32, #tpu.memory_space<vmem>>, vector<16xf32>,
      tpu.vector_store %arg13[%swap3A_289, %swap3A_290], %mul3A_287 {strides = array<i32>} : memref<8x128xf32, #tpu.memory_space<vmem>>, vector<16xf32>,
      %mul3A_292 = arith.mulf %mul3A_244, %mul3A_89 : vector<16xf32>
      %swap3A_293 = arith.constant 1 : i32
      %swap3A_294 = arith.index_cast %swap3A_293 : i32 to index
      %swap3A_295 = arith.constant 0 : index
      %swap3A_296 = tpu.vector_load %arg13[%swap3A_294, %swap3A_295] {strides = array<i32>} : memref<8x128xf32, #tpu.memory_space<vmem>>, vector<16xf32>,
      tpu.vector_store %arg13[%swap3A_294, %swap3A_295], %mul3A_292 {strides = array<i32>} : memref<8x128xf32, #tpu.memory_space<vmem>>, vector<16xf32>,
      %mul3A_297 = arith.mulf %mul3A_245, %mul3A_88 : vector<16xf32>
      %swap3A_298 = arith.constant 2 : i32
      %swap3A_299 = arith.index_cast %swap3A_298 : i32 to index
      %swap3A_300 = arith.constant 0 : index
      %swap3A_301 = tpu.vector_load %arg13[%swap3A_299, %swap3A_300] {strides = array<i32>} : memref<8x128xf32, #tpu.memory_space<vmem>>, vector<16xf32>,
      tpu.vector_store %arg13[%swap3A_299, %swap3A_300], %mul3A_297 {strides = array<i32>} : memref<8x128xf32, #tpu.memory_space<vmem>>, vector<16xf32>,
      %mul3A_302 = arith.mulf %mul3A_245, %mul3A_89 : vector<16xf32>
      %swap3A_303 = arith.constant 3 : i32
      %swap3A_304 = arith.index_cast %swap3A_303 : i32 to index
      %swap3A_305 = arith.constant 0 : index
      %swap3A_306 = tpu.vector_load %arg13[%swap3A_304, %swap3A_305] {strides = array<i32>} : memref<8x128xf32, #tpu.memory_space<vmem>>, vector<16xf32>,
      tpu.vector_store %arg13[%swap3A_304, %swap3A_305], %mul3A_302 {strides = array<i32>} : memref<8x128xf32, #tpu.memory_space<vmem>>, vector<16xf32>,
      %mul3A_307 = arith.mulf %mul3A_246, %mul3A_88 : vector<16xf32>
      %swap3A_308 = arith.constant 4 : i32
      %swap3A_309 = arith.index_cast %swap3A_308 : i32 to index
      %swap3A_310 = arith.constant 0 : index
      %swap3A_311 = tpu.vector_load %arg13[%swap3A_309, %swap3A_310] {strides = array<i32>} : memref<8x128xf32, #tpu.memory_space<vmem>>, vector<16xf32>,
      tpu.vector_store %arg13[%swap3A_309, %swap3A_310], %mul3A_307 {strides = array<i32>} : memref<8x128xf32, #tpu.memory_space<vmem>>, vector<16xf32>,
      %mul3A_312 = arith.mulf %mul3A_246, %mul3A_89 : vector<16xf32>
      %swap3A_313 = arith.constant 5 : i32
      %swap3A_314 = arith.index_cast %swap3A_313 : i32 to index
      %swap3A_315 = arith.constant 0 : index
      %swap3A_316 = tpu.vector_load %arg13[%swap3A_314, %swap3A_315] {strides = array<i32>} : memref<8x128xf32, #tpu.memory_space<vmem>>, vector<16xf32>,
      tpu.vector_store %arg13[%swap3A_314, %swap3A_315], %mul3A_312 {strides = array<i32>} : memref<8x128xf32, #tpu.memory_space<vmem>>, vector<16xf32>,
      %mul3A_317 = arith.mulf %mul3A_247, %mul3A_88 : vector<16xf32>
      %swap3A_318 = arith.constant 6 : i32
      %swap3A_319 = arith.index_cast %swap3A_318 : i32 to index
      %swap3A_320 = arith.constant 0 : index
      %swap3A_321 = tpu.vector_load %arg13[%swap3A_319, %swap3A_320] {strides = array<i32>} : memref<8x128xf32, #tpu.memory_space<vmem>>, vector<16xf32>,
      tpu.vector_store %arg13[%swap3A_319, %swap3A_320], %mul3A_317 {strides = array<i32>} : memref<8x128xf32, #tpu.memory_space<vmem>>, vector<16xf32>,
      %mul3A_322 = arith.mulf %mul3A_247, %mul3A_89 : vector<16xf32>
      %swap3A_323 = arith.constant 7 : i32
      %swap3A_324 = arith.index_cast %swap3A_323 : i32 to index
      %swap3A_325 = arith.constant 0 : index
      %swap3A_326 = tpu.vector_load %arg13[%swap3A_324, %swap3A_325] {strides = array<i32>} : memref<8x128xf32, #tpu.memory_space<vmem>>, vector<16xf32>,
      tpu.vector_store %arg13[%swap3A_324, %swap3A_325], %mul3A_322 {strides = array<i32>} : memref<8x128xf32, #tpu.memory_space<vmem>>, vector<16xf32>,
      %get3A_327 = arith.constant 0 : i32
      %get3A_328 = arith.index_cast %get3A_327 : i32 to index
      %get3A_329 = arith.constant 16 : index
      %get3A_330 = tpu.vector_load %arg11[%get3A_328, %get3A_329] {strides = array<i32>} : memref<3x128xf32, #tpu.memory_space<vmem>>, vector<16xf32>,
      %get3A_331 = arith.constant 1 : i32
      %get3A_332 = arith.index_cast %get3A_331 : i32 to index
      %get3A_333 = arith.constant 16 : index
      %get3A_334 = tpu.vector_load %arg11[%get3A_332, %get3A_333] {strides = array<i32>} : memref<3x128xf32, #tpu.memory_space<vmem>>, vector<16xf32>,
      %get3A_335 = arith.constant 2 : i32
      %get3A_336 = arith.index_cast %get3A_335 : i32 to index
      %get3A_337 = arith.constant 16 : index
      %get3A_338 = tpu.vector_load %arg11[%get3A_336, %get3A_337] {strides = array<i32>} : memref<3x128xf32, #tpu.memory_space<vmem>>, vector<16xf32>,
      %mul3A_339 = vector.broadcast %squeeze3A : f32 to vector<16xf32>
      %mul3A_340 = arith.mulf %get3A_330, %mul3A_339 : vector<16xf32>
      %add3A_341 = vector.broadcast %squeeze3A_9 : f32 to vector<16xf32>
      %add3A_342 = arith.addf %mul3A_340, %add3A_341 : vector<16xf32>
      %jit3A_343 = arith.constant -1.500000e+00 : f32
      %jit3A_344 = arith.constant 9.650000e+01 : f32
      %max3A_345 = vector.broadcast %jit3A_343 : f32 to vector<16xf32>
      %max3A_346 = arith.maximumf %max3A_345, %add3A_342 : vector<16xf32>
      %min3A_347 = vector.broadcast %jit3A_344 : f32 to vector<16xf32>
      %min3A_348 = arith.minimumf %min3A_347, %max3A_346 : vector<16xf32>
      %convert_element_type3A_349 = arith.fptosi %min3A_348 : vector<16xf32> to vector<16xi32>
      %convert_element_type3A_350 = arith.sitofp %convert_element_type3A_349 : vector<16xi32> to vector<16xf32>
      %gt3A_351 = arith.cmpf ogt, %convert_element_type3A_350, %min3A_348 : vector<16xf32>
      %sub3A_352 = arith.constant 1 : i32
      %sub3A_353 = vector.broadcast %sub3A_352 : i32 to vector<16xi32>
      %sub3A_354 = arith.subi %convert_element_type3A_349, %sub3A_353 : vector<16xi32>
      %select_n3A_355 = arith.select %gt3A_351, %sub3A_354, %convert_element_type3A_349 : vector<16xi1>, vector<16xi32>
      %convert_element_type3A_356 = arith.sitofp %select_n3A_355 : vector<16xi32> to vector<16xf32>
      %sub3A_357 = arith.subf %min3A_348, %convert_element_type3A_356 : vector<16xf32>
      %sub3A_358 = arith.constant 1.000000e+00 : f32
      %sub3A_359 = vector.broadcast %sub3A_358 : f32 to vector<16xf32>
      %sub3A_360 = arith.subf %sub3A_359, %sub3A_357 : vector<16xf32>
      %add3A_361 = arith.constant 1 : i32
      %add3A_362 = vector.broadcast %add3A_361 : i32 to vector<16xi32>
      %add3A_363 = arith.addi %select_n3A_355, %add3A_362 : vector<16xi32>
      %ge3A_364 = arith.constant 0 : i32
      %ge3A_365 = vector.broadcast %ge3A_364 : i32 to vector<16xi32>
      %ge3A_366 = arith.cmpi sge, %select_n3A_355, %ge3A_365 : vector<16xi32>
      %lt3A_367 = arith.constant 96 : i32
      %lt3A_368 = vector.broadcast %lt3A_367 : i32 to vector<16xi32>
      %lt3A_369 = arith.cmpi slt, %select_n3A_355, %lt3A_368 : vector<16xi32>
      %and3A_370 = arith.andi %ge3A_366, %lt3A_369 : vector<16xi1>
      %jit3A_371 = arith.constant 1.000000e+00 : f32
      %jit3A_372 = arith.constant 0.000000e+00 : f32
      %broadcast_in_dim3A_373 = vector.broadcast %jit3A_371 : f32 to vector<16xf32>
      %broadcast_in_dim3A_374 = vector.broadcast %jit3A_372 : f32 to vector<16xf32>
      %select_n3A_375 = arith.select %and3A_370, %broadcast_in_dim3A_373, %broadcast_in_dim3A_374 : vector<16xi1>, vector<16xf32>
      %ge3A_376 = arith.constant 0 : i32
      %ge3A_377 = vector.broadcast %ge3A_376 : i32 to vector<16xi32>
      %ge3A_378 = arith.cmpi sge, %add3A_363, %ge3A_377 : vector<16xi32>
      %lt3A_379 = arith.constant 96 : i32
      %lt3A_380 = vector.broadcast %lt3A_379 : i32 to vector<16xi32>
      %lt3A_381 = arith.cmpi slt, %add3A_363, %lt3A_380 : vector<16xi32>
      %and3A_382 = arith.andi %ge3A_378, %lt3A_381 : vector<16xi1>
      %jit3A_383 = arith.constant 1.000000e+00 : f32
      %jit3A_384 = arith.constant 0.000000e+00 : f32
      %broadcast_in_dim3A_385 = vector.broadcast %jit3A_383 : f32 to vector<16xf32>
      %broadcast_in_dim3A_386 = vector.broadcast %jit3A_384 : f32 to vector<16xf32>
      %select_n3A_387 = arith.select %and3A_382, %broadcast_in_dim3A_385, %broadcast_in_dim3A_386 : vector<16xi1>, vector<16xf32>
      %mul3A_388 = arith.mulf %sub3A_360, %select_n3A_375 : vector<16xf32>
      %mul3A_389 = arith.mulf %sub3A_357, %select_n3A_387 : vector<16xf32>
      %jit3A_390 = arith.constant 0 : i32
      %jit3A_391 = arith.constant 95 : i32
      %max3A_392 = vector.broadcast %jit3A_390 : i32 to vector<16xi32>
      %max3A_393 = arith.maxsi %max3A_392, %select_n3A_355 : vector<16xi32>
      %min3A_394 = vector.broadcast %jit3A_391 : i32 to vector<16xi32>
      %min3A_395 = arith.minsi %min3A_394, %max3A_393 : vector<16xi32>
      %jit3A_396 = arith.constant 0 : i32
      %jit3A_397 = arith.constant 95 : i32
      %max3A_398 = vector.broadcast %jit3A_396 : i32 to vector<16xi32>
      %max3A_399 = arith.maxsi %max3A_398, %add3A_363 : vector<16xi32>
      %min3A_400 = vector.broadcast %jit3A_397 : i32 to vector<16xi32>
      %min3A_401 = arith.minsi %min3A_400, %max3A_399 : vector<16xi32>
      %mul3A_402 = vector.broadcast %squeeze3A_13 : f32 to vector<16xf32>
      %mul3A_403 = arith.mulf %get3A_334, %mul3A_402 : vector<16xf32>
      %add3A_404 = vector.broadcast %squeeze3A_17 : f32 to vector<16xf32>
      %add3A_405 = arith.addf %mul3A_403, %add3A_404 : vector<16xf32>
      %jit3A_406 = arith.constant -1.500000e+00 : f32
      %jit3A_407 = arith.constant 9.650000e+01 : f32
      %max3A_408 = vector.broadcast %jit3A_406 : f32 to vector<16xf32>
      %max3A_409 = arith.maximumf %max3A_408, %add3A_405 : vector<16xf32>
      %min3A_410 = vector.broadcast %jit3A_407 : f32 to vector<16xf32>
      %min3A_411 = arith.minimumf %min3A_410, %max3A_409 : vector<16xf32>
      %convert_element_type3A_412 = arith.fptosi %min3A_411 : vector<16xf32> to vector<16xi32>
      %convert_element_type3A_413 = arith.sitofp %convert_element_type3A_412 : vector<16xi32> to vector<16xf32>
      %gt3A_414 = arith.cmpf ogt, %convert_element_type3A_413, %min3A_411 : vector<16xf32>
      %sub3A_415 = arith.constant 1 : i32
      %sub3A_416 = vector.broadcast %sub3A_415 : i32 to vector<16xi32>
      %sub3A_417 = arith.subi %convert_element_type3A_412, %sub3A_416 : vector<16xi32>
      %select_n3A_418 = arith.select %gt3A_414, %sub3A_417, %convert_element_type3A_412 : vector<16xi1>, vector<16xi32>
      %convert_element_type3A_419 = arith.sitofp %select_n3A_418 : vector<16xi32> to vector<16xf32>
      %sub3A_420 = arith.subf %min3A_411, %convert_element_type3A_419 : vector<16xf32>
      %sub3A_421 = arith.constant 1.000000e+00 : f32
      %sub3A_422 = vector.broadcast %sub3A_421 : f32 to vector<16xf32>
      %sub3A_423 = arith.subf %sub3A_422, %sub3A_420 : vector<16xf32>
      %add3A_424 = arith.constant 1 : i32
      %add3A_425 = vector.broadcast %add3A_424 : i32 to vector<16xi32>
      %add3A_426 = arith.addi %select_n3A_418, %add3A_425 : vector<16xi32>
      %ge3A_427 = arith.constant 0 : i32
      %ge3A_428 = vector.broadcast %ge3A_427 : i32 to vector<16xi32>
      %ge3A_429 = arith.cmpi sge, %select_n3A_418, %ge3A_428 : vector<16xi32>
      %lt3A_430 = arith.constant 96 : i32
      %lt3A_431 = vector.broadcast %lt3A_430 : i32 to vector<16xi32>
      %lt3A_432 = arith.cmpi slt, %select_n3A_418, %lt3A_431 : vector<16xi32>
      %and3A_433 = arith.andi %ge3A_429, %lt3A_432 : vector<16xi1>
      %jit3A_434 = arith.constant 1.000000e+00 : f32
      %jit3A_435 = arith.constant 0.000000e+00 : f32
      %broadcast_in_dim3A_436 = vector.broadcast %jit3A_434 : f32 to vector<16xf32>
      %broadcast_in_dim3A_437 = vector.broadcast %jit3A_435 : f32 to vector<16xf32>
      %select_n3A_438 = arith.select %and3A_433, %broadcast_in_dim3A_436, %broadcast_in_dim3A_437 : vector<16xi1>, vector<16xf32>
      %ge3A_439 = arith.constant 0 : i32
      %ge3A_440 = vector.broadcast %ge3A_439 : i32 to vector<16xi32>
      %ge3A_441 = arith.cmpi sge, %add3A_426, %ge3A_440 : vector<16xi32>
      %lt3A_442 = arith.constant 96 : i32
      %lt3A_443 = vector.broadcast %lt3A_442 : i32 to vector<16xi32>
      %lt3A_444 = arith.cmpi slt, %add3A_426, %lt3A_443 : vector<16xi32>
      %and3A_445 = arith.andi %ge3A_441, %lt3A_444 : vector<16xi1>
      %jit3A_446 = arith.constant 1.000000e+00 : f32
      %jit3A_447 = arith.constant 0.000000e+00 : f32
      %broadcast_in_dim3A_448 = vector.broadcast %jit3A_446 : f32 to vector<16xf32>
      %broadcast_in_dim3A_449 = vector.broadcast %jit3A_447 : f32 to vector<16xf32>
      %select_n3A_450 = arith.select %and3A_445, %broadcast_in_dim3A_448, %broadcast_in_dim3A_449 : vector<16xi1>, vector<16xf32>
      %mul3A_451 = arith.mulf %sub3A_423, %select_n3A_438 : vector<16xf32>
      %mul3A_452 = arith.mulf %sub3A_420, %select_n3A_450 : vector<16xf32>
      %jit3A_453 = arith.constant 0 : i32
      %jit3A_454 = arith.constant 95 : i32
      %max3A_455 = vector.broadcast %jit3A_453 : i32 to vector<16xi32>
      %max3A_456 = arith.maxsi %max3A_455, %select_n3A_418 : vector<16xi32>
      %min3A_457 = vector.broadcast %jit3A_454 : i32 to vector<16xi32>
      %min3A_458 = arith.minsi %min3A_457, %max3A_456 : vector<16xi32>
      %jit3A_459 = arith.constant 0 : i32
      %jit3A_460 = arith.constant 95 : i32
      %max3A_461 = vector.broadcast %jit3A_459 : i32 to vector<16xi32>
      %max3A_462 = arith.maxsi %max3A_461, %add3A_426 : vector<16xi32>
      %min3A_463 = vector.broadcast %jit3A_460 : i32 to vector<16xi32>
      %min3A_464 = arith.minsi %min3A_463, %max3A_462 : vector<16xi32>
      %mul3A_465 = vector.broadcast %squeeze3A_21 : f32 to vector<16xf32>
      %mul3A_466 = arith.mulf %get3A_338, %mul3A_465 : vector<16xf32>
      %add3A_467 = vector.broadcast %squeeze3A_25 : f32 to vector<16xf32>
      %add3A_468 = arith.addf %mul3A_466, %add3A_467 : vector<16xf32>
      %jit3A_469 = arith.constant -1.500000e+00 : f32
      %jit3A_470 = arith.constant 9.650000e+01 : f32
      %max3A_471 = vector.broadcast %jit3A_469 : f32 to vector<16xf32>
      %max3A_472 = arith.maximumf %max3A_471, %add3A_468 : vector<16xf32>
      %min3A_473 = vector.broadcast %jit3A_470 : f32 to vector<16xf32>
      %min3A_474 = arith.minimumf %min3A_473, %max3A_472 : vector<16xf32>
      %convert_element_type3A_475 = arith.fptosi %min3A_474 : vector<16xf32> to vector<16xi32>
      %convert_element_type3A_476 = arith.sitofp %convert_element_type3A_475 : vector<16xi32> to vector<16xf32>
      %gt3A_477 = arith.cmpf ogt, %convert_element_type3A_476, %min3A_474 : vector<16xf32>
      %sub3A_478 = arith.constant 1 : i32
      %sub3A_479 = vector.broadcast %sub3A_478 : i32 to vector<16xi32>
      %sub3A_480 = arith.subi %convert_element_type3A_475, %sub3A_479 : vector<16xi32>
      %select_n3A_481 = arith.select %gt3A_477, %sub3A_480, %convert_element_type3A_475 : vector<16xi1>, vector<16xi32>
      %convert_element_type3A_482 = arith.sitofp %select_n3A_481 : vector<16xi32> to vector<16xf32>
      %sub3A_483 = arith.subf %min3A_474, %convert_element_type3A_482 : vector<16xf32>
      %sub3A_484 = arith.constant 1.000000e+00 : f32
      %sub3A_485 = vector.broadcast %sub3A_484 : f32 to vector<16xf32>
      %sub3A_486 = arith.subf %sub3A_485, %sub3A_483 : vector<16xf32>
      %add3A_487 = arith.constant 1 : i32
      %add3A_488 = vector.broadcast %add3A_487 : i32 to vector<16xi32>
      %add3A_489 = arith.addi %select_n3A_481, %add3A_488 : vector<16xi32>
      %ge3A_490 = arith.constant 0 : i32
      %ge3A_491 = vector.broadcast %ge3A_490 : i32 to vector<16xi32>
      %ge3A_492 = arith.cmpi sge, %select_n3A_481, %ge3A_491 : vector<16xi32>
      %lt3A_493 = arith.constant 96 : i32
      %lt3A_494 = vector.broadcast %lt3A_493 : i32 to vector<16xi32>
      %lt3A_495 = arith.cmpi slt, %select_n3A_481, %lt3A_494 : vector<16xi32>
      %and3A_496 = arith.andi %ge3A_492, %lt3A_495 : vector<16xi1>
      %jit3A_497 = arith.constant 1.000000e+00 : f32
      %jit3A_498 = arith.constant 0.000000e+00 : f32
      %broadcast_in_dim3A_499 = vector.broadcast %jit3A_497 : f32 to vector<16xf32>
      %broadcast_in_dim3A_500 = vector.broadcast %jit3A_498 : f32 to vector<16xf32>
      %select_n3A_501 = arith.select %and3A_496, %broadcast_in_dim3A_499, %broadcast_in_dim3A_500 : vector<16xi1>, vector<16xf32>
      %ge3A_502 = arith.constant 0 : i32
      %ge3A_503 = vector.broadcast %ge3A_502 : i32 to vector<16xi32>
      %ge3A_504 = arith.cmpi sge, %add3A_489, %ge3A_503 : vector<16xi32>
      %lt3A_505 = arith.constant 96 : i32
      %lt3A_506 = vector.broadcast %lt3A_505 : i32 to vector<16xi32>
      %lt3A_507 = arith.cmpi slt, %add3A_489, %lt3A_506 : vector<16xi32>
      %and3A_508 = arith.andi %ge3A_504, %lt3A_507 : vector<16xi1>
      %jit3A_509 = arith.constant 1.000000e+00 : f32
      %jit3A_510 = arith.constant 0.000000e+00 : f32
      %broadcast_in_dim3A_511 = vector.broadcast %jit3A_509 : f32 to vector<16xf32>
      %broadcast_in_dim3A_512 = vector.broadcast %jit3A_510 : f32 to vector<16xf32>
      %select_n3A_513 = arith.select %and3A_508, %broadcast_in_dim3A_511, %broadcast_in_dim3A_512 : vector<16xi1>, vector<16xf32>
      %mul3A_514 = arith.mulf %sub3A_486, %select_n3A_501 : vector<16xf32>
      %mul3A_515 = arith.mulf %sub3A_483, %select_n3A_513 : vector<16xf32>
      %jit3A_516 = arith.constant 0 : i32
      %jit3A_517 = arith.constant 95 : i32
      %max3A_518 = vector.broadcast %jit3A_516 : i32 to vector<16xi32>
      %max3A_519 = arith.maxsi %max3A_518, %select_n3A_481 : vector<16xi32>
      %min3A_520 = vector.broadcast %jit3A_517 : i32 to vector<16xi32>
      %min3A_521 = arith.minsi %min3A_520, %max3A_519 : vector<16xi32>
      %jit3A_522 = arith.constant 0 : i32
      %jit3A_523 = arith.constant 95 : i32
      %max3A_524 = vector.broadcast %jit3A_522 : i32 to vector<16xi32>
      %max3A_525 = arith.maxsi %max3A_524, %add3A_489 : vector<16xi32>
      %min3A_526 = vector.broadcast %jit3A_523 : i32 to vector<16xi32>
      %min3A_527 = arith.minsi %min3A_526, %max3A_525 : vector<16xi32>
      %mul3A_528 = arith.constant 9216 : i32
      %mul3A_529 = vector.broadcast %mul3A_528 : i32 to vector<16xi32>
      %mul3A_530 = arith.muli %min3A_521, %mul3A_529 : vector<16xi32>
      %mul3A_531 = arith.constant 9216 : i32
      %mul3A_532 = vector.broadcast %mul3A_531 : i32 to vector<16xi32>
      %mul3A_533 = arith.muli %min3A_527, %mul3A_532 : vector<16xi32>
      %mul3A_534 = arith.constant 96 : i32
      %mul3A_535 = vector.broadcast %mul3A_534 : i32 to vector<16xi32>
      %mul3A_536 = arith.muli %min3A_458, %mul3A_535 : vector<16xi32>
      %mul3A_537 = arith.constant 96 : i32
      %mul3A_538 = vector.broadcast %mul3A_537 : i32 to vector<16xi32>
      %mul3A_539 = arith.muli %min3A_464, %mul3A_538 : vector<16xi32>
      %add3A_540 = arith.addi %mul3A_530, %mul3A_536 : vector<16xi32>
      %add3A_541 = arith.addi %mul3A_530, %mul3A_539 : vector<16xi32>
      %add3A_542 = arith.addi %mul3A_533, %mul3A_536 : vector<16xi32>
      %add3A_543 = arith.addi %mul3A_533, %mul3A_539 : vector<16xi32>
      %mul3A_544 = arith.mulf %mul3A_514, %mul3A_451 : vector<16xf32>
      %mul3A_545 = arith.mulf %mul3A_514, %mul3A_452 : vector<16xf32>
      %mul3A_546 = arith.mulf %mul3A_515, %mul3A_451 : vector<16xf32>
      %mul3A_547 = arith.mulf %mul3A_515, %mul3A_452 : vector<16xf32>
      %add3A_548 = arith.addi %add3A_540, %min3A_395 : vector<16xi32>
      %swap3A_549 = arith.constant 0 : i32
      %swap3A_550 = arith.index_cast %swap3A_549 : i32 to index
      %swap3A_551 = arith.constant 16 : index
      %swap3A_552 = tpu.vector_load %arg12[%swap3A_550, %swap3A_551] {strides = array<i32>} : memref<8x128xi32, #tpu.memory_space<vmem>>, vector<16xi32>,
      tpu.vector_store %arg12[%swap3A_550, %swap3A_551], %add3A_548 {strides = array<i32>} : memref<8x128xi32, #tpu.memory_space<vmem>>, vector<16xi32>,
      %add3A_553 = arith.addi %add3A_540, %min3A_401 : vector<16xi32>
      %swap3A_554 = arith.constant 1 : i32
      %swap3A_555 = arith.index_cast %swap3A_554 : i32 to index
      %swap3A_556 = arith.constant 16 : index
      %swap3A_557 = tpu.vector_load %arg12[%swap3A_555, %swap3A_556] {strides = array<i32>} : memref<8x128xi32, #tpu.memory_space<vmem>>, vector<16xi32>,
      tpu.vector_store %arg12[%swap3A_555, %swap3A_556], %add3A_553 {strides = array<i32>} : memref<8x128xi32, #tpu.memory_space<vmem>>, vector<16xi32>,
      %add3A_558 = arith.addi %add3A_541, %min3A_395 : vector<16xi32>
      %swap3A_559 = arith.constant 2 : i32
      %swap3A_560 = arith.index_cast %swap3A_559 : i32 to index
      %swap3A_561 = arith.constant 16 : index
      %swap3A_562 = tpu.vector_load %arg12[%swap3A_560, %swap3A_561] {strides = array<i32>} : memref<8x128xi32, #tpu.memory_space<vmem>>, vector<16xi32>,
      tpu.vector_store %arg12[%swap3A_560, %swap3A_561], %add3A_558 {strides = array<i32>} : memref<8x128xi32, #tpu.memory_space<vmem>>, vector<16xi32>,
      %add3A_563 = arith.addi %add3A_541, %min3A_401 : vector<16xi32>
      %swap3A_564 = arith.constant 3 : i32
      %swap3A_565 = arith.index_cast %swap3A_564 : i32 to index
      %swap3A_566 = arith.constant 16 : index
      %swap3A_567 = tpu.vector_load %arg12[%swap3A_565, %swap3A_566] {strides = array<i32>} : memref<8x128xi32, #tpu.memory_space<vmem>>, vector<16xi32>,
      tpu.vector_store %arg12[%swap3A_565, %swap3A_566], %add3A_563 {strides = array<i32>} : memref<8x128xi32, #tpu.memory_space<vmem>>, vector<16xi32>,
      %add3A_568 = arith.addi %add3A_542, %min3A_395 : vector<16xi32>
      %swap3A_569 = arith.constant 4 : i32
      %swap3A_570 = arith.index_cast %swap3A_569 : i32 to index
      %swap3A_571 = arith.constant 16 : index
      %swap3A_572 = tpu.vector_load %arg12[%swap3A_570, %swap3A_571] {strides = array<i32>} : memref<8x128xi32, #tpu.memory_space<vmem>>, vector<16xi32>,
      tpu.vector_store %arg12[%swap3A_570, %swap3A_571], %add3A_568 {strides = array<i32>} : memref<8x128xi32, #tpu.memory_space<vmem>>, vector<16xi32>,
      %add3A_573 = arith.addi %add3A_542, %min3A_401 : vector<16xi32>
      %swap3A_574 = arith.constant 5 : i32
      %swap3A_575 = arith.index_cast %swap3A_574 : i32 to index
      %swap3A_576 = arith.constant 16 : index
      %swap3A_577 = tpu.vector_load %arg12[%swap3A_575, %swap3A_576] {strides = array<i32>} : memref<8x128xi32, #tpu.memory_space<vmem>>, vector<16xi32>,
      tpu.vector_store %arg12[%swap3A_575, %swap3A_576], %add3A_573 {strides = array<i32>} : memref<8x128xi32, #tpu.memory_space<vmem>>, vector<16xi32>,
      %add3A_578 = arith.addi %add3A_543, %min3A_395 : vector<16xi32>
      %swap3A_579 = arith.constant 6 : i32
      %swap3A_580 = arith.index_cast %swap3A_579 : i32 to index
      %swap3A_581 = arith.constant 16 : index
      %swap3A_582 = tpu.vector_load %arg12[%swap3A_580, %swap3A_581] {strides = array<i32>} : memref<8x128xi32, #tpu.memory_space<vmem>>, vector<16xi32>,
      tpu.vector_store %arg12[%swap3A_580, %swap3A_581], %add3A_578 {strides = array<i32>} : memref<8x128xi32, #tpu.memory_space<vmem>>, vector<16xi32>,
      %add3A_583 = arith.addi %add3A_543, %min3A_401 : vector<16xi32>
      %swap3A_584 = arith.constant 7 : i32
      %swap3A_585 = arith.index_cast %swap3A_584 : i32 to index
      %swap3A_586 = arith.constant 16 : index
      %swap3A_587 = tpu.vector_load %arg12[%swap3A_585, %swap3A_586] {strides = array<i32>} : memref<8x128xi32, #tpu.memory_space<vmem>>, vector<16xi32>,
      tpu.vector_store %arg12[%swap3A_585, %swap3A_586], %add3A_583 {strides = array<i32>} : memref<8x128xi32, #tpu.memory_space<vmem>>, vector<16xi32>,
      %mul3A_588 = arith.mulf %mul3A_544, %mul3A_388 : vector<16xf32>
      %swap3A_589 = arith.constant 0 : i32
      %swap3A_590 = arith.index_cast %swap3A_589 : i32 to index
      %swap3A_591 = arith.constant 16 : index
      %swap3A_592 = tpu.vector_load %arg13[%swap3A_590, %swap3A_591] {strides = array<i32>} : memref<8x128xf32, #tpu.memory_space<vmem>>, vector<16xf32>,
      tpu.vector_store %arg13[%swap3A_590, %swap3A_591], %mul3A_588 {strides = array<i32>} : memref<8x128xf32, #tpu.memory_space<vmem>>, vector<16xf32>,
      %mul3A_593 = arith.mulf %mul3A_544, %mul3A_389 : vector<16xf32>
      %swap3A_594 = arith.constant 1 : i32
      %swap3A_595 = arith.index_cast %swap3A_594 : i32 to index
      %swap3A_596 = arith.constant 16 : index
      %swap3A_597 = tpu.vector_load %arg13[%swap3A_595, %swap3A_596] {strides = array<i32>} : memref<8x128xf32, #tpu.memory_space<vmem>>, vector<16xf32>,
      tpu.vector_store %arg13[%swap3A_595, %swap3A_596], %mul3A_593 {strides = array<i32>} : memref<8x128xf32, #tpu.memory_space<vmem>>, vector<16xf32>,
      %mul3A_598 = arith.mulf %mul3A_545, %mul3A_388 : vector<16xf32>
      %swap3A_599 = arith.constant 2 : i32
      %swap3A_600 = arith.index_cast %swap3A_599 : i32 to index
      %swap3A_601 = arith.constant 16 : index
      %swap3A_602 = tpu.vector_load %arg13[%swap3A_600, %swap3A_601] {strides = array<i32>} : memref<8x128xf32, #tpu.memory_space<vmem>>, vector<16xf32>,
      tpu.vector_store %arg13[%swap3A_600, %swap3A_601], %mul3A_598 {strides = array<i32>} : memref<8x128xf32, #tpu.memory_space<vmem>>, vector<16xf32>,
      %mul3A_603 = arith.mulf %mul3A_545, %mul3A_389 : vector<16xf32>
      %swap3A_604 = arith.constant 3 : i32
      %swap3A_605 = arith.index_cast %swap3A_604 : i32 to index
      %swap3A_606 = arith.constant 16 : index
      %swap3A_607 = tpu.vector_load %arg13[%swap3A_605, %swap3A_606] {strides = array<i32>} : memref<8x128xf32, #tpu.memory_space<vmem>>, vector<16xf32>,
      tpu.vector_store %arg13[%swap3A_605, %swap3A_606], %mul3A_603 {strides = array<i32>} : memref<8x128xf32, #tpu.memory_space<vmem>>, vector<16xf32>,
      %mul3A_608 = arith.mulf %mul3A_546, %mul3A_388 : vector<16xf32>
      %swap3A_609 = arith.constant 4 : i32
      %swap3A_610 = arith.index_cast %swap3A_609 : i32 to index
      %swap3A_611 = arith.constant 16 : index
      %swap3A_612 = tpu.vector_load %arg13[%swap3A_610, %swap3A_611] {strides = array<i32>} : memref<8x128xf32, #tpu.memory_space<vmem>>, vector<16xf32>,
      tpu.vector_store %arg13[%swap3A_610, %swap3A_611], %mul3A_608 {strides = array<i32>} : memref<8x128xf32, #tpu.memory_space<vmem>>, vector<16xf32>,
      %mul3A_613 = arith.mulf %mul3A_546, %mul3A_389 : vector<16xf32>
      %swap3A_614 = arith.constant 5 : i32
      %swap3A_615 = arith.index_cast %swap3A_614 : i32 to index
      %swap3A_616 = arith.constant 16 : index
      %swap3A_617 = tpu.vector_load %arg13[%swap3A_615, %swap3A_616] {strides = array<i32>} : memref<8x128xf32, #tpu.memory_space<vmem>>, vector<16xf32>,
      tpu.vector_store %arg13[%swap3A_615, %swap3A_616], %mul3A_613 {strides = array<i32>} : memref<8x128xf32, #tpu.memory_space<vmem>>, vector<16xf32>,
      %mul3A_618 = arith.mulf %mul3A_547, %mul3A_388 : vector<16xf32>
      %swap3A_619 = arith.constant 6 : i32
      %swap3A_620 = arith.index_cast %swap3A_619 : i32 to index
      %swap3A_621 = arith.constant 16 : index
      %swap3A_622 = tpu.vector_load %arg13[%swap3A_620, %swap3A_621] {strides = array<i32>} : memref<8x128xf32, #tpu.memory_space<vmem>>, vector<16xf32>,
      tpu.vector_store %arg13[%swap3A_620, %swap3A_621], %mul3A_618 {strides = array<i32>} : memref<8x128xf32, #tpu.memory_space<vmem>>, vector<16xf32>,
      %mul3A_623 = arith.mulf %mul3A_547, %mul3A_389 : vector<16xf32>
      %swap3A_624 = arith.constant 7 : i32
      %swap3A_625 = arith.index_cast %swap3A_624 : i32 to index
      %swap3A_626 = arith.constant 16 : index
      %swap3A_627 = tpu.vector_load %arg13[%swap3A_625, %swap3A_626] {strides = array<i32>} : memref<8x128xf32, #tpu.memory_space<vmem>>, vector<16xf32>,
      tpu.vector_store %arg13[%swap3A_625, %swap3A_626], %mul3A_623 {strides = array<i32>} : memref<8x128xf32, #tpu.memory_space<vmem>>, vector<16xf32>,
      %get3A_628 = arith.constant 0 : i32
      %get3A_629 = arith.index_cast %get3A_628 : i32 to index
      %get3A_630 = arith.constant 32 : index
      %get3A_631 = tpu.vector_load %arg11[%get3A_629, %get3A_630] {strides = array<i32>} : memref<3x128xf32, #tpu.memory_space<vmem>>, vector<16xf32>,
      %get3A_632 = arith.constant 1 : i32
      %get3A_633 = arith.index_cast %get3A_632 : i32 to index
      %get3A_634 = arith.constant 32 : index
      %get3A_635 = tpu.vector_load %arg11[%get3A_633, %get3A_634] {strides = array<i32>} : memref<3x128xf32, #tpu.memory_space<vmem>>, vector<16xf32>,
      %get3A_636 = arith.constant 2 : i32
      %get3A_637 = arith.index_cast %get3A_636 : i32 to index
      %get3A_638 = arith.constant 32 : index
      %get3A_639 = tpu.vector_load %arg11[%get3A_637, %get3A_638] {strides = array<i32>} : memref<3x128xf32, #tpu.memory_space<vmem>>, vector<16xf32>,
      %mul3A_640 = vector.broadcast %squeeze3A : f32 to vector<16xf32>
      %mul3A_641 = arith.mulf %get3A_631, %mul3A_640 : vector<16xf32>
      %add3A_642 = vector.broadcast %squeeze3A_9 : f32 to vector<16xf32>
      %add3A_643 = arith.addf %mul3A_641, %add3A_642 : vector<16xf32>
      %jit3A_644 = arith.constant -1.500000e+00 : f32
      %jit3A_645 = arith.constant 9.650000e+01 : f32
      %max3A_646 = vector.broadcast %jit3A_644 : f32 to vector<16xf32>
      %max3A_647 = arith.maximumf %max3A_646, %add3A_643 : vector<16xf32>
      %min3A_648 = vector.broadcast %jit3A_645 : f32 to vector<16xf32>
      %min3A_649 = arith.minimumf %min3A_648, %max3A_647 : vector<16xf32>
      %convert_element_type3A_650 = arith.fptosi %min3A_649 : vector<16xf32> to vector<16xi32>
      %convert_element_type3A_651 = arith.sitofp %convert_element_type3A_650 : vector<16xi32> to vector<16xf32>
      %gt3A_652 = arith.cmpf ogt, %convert_element_type3A_651, %min3A_649 : vector<16xf32>
      %sub3A_653 = arith.constant 1 : i32
      %sub3A_654 = vector.broadcast %sub3A_653 : i32 to vector<16xi32>
      %sub3A_655 = arith.subi %convert_element_type3A_650, %sub3A_654 : vector<16xi32>
      %select_n3A_656 = arith.select %gt3A_652, %sub3A_655, %convert_element_type3A_650 : vector<16xi1>, vector<16xi32>
      %convert_element_type3A_657 = arith.sitofp %select_n3A_656 : vector<16xi32> to vector<16xf32>
      %sub3A_658 = arith.subf %min3A_649, %convert_element_type3A_657 : vector<16xf32>
      %sub3A_659 = arith.constant 1.000000e+00 : f32
      %sub3A_660 = vector.broadcast %sub3A_659 : f32 to vector<16xf32>
      %sub3A_661 = arith.subf %sub3A_660, %sub3A_658 : vector<16xf32>
      %add3A_662 = arith.constant 1 : i32
      %add3A_663 = vector.broadcast %add3A_662 : i32 to vector<16xi32>
      %add3A_664 = arith.addi %select_n3A_656, %add3A_663 : vector<16xi32>
      %ge3A_665 = arith.constant 0 : i32
      %ge3A_666 = vector.broadcast %ge3A_665 : i32 to vector<16xi32>
      %ge3A_667 = arith.cmpi sge, %select_n3A_656, %ge3A_666 : vector<16xi32>
      %lt3A_668 = arith.constant 96 : i32
      %lt3A_669 = vector.broadcast %lt3A_668 : i32 to vector<16xi32>
      %lt3A_670 = arith.cmpi slt, %select_n3A_656, %lt3A_669 : vector<16xi32>
      %and3A_671 = arith.andi %ge3A_667, %lt3A_670 : vector<16xi1>
      %jit3A_672 = arith.constant 1.000000e+00 : f32
      %jit3A_673 = arith.constant 0.000000e+00 : f32
      %broadcast_in_dim3A_674 = vector.broadcast %jit3A_672 : f32 to vector<16xf32>
      %broadcast_in_dim3A_675 = vector.broadcast %jit3A_673 : f32 to vector<16xf32>
      %select_n3A_676 = arith.select %and3A_671, %broadcast_in_dim3A_674, %broadcast_in_dim3A_675 : vector<16xi1>, vector<16xf32>
      %ge3A_677 = arith.constant 0 : i32
      %ge3A_678 = vector.broadcast %ge3A_677 : i32 to vector<16xi32>
      %ge3A_679 = arith.cmpi sge, %add3A_664, %ge3A_678 : vector<16xi32>
      %lt3A_680 = arith.constant 96 : i32
      %lt3A_681 = vector.broadcast %lt3A_680 : i32 to vector<16xi32>
      %lt3A_682 = arith.cmpi slt, %add3A_664, %lt3A_681 : vector<16xi32>
      %and3A_683 = arith.andi %ge3A_679, %lt3A_682 : vector<16xi1>
      %jit3A_684 = arith.constant 1.000000e+00 : f32
      %jit3A_685 = arith.constant 0.000000e+00 : f32
      %broadcast_in_dim3A_686 = vector.broadcast %jit3A_684 : f32 to vector<16xf32>
      %broadcast_in_dim3A_687 = vector.broadcast %jit3A_685 : f32 to vector<16xf32>
      %select_n3A_688 = arith.select %and3A_683, %broadcast_in_dim3A_686, %broadcast_in_dim3A_687 : vector<16xi1>, vector<16xf32>
      %mul3A_689 = arith.mulf %sub3A_661, %select_n3A_676 : vector<16xf32>
      %mul3A_690 = arith.mulf %sub3A_658, %select_n3A_688 : vector<16xf32>
      %jit3A_691 = arith.constant 0 : i32
      %jit3A_692 = arith.constant 95 : i32
      %max3A_693 = vector.broadcast %jit3A_691 : i32 to vector<16xi32>
      %max3A_694 = arith.maxsi %max3A_693, %select_n3A_656 : vector<16xi32>
      %min3A_695 = vector.broadcast %jit3A_692 : i32 to vector<16xi32>
      %min3A_696 = arith.minsi %min3A_695, %max3A_694 : vector<16xi32>
      %jit3A_697 = arith.constant 0 : i32
      %jit3A_698 = arith.constant 95 : i32
      %max3A_699 = vector.broadcast %jit3A_697 : i32 to vector<16xi32>
      %max3A_700 = arith.maxsi %max3A_699, %add3A_664 : vector<16xi32>
      %min3A_701 = vector.broadcast %jit3A_698 : i32 to vector<16xi32>
      %min3A_702 = arith.minsi %min3A_701, %max3A_700 : vector<16xi32>
      %mul3A_703 = vector.broadcast %squeeze3A_13 : f32 to vector<16xf32>
      %mul3A_704 = arith.mulf %get3A_635, %mul3A_703 : vector<16xf32>
      %add3A_705 = vector.broadcast %squeeze3A_17 : f32 to vector<16xf32>
      %add3A_706 = arith.addf %mul3A_704, %add3A_705 : vector<16xf32>
      %jit3A_707 = arith.constant -1.500000e+00 : f32
      %jit3A_708 = arith.constant 9.650000e+01 : f32
      %max3A_709 = vector.broadcast %jit3A_707 : f32 to vector<16xf32>
      %max3A_710 = arith.maximumf %max3A_709, %add3A_706 : vector<16xf32>
      %min3A_711 = vector.broadcast %jit3A_708 : f32 to vector<16xf32>
      %min3A_712 = arith.minimumf %min3A_711, %max3A_710 : vector<16xf32>
      %convert_element_type3A_713 = arith.fptosi %min3A_712 : vector<16xf32> to vector<16xi32>
      %convert_element_type3A_714 = arith.sitofp %convert_element_type3A_713 : vector<16xi32> to vector<16xf32>
      %gt3A_715 = arith.cmpf ogt, %convert_element_type3A_714, %min3A_712 : vector<16xf32>
      %sub3A_716 = arith.constant 1 : i32
      %sub3A_717 = vector.broadcast %sub3A_716 : i32 to vector<16xi32>
      %sub3A_718 = arith.subi %convert_element_type3A_713, %sub3A_717 : vector<16xi32>
      %select_n3A_719 = arith.select %gt3A_715, %sub3A_718, %convert_element_type3A_713 : vector<16xi1>, vector<16xi32>
      %convert_element_type3A_720 = arith.sitofp %select_n3A_719 : vector<16xi32> to vector<16xf32>
      %sub3A_721 = arith.subf %min3A_712, %convert_element_type3A_720 : vector<16xf32>
      %sub3A_722 = arith.constant 1.000000e+00 : f32
      %sub3A_723 = vector.broadcast %sub3A_722 : f32 to vector<16xf32>
      %sub3A_724 = arith.subf %sub3A_723, %sub3A_721 : vector<16xf32>
      %add3A_725 = arith.constant 1 : i32
      %add3A_726 = vector.broadcast %add3A_725 : i32 to vector<16xi32>
      %add3A_727 = arith.addi %select_n3A_719, %add3A_726 : vector<16xi32>
      %ge3A_728 = arith.constant 0 : i32
      %ge3A_729 = vector.broadcast %ge3A_728 : i32 to vector<16xi32>
      %ge3A_730 = arith.cmpi sge, %select_n3A_719, %ge3A_729 : vector<16xi32>
      %lt3A_731 = arith.constant 96 : i32
      %lt3A_732 = vector.broadcast %lt3A_731 : i32 to vector<16xi32>
      %lt3A_733 = arith.cmpi slt, %select_n3A_719, %lt3A_732 : vector<16xi32>
      %and3A_734 = arith.andi %ge3A_730, %lt3A_733 : vector<16xi1>
      %jit3A_735 = arith.constant 1.000000e+00 : f32
      %jit3A_736 = arith.constant 0.000000e+00 : f32
      %broadcast_in_dim3A_737 = vector.broadcast %jit3A_735 : f32 to vector<16xf32>
      %broadcast_in_dim3A_738 = vector.broadcast %jit3A_736 : f32 to vector<16xf32>
      %select_n3A_739 = arith.select %and3A_734, %broadcast_in_dim3A_737, %broadcast_in_dim3A_738 : vector<16xi1>, vector<16xf32>
      %ge3A_740 = arith.constant 0 : i32
      %ge3A_741 = vector.broadcast %ge3A_740 : i32 to vector<16xi32>
      %ge3A_742 = arith.cmpi sge, %add3A_727, %ge3A_741 : vector<16xi32>
      %lt3A_743 = arith.constant 96 : i32
      %lt3A_744 = vector.broadcast %lt3A_743 : i32 to vector<16xi32>
      %lt3A_745 = arith.cmpi slt, %add3A_727, %lt3A_744 : vector<16xi32>
      %and3A_746 = arith.andi %ge3A_742, %lt3A_745 : vector<16xi1>
      %jit3A_747 = arith.constant 1.000000e+00 : f32
      %jit3A_748 = arith.constant 0.000000e+00 : f32
      %broadcast_in_dim3A_749 = vector.broadcast %jit3A_747 : f32 to vector<16xf32>
      %broadcast_in_dim3A_750 = vector.broadcast %jit3A_748 : f32 to vector<16xf32>
      %select_n3A_751 = arith.select %and3A_746, %broadcast_in_dim3A_749, %broadcast_in_dim3A_750 : vector<16xi1>, vector<16xf32>
      %mul3A_752 = arith.mulf %sub3A_724, %select_n3A_739 : vector<16xf32>
      %mul3A_753 = arith.mulf %sub3A_721, %select_n3A_751 : vector<16xf32>
      %jit3A_754 = arith.constant 0 : i32
      %jit3A_755 = arith.constant 95 : i32
      %max3A_756 = vector.broadcast %jit3A_754 : i32 to vector<16xi32>
      %max3A_757 = arith.maxsi %max3A_756, %select_n3A_719 : vector<16xi32>
      %min3A_758 = vector.broadcast %jit3A_755 : i32 to vector<16xi32>
      %min3A_759 = arith.minsi %min3A_758, %max3A_757 : vector<16xi32>
      %jit3A_760 = arith.constant 0 : i32
      %jit3A_761 = arith.constant 95 : i32
      %max3A_762 = vector.broadcast %jit3A_760 : i32 to vector<16xi32>
      %max3A_763 = arith.maxsi %max3A_762, %add3A_727 : vector<16xi32>
      %min3A_764 = vector.broadcast %jit3A_761 : i32 to vector<16xi32>
      %min3A_765 = arith.minsi %min3A_764, %max3A_763 : vector<16xi32>
      %mul3A_766 = vector.broadcast %squeeze3A_21 : f32 to vector<16xf32>
      %mul3A_767 = arith.mulf %get3A_639, %mul3A_766 : vector<16xf32>
      %add3A_768 = vector.broadcast %squeeze3A_25 : f32 to vector<16xf32>
      %add3A_769 = arith.addf %mul3A_767, %add3A_768 : vector<16xf32>
      %jit3A_770 = arith.constant -1.500000e+00 : f32
      %jit3A_771 = arith.constant 9.650000e+01 : f32
      %max3A_772 = vector.broadcast %jit3A_770 : f32 to vector<16xf32>
      %max3A_773 = arith.maximumf %max3A_772, %add3A_769 : vector<16xf32>
      %min3A_774 = vector.broadcast %jit3A_771 : f32 to vector<16xf32>
      %min3A_775 = arith.minimumf %min3A_774, %max3A_773 : vector<16xf32>
      %convert_element_type3A_776 = arith.fptosi %min3A_775 : vector<16xf32> to vector<16xi32>
      %convert_element_type3A_777 = arith.sitofp %convert_element_type3A_776 : vector<16xi32> to vector<16xf32>
      %gt3A_778 = arith.cmpf ogt, %convert_element_type3A_777, %min3A_775 : vector<16xf32>
      %sub3A_779 = arith.constant 1 : i32
      %sub3A_780 = vector.broadcast %sub3A_779 : i32 to vector<16xi32>
      %sub3A_781 = arith.subi %convert_element_type3A_776, %sub3A_780 : vector<16xi32>
      %select_n3A_782 = arith.select %gt3A_778, %sub3A_781, %convert_element_type3A_776 : vector<16xi1>, vector<16xi32>
      %convert_element_type3A_783 = arith.sitofp %select_n3A_782 : vector<16xi32> to vector<16xf32>
      %sub3A_784 = arith.subf %min3A_775, %convert_element_type3A_783 : vector<16xf32>
      %sub3A_785 = arith.constant 1.000000e+00 : f32
      %sub3A_786 = vector.broadcast %sub3A_785 : f32 to vector<16xf32>
      %sub3A_787 = arith.subf %sub3A_786, %sub3A_784 : vector<16xf32>
      %add3A_788 = arith.constant 1 : i32
      %add3A_789 = vector.broadcast %add3A_788 : i32 to vector<16xi32>
      %add3A_790 = arith.addi %select_n3A_782, %add3A_789 : vector<16xi32>
      %ge3A_791 = arith.constant 0 : i32
      %ge3A_792 = vector.broadcast %ge3A_791 : i32 to vector<16xi32>
      %ge3A_793 = arith.cmpi sge, %select_n3A_782, %ge3A_792 : vector<16xi32>
      %lt3A_794 = arith.constant 96 : i32
      %lt3A_795 = vector.broadcast %lt3A_794 : i32 to vector<16xi32>
      %lt3A_796 = arith.cmpi slt, %select_n3A_782, %lt3A_795 : vector<16xi32>
      %and3A_797 = arith.andi %ge3A_793, %lt3A_796 : vector<16xi1>
      %jit3A_798 = arith.constant 1.000000e+00 : f32
      %jit3A_799 = arith.constant 0.000000e+00 : f32
      %broadcast_in_dim3A_800 = vector.broadcast %jit3A_798 : f32 to vector<16xf32>
      %broadcast_in_dim3A_801 = vector.broadcast %jit3A_799 : f32 to vector<16xf32>
      %select_n3A_802 = arith.select %and3A_797, %broadcast_in_dim3A_800, %broadcast_in_dim3A_801 : vector<16xi1>, vector<16xf32>
      %ge3A_803 = arith.constant 0 : i32
      %ge3A_804 = vector.broadcast %ge3A_803 : i32 to vector<16xi32>
      %ge3A_805 = arith.cmpi sge, %add3A_790, %ge3A_804 : vector<16xi32>
      %lt3A_806 = arith.constant 96 : i32
      %lt3A_807 = vector.broadcast %lt3A_806 : i32 to vector<16xi32>
      %lt3A_808 = arith.cmpi slt, %add3A_790, %lt3A_807 : vector<16xi32>
      %and3A_809 = arith.andi %ge3A_805, %lt3A_808 : vector<16xi1>
      %jit3A_810 = arith.constant 1.000000e+00 : f32
      %jit3A_811 = arith.constant 0.000000e+00 : f32
      %broadcast_in_dim3A_812 = vector.broadcast %jit3A_810 : f32 to vector<16xf32>
      %broadcast_in_dim3A_813 = vector.broadcast %jit3A_811 : f32 to vector<16xf32>
      %select_n3A_814 = arith.select %and3A_809, %broadcast_in_dim3A_812, %broadcast_in_dim3A_813 : vector<16xi1>, vector<16xf32>
      %mul3A_815 = arith.mulf %sub3A_787, %select_n3A_802 : vector<16xf32>
      %mul3A_816 = arith.mulf %sub3A_784, %select_n3A_814 : vector<16xf32>
      %jit3A_817 = arith.constant 0 : i32
      %jit3A_818 = arith.constant 95 : i32
      %max3A_819 = vector.broadcast %jit3A_817 : i32 to vector<16xi32>
      %max3A_820 = arith.maxsi %max3A_819, %select_n3A_782 : vector<16xi32>
      %min3A_821 = vector.broadcast %jit3A_818 : i32 to vector<16xi32>
      %min3A_822 = arith.minsi %min3A_821, %max3A_820 : vector<16xi32>
      %jit3A_823 = arith.constant 0 : i32
      %jit3A_824 = arith.constant 95 : i32
      %max3A_825 = vector.broadcast %jit3A_823 : i32 to vector<16xi32>
      %max3A_826 = arith.maxsi %max3A_825, %add3A_790 : vector<16xi32>
      %min3A_827 = vector.broadcast %jit3A_824 : i32 to vector<16xi32>
      %min3A_828 = arith.minsi %min3A_827, %max3A_826 : vector<16xi32>
      %mul3A_829 = arith.constant 9216 : i32
      %mul3A_830 = vector.broadcast %mul3A_829 : i32 to vector<16xi32>
      %mul3A_831 = arith.muli %min3A_822, %mul3A_830 : vector<16xi32>
      %mul3A_832 = arith.constant 9216 : i32
      %mul3A_833 = vector.broadcast %mul3A_832 : i32 to vector<16xi32>
      %mul3A_834 = arith.muli %min3A_828, %mul3A_833 : vector<16xi32>
      %mul3A_835 = arith.constant 96 : i32
      %mul3A_836 = vector.broadcast %mul3A_835 : i32 to vector<16xi32>
      %mul3A_837 = arith.muli %min3A_759, %mul3A_836 : vector<16xi32>
      %mul3A_838 = arith.constant 96 : i32
      %mul3A_839 = vector.broadcast %mul3A_838 : i32 to vector<16xi32>
      %mul3A_840 = arith.muli %min3A_765, %mul3A_839 : vector<16xi32>
      %add3A_841 = arith.addi %mul3A_831, %mul3A_837 : vector<16xi32>
      %add3A_842 = arith.addi %mul3A_831, %mul3A_840 : vector<16xi32>
      %add3A_843 = arith.addi %mul3A_834, %mul3A_837 : vector<16xi32>
      %add3A_844 = arith.addi %mul3A_834, %mul3A_840 : vector<16xi32>
      %mul3A_845 = arith.mulf %mul3A_815, %mul3A_752 : vector<16xf32>
      %mul3A_846 = arith.mulf %mul3A_815, %mul3A_753 : vector<16xf32>
      %mul3A_847 = arith.mulf %mul3A_816, %mul3A_752 : vector<16xf32>
      %mul3A_848 = arith.mulf %mul3A_816, %mul3A_753 : vector<16xf32>
      %add3A_849 = arith.addi %add3A_841, %min3A_696 : vector<16xi32>
      %swap3A_850 = arith.constant 0 : i32
      %swap3A_851 = arith.index_cast %swap3A_850 : i32 to index
      %swap3A_852 = arith.constant 32 : index
      %swap3A_853 = tpu.vector_load %arg12[%swap3A_851, %swap3A_852] {strides = array<i32>} : memref<8x128xi32, #tpu.memory_space<vmem>>, vector<16xi32>,
      tpu.vector_store %arg12[%swap3A_851, %swap3A_852], %add3A_849 {strides = array<i32>} : memref<8x128xi32, #tpu.memory_space<vmem>>, vector<16xi32>,
      %add3A_854 = arith.addi %add3A_841, %min3A_702 : vector<16xi32>
      %swap3A_855 = arith.constant 1 : i32
      %swap3A_856 = arith.index_cast %swap3A_855 : i32 to index
      %swap3A_857 = arith.constant 32 : index
      %swap3A_858 = tpu.vector_load %arg12[%swap3A_856, %swap3A_857] {strides = array<i32>} : memref<8x128xi32, #tpu.memory_space<vmem>>, vector<16xi32>,
      tpu.vector_store %arg12[%swap3A_856, %swap3A_857], %add3A_854 {strides = array<i32>} : memref<8x128xi32, #tpu.memory_space<vmem>>, vector<16xi32>,
      %add3A_859 = arith.addi %add3A_842, %min3A_696 : vector<16xi32>
      %swap3A_860 = arith.constant 2 : i32
      %swap3A_861 = arith.index_cast %swap3A_860 : i32 to index
      %swap3A_862 = arith.constant 32 : index
      %swap3A_863 = tpu.vector_load %arg12[%swap3A_861, %swap3A_862] {strides = array<i32>} : memref<8x128xi32, #tpu.memory_space<vmem>>, vector<16xi32>,
      tpu.vector_store %arg12[%swap3A_861, %swap3A_862], %add3A_859 {strides = array<i32>} : memref<8x128xi32, #tpu.memory_space<vmem>>, vector<16xi32>,
      %add3A_864 = arith.addi %add3A_842, %min3A_702 : vector<16xi32>
      %swap3A_865 = arith.constant 3 : i32
      %swap3A_866 = arith.index_cast %swap3A_865 : i32 to index
      %swap3A_867 = arith.constant 32 : index
      %swap3A_868 = tpu.vector_load %arg12[%swap3A_866, %swap3A_867] {strides = array<i32>} : memref<8x128xi32, #tpu.memory_space<vmem>>, vector<16xi32>,
      tpu.vector_store %arg12[%swap3A_866, %swap3A_867], %add3A_864 {strides = array<i32>} : memref<8x128xi32, #tpu.memory_space<vmem>>, vector<16xi32>,
      %add3A_869 = arith.addi %add3A_843, %min3A_696 : vector<16xi32>
      %swap3A_870 = arith.constant 4 : i32
      %swap3A_871 = arith.index_cast %swap3A_870 : i32 to index
      %swap3A_872 = arith.constant 32 : index
      %swap3A_873 = tpu.vector_load %arg12[%swap3A_871, %swap3A_872] {strides = array<i32>} : memref<8x128xi32, #tpu.memory_space<vmem>>, vector<16xi32>,
      tpu.vector_store %arg12[%swap3A_871, %swap3A_872], %add3A_869 {strides = array<i32>} : memref<8x128xi32, #tpu.memory_space<vmem>>, vector<16xi32>,
      %add3A_874 = arith.addi %add3A_843, %min3A_702 : vector<16xi32>
      %swap3A_875 = arith.constant 5 : i32
      %swap3A_876 = arith.index_cast %swap3A_875 : i32 to index
      %swap3A_877 = arith.constant 32 : index
      %swap3A_878 = tpu.vector_load %arg12[%swap3A_876, %swap3A_877] {strides = array<i32>} : memref<8x128xi32, #tpu.memory_space<vmem>>, vector<16xi32>,
      tpu.vector_store %arg12[%swap3A_876, %swap3A_877], %add3A_874 {strides = array<i32>} : memref<8x128xi32, #tpu.memory_space<vmem>>, vector<16xi32>,
      %add3A_879 = arith.addi %add3A_844, %min3A_696 : vector<16xi32>
      %swap3A_880 = arith.constant 6 : i32
      %swap3A_881 = arith.index_cast %swap3A_880 : i32 to index
      %swap3A_882 = arith.constant 32 : index
      %swap3A_883 = tpu.vector_load %arg12[%swap3A_881, %swap3A_882] {strides = array<i32>} : memref<8x128xi32, #tpu.memory_space<vmem>>, vector<16xi32>,
      tpu.vector_store %arg12[%swap3A_881, %swap3A_882], %add3A_879 {strides = array<i32>} : memref<8x128xi32, #tpu.memory_space<vmem>>, vector<16xi32>,
      %add3A_884 = arith.addi %add3A_844, %min3A_702 : vector<16xi32>
      %swap3A_885 = arith.constant 7 : i32
      %swap3A_886 = arith.index_cast %swap3A_885 : i32 to index
      %swap3A_887 = arith.constant 32 : index
      %swap3A_888 = tpu.vector_load %arg12[%swap3A_886, %swap3A_887] {strides = array<i32>} : memref<8x128xi32, #tpu.memory_space<vmem>>, vector<16xi32>,
      tpu.vector_store %arg12[%swap3A_886, %swap3A_887], %add3A_884 {strides = array<i32>} : memref<8x128xi32, #tpu.memory_space<vmem>>, vector<16xi32>,
      %mul3A_889 = arith.mulf %mul3A_845, %mul3A_689 : vector<16xf32>
      %swap3A_890 = arith.constant 0 : i32
      %swap3A_891 = arith.index_cast %swap3A_890 : i32 to index
      %swap3A_892 = arith.constant 32 : index
      %swap3A_893 = tpu.vector_load %arg13[%swap3A_891, %swap3A_892] {strides = array<i32>} : memref<8x128xf32, #tpu.memory_space<vmem>>, vector<16xf32>,
      tpu.vector_store %arg13[%swap3A_891, %swap3A_892], %mul3A_889 {strides = array<i32>} : memref<8x128xf32, #tpu.memory_space<vmem>>, vector<16xf32>,
      %mul3A_894 = arith.mulf %mul3A_845, %mul3A_690 : vector<16xf32>
      %swap3A_895 = arith.constant 1 : i32
      %swap3A_896 = arith.index_cast %swap3A_895 : i32 to index
      %swap3A_897 = arith.constant 32 : index
      %swap3A_898 = tpu.vector_load %arg13[%swap3A_896, %swap3A_897] {strides = array<i32>} : memref<8x128xf32, #tpu.memory_space<vmem>>, vector<16xf32>,
      tpu.vector_store %arg13[%swap3A_896, %swap3A_897], %mul3A_894 {strides = array<i32>} : memref<8x128xf32, #tpu.memory_space<vmem>>, vector<16xf32>,
      %mul3A_899 = arith.mulf %mul3A_846, %mul3A_689 : vector<16xf32>
      %swap3A_900 = arith.constant 2 : i32
      %swap3A_901 = arith.index_cast %swap3A_900 : i32 to index
      %swap3A_902 = arith.constant 32 : index
      %swap3A_903 = tpu.vector_load %arg13[%swap3A_901, %swap3A_902] {strides = array<i32>} : memref<8x128xf32, #tpu.memory_space<vmem>>, vector<16xf32>,
      tpu.vector_store %arg13[%swap3A_901, %swap3A_902], %mul3A_899 {strides = array<i32>} : memref<8x128xf32, #tpu.memory_space<vmem>>, vector<16xf32>,
      %mul3A_904 = arith.mulf %mul3A_846, %mul3A_690 : vector<16xf32>
      %swap3A_905 = arith.constant 3 : i32
      %swap3A_906 = arith.index_cast %swap3A_905 : i32 to index
      %swap3A_907 = arith.constant 32 : index
      %swap3A_908 = tpu.vector_load %arg13[%swap3A_906, %swap3A_907] {strides = array<i32>} : memref<8x128xf32, #tpu.memory_space<vmem>>, vector<16xf32>,
      tpu.vector_store %arg13[%swap3A_906, %swap3A_907], %mul3A_904 {strides = array<i32>} : memref<8x128xf32, #tpu.memory_space<vmem>>, vector<16xf32>,
      %mul3A_909 = arith.mulf %mul3A_847, %mul3A_689 : vector<16xf32>
      %swap3A_910 = arith.constant 4 : i32
      %swap3A_911 = arith.index_cast %swap3A_910 : i32 to index
      %swap3A_912 = arith.constant 32 : index
      %swap3A_913 = tpu.vector_load %arg13[%swap3A_911, %swap3A_912] {strides = array<i32>} : memref<8x128xf32, #tpu.memory_space<vmem>>, vector<16xf32>,
      tpu.vector_store %arg13[%swap3A_911, %swap3A_912], %mul3A_909 {strides = array<i32>} : memref<8x128xf32, #tpu.memory_space<vmem>>, vector<16xf32>,
      %mul3A_914 = arith.mulf %mul3A_847, %mul3A_690 : vector<16xf32>
      %swap3A_915 = arith.constant 5 : i32
      %swap3A_916 = arith.index_cast %swap3A_915 : i32 to index
      %swap3A_917 = arith.constant 32 : index
      %swap3A_918 = tpu.vector_load %arg13[%swap3A_916, %swap3A_917] {strides = array<i32>} : memref<8x128xf32, #tpu.memory_space<vmem>>, vector<16xf32>,
      tpu.vector_store %arg13[%swap3A_916, %swap3A_917], %mul3A_914 {strides = array<i32>} : memref<8x128xf32, #tpu.memory_space<vmem>>, vector<16xf32>,
      %mul3A_919 = arith.mulf %mul3A_848, %mul3A_689 : vector<16xf32>
      %swap3A_920 = arith.constant 6 : i32
      %swap3A_921 = arith.index_cast %swap3A_920 : i32 to index
      %swap3A_922 = arith.constant 32 : index
      %swap3A_923 = tpu.vector_load %arg13[%swap3A_921, %swap3A_922] {strides = array<i32>} : memref<8x128xf32, #tpu.memory_space<vmem>>, vector<16xf32>,
      tpu.vector_store %arg13[%swap3A_921, %swap3A_922], %mul3A_919 {strides = array<i32>} : memref<8x128xf32, #tpu.memory_space<vmem>>, vector<16xf32>,
      %mul3A_924 = arith.mulf %mul3A_848, %mul3A_690 : vector<16xf32>
      %swap3A_925 = arith.constant 7 : i32
      %swap3A_926 = arith.index_cast %swap3A_925 : i32 to index
      %swap3A_927 = arith.constant 32 : index
      %swap3A_928 = tpu.vector_load %arg13[%swap3A_926, %swap3A_927] {strides = array<i32>} : memref<8x128xf32, #tpu.memory_space<vmem>>, vector<16xf32>,
      tpu.vector_store %arg13[%swap3A_926, %swap3A_927], %mul3A_924 {strides = array<i32>} : memref<8x128xf32, #tpu.memory_space<vmem>>, vector<16xf32>,
      %get3A_929 = arith.constant 0 : i32
      %get3A_930 = arith.index_cast %get3A_929 : i32 to index
      %get3A_931 = arith.constant 48 : index
      %get3A_932 = tpu.vector_load %arg11[%get3A_930, %get3A_931] {strides = array<i32>} : memref<3x128xf32, #tpu.memory_space<vmem>>, vector<16xf32>,
      %get3A_933 = arith.constant 1 : i32
      %get3A_934 = arith.index_cast %get3A_933 : i32 to index
      %get3A_935 = arith.constant 48 : index
      %get3A_936 = tpu.vector_load %arg11[%get3A_934, %get3A_935] {strides = array<i32>} : memref<3x128xf32, #tpu.memory_space<vmem>>, vector<16xf32>,
      %get3A_937 = arith.constant 2 : i32
      %get3A_938 = arith.index_cast %get3A_937 : i32 to index
      %get3A_939 = arith.constant 48 : index
      %get3A_940 = tpu.vector_load %arg11[%get3A_938, %get3A_939] {strides = array<i32>} : memref<3x128xf32, #tpu.memory_space<vmem>>, vector<16xf32>,
      %mul3A_941 = vector.broadcast %squeeze3A : f32 to vector<16xf32>
      %mul3A_942 = arith.mulf %get3A_932, %mul3A_941 : vector<16xf32>
      %add3A_943 = vector.broadcast %squeeze3A_9 : f32 to vector<16xf32>
      %add3A_944 = arith.addf %mul3A_942, %add3A_943 : vector<16xf32>
      %jit3A_945 = arith.constant -1.500000e+00 : f32
      %jit3A_946 = arith.constant 9.650000e+01 : f32
      %max3A_947 = vector.broadcast %jit3A_945 : f32 to vector<16xf32>
      %max3A_948 = arith.maximumf %max3A_947, %add3A_944 : vector<16xf32>
      %min3A_949 = vector.broadcast %jit3A_946 : f32 to vector<16xf32>
      %min3A_950 = arith.minimumf %min3A_949, %max3A_948 : vector<16xf32>
      %convert_element_type3A_951 = arith.fptosi %min3A_950 : vector<16xf32> to vector<16xi32>
      %convert_element_type3A_952 = arith.sitofp %convert_element_type3A_951 : vector<16xi32> to vector<16xf32>
      %gt3A_953 = arith.cmpf ogt, %convert_element_type3A_952, %min3A_950 : vector<16xf32>
      %sub3A_954 = arith.constant 1 : i32
      %sub3A_955 = vector.broadcast %sub3A_954 : i32 to vector<16xi32>
      %sub3A_956 = arith.subi %convert_element_type3A_951, %sub3A_955 : vector<16xi32>
      %select_n3A_957 = arith.select %gt3A_953, %sub3A_956, %convert_element_type3A_951 : vector<16xi1>, vector<16xi32>
      %convert_element_type3A_958 = arith.sitofp %select_n3A_957 : vector<16xi32> to vector<16xf32>
      %sub3A_959 = arith.subf %min3A_950, %convert_element_type3A_958 : vector<16xf32>
      %sub3A_960 = arith.constant 1.000000e+00 : f32
      %sub3A_961 = vector.broadcast %sub3A_960 : f32 to vector<16xf32>
      %sub3A_962 = arith.subf %sub3A_961, %sub3A_959 : vector<16xf32>
      %add3A_963 = arith.constant 1 : i32
      %add3A_964 = vector.broadcast %add3A_963 : i32 to vector<16xi32>
      %add3A_965 = arith.addi %select_n3A_957, %add3A_964 : vector<16xi32>
      %ge3A_966 = arith.constant 0 : i32
      %ge3A_967 = vector.broadcast %ge3A_966 : i32 to vector<16xi32>
      %ge3A_968 = arith.cmpi sge, %select_n3A_957, %ge3A_967 : vector<16xi32>
      %lt3A_969 = arith.constant 96 : i32
      %lt3A_970 = vector.broadcast %lt3A_969 : i32 to vector<16xi32>
      %lt3A_971 = arith.cmpi slt, %select_n3A_957, %lt3A_970 : vector<16xi32>
      %and3A_972 = arith.andi %ge3A_968, %lt3A_971 : vector<16xi1>
      %jit3A_973 = arith.constant 1.000000e+00 : f32
      %jit3A_974 = arith.constant 0.000000e+00 : f32
      %broadcast_in_dim3A_975 = vector.broadcast %jit3A_973 : f32 to vector<16xf32>
      %broadcast_in_dim3A_976 = vector.broadcast %jit3A_974 : f32 to vector<16xf32>
      %select_n3A_977 = arith.select %and3A_972, %broadcast_in_dim3A_975, %broadcast_in_dim3A_976 : vector<16xi1>, vector<16xf32>
      %ge3A_978 = arith.constant 0 : i32
      %ge3A_979 = vector.broadcast %ge3A_978 : i32 to vector<16xi32>
      %ge3A_980 = arith.cmpi sge, %add3A_965, %ge3A_979 : vector<16xi32>
      %lt3A_981 = arith.constant 96 : i32
      %lt3A_982 = vector.broadcast %lt3A_981 : i32 to vector<16xi32>
      %lt3A_983 = arith.cmpi slt, %add3A_965, %lt3A_982 : vector<16xi32>
      %and3A_984 = arith.andi %ge3A_980, %lt3A_983 : vector<16xi1>
      %jit3A_985 = arith.constant 1.000000e+00 : f32
      %jit3A_986 = arith.constant 0.000000e+00 : f32
      %broadcast_in_dim3A_987 = vector.broadcast %jit3A_985 : f32 to vector<16xf32>
      %broadcast_in_dim3A_988 = vector.broadcast %jit3A_986 : f32 to vector<16xf32>
      %select_n3A_989 = arith.select %and3A_984, %broadcast_in_dim3A_987, %broadcast_in_dim3A_988 : vector<16xi1>, vector<16xf32>
      %mul3A_990 = arith.mulf %sub3A_962, %select_n3A_977 : vector<16xf32>
      %mul3A_991 = arith.mulf %sub3A_959, %select_n3A_989 : vector<16xf32>
      %jit3A_992 = arith.constant 0 : i32
      %jit3A_993 = arith.constant 95 : i32
      %max3A_994 = vector.broadcast %jit3A_992 : i32 to vector<16xi32>
      %max3A_995 = arith.maxsi %max3A_994, %select_n3A_957 : vector<16xi32>
      %min3A_996 = vector.broadcast %jit3A_993 : i32 to vector<16xi32>
      %min3A_997 = arith.minsi %min3A_996, %max3A_995 : vector<16xi32>
      %jit3A_998 = arith.constant 0 : i32
      %jit3A_999 = arith.constant 95 : i32
      %max3A_1000 = vector.broadcast %jit3A_998 : i32 to vector<16xi32>
      %max3A_1001 = arith.maxsi %max3A_1000, %add3A_965 : vector<16xi32>
      %min3A_1002 = vector.broadcast %jit3A_999 : i32 to vector<16xi32>
      %min3A_1003 = arith.minsi %min3A_1002, %max3A_1001 : vector<16xi32>
      %mul3A_1004 = vector.broadcast %squeeze3A_13 : f32 to vector<16xf32>
      %mul3A_1005 = arith.mulf %get3A_936, %mul3A_1004 : vector<16xf32>
      %add3A_1006 = vector.broadcast %squeeze3A_17 : f32 to vector<16xf32>
      %add3A_1007 = arith.addf %mul3A_1005, %add3A_1006 : vector<16xf32>
      %jit3A_1008 = arith.constant -1.500000e+00 : f32
      %jit3A_1009 = arith.constant 9.650000e+01 : f32
      %max3A_1010 = vector.broadcast %jit3A_1008 : f32 to vector<16xf32>
      %max3A_1011 = arith.maximumf %max3A_1010, %add3A_1007 : vector<16xf32>
      %min3A_1012 = vector.broadcast %jit3A_1009 : f32 to vector<16xf32>
      %min3A_1013 = arith.minimumf %min3A_1012, %max3A_1011 : vector<16xf32>
      %convert_element_type3A_1014 = arith.fptosi %min3A_1013 : vector<16xf32> to vector<16xi32>
      %convert_element_type3A_1015 = arith.sitofp %convert_element_type3A_1014 : vector<16xi32> to vector<16xf32>
      %gt3A_1016 = arith.cmpf ogt, %convert_element_type3A_1015, %min3A_1013 : vector<16xf32>
      %sub3A_1017 = arith.constant 1 : i32
      %sub3A_1018 = vector.broadcast %sub3A_1017 : i32 to vector<16xi32>
      %sub3A_1019 = arith.subi %convert_element_type3A_1014, %sub3A_1018 : vector<16xi32>
      %select_n3A_1020 = arith.select %gt3A_1016, %sub3A_1019, %convert_element_type3A_1014 : vector<16xi1>, vector<16xi32>
      %convert_element_type3A_1021 = arith.sitofp %select_n3A_1020 : vector<16xi32> to vector<16xf32>
      %sub3A_1022 = arith.subf %min3A_1013, %convert_element_type3A_1021 : vector<16xf32>
      %sub3A_1023 = arith.constant 1.000000e+00 : f32
      %sub3A_1024 = vector.broadcast %sub3A_1023 : f32 to vector<16xf32>
      %sub3A_1025 = arith.subf %sub3A_1024, %sub3A_1022 : vector<16xf32>
      %add3A_1026 = arith.constant 1 : i32
      %add3A_1027 = vector.broadcast %add3A_1026 : i32 to vector<16xi32>
      %add3A_1028 = arith.addi %select_n3A_1020, %add3A_1027 : vector<16xi32>
      %ge3A_1029 = arith.constant 0 : i32
      %ge3A_1030 = vector.broadcast %ge3A_1029 : i32 to vector<16xi32>
      %ge3A_1031 = arith.cmpi sge, %select_n3A_1020, %ge3A_1030 : vector<16xi32>
      %lt3A_1032 = arith.constant 96 : i32
      %lt3A_1033 = vector.broadcast %lt3A_1032 : i32 to vector<16xi32>
      %lt3A_1034 = arith.cmpi slt, %select_n3A_1020, %lt3A_1033 : vector<16xi32>
      %and3A_1035 = arith.andi %ge3A_1031, %lt3A_1034 : vector<16xi1>
      %jit3A_1036 = arith.constant 1.000000e+00 : f32
      %jit3A_1037 = arith.constant 0.000000e+00 : f32
      %broadcast_in_dim3A_1038 = vector.broadcast %jit3A_1036 : f32 to vector<16xf32>
      %broadcast_in_dim3A_1039 = vector.broadcast %jit3A_1037 : f32 to vector<16xf32>
      %select_n3A_1040 = arith.select %and3A_1035, %broadcast_in_dim3A_1038, %broadcast_in_dim3A_1039 : vector<16xi1>, vector<16xf32>
      %ge3A_1041 = arith.constant 0 : i32
      %ge3A_1042 = vector.broadcast %ge3A_1041 : i32 to vector<16xi32>
      %ge3A_1043 = arith.cmpi sge, %add3A_1028, %ge3A_1042 : vector<16xi32>
      %lt3A_1044 = arith.constant 96 : i32
      %lt3A_1045 = vector.broadcast %lt3A_1044 : i32 to vector<16xi32>
      %lt3A_1046 = arith.cmpi slt, %add3A_1028, %lt3A_1045 : vector<16xi32>
      %and3A_1047 = arith.andi %ge3A_1043, %lt3A_1046 : vector<16xi1>
      %jit3A_1048 = arith.constant 1.000000e+00 : f32
      %jit3A_1049 = arith.constant 0.000000e+00 : f32
      %broadcast_in_dim3A_1050 = vector.broadcast %jit3A_1048 : f32 to vector<16xf32>
      %broadcast_in_dim3A_1051 = vector.broadcast %jit3A_1049 : f32 to vector<16xf32>
      %select_n3A_1052 = arith.select %and3A_1047, %broadcast_in_dim3A_1050, %broadcast_in_dim3A_1051 : vector<16xi1>, vector<16xf32>
      %mul3A_1053 = arith.mulf %sub3A_1025, %select_n3A_1040 : vector<16xf32>
      %mul3A_1054 = arith.mulf %sub3A_1022, %select_n3A_1052 : vector<16xf32>
      %jit3A_1055 = arith.constant 0 : i32
      %jit3A_1056 = arith.constant 95 : i32
      %max3A_1057 = vector.broadcast %jit3A_1055 : i32 to vector<16xi32>
      %max3A_1058 = arith.maxsi %max3A_1057, %select_n3A_1020 : vector<16xi32>
      %min3A_1059 = vector.broadcast %jit3A_1056 : i32 to vector<16xi32>
      %min3A_1060 = arith.minsi %min3A_1059, %max3A_1058 : vector<16xi32>
      %jit3A_1061 = arith.constant 0 : i32
      %jit3A_1062 = arith.constant 95 : i32
      %max3A_1063 = vector.broadcast %jit3A_1061 : i32 to vector<16xi32>
      %max3A_1064 = arith.maxsi %max3A_1063, %add3A_1028 : vector<16xi32>
      %min3A_1065 = vector.broadcast %jit3A_1062 : i32 to vector<16xi32>
      %min3A_1066 = arith.minsi %min3A_1065, %max3A_1064 : vector<16xi32>
      %mul3A_1067 = vector.broadcast %squeeze3A_21 : f32 to vector<16xf32>
      %mul3A_1068 = arith.mulf %get3A_940, %mul3A_1067 : vector<16xf32>
      %add3A_1069 = vector.broadcast %squeeze3A_25 : f32 to vector<16xf32>
      %add3A_1070 = arith.addf %mul3A_1068, %add3A_1069 : vector<16xf32>
      %jit3A_1071 = arith.constant -1.500000e+00 : f32
      %jit3A_1072 = arith.constant 9.650000e+01 : f32
      %max3A_1073 = vector.broadcast %jit3A_1071 : f32 to vector<16xf32>
      %max3A_1074 = arith.maximumf %max3A_1073, %add3A_1070 : vector<16xf32>
      %min3A_1075 = vector.broadcast %jit3A_1072 : f32 to vector<16xf32>
      %min3A_1076 = arith.minimumf %min3A_1075, %max3A_1074 : vector<16xf32>
      %convert_element_type3A_1077 = arith.fptosi %min3A_1076 : vector<16xf32> to vector<16xi32>
      %convert_element_type3A_1078 = arith.sitofp %convert_element_type3A_1077 : vector<16xi32> to vector<16xf32>
      %gt3A_1079 = arith.cmpf ogt, %convert_element_type3A_1078, %min3A_1076 : vector<16xf32>
      %sub3A_1080 = arith.constant 1 : i32
      %sub3A_1081 = vector.broadcast %sub3A_1080 : i32 to vector<16xi32>
      %sub3A_1082 = arith.subi %convert_element_type3A_1077, %sub3A_1081 : vector<16xi32>
      %select_n3A_1083 = arith.select %gt3A_1079, %sub3A_1082, %convert_element_type3A_1077 : vector<16xi1>, vector<16xi32>
      %convert_element_type3A_1084 = arith.sitofp %select_n3A_1083 : vector<16xi32> to vector<16xf32>
      %sub3A_1085 = arith.subf %min3A_1076, %convert_element_type3A_1084 : vector<16xf32>
      %sub3A_1086 = arith.constant 1.000000e+00 : f32
      %sub3A_1087 = vector.broadcast %sub3A_1086 : f32 to vector<16xf32>
      %sub3A_1088 = arith.subf %sub3A_1087, %sub3A_1085 : vector<16xf32>
      %add3A_1089 = arith.constant 1 : i32
      %add3A_1090 = vector.broadcast %add3A_1089 : i32 to vector<16xi32>
      %add3A_1091 = arith.addi %select_n3A_1083, %add3A_1090 : vector<16xi32>
      %ge3A_1092 = arith.constant 0 : i32
      %ge3A_1093 = vector.broadcast %ge3A_1092 : i32 to vector<16xi32>
      %ge3A_1094 = arith.cmpi sge, %select_n3A_1083, %ge3A_1093 : vector<16xi32>
      %lt3A_1095 = arith.constant 96 : i32
      %lt3A_1096 = vector.broadcast %lt3A_1095 : i32 to vector<16xi32>
      %lt3A_1097 = arith.cmpi slt, %select_n3A_1083, %lt3A_1096 : vector<16xi32>
      %and3A_1098 = arith.andi %ge3A_1094, %lt3A_1097 : vector<16xi1>
      %jit3A_1099 = arith.constant 1.000000e+00 : f32
      %jit3A_1100 = arith.constant 0.000000e+00 : f32
      %broadcast_in_dim3A_1101 = vector.broadcast %jit3A_1099 : f32 to vector<16xf32>
      %broadcast_in_dim3A_1102 = vector.broadcast %jit3A_1100 : f32 to vector<16xf32>
      %select_n3A_1103 = arith.select %and3A_1098, %broadcast_in_dim3A_1101, %broadcast_in_dim3A_1102 : vector<16xi1>, vector<16xf32>
      %ge3A_1104 = arith.constant 0 : i32
      %ge3A_1105 = vector.broadcast %ge3A_1104 : i32 to vector<16xi32>
      %ge3A_1106 = arith.cmpi sge, %add3A_1091, %ge3A_1105 : vector<16xi32>
      %lt3A_1107 = arith.constant 96 : i32
      %lt3A_1108 = vector.broadcast %lt3A_1107 : i32 to vector<16xi32>
      %lt3A_1109 = arith.cmpi slt, %add3A_1091, %lt3A_1108 : vector<16xi32>
      %and3A_1110 = arith.andi %ge3A_1106, %lt3A_1109 : vector<16xi1>
      %jit3A_1111 = arith.constant 1.000000e+00 : f32
      %jit3A_1112 = arith.constant 0.000000e+00 : f32
      %broadcast_in_dim3A_1113 = vector.broadcast %jit3A_1111 : f32 to vector<16xf32>
      %broadcast_in_dim3A_1114 = vector.broadcast %jit3A_1112 : f32 to vector<16xf32>
      %select_n3A_1115 = arith.select %and3A_1110, %broadcast_in_dim3A_1113, %broadcast_in_dim3A_1114 : vector<16xi1>, vector<16xf32>
      %mul3A_1116 = arith.mulf %sub3A_1088, %select_n3A_1103 : vector<16xf32>
      %mul3A_1117 = arith.mulf %sub3A_1085, %select_n3A_1115 : vector<16xf32>
      %jit3A_1118 = arith.constant 0 : i32
      %jit3A_1119 = arith.constant 95 : i32
      %max3A_1120 = vector.broadcast %jit3A_1118 : i32 to vector<16xi32>
      %max3A_1121 = arith.maxsi %max3A_1120, %select_n3A_1083 : vector<16xi32>
      %min3A_1122 = vector.broadcast %jit3A_1119 : i32 to vector<16xi32>
      %min3A_1123 = arith.minsi %min3A_1122, %max3A_1121 : vector<16xi32>
      %jit3A_1124 = arith.constant 0 : i32
      %jit3A_1125 = arith.constant 95 : i32
      %max3A_1126 = vector.broadcast %jit3A_1124 : i32 to vector<16xi32>
      %max3A_1127 = arith.maxsi %max3A_1126, %add3A_1091 : vector<16xi32>
      %min3A_1128 = vector.broadcast %jit3A_1125 : i32 to vector<16xi32>
      %min3A_1129 = arith.minsi %min3A_1128, %max3A_1127 : vector<16xi32>
      %mul3A_1130 = arith.constant 9216 : i32
      %mul3A_1131 = vector.broadcast %mul3A_1130 : i32 to vector<16xi32>
      %mul3A_1132 = arith.muli %min3A_1123, %mul3A_1131 : vector<16xi32>
      %mul3A_1133 = arith.constant 9216 : i32
      %mul3A_1134 = vector.broadcast %mul3A_1133 : i32 to vector<16xi32>
      %mul3A_1135 = arith.muli %min3A_1129, %mul3A_1134 : vector<16xi32>
      %mul3A_1136 = arith.constant 96 : i32
      %mul3A_1137 = vector.broadcast %mul3A_1136 : i32 to vector<16xi32>
      %mul3A_1138 = arith.muli %min3A_1060, %mul3A_1137 : vector<16xi32>
      %mul3A_1139 = arith.constant 96 : i32
      %mul3A_1140 = vector.broadcast %mul3A_1139 : i32 to vector<16xi32>
      %mul3A_1141 = arith.muli %min3A_1066, %mul3A_1140 : vector<16xi32>
      %add3A_1142 = arith.addi %mul3A_1132, %mul3A_1138 : vector<16xi32>
      %add3A_1143 = arith.addi %mul3A_1132, %mul3A_1141 : vector<16xi32>
      %add3A_1144 = arith.addi %mul3A_1135, %mul3A_1138 : vector<16xi32>
      %add3A_1145 = arith.addi %mul3A_1135, %mul3A_1141 : vector<16xi32>
      %mul3A_1146 = arith.mulf %mul3A_1116, %mul3A_1053 : vector<16xf32>
      %mul3A_1147 = arith.mulf %mul3A_1116, %mul3A_1054 : vector<16xf32>
      %mul3A_1148 = arith.mulf %mul3A_1117, %mul3A_1053 : vector<16xf32>
      %mul3A_1149 = arith.mulf %mul3A_1117, %mul3A_1054 : vector<16xf32>
      %add3A_1150 = arith.addi %add3A_1142, %min3A_997 : vector<16xi32>
      %swap3A_1151 = arith.constant 0 : i32
      %swap3A_1152 = arith.index_cast %swap3A_1151 : i32 to index
      %swap3A_1153 = arith.constant 48 : index
      %swap3A_1154 = tpu.vector_load %arg12[%swap3A_1152, %swap3A_1153] {strides = array<i32>} : memref<8x128xi32, #tpu.memory_space<vmem>>, vector<16xi32>,
      tpu.vector_store %arg12[%swap3A_1152, %swap3A_1153], %add3A_1150 {strides = array<i32>} : memref<8x128xi32, #tpu.memory_space<vmem>>, vector<16xi32>,
      %add3A_1155 = arith.addi %add3A_1142, %min3A_1003 : vector<16xi32>
      %swap3A_1156 = arith.constant 1 : i32
      %swap3A_1157 = arith.index_cast %swap3A_1156 : i32 to index
      %swap3A_1158 = arith.constant 48 : index
      %swap3A_1159 = tpu.vector_load %arg12[%swap3A_1157, %swap3A_1158] {strides = array<i32>} : memref<8x128xi32, #tpu.memory_space<vmem>>, vector<16xi32>,
      tpu.vector_store %arg12[%swap3A_1157, %swap3A_1158], %add3A_1155 {strides = array<i32>} : memref<8x128xi32, #tpu.memory_space<vmem>>, vector<16xi32>,
      %add3A_1160 = arith.addi %add3A_1143, %min3A_997 : vector<16xi32>
      %swap3A_1161 = arith.constant 2 : i32
      %swap3A_1162 = arith.index_cast %swap3A_1161 : i32 to index
      %swap3A_1163 = arith.constant 48 : index
      %swap3A_1164 = tpu.vector_load %arg12[%swap3A_1162, %swap3A_1163] {strides = array<i32>} : memref<8x128xi32, #tpu.memory_space<vmem>>, vector<16xi32>,
      tpu.vector_store %arg12[%swap3A_1162, %swap3A_1163], %add3A_1160 {strides = array<i32>} : memref<8x128xi32, #tpu.memory_space<vmem>>, vector<16xi32>,
      %add3A_1165 = arith.addi %add3A_1143, %min3A_1003 : vector<16xi32>
      %swap3A_1166 = arith.constant 3 : i32
      %swap3A_1167 = arith.index_cast %swap3A_1166 : i32 to index
      %swap3A_1168 = arith.constant 48 : index
      %swap3A_1169 = tpu.vector_load %arg12[%swap3A_1167, %swap3A_1168] {strides = array<i32>} : memref<8x128xi32, #tpu.memory_space<vmem>>, vector<16xi32>,
      tpu.vector_store %arg12[%swap3A_1167, %swap3A_1168], %add3A_1165 {strides = array<i32>} : memref<8x128xi32, #tpu.memory_space<vmem>>, vector<16xi32>,
      %add3A_1170 = arith.addi %add3A_1144, %min3A_997 : vector<16xi32>
      %swap3A_1171 = arith.constant 4 : i32
      %swap3A_1172 = arith.index_cast %swap3A_1171 : i32 to index
      %swap3A_1173 = arith.constant 48 : index
      %swap3A_1174 = tpu.vector_load %arg12[%swap3A_1172, %swap3A_1173] {strides = array<i32>} : memref<8x128xi32, #tpu.memory_space<vmem>>, vector<16xi32>,
      tpu.vector_store %arg12[%swap3A_1172, %swap3A_1173], %add3A_1170 {strides = array<i32>} : memref<8x128xi32, #tpu.memory_space<vmem>>, vector<16xi32>,
      %add3A_1175 = arith.addi %add3A_1144, %min3A_1003 : vector<16xi32>
      %swap3A_1176 = arith.constant 5 : i32
      %swap3A_1177 = arith.index_cast %swap3A_1176 : i32 to index
      %swap3A_1178 = arith.constant 48 : index
      %swap3A_1179 = tpu.vector_load %arg12[%swap3A_1177, %swap3A_1178] {strides = array<i32>} : memref<8x128xi32, #tpu.memory_space<vmem>>, vector<16xi32>,
      tpu.vector_store %arg12[%swap3A_1177, %swap3A_1178], %add3A_1175 {strides = array<i32>} : memref<8x128xi32, #tpu.memory_space<vmem>>, vector<16xi32>,
      %add3A_1180 = arith.addi %add3A_1145, %min3A_997 : vector<16xi32>
      %swap3A_1181 = arith.constant 6 : i32
      %swap3A_1182 = arith.index_cast %swap3A_1181 : i32 to index
      %swap3A_1183 = arith.constant 48 : index
      %swap3A_1184 = tpu.vector_load %arg12[%swap3A_1182, %swap3A_1183] {strides = array<i32>} : memref<8x128xi32, #tpu.memory_space<vmem>>, vector<16xi32>,
      tpu.vector_store %arg12[%swap3A_1182, %swap3A_1183], %add3A_1180 {strides = array<i32>} : memref<8x128xi32, #tpu.memory_space<vmem>>, vector<16xi32>,
      %add3A_1185 = arith.addi %add3A_1145, %min3A_1003 : vector<16xi32>
      %swap3A_1186 = arith.constant 7 : i32
      %swap3A_1187 = arith.index_cast %swap3A_1186 : i32 to index
      %swap3A_1188 = arith.constant 48 : index
      %swap3A_1189 = tpu.vector_load %arg12[%swap3A_1187, %swap3A_1188] {strides = array<i32>} : memref<8x128xi32, #tpu.memory_space<vmem>>, vector<16xi32>,
      tpu.vector_store %arg12[%swap3A_1187, %swap3A_1188], %add3A_1185 {strides = array<i32>} : memref<8x128xi32, #tpu.memory_space<vmem>>, vector<16xi32>,
      %mul3A_1190 = arith.mulf %mul3A_1146, %mul3A_990 : vector<16xf32>
      %swap3A_1191 = arith.constant 0 : i32
      %swap3A_1192 = arith.index_cast %swap3A_1191 : i32 to index
      %swap3A_1193 = arith.constant 48 : index
      %swap3A_1194 = tpu.vector_load %arg13[%swap3A_1192, %swap3A_1193] {strides = array<i32>} : memref<8x128xf32, #tpu.memory_space<vmem>>, vector<16xf32>,
      tpu.vector_store %arg13[%swap3A_1192, %swap3A_1193], %mul3A_1190 {strides = array<i32>} : memref<8x128xf32, #tpu.memory_space<vmem>>, vector<16xf32>,
      %mul3A_1195 = arith.mulf %mul3A_1146, %mul3A_991 : vector<16xf32>
      %swap3A_1196 = arith.constant 1 : i32
      %swap3A_1197 = arith.index_cast %swap3A_1196 : i32 to index
      %swap3A_1198 = arith.constant 48 : index
      %swap3A_1199 = tpu.vector_load %arg13[%swap3A_1197, %swap3A_1198] {strides = array<i32>} : memref<8x128xf32, #tpu.memory_space<vmem>>, vector<16xf32>,
      tpu.vector_store %arg13[%swap3A_1197, %swap3A_1198], %mul3A_1195 {strides = array<i32>} : memref<8x128xf32, #tpu.memory_space<vmem>>, vector<16xf32>,
      %mul3A_1200 = arith.mulf %mul3A_1147, %mul3A_990 : vector<16xf32>
      %swap3A_1201 = arith.constant 2 : i32
      %swap3A_1202 = arith.index_cast %swap3A_1201 : i32 to index
      %swap3A_1203 = arith.constant 48 : index
      %swap3A_1204 = tpu.vector_load %arg13[%swap3A_1202, %swap3A_1203] {strides = array<i32>} : memref<8x128xf32, #tpu.memory_space<vmem>>, vector<16xf32>,
      tpu.vector_store %arg13[%swap3A_1202, %swap3A_1203], %mul3A_1200 {strides = array<i32>} : memref<8x128xf32, #tpu.memory_space<vmem>>, vector<16xf32>,
      %mul3A_1205 = arith.mulf %mul3A_1147, %mul3A_991 : vector<16xf32>
      %swap3A_1206 = arith.constant 3 : i32
      %swap3A_1207 = arith.index_cast %swap3A_1206 : i32 to index
      %swap3A_1208 = arith.constant 48 : index
      %swap3A_1209 = tpu.vector_load %arg13[%swap3A_1207, %swap3A_1208] {strides = array<i32>} : memref<8x128xf32, #tpu.memory_space<vmem>>, vector<16xf32>,
      tpu.vector_store %arg13[%swap3A_1207, %swap3A_1208], %mul3A_1205 {strides = array<i32>} : memref<8x128xf32, #tpu.memory_space<vmem>>, vector<16xf32>,
      %mul3A_1210 = arith.mulf %mul3A_1148, %mul3A_990 : vector<16xf32>
      %swap3A_1211 = arith.constant 4 : i32
      %swap3A_1212 = arith.index_cast %swap3A_1211 : i32 to index
      %swap3A_1213 = arith.constant 48 : index
      %swap3A_1214 = tpu.vector_load %arg13[%swap3A_1212, %swap3A_1213] {strides = array<i32>} : memref<8x128xf32, #tpu.memory_space<vmem>>, vector<16xf32>,
      tpu.vector_store %arg13[%swap3A_1212, %swap3A_1213], %mul3A_1210 {strides = array<i32>} : memref<8x128xf32, #tpu.memory_space<vmem>>, vector<16xf32>,
      %mul3A_1215 = arith.mulf %mul3A_1148, %mul3A_991 : vector<16xf32>
      %swap3A_1216 = arith.constant 5 : i32
      %swap3A_1217 = arith.index_cast %swap3A_1216 : i32 to index
      %swap3A_1218 = arith.constant 48 : index
      %swap3A_1219 = tpu.vector_load %arg13[%swap3A_1217, %swap3A_1218] {strides = array<i32>} : memref<8x128xf32, #tpu.memory_space<vmem>>, vector<16xf32>,
      tpu.vector_store %arg13[%swap3A_1217, %swap3A_1218], %mul3A_1215 {strides = array<i32>} : memref<8x128xf32, #tpu.memory_space<vmem>>, vector<16xf32>,
      %mul3A_1220 = arith.mulf %mul3A_1149, %mul3A_990 : vector<16xf32>
      %swap3A_1221 = arith.constant 6 : i32
      %swap3A_1222 = arith.index_cast %swap3A_1221 : i32 to index
      %swap3A_1223 = arith.constant 48 : index
      %swap3A_1224 = tpu.vector_load %arg13[%swap3A_1222, %swap3A_1223] {strides = array<i32>} : memref<8x128xf32, #tpu.memory_space<vmem>>, vector<16xf32>,
      tpu.vector_store %arg13[%swap3A_1222, %swap3A_1223], %mul3A_1220 {strides = array<i32>} : memref<8x128xf32, #tpu.memory_space<vmem>>, vector<16xf32>,
      %mul3A_1225 = arith.mulf %mul3A_1149, %mul3A_991 : vector<16xf32>
      %swap3A_1226 = arith.constant 7 : i32
      %swap3A_1227 = arith.index_cast %swap3A_1226 : i32 to index
      %swap3A_1228 = arith.constant 48 : index
      %swap3A_1229 = tpu.vector_load %arg13[%swap3A_1227, %swap3A_1228] {strides = array<i32>} : memref<8x128xf32, #tpu.memory_space<vmem>>, vector<16xf32>,
      tpu.vector_store %arg13[%swap3A_1227, %swap3A_1228], %mul3A_1225 {strides = array<i32>} : memref<8x128xf32, #tpu.memory_space<vmem>>, vector<16xf32>,
      %get3A_1230 = arith.constant 0 : i32
      %get3A_1231 = arith.index_cast %get3A_1230 : i32 to index
      %get3A_1232 = arith.constant 64 : index
      %get3A_1233 = tpu.vector_load %arg11[%get3A_1231, %get3A_1232] {strides = array<i32>} : memref<3x128xf32, #tpu.memory_space<vmem>>, vector<16xf32>,
      %get3A_1234 = arith.constant 1 : i32
      %get3A_1235 = arith.index_cast %get3A_1234 : i32 to index
      %get3A_1236 = arith.constant 64 : index
      %get3A_1237 = tpu.vector_load %arg11[%get3A_1235, %get3A_1236] {strides = array<i32>} : memref<3x128xf32, #tpu.memory_space<vmem>>, vector<16xf32>,
      %get3A_1238 = arith.constant 2 : i32
      %get3A_1239 = arith.index_cast %get3A_1238 : i32 to index
      %get3A_1240 = arith.constant 64 : index
      %get3A_1241 = tpu.vector_load %arg11[%get3A_1239, %get3A_1240] {strides = array<i32>} : memref<3x128xf32, #tpu.memory_space<vmem>>, vector<16xf32>,
      %mul3A_1242 = vector.broadcast %squeeze3A : f32 to vector<16xf32>
      %mul3A_1243 = arith.mulf %get3A_1233, %mul3A_1242 : vector<16xf32>
      %add3A_1244 = vector.broadcast %squeeze3A_9 : f32 to vector<16xf32>
      %add3A_1245 = arith.addf %mul3A_1243, %add3A_1244 : vector<16xf32>
      %jit3A_1246 = arith.constant -1.500000e+00 : f32
      %jit3A_1247 = arith.constant 9.650000e+01 : f32
      %max3A_1248 = vector.broadcast %jit3A_1246 : f32 to vector<16xf32>
      %max3A_1249 = arith.maximumf %max3A_1248, %add3A_1245 : vector<16xf32>
      %min3A_1250 = vector.broadcast %jit3A_1247 : f32 to vector<16xf32>
      %min3A_1251 = arith.minimumf %min3A_1250, %max3A_1249 : vector<16xf32>
      %convert_element_type3A_1252 = arith.fptosi %min3A_1251 : vector<16xf32> to vector<16xi32>
      %convert_element_type3A_1253 = arith.sitofp %convert_element_type3A_1252 : vector<16xi32> to vector<16xf32>
      %gt3A_1254 = arith.cmpf ogt, %convert_element_type3A_1253, %min3A_1251 : vector<16xf32>
      %sub3A_1255 = arith.constant 1 : i32
      %sub3A_1256 = vector.broadcast %sub3A_1255 : i32 to vector<16xi32>
      %sub3A_1257 = arith.subi %convert_element_type3A_1252, %sub3A_1256 : vector<16xi32>
      %select_n3A_1258 = arith.select %gt3A_1254, %sub3A_1257, %convert_element_type3A_1252 : vector<16xi1>, vector<16xi32>
      %convert_element_type3A_1259 = arith.sitofp %select_n3A_1258 : vector<16xi32> to vector<16xf32>
      %sub3A_1260 = arith.subf %min3A_1251, %convert_element_type3A_1259 : vector<16xf32>
      %sub3A_1261 = arith.constant 1.000000e+00 : f32
      %sub3A_1262 = vector.broadcast %sub3A_1261 : f32 to vector<16xf32>
      %sub3A_1263 = arith.subf %sub3A_1262, %sub3A_1260 : vector<16xf32>
      %add3A_1264 = arith.constant 1 : i32
      %add3A_1265 = vector.broadcast %add3A_1264 : i32 to vector<16xi32>
      %add3A_1266 = arith.addi %select_n3A_1258, %add3A_1265 : vector<16xi32>
      %ge3A_1267 = arith.constant 0 : i32
      %ge3A_1268 = vector.broadcast %ge3A_1267 : i32 to vector<16xi32>
      %ge3A_1269 = arith.cmpi sge, %select_n3A_1258, %ge3A_1268 : vector<16xi32>
      %lt3A_1270 = arith.constant 96 : i32
      %lt3A_1271 = vector.broadcast %lt3A_1270 : i32 to vector<16xi32>
      %lt3A_1272 = arith.cmpi slt, %select_n3A_1258, %lt3A_1271 : vector<16xi32>
      %and3A_1273 = arith.andi %ge3A_1269, %lt3A_1272 : vector<16xi1>
      %jit3A_1274 = arith.constant 1.000000e+00 : f32
      %jit3A_1275 = arith.constant 0.000000e+00 : f32
      %broadcast_in_dim3A_1276 = vector.broadcast %jit3A_1274 : f32 to vector<16xf32>
      %broadcast_in_dim3A_1277 = vector.broadcast %jit3A_1275 : f32 to vector<16xf32>
      %select_n3A_1278 = arith.select %and3A_1273, %broadcast_in_dim3A_1276, %broadcast_in_dim3A_1277 : vector<16xi1>, vector<16xf32>
      %ge3A_1279 = arith.constant 0 : i32
      %ge3A_1280 = vector.broadcast %ge3A_1279 : i32 to vector<16xi32>
      %ge3A_1281 = arith.cmpi sge, %add3A_1266, %ge3A_1280 : vector<16xi32>
      %lt3A_1282 = arith.constant 96 : i32
      %lt3A_1283 = vector.broadcast %lt3A_1282 : i32 to vector<16xi32>
      %lt3A_1284 = arith.cmpi slt, %add3A_1266, %lt3A_1283 : vector<16xi32>
      %and3A_1285 = arith.andi %ge3A_1281, %lt3A_1284 : vector<16xi1>
      %jit3A_1286 = arith.constant 1.000000e+00 : f32
      %jit3A_1287 = arith.constant 0.000000e+00 : f32
      %broadcast_in_dim3A_1288 = vector.broadcast %jit3A_1286 : f32 to vector<16xf32>
      %broadcast_in_dim3A_1289 = vector.broadcast %jit3A_1287 : f32 to vector<16xf32>
      %select_n3A_1290 = arith.select %and3A_1285, %broadcast_in_dim3A_1288, %broadcast_in_dim3A_1289 : vector<16xi1>, vector<16xf32>
      %mul3A_1291 = arith.mulf %sub3A_1263, %select_n3A_1278 : vector<16xf32>
      %mul3A_1292 = arith.mulf %sub3A_1260, %select_n3A_1290 : vector<16xf32>
      %jit3A_1293 = arith.constant 0 : i32
      %jit3A_1294 = arith.constant 95 : i32
      %max3A_1295 = vector.broadcast %jit3A_1293 : i32 to vector<16xi32>
      %max3A_1296 = arith.maxsi %max3A_1295, %select_n3A_1258 : vector<16xi32>
      %min3A_1297 = vector.broadcast %jit3A_1294 : i32 to vector<16xi32>
      %min3A_1298 = arith.minsi %min3A_1297, %max3A_1296 : vector<16xi32>
      %jit3A_1299 = arith.constant 0 : i32
      %jit3A_1300 = arith.constant 95 : i32
      %max3A_1301 = vector.broadcast %jit3A_1299 : i32 to vector<16xi32>
      %max3A_1302 = arith.maxsi %max3A_1301, %add3A_1266 : vector<16xi32>
      %min3A_1303 = vector.broadcast %jit3A_1300 : i32 to vector<16xi32>
      %min3A_1304 = arith.minsi %min3A_1303, %max3A_1302 : vector<16xi32>
      %mul3A_1305 = vector.broadcast %squeeze3A_13 : f32 to vector<16xf32>
      %mul3A_1306 = arith.mulf %get3A_1237, %mul3A_1305 : vector<16xf32>
      %add3A_1307 = vector.broadcast %squeeze3A_17 : f32 to vector<16xf32>
      %add3A_1308 = arith.addf %mul3A_1306, %add3A_1307 : vector<16xf32>
      %jit3A_1309 = arith.constant -1.500000e+00 : f32
      %jit3A_1310 = arith.constant 9.650000e+01 : f32
      %max3A_1311 = vector.broadcast %jit3A_1309 : f32 to vector<16xf32>
      %max3A_1312 = arith.maximumf %max3A_1311, %add3A_1308 : vector<16xf32>
      %min3A_1313 = vector.broadcast %jit3A_1310 : f32 to vector<16xf32>
      %min3A_1314 = arith.minimumf %min3A_1313, %max3A_1312 : vector<16xf32>
      %convert_element_type3A_1315 = arith.fptosi %min3A_1314 : vector<16xf32> to vector<16xi32>
      %convert_element_type3A_1316 = arith.sitofp %convert_element_type3A_1315 : vector<16xi32> to vector<16xf32>
      %gt3A_1317 = arith.cmpf ogt, %convert_element_type3A_1316, %min3A_1314 : vector<16xf32>
      %sub3A_1318 = arith.constant 1 : i32
      %sub3A_1319 = vector.broadcast %sub3A_1318 : i32 to vector<16xi32>
      %sub3A_1320 = arith.subi %convert_element_type3A_1315, %sub3A_1319 : vector<16xi32>
      %select_n3A_1321 = arith.select %gt3A_1317, %sub3A_1320, %convert_element_type3A_1315 : vector<16xi1>, vector<16xi32>
      %convert_element_type3A_1322 = arith.sitofp %select_n3A_1321 : vector<16xi32> to vector<16xf32>
      %sub3A_1323 = arith.subf %min3A_1314, %convert_element_type3A_1322 : vector<16xf32>
      %sub3A_1324 = arith.constant 1.000000e+00 : f32
      %sub3A_1325 = vector.broadcast %sub3A_1324 : f32 to vector<16xf32>
      %sub3A_1326 = arith.subf %sub3A_1325, %sub3A_1323 : vector<16xf32>
      %add3A_1327 = arith.constant 1 : i32
      %add3A_1328 = vector.broadcast %add3A_1327 : i32 to vector<16xi32>
      %add3A_1329 = arith.addi %select_n3A_1321, %add3A_1328 : vector<16xi32>
      %ge3A_1330 = arith.constant 0 : i32
      %ge3A_1331 = vector.broadcast %ge3A_1330 : i32 to vector<16xi32>
      %ge3A_1332 = arith.cmpi sge, %select_n3A_1321, %ge3A_1331 : vector<16xi32>
      %lt3A_1333 = arith.constant 96 : i32
      %lt3A_1334 = vector.broadcast %lt3A_1333 : i32 to vector<16xi32>
      %lt3A_1335 = arith.cmpi slt, %select_n3A_1321, %lt3A_1334 : vector<16xi32>
      %and3A_1336 = arith.andi %ge3A_1332, %lt3A_1335 : vector<16xi1>
      %jit3A_1337 = arith.constant 1.000000e+00 : f32
      %jit3A_1338 = arith.constant 0.000000e+00 : f32
      %broadcast_in_dim3A_1339 = vector.broadcast %jit3A_1337 : f32 to vector<16xf32>
      %broadcast_in_dim3A_1340 = vector.broadcast %jit3A_1338 : f32 to vector<16xf32>
      %select_n3A_1341 = arith.select %and3A_1336, %broadcast_in_dim3A_1339, %broadcast_in_dim3A_1340 : vector<16xi1>, vector<16xf32>
      %ge3A_1342 = arith.constant 0 : i32
      %ge3A_1343 = vector.broadcast %ge3A_1342 : i32 to vector<16xi32>
      %ge3A_1344 = arith.cmpi sge, %add3A_1329, %ge3A_1343 : vector<16xi32>
      %lt3A_1345 = arith.constant 96 : i32
      %lt3A_1346 = vector.broadcast %lt3A_1345 : i32 to vector<16xi32>
      %lt3A_1347 = arith.cmpi slt, %add3A_1329, %lt3A_1346 : vector<16xi32>
      %and3A_1348 = arith.andi %ge3A_1344, %lt3A_1347 : vector<16xi1>
      %jit3A_1349 = arith.constant 1.000000e+00 : f32
      %jit3A_1350 = arith.constant 0.000000e+00 : f32
      %broadcast_in_dim3A_1351 = vector.broadcast %jit3A_1349 : f32 to vector<16xf32>
      %broadcast_in_dim3A_1352 = vector.broadcast %jit3A_1350 : f32 to vector<16xf32>
      %select_n3A_1353 = arith.select %and3A_1348, %broadcast_in_dim3A_1351, %broadcast_in_dim3A_1352 : vector<16xi1>, vector<16xf32>
      %mul3A_1354 = arith.mulf %sub3A_1326, %select_n3A_1341 : vector<16xf32>
      %mul3A_1355 = arith.mulf %sub3A_1323, %select_n3A_1353 : vector<16xf32>
      %jit3A_1356 = arith.constant 0 : i32
      %jit3A_1357 = arith.constant 95 : i32
      %max3A_1358 = vector.broadcast %jit3A_1356 : i32 to vector<16xi32>
      %max3A_1359 = arith.maxsi %max3A_1358, %select_n3A_1321 : vector<16xi32>
      %min3A_1360 = vector.broadcast %jit3A_1357 : i32 to vector<16xi32>
      %min3A_1361 = arith.minsi %min3A_1360, %max3A_1359 : vector<16xi32>
      %jit3A_1362 = arith.constant 0 : i32
      %jit3A_1363 = arith.constant 95 : i32
      %max3A_1364 = vector.broadcast %jit3A_1362 : i32 to vector<16xi32>
      %max3A_1365 = arith.maxsi %max3A_1364, %add3A_1329 : vector<16xi32>
      %min3A_1366 = vector.broadcast %jit3A_1363 : i32 to vector<16xi32>
      %min3A_1367 = arith.minsi %min3A_1366, %max3A_1365 : vector<16xi32>
      %mul3A_1368 = vector.broadcast %squeeze3A_21 : f32 to vector<16xf32>
      %mul3A_1369 = arith.mulf %get3A_1241, %mul3A_1368 : vector<16xf32>
      %add3A_1370 = vector.broadcast %squeeze3A_25 : f32 to vector<16xf32>
      %add3A_1371 = arith.addf %mul3A_1369, %add3A_1370 : vector<16xf32>
      %jit3A_1372 = arith.constant -1.500000e+00 : f32
      %jit3A_1373 = arith.constant 9.650000e+01 : f32
      %max3A_1374 = vector.broadcast %jit3A_1372 : f32 to vector<16xf32>
      %max3A_1375 = arith.maximumf %max3A_1374, %add3A_1371 : vector<16xf32>
      %min3A_1376 = vector.broadcast %jit3A_1373 : f32 to vector<16xf32>
      %min3A_1377 = arith.minimumf %min3A_1376, %max3A_1375 : vector<16xf32>
      %convert_element_type3A_1378 = arith.fptosi %min3A_1377 : vector<16xf32> to vector<16xi32>
      %convert_element_type3A_1379 = arith.sitofp %convert_element_type3A_1378 : vector<16xi32> to vector<16xf32>
      %gt3A_1380 = arith.cmpf ogt, %convert_element_type3A_1379, %min3A_1377 : vector<16xf32>
      %sub3A_1381 = arith.constant 1 : i32
      %sub3A_1382 = vector.broadcast %sub3A_1381 : i32 to vector<16xi32>
      %sub3A_1383 = arith.subi %convert_element_type3A_1378, %sub3A_1382 : vector<16xi32>
      %select_n3A_1384 = arith.select %gt3A_1380, %sub3A_1383, %convert_element_type3A_1378 : vector<16xi1>, vector<16xi32>
      %convert_element_type3A_1385 = arith.sitofp %select_n3A_1384 : vector<16xi32> to vector<16xf32>
      %sub3A_1386 = arith.subf %min3A_1377, %convert_element_type3A_1385 : vector<16xf32>
      %sub3A_1387 = arith.constant 1.000000e+00 : f32
      %sub3A_1388 = vector.broadcast %sub3A_1387 : f32 to vector<16xf32>
      %sub3A_1389 = arith.subf %sub3A_1388, %sub3A_1386 : vector<16xf32>
      %add3A_1390 = arith.constant 1 : i32
      %add3A_1391 = vector.broadcast %add3A_1390 : i32 to vector<16xi32>
      %add3A_1392 = arith.addi %select_n3A_1384, %add3A_1391 : vector<16xi32>
      %ge3A_1393 = arith.constant 0 : i32
      %ge3A_1394 = vector.broadcast %ge3A_1393 : i32 to vector<16xi32>
      %ge3A_1395 = arith.cmpi sge, %select_n3A_1384, %ge3A_1394 : vector<16xi32>
      %lt3A_1396 = arith.constant 96 : i32
      %lt3A_1397 = vector.broadcast %lt3A_1396 : i32 to vector<16xi32>
      %lt3A_1398 = arith.cmpi slt, %select_n3A_1384, %lt3A_1397 : vector<16xi32>
      %and3A_1399 = arith.andi %ge3A_1395, %lt3A_1398 : vector<16xi1>
      %jit3A_1400 = arith.constant 1.000000e+00 : f32
      %jit3A_1401 = arith.constant 0.000000e+00 : f32
      %broadcast_in_dim3A_1402 = vector.broadcast %jit3A_1400 : f32 to vector<16xf32>
      %broadcast_in_dim3A_1403 = vector.broadcast %jit3A_1401 : f32 to vector<16xf32>
      %select_n3A_1404 = arith.select %and3A_1399, %broadcast_in_dim3A_1402, %broadcast_in_dim3A_1403 : vector<16xi1>, vector<16xf32>
      %ge3A_1405 = arith.constant 0 : i32
      %ge3A_1406 = vector.broadcast %ge3A_1405 : i32 to vector<16xi32>
      %ge3A_1407 = arith.cmpi sge, %add3A_1392, %ge3A_1406 : vector<16xi32>
      %lt3A_1408 = arith.constant 96 : i32
      %lt3A_1409 = vector.broadcast %lt3A_1408 : i32 to vector<16xi32>
      %lt3A_1410 = arith.cmpi slt, %add3A_1392, %lt3A_1409 : vector<16xi32>
      %and3A_1411 = arith.andi %ge3A_1407, %lt3A_1410 : vector<16xi1>
      %jit3A_1412 = arith.constant 1.000000e+00 : f32
      %jit3A_1413 = arith.constant 0.000000e+00 : f32
      %broadcast_in_dim3A_1414 = vector.broadcast %jit3A_1412 : f32 to vector<16xf32>
      %broadcast_in_dim3A_1415 = vector.broadcast %jit3A_1413 : f32 to vector<16xf32>
      %select_n3A_1416 = arith.select %and3A_1411, %broadcast_in_dim3A_1414, %broadcast_in_dim3A_1415 : vector<16xi1>, vector<16xf32>
      %mul3A_1417 = arith.mulf %sub3A_1389, %select_n3A_1404 : vector<16xf32>
      %mul3A_1418 = arith.mulf %sub3A_1386, %select_n3A_1416 : vector<16xf32>
      %jit3A_1419 = arith.constant 0 : i32
      %jit3A_1420 = arith.constant 95 : i32
      %max3A_1421 = vector.broadcast %jit3A_1419 : i32 to vector<16xi32>
      %max3A_1422 = arith.maxsi %max3A_1421, %select_n3A_1384 : vector<16xi32>
      %min3A_1423 = vector.broadcast %jit3A_1420 : i32 to vector<16xi32>
      %min3A_1424 = arith.minsi %min3A_1423, %max3A_1422 : vector<16xi32>
      %jit3A_1425 = arith.constant 0 : i32
      %jit3A_1426 = arith.constant 95 : i32
      %max3A_1427 = vector.broadcast %jit3A_1425 : i32 to vector<16xi32>
      %max3A_1428 = arith.maxsi %max3A_1427, %add3A_1392 : vector<16xi32>
      %min3A_1429 = vector.broadcast %jit3A_1426 : i32 to vector<16xi32>
      %min3A_1430 = arith.minsi %min3A_1429, %max3A_1428 : vector<16xi32>
      %mul3A_1431 = arith.constant 9216 : i32
      %mul3A_1432 = vector.broadcast %mul3A_1431 : i32 to vector<16xi32>
      %mul3A_1433 = arith.muli %min3A_1424, %mul3A_1432 : vector<16xi32>
      %mul3A_1434 = arith.constant 9216 : i32
      %mul3A_1435 = vector.broadcast %mul3A_1434 : i32 to vector<16xi32>
      %mul3A_1436 = arith.muli %min3A_1430, %mul3A_1435 : vector<16xi32>
      %mul3A_1437 = arith.constant 96 : i32
      %mul3A_1438 = vector.broadcast %mul3A_1437 : i32 to vector<16xi32>
      %mul3A_1439 = arith.muli %min3A_1361, %mul3A_1438 : vector<16xi32>
      %mul3A_1440 = arith.constant 96 : i32
      %mul3A_1441 = vector.broadcast %mul3A_1440 : i32 to vector<16xi32>
      %mul3A_1442 = arith.muli %min3A_1367, %mul3A_1441 : vector<16xi32>
      %add3A_1443 = arith.addi %mul3A_1433, %mul3A_1439 : vector<16xi32>
      %add3A_1444 = arith.addi %mul3A_1433, %mul3A_1442 : vector<16xi32>
      %add3A_1445 = arith.addi %mul3A_1436, %mul3A_1439 : vector<16xi32>
      %add3A_1446 = arith.addi %mul3A_1436, %mul3A_1442 : vector<16xi32>
      %mul3A_1447 = arith.mulf %mul3A_1417, %mul3A_1354 : vector<16xf32>
      %mul3A_1448 = arith.mulf %mul3A_1417, %mul3A_1355 : vector<16xf32>
      %mul3A_1449 = arith.mulf %mul3A_1418, %mul3A_1354 : vector<16xf32>
      %mul3A_1450 = arith.mulf %mul3A_1418, %mul3A_1355 : vector<16xf32>
      %add3A_1451 = arith.addi %add3A_1443, %min3A_1298 : vector<16xi32>
      %swap3A_1452 = arith.constant 0 : i32
      %swap3A_1453 = arith.index_cast %swap3A_1452 : i32 to index
      %swap3A_1454 = arith.constant 64 : index
      %swap3A_1455 = tpu.vector_load %arg12[%swap3A_1453, %swap3A_1454] {strides = array<i32>} : memref<8x128xi32, #tpu.memory_space<vmem>>, vector<16xi32>,
      tpu.vector_store %arg12[%swap3A_1453, %swap3A_1454], %add3A_1451 {strides = array<i32>} : memref<8x128xi32, #tpu.memory_space<vmem>>, vector<16xi32>,
      %add3A_1456 = arith.addi %add3A_1443, %min3A_1304 : vector<16xi32>
      %swap3A_1457 = arith.constant 1 : i32
      %swap3A_1458 = arith.index_cast %swap3A_1457 : i32 to index
      %swap3A_1459 = arith.constant 64 : index
      %swap3A_1460 = tpu.vector_load %arg12[%swap3A_1458, %swap3A_1459] {strides = array<i32>} : memref<8x128xi32, #tpu.memory_space<vmem>>, vector<16xi32>,
      tpu.vector_store %arg12[%swap3A_1458, %swap3A_1459], %add3A_1456 {strides = array<i32>} : memref<8x128xi32, #tpu.memory_space<vmem>>, vector<16xi32>,
      %add3A_1461 = arith.addi %add3A_1444, %min3A_1298 : vector<16xi32>
      %swap3A_1462 = arith.constant 2 : i32
      %swap3A_1463 = arith.index_cast %swap3A_1462 : i32 to index
      %swap3A_1464 = arith.constant 64 : index
      %swap3A_1465 = tpu.vector_load %arg12[%swap3A_1463, %swap3A_1464] {strides = array<i32>} : memref<8x128xi32, #tpu.memory_space<vmem>>, vector<16xi32>,
      tpu.vector_store %arg12[%swap3A_1463, %swap3A_1464], %add3A_1461 {strides = array<i32>} : memref<8x128xi32, #tpu.memory_space<vmem>>, vector<16xi32>,
      %add3A_1466 = arith.addi %add3A_1444, %min3A_1304 : vector<16xi32>
      %swap3A_1467 = arith.constant 3 : i32
      %swap3A_1468 = arith.index_cast %swap3A_1467 : i32 to index
      %swap3A_1469 = arith.constant 64 : index
      %swap3A_1470 = tpu.vector_load %arg12[%swap3A_1468, %swap3A_1469] {strides = array<i32>} : memref<8x128xi32, #tpu.memory_space<vmem>>, vector<16xi32>,
      tpu.vector_store %arg12[%swap3A_1468, %swap3A_1469], %add3A_1466 {strides = array<i32>} : memref<8x128xi32, #tpu.memory_space<vmem>>, vector<16xi32>,
      %add3A_1471 = arith.addi %add3A_1445, %min3A_1298 : vector<16xi32>
      %swap3A_1472 = arith.constant 4 : i32
      %swap3A_1473 = arith.index_cast %swap3A_1472 : i32 to index
      %swap3A_1474 = arith.constant 64 : index
      %swap3A_1475 = tpu.vector_load %arg12[%swap3A_1473, %swap3A_1474] {strides = array<i32>} : memref<8x128xi32, #tpu.memory_space<vmem>>, vector<16xi32>,
      tpu.vector_store %arg12[%swap3A_1473, %swap3A_1474], %add3A_1471 {strides = array<i32>} : memref<8x128xi32, #tpu.memory_space<vmem>>, vector<16xi32>,
      %add3A_1476 = arith.addi %add3A_1445, %min3A_1304 : vector<16xi32>
      %swap3A_1477 = arith.constant 5 : i32
      %swap3A_1478 = arith.index_cast %swap3A_1477 : i32 to index
      %swap3A_1479 = arith.constant 64 : index
      %swap3A_1480 = tpu.vector_load %arg12[%swap3A_1478, %swap3A_1479] {strides = array<i32>} : memref<8x128xi32, #tpu.memory_space<vmem>>, vector<16xi32>,
      tpu.vector_store %arg12[%swap3A_1478, %swap3A_1479], %add3A_1476 {strides = array<i32>} : memref<8x128xi32, #tpu.memory_space<vmem>>, vector<16xi32>,
      %add3A_1481 = arith.addi %add3A_1446, %min3A_1298 : vector<16xi32>
      %swap3A_1482 = arith.constant 6 : i32
      %swap3A_1483 = arith.index_cast %swap3A_1482 : i32 to index
      %swap3A_1484 = arith.constant 64 : index
      %swap3A_1485 = tpu.vector_load %arg12[%swap3A_1483, %swap3A_1484] {strides = array<i32>} : memref<8x128xi32, #tpu.memory_space<vmem>>, vector<16xi32>,
      tpu.vector_store %arg12[%swap3A_1483, %swap3A_1484], %add3A_1481 {strides = array<i32>} : memref<8x128xi32, #tpu.memory_space<vmem>>, vector<16xi32>,
      %add3A_1486 = arith.addi %add3A_1446, %min3A_1304 : vector<16xi32>
      %swap3A_1487 = arith.constant 7 : i32
      %swap3A_1488 = arith.index_cast %swap3A_1487 : i32 to index
      %swap3A_1489 = arith.constant 64 : index
      %swap3A_1490 = tpu.vector_load %arg12[%swap3A_1488, %swap3A_1489] {strides = array<i32>} : memref<8x128xi32, #tpu.memory_space<vmem>>, vector<16xi32>,
      tpu.vector_store %arg12[%swap3A_1488, %swap3A_1489], %add3A_1486 {strides = array<i32>} : memref<8x128xi32, #tpu.memory_space<vmem>>, vector<16xi32>,
      %mul3A_1491 = arith.mulf %mul3A_1447, %mul3A_1291 : vector<16xf32>
      %swap3A_1492 = arith.constant 0 : i32
      %swap3A_1493 = arith.index_cast %swap3A_1492 : i32 to index
      %swap3A_1494 = arith.constant 64 : index
      %swap3A_1495 = tpu.vector_load %arg13[%swap3A_1493, %swap3A_1494] {strides = array<i32>} : memref<8x128xf32, #tpu.memory_space<vmem>>, vector<16xf32>,
      tpu.vector_store %arg13[%swap3A_1493, %swap3A_1494], %mul3A_1491 {strides = array<i32>} : memref<8x128xf32, #tpu.memory_space<vmem>>, vector<16xf32>,
      %mul3A_1496 = arith.mulf %mul3A_1447, %mul3A_1292 : vector<16xf32>
      %swap3A_1497 = arith.constant 1 : i32
      %swap3A_1498 = arith.index_cast %swap3A_1497 : i32 to index
      %swap3A_1499 = arith.constant 64 : index
      %swap3A_1500 = tpu.vector_load %arg13[%swap3A_1498, %swap3A_1499] {strides = array<i32>} : memref<8x128xf32, #tpu.memory_space<vmem>>, vector<16xf32>,
      tpu.vector_store %arg13[%swap3A_1498, %swap3A_1499], %mul3A_1496 {strides = array<i32>} : memref<8x128xf32, #tpu.memory_space<vmem>>, vector<16xf32>,
      %mul3A_1501 = arith.mulf %mul3A_1448, %mul3A_1291 : vector<16xf32>
      %swap3A_1502 = arith.constant 2 : i32
      %swap3A_1503 = arith.index_cast %swap3A_1502 : i32 to index
      %swap3A_1504 = arith.constant 64 : index
      %swap3A_1505 = tpu.vector_load %arg13[%swap3A_1503, %swap3A_1504] {strides = array<i32>} : memref<8x128xf32, #tpu.memory_space<vmem>>, vector<16xf32>,
      tpu.vector_store %arg13[%swap3A_1503, %swap3A_1504], %mul3A_1501 {strides = array<i32>} : memref<8x128xf32, #tpu.memory_space<vmem>>, vector<16xf32>,
      %mul3A_1506 = arith.mulf %mul3A_1448, %mul3A_1292 : vector<16xf32>
      %swap3A_1507 = arith.constant 3 : i32
      %swap3A_1508 = arith.index_cast %swap3A_1507 : i32 to index
      %swap3A_1509 = arith.constant 64 : index
      %swap3A_1510 = tpu.vector_load %arg13[%swap3A_1508, %swap3A_1509] {strides = array<i32>} : memref<8x128xf32, #tpu.memory_space<vmem>>, vector<16xf32>,
      tpu.vector_store %arg13[%swap3A_1508, %swap3A_1509], %mul3A_1506 {strides = array<i32>} : memref<8x128xf32, #tpu.memory_space<vmem>>, vector<16xf32>,
      %mul3A_1511 = arith.mulf %mul3A_1449, %mul3A_1291 : vector<16xf32>
      %swap3A_1512 = arith.constant 4 : i32
      %swap3A_1513 = arith.index_cast %swap3A_1512 : i32 to index
      %swap3A_1514 = arith.constant 64 : index
      %swap3A_1515 = tpu.vector_load %arg13[%swap3A_1513, %swap3A_1514] {strides = array<i32>} : memref<8x128xf32, #tpu.memory_space<vmem>>, vector<16xf32>,
      tpu.vector_store %arg13[%swap3A_1513, %swap3A_1514], %mul3A_1511 {strides = array<i32>} : memref<8x128xf32, #tpu.memory_space<vmem>>, vector<16xf32>,
      %mul3A_1516 = arith.mulf %mul3A_1449, %mul3A_1292 : vector<16xf32>
      %swap3A_1517 = arith.constant 5 : i32
      %swap3A_1518 = arith.index_cast %swap3A_1517 : i32 to index
      %swap3A_1519 = arith.constant 64 : index
      %swap3A_1520 = tpu.vector_load %arg13[%swap3A_1518, %swap3A_1519] {strides = array<i32>} : memref<8x128xf32, #tpu.memory_space<vmem>>, vector<16xf32>,
      tpu.vector_store %arg13[%swap3A_1518, %swap3A_1519], %mul3A_1516 {strides = array<i32>} : memref<8x128xf32, #tpu.memory_space<vmem>>, vector<16xf32>,
      %mul3A_1521 = arith.mulf %mul3A_1450, %mul3A_1291 : vector<16xf32>
      %swap3A_1522 = arith.constant 6 : i32
      %swap3A_1523 = arith.index_cast %swap3A_1522 : i32 to index
      %swap3A_1524 = arith.constant 64 : index
      %swap3A_1525 = tpu.vector_load %arg13[%swap3A_1523, %swap3A_1524] {strides = array<i32>} : memref<8x128xf32, #tpu.memory_space<vmem>>, vector<16xf32>,
      tpu.vector_store %arg13[%swap3A_1523, %swap3A_1524], %mul3A_1521 {strides = array<i32>} : memref<8x128xf32, #tpu.memory_space<vmem>>, vector<16xf32>,
      %mul3A_1526 = arith.mulf %mul3A_1450, %mul3A_1292 : vector<16xf32>
      %swap3A_1527 = arith.constant 7 : i32
      %swap3A_1528 = arith.index_cast %swap3A_1527 : i32 to index
      %swap3A_1529 = arith.constant 64 : index
      %swap3A_1530 = tpu.vector_load %arg13[%swap3A_1528, %swap3A_1529] {strides = array<i32>} : memref<8x128xf32, #tpu.memory_space<vmem>>, vector<16xf32>,
      tpu.vector_store %arg13[%swap3A_1528, %swap3A_1529], %mul3A_1526 {strides = array<i32>} : memref<8x128xf32, #tpu.memory_space<vmem>>, vector<16xf32>,
      %get3A_1531 = arith.constant 0 : i32
      %get3A_1532 = arith.index_cast %get3A_1531 : i32 to index
      %get3A_1533 = arith.constant 80 : index
      %get3A_1534 = tpu.vector_load %arg11[%get3A_1532, %get3A_1533] {strides = array<i32>} : memref<3x128xf32, #tpu.memory_space<vmem>>, vector<16xf32>,
      %get3A_1535 = arith.constant 1 : i32
      %get3A_1536 = arith.index_cast %get3A_1535 : i32 to index
      %get3A_1537 = arith.constant 80 : index
      %get3A_1538 = tpu.vector_load %arg11[%get3A_1536, %get3A_1537] {strides = array<i32>} : memref<3x128xf32, #tpu.memory_space<vmem>>, vector<16xf32>,
      %get3A_1539 = arith.constant 2 : i32
      %get3A_1540 = arith.index_cast %get3A_1539 : i32 to index
      %get3A_1541 = arith.constant 80 : index
      %get3A_1542 = tpu.vector_load %arg11[%get3A_1540, %get3A_1541] {strides = array<i32>} : memref<3x128xf32, #tpu.memory_space<vmem>>, vector<16xf32>,
      %mul3A_1543 = vector.broadcast %squeeze3A : f32 to vector<16xf32>
      %mul3A_1544 = arith.mulf %get3A_1534, %mul3A_1543 : vector<16xf32>
      %add3A_1545 = vector.broadcast %squeeze3A_9 : f32 to vector<16xf32>
      %add3A_1546 = arith.addf %mul3A_1544, %add3A_1545 : vector<16xf32>
      %jit3A_1547 = arith.constant -1.500000e+00 : f32
      %jit3A_1548 = arith.constant 9.650000e+01 : f32
      %max3A_1549 = vector.broadcast %jit3A_1547 : f32 to vector<16xf32>
      %max3A_1550 = arith.maximumf %max3A_1549, %add3A_1546 : vector<16xf32>
      %min3A_1551 = vector.broadcast %jit3A_1548 : f32 to vector<16xf32>
      %min3A_1552 = arith.minimumf %min3A_1551, %max3A_1550 : vector<16xf32>
      %convert_element_type3A_1553 = arith.fptosi %min3A_1552 : vector<16xf32> to vector<16xi32>
      %convert_element_type3A_1554 = arith.sitofp %convert_element_type3A_1553 : vector<16xi32> to vector<16xf32>
      %gt3A_1555 = arith.cmpf ogt, %convert_element_type3A_1554, %min3A_1552 : vector<16xf32>
      %sub3A_1556 = arith.constant 1 : i32
      %sub3A_1557 = vector.broadcast %sub3A_1556 : i32 to vector<16xi32>
      %sub3A_1558 = arith.subi %convert_element_type3A_1553, %sub3A_1557 : vector<16xi32>
      %select_n3A_1559 = arith.select %gt3A_1555, %sub3A_1558, %convert_element_type3A_1553 : vector<16xi1>, vector<16xi32>
      %convert_element_type3A_1560 = arith.sitofp %select_n3A_1559 : vector<16xi32> to vector<16xf32>
      %sub3A_1561 = arith.subf %min3A_1552, %convert_element_type3A_1560 : vector<16xf32>
      %sub3A_1562 = arith.constant 1.000000e+00 : f32
      %sub3A_1563 = vector.broadcast %sub3A_1562 : f32 to vector<16xf32>
      %sub3A_1564 = arith.subf %sub3A_1563, %sub3A_1561 : vector<16xf32>
      %add3A_1565 = arith.constant 1 : i32
      %add3A_1566 = vector.broadcast %add3A_1565 : i32 to vector<16xi32>
      %add3A_1567 = arith.addi %select_n3A_1559, %add3A_1566 : vector<16xi32>
      %ge3A_1568 = arith.constant 0 : i32
      %ge3A_1569 = vector.broadcast %ge3A_1568 : i32 to vector<16xi32>
      %ge3A_1570 = arith.cmpi sge, %select_n3A_1559, %ge3A_1569 : vector<16xi32>
      %lt3A_1571 = arith.constant 96 : i32
      %lt3A_1572 = vector.broadcast %lt3A_1571 : i32 to vector<16xi32>
      %lt3A_1573 = arith.cmpi slt, %select_n3A_1559, %lt3A_1572 : vector<16xi32>
      %and3A_1574 = arith.andi %ge3A_1570, %lt3A_1573 : vector<16xi1>
      %jit3A_1575 = arith.constant 1.000000e+00 : f32
      %jit3A_1576 = arith.constant 0.000000e+00 : f32
      %broadcast_in_dim3A_1577 = vector.broadcast %jit3A_1575 : f32 to vector<16xf32>
      %broadcast_in_dim3A_1578 = vector.broadcast %jit3A_1576 : f32 to vector<16xf32>
      %select_n3A_1579 = arith.select %and3A_1574, %broadcast_in_dim3A_1577, %broadcast_in_dim3A_1578 : vector<16xi1>, vector<16xf32>
      %ge3A_1580 = arith.constant 0 : i32
      %ge3A_1581 = vector.broadcast %ge3A_1580 : i32 to vector<16xi32>
      %ge3A_1582 = arith.cmpi sge, %add3A_1567, %ge3A_1581 : vector<16xi32>
      %lt3A_1583 = arith.constant 96 : i32
      %lt3A_1584 = vector.broadcast %lt3A_1583 : i32 to vector<16xi32>
      %lt3A_1585 = arith.cmpi slt, %add3A_1567, %lt3A_1584 : vector<16xi32>
      %and3A_1586 = arith.andi %ge3A_1582, %lt3A_1585 : vector<16xi1>
      %jit3A_1587 = arith.constant 1.000000e+00 : f32
      %jit3A_1588 = arith.constant 0.000000e+00 : f32
      %broadcast_in_dim3A_1589 = vector.broadcast %jit3A_1587 : f32 to vector<16xf32>
      %broadcast_in_dim3A_1590 = vector.broadcast %jit3A_1588 : f32 to vector<16xf32>
      %select_n3A_1591 = arith.select %and3A_1586, %broadcast_in_dim3A_1589, %broadcast_in_dim3A_1590 : vector<16xi1>, vector<16xf32>
      %mul3A_1592 = arith.mulf %sub3A_1564, %select_n3A_1579 : vector<16xf32>
      %mul3A_1593 = arith.mulf %sub3A_1561, %select_n3A_1591 : vector<16xf32>
      %jit3A_1594 = arith.constant 0 : i32
      %jit3A_1595 = arith.constant 95 : i32
      %max3A_1596 = vector.broadcast %jit3A_1594 : i32 to vector<16xi32>
      %max3A_1597 = arith.maxsi %max3A_1596, %select_n3A_1559 : vector<16xi32>
      %min3A_1598 = vector.broadcast %jit3A_1595 : i32 to vector<16xi32>
      %min3A_1599 = arith.minsi %min3A_1598, %max3A_1597 : vector<16xi32>
      %jit3A_1600 = arith.constant 0 : i32
      %jit3A_1601 = arith.constant 95 : i32
      %max3A_1602 = vector.broadcast %jit3A_1600 : i32 to vector<16xi32>
      %max3A_1603 = arith.maxsi %max3A_1602, %add3A_1567 : vector<16xi32>
      %min3A_1604 = vector.broadcast %jit3A_1601 : i32 to vector<16xi32>
      %min3A_1605 = arith.minsi %min3A_1604, %max3A_1603 : vector<16xi32>
      %mul3A_1606 = vector.broadcast %squeeze3A_13 : f32 to vector<16xf32>
      %mul3A_1607 = arith.mulf %get3A_1538, %mul3A_1606 : vector<16xf32>
      %add3A_1608 = vector.broadcast %squeeze3A_17 : f32 to vector<16xf32>
      %add3A_1609 = arith.addf %mul3A_1607, %add3A_1608 : vector<16xf32>
      %jit3A_1610 = arith.constant -1.500000e+00 : f32
      %jit3A_1611 = arith.constant 9.650000e+01 : f32
      %max3A_1612 = vector.broadcast %jit3A_1610 : f32 to vector<16xf32>
      %max3A_1613 = arith.maximumf %max3A_1612, %add3A_1609 : vector<16xf32>
      %min3A_1614 = vector.broadcast %jit3A_1611 : f32 to vector<16xf32>
      %min3A_1615 = arith.minimumf %min3A_1614, %max3A_1613 : vector<16xf32>
      %convert_element_type3A_1616 = arith.fptosi %min3A_1615 : vector<16xf32> to vector<16xi32>
      %convert_element_type3A_1617 = arith.sitofp %convert_element_type3A_1616 : vector<16xi32> to vector<16xf32>
      %gt3A_1618 = arith.cmpf ogt, %convert_element_type3A_1617, %min3A_1615 : vector<16xf32>
      %sub3A_1619 = arith.constant 1 : i32
      %sub3A_1620 = vector.broadcast %sub3A_1619 : i32 to vector<16xi32>
      %sub3A_1621 = arith.subi %convert_element_type3A_1616, %sub3A_1620 : vector<16xi32>
      %select_n3A_1622 = arith.select %gt3A_1618, %sub3A_1621, %convert_element_type3A_1616 : vector<16xi1>, vector<16xi32>
      %convert_element_type3A_1623 = arith.sitofp %select_n3A_1622 : vector<16xi32> to vector<16xf32>
      %sub3A_1624 = arith.subf %min3A_1615, %convert_element_type3A_1623 : vector<16xf32>
      %sub3A_1625 = arith.constant 1.000000e+00 : f32
      %sub3A_1626 = vector.broadcast %sub3A_1625 : f32 to vector<16xf32>
      %sub3A_1627 = arith.subf %sub3A_1626, %sub3A_1624 : vector<16xf32>
      %add3A_1628 = arith.constant 1 : i32
      %add3A_1629 = vector.broadcast %add3A_1628 : i32 to vector<16xi32>
      %add3A_1630 = arith.addi %select_n3A_1622, %add3A_1629 : vector<16xi32>
      %ge3A_1631 = arith.constant 0 : i32
      %ge3A_1632 = vector.broadcast %ge3A_1631 : i32 to vector<16xi32>
      %ge3A_1633 = arith.cmpi sge, %select_n3A_1622, %ge3A_1632 : vector<16xi32>
      %lt3A_1634 = arith.constant 96 : i32
      %lt3A_1635 = vector.broadcast %lt3A_1634 : i32 to vector<16xi32>
      %lt3A_1636 = arith.cmpi slt, %select_n3A_1622, %lt3A_1635 : vector<16xi32>
      %and3A_1637 = arith.andi %ge3A_1633, %lt3A_1636 : vector<16xi1>
      %jit3A_1638 = arith.constant 1.000000e+00 : f32
      %jit3A_1639 = arith.constant 0.000000e+00 : f32
      %broadcast_in_dim3A_1640 = vector.broadcast %jit3A_1638 : f32 to vector<16xf32>
      %broadcast_in_dim3A_1641 = vector.broadcast %jit3A_1639 : f32 to vector<16xf32>
      %select_n3A_1642 = arith.select %and3A_1637, %broadcast_in_dim3A_1640, %broadcast_in_dim3A_1641 : vector<16xi1>, vector<16xf32>
      %ge3A_1643 = arith.constant 0 : i32
      %ge3A_1644 = vector.broadcast %ge3A_1643 : i32 to vector<16xi32>
      %ge3A_1645 = arith.cmpi sge, %add3A_1630, %ge3A_1644 : vector<16xi32>
      %lt3A_1646 = arith.constant 96 : i32
      %lt3A_1647 = vector.broadcast %lt3A_1646 : i32 to vector<16xi32>
      %lt3A_1648 = arith.cmpi slt, %add3A_1630, %lt3A_1647 : vector<16xi32>
      %and3A_1649 = arith.andi %ge3A_1645, %lt3A_1648 : vector<16xi1>
      %jit3A_1650 = arith.constant 1.000000e+00 : f32
      %jit3A_1651 = arith.constant 0.000000e+00 : f32
      %broadcast_in_dim3A_1652 = vector.broadcast %jit3A_1650 : f32 to vector<16xf32>
      %broadcast_in_dim3A_1653 = vector.broadcast %jit3A_1651 : f32 to vector<16xf32>
      %select_n3A_1654 = arith.select %and3A_1649, %broadcast_in_dim3A_1652, %broadcast_in_dim3A_1653 : vector<16xi1>, vector<16xf32>
      %mul3A_1655 = arith.mulf %sub3A_1627, %select_n3A_1642 : vector<16xf32>
      %mul3A_1656 = arith.mulf %sub3A_1624, %select_n3A_1654 : vector<16xf32>
      %jit3A_1657 = arith.constant 0 : i32
      %jit3A_1658 = arith.constant 95 : i32
      %max3A_1659 = vector.broadcast %jit3A_1657 : i32 to vector<16xi32>
      %max3A_1660 = arith.maxsi %max3A_1659, %select_n3A_1622 : vector<16xi32>
      %min3A_1661 = vector.broadcast %jit3A_1658 : i32 to vector<16xi32>
      %min3A_1662 = arith.minsi %min3A_1661, %max3A_1660 : vector<16xi32>
      %jit3A_1663 = arith.constant 0 : i32
      %jit3A_1664 = arith.constant 95 : i32
      %max3A_1665 = vector.broadcast %jit3A_1663 : i32 to vector<16xi32>
      %max3A_1666 = arith.maxsi %max3A_1665, %add3A_1630 : vector<16xi32>
      %min3A_1667 = vector.broadcast %jit3A_1664 : i32 to vector<16xi32>
      %min3A_1668 = arith.minsi %min3A_1667, %max3A_1666 : vector<16xi32>
      %mul3A_1669 = vector.broadcast %squeeze3A_21 : f32 to vector<16xf32>
      %mul3A_1670 = arith.mulf %get3A_1542, %mul3A_1669 : vector<16xf32>
      %add3A_1671 = vector.broadcast %squeeze3A_25 : f32 to vector<16xf32>
      %add3A_1672 = arith.addf %mul3A_1670, %add3A_1671 : vector<16xf32>
      %jit3A_1673 = arith.constant -1.500000e+00 : f32
      %jit3A_1674 = arith.constant 9.650000e+01 : f32
      %max3A_1675 = vector.broadcast %jit3A_1673 : f32 to vector<16xf32>
      %max3A_1676 = arith.maximumf %max3A_1675, %add3A_1672 : vector<16xf32>
      %min3A_1677 = vector.broadcast %jit3A_1674 : f32 to vector<16xf32>
      %min3A_1678 = arith.minimumf %min3A_1677, %max3A_1676 : vector<16xf32>
      %convert_element_type3A_1679 = arith.fptosi %min3A_1678 : vector<16xf32> to vector<16xi32>
      %convert_element_type3A_1680 = arith.sitofp %convert_element_type3A_1679 : vector<16xi32> to vector<16xf32>
      %gt3A_1681 = arith.cmpf ogt, %convert_element_type3A_1680, %min3A_1678 : vector<16xf32>
      %sub3A_1682 = arith.constant 1 : i32
      %sub3A_1683 = vector.broadcast %sub3A_1682 : i32 to vector<16xi32>
      %sub3A_1684 = arith.subi %convert_element_type3A_1679, %sub3A_1683 : vector<16xi32>
      %select_n3A_1685 = arith.select %gt3A_1681, %sub3A_1684, %convert_element_type3A_1679 : vector<16xi1>, vector<16xi32>
      %convert_element_type3A_1686 = arith.sitofp %select_n3A_1685 : vector<16xi32> to vector<16xf32>
      %sub3A_1687 = arith.subf %min3A_1678, %convert_element_type3A_1686 : vector<16xf32>
      %sub3A_1688 = arith.constant 1.000000e+00 : f32
      %sub3A_1689 = vector.broadcast %sub3A_1688 : f32 to vector<16xf32>
      %sub3A_1690 = arith.subf %sub3A_1689, %sub3A_1687 : vector<16xf32>
      %add3A_1691 = arith.constant 1 : i32
      %add3A_1692 = vector.broadcast %add3A_1691 : i32 to vector<16xi32>
      %add3A_1693 = arith.addi %select_n3A_1685, %add3A_1692 : vector<16xi32>
      %ge3A_1694 = arith.constant 0 : i32
      %ge3A_1695 = vector.broadcast %ge3A_1694 : i32 to vector<16xi32>
      %ge3A_1696 = arith.cmpi sge, %select_n3A_1685, %ge3A_1695 : vector<16xi32>
      %lt3A_1697 = arith.constant 96 : i32
      %lt3A_1698 = vector.broadcast %lt3A_1697 : i32 to vector<16xi32>
      %lt3A_1699 = arith.cmpi slt, %select_n3A_1685, %lt3A_1698 : vector<16xi32>
      %and3A_1700 = arith.andi %ge3A_1696, %lt3A_1699 : vector<16xi1>
      %jit3A_1701 = arith.constant 1.000000e+00 : f32
      %jit3A_1702 = arith.constant 0.000000e+00 : f32
      %broadcast_in_dim3A_1703 = vector.broadcast %jit3A_1701 : f32 to vector<16xf32>
      %broadcast_in_dim3A_1704 = vector.broadcast %jit3A_1702 : f32 to vector<16xf32>
      %select_n3A_1705 = arith.select %and3A_1700, %broadcast_in_dim3A_1703, %broadcast_in_dim3A_1704 : vector<16xi1>, vector<16xf32>
      %ge3A_1706 = arith.constant 0 : i32
      %ge3A_1707 = vector.broadcast %ge3A_1706 : i32 to vector<16xi32>
      %ge3A_1708 = arith.cmpi sge, %add3A_1693, %ge3A_1707 : vector<16xi32>
      %lt3A_1709 = arith.constant 96 : i32
      %lt3A_1710 = vector.broadcast %lt3A_1709 : i32 to vector<16xi32>
      %lt3A_1711 = arith.cmpi slt, %add3A_1693, %lt3A_1710 : vector<16xi32>
      %and3A_1712 = arith.andi %ge3A_1708, %lt3A_1711 : vector<16xi1>
      %jit3A_1713 = arith.constant 1.000000e+00 : f32
      %jit3A_1714 = arith.constant 0.000000e+00 : f32
      %broadcast_in_dim3A_1715 = vector.broadcast %jit3A_1713 : f32 to vector<16xf32>
      %broadcast_in_dim3A_1716 = vector.broadcast %jit3A_1714 : f32 to vector<16xf32>
      %select_n3A_1717 = arith.select %and3A_1712, %broadcast_in_dim3A_1715, %broadcast_in_dim3A_1716 : vector<16xi1>, vector<16xf32>
      %mul3A_1718 = arith.mulf %sub3A_1690, %select_n3A_1705 : vector<16xf32>
      %mul3A_1719 = arith.mulf %sub3A_1687, %select_n3A_1717 : vector<16xf32>
      %jit3A_1720 = arith.constant 0 : i32
      %jit3A_1721 = arith.constant 95 : i32
      %max3A_1722 = vector.broadcast %jit3A_1720 : i32 to vector<16xi32>
      %max3A_1723 = arith.maxsi %max3A_1722, %select_n3A_1685 : vector<16xi32>
      %min3A_1724 = vector.broadcast %jit3A_1721 : i32 to vector<16xi32>
      %min3A_1725 = arith.minsi %min3A_1724, %max3A_1723 : vector<16xi32>
      %jit3A_1726 = arith.constant 0 : i32
      %jit3A_1727 = arith.constant 95 : i32
      %max3A_1728 = vector.broadcast %jit3A_1726 : i32 to vector<16xi32>
      %max3A_1729 = arith.maxsi %max3A_1728, %add3A_1693 : vector<16xi32>
      %min3A_1730 = vector.broadcast %jit3A_1727 : i32 to vector<16xi32>
      %min3A_1731 = arith.minsi %min3A_1730, %max3A_1729 : vector<16xi32>
      %mul3A_1732 = arith.constant 9216 : i32
      %mul3A_1733 = vector.broadcast %mul3A_1732 : i32 to vector<16xi32>
      %mul3A_1734 = arith.muli %min3A_1725, %mul3A_1733 : vector<16xi32>
      %mul3A_1735 = arith.constant 9216 : i32
      %mul3A_1736 = vector.broadcast %mul3A_1735 : i32 to vector<16xi32>
      %mul3A_1737 = arith.muli %min3A_1731, %mul3A_1736 : vector<16xi32>
      %mul3A_1738 = arith.constant 96 : i32
      %mul3A_1739 = vector.broadcast %mul3A_1738 : i32 to vector<16xi32>
      %mul3A_1740 = arith.muli %min3A_1662, %mul3A_1739 : vector<16xi32>
      %mul3A_1741 = arith.constant 96 : i32
      %mul3A_1742 = vector.broadcast %mul3A_1741 : i32 to vector<16xi32>
      %mul3A_1743 = arith.muli %min3A_1668, %mul3A_1742 : vector<16xi32>
      %add3A_1744 = arith.addi %mul3A_1734, %mul3A_1740 : vector<16xi32>
      %add3A_1745 = arith.addi %mul3A_1734, %mul3A_1743 : vector<16xi32>
      %add3A_1746 = arith.addi %mul3A_1737, %mul3A_1740 : vector<16xi32>
      %add3A_1747 = arith.addi %mul3A_1737, %mul3A_1743 : vector<16xi32>
      %mul3A_1748 = arith.mulf %mul3A_1718, %mul3A_1655 : vector<16xf32>
      %mul3A_1749 = arith.mulf %mul3A_1718, %mul3A_1656 : vector<16xf32>
      %mul3A_1750 = arith.mulf %mul3A_1719, %mul3A_1655 : vector<16xf32>
      %mul3A_1751 = arith.mulf %mul3A_1719, %mul3A_1656 : vector<16xf32>
      %add3A_1752 = arith.addi %add3A_1744, %min3A_1599 : vector<16xi32>
      %swap3A_1753 = arith.constant 0 : i32
      %swap3A_1754 = arith.index_cast %swap3A_1753 : i32 to index
      %swap3A_1755 = arith.constant 80 : index
      %swap3A_1756 = tpu.vector_load %arg12[%swap3A_1754, %swap3A_1755] {strides = array<i32>} : memref<8x128xi32, #tpu.memory_space<vmem>>, vector<16xi32>,
      tpu.vector_store %arg12[%swap3A_1754, %swap3A_1755], %add3A_1752 {strides = array<i32>} : memref<8x128xi32, #tpu.memory_space<vmem>>, vector<16xi32>,
      %add3A_1757 = arith.addi %add3A_1744, %min3A_1605 : vector<16xi32>
      %swap3A_1758 = arith.constant 1 : i32
      %swap3A_1759 = arith.index_cast %swap3A_1758 : i32 to index
      %swap3A_1760 = arith.constant 80 : index
      %swap3A_1761 = tpu.vector_load %arg12[%swap3A_1759, %swap3A_1760] {strides = array<i32>} : memref<8x128xi32, #tpu.memory_space<vmem>>, vector<16xi32>,
      tpu.vector_store %arg12[%swap3A_1759, %swap3A_1760], %add3A_1757 {strides = array<i32>} : memref<8x128xi32, #tpu.memory_space<vmem>>, vector<16xi32>,
      %add3A_1762 = arith.addi %add3A_1745, %min3A_1599 : vector<16xi32>
      %swap3A_1763 = arith.constant 2 : i32
      %swap3A_1764 = arith.index_cast %swap3A_1763 : i32 to index
      %swap3A_1765 = arith.constant 80 : index
      %swap3A_1766 = tpu.vector_load %arg12[%swap3A_1764, %swap3A_1765] {strides = array<i32>} : memref<8x128xi32, #tpu.memory_space<vmem>>, vector<16xi32>,
      tpu.vector_store %arg12[%swap3A_1764, %swap3A_1765], %add3A_1762 {strides = array<i32>} : memref<8x128xi32, #tpu.memory_space<vmem>>, vector<16xi32>,
      %add3A_1767 = arith.addi %add3A_1745, %min3A_1605 : vector<16xi32>
      %swap3A_1768 = arith.constant 3 : i32
      %swap3A_1769 = arith.index_cast %swap3A_1768 : i32 to index
      %swap3A_1770 = arith.constant 80 : index
      %swap3A_1771 = tpu.vector_load %arg12[%swap3A_1769, %swap3A_1770] {strides = array<i32>} : memref<8x128xi32, #tpu.memory_space<vmem>>, vector<16xi32>,
      tpu.vector_store %arg12[%swap3A_1769, %swap3A_1770], %add3A_1767 {strides = array<i32>} : memref<8x128xi32, #tpu.memory_space<vmem>>, vector<16xi32>,
      %add3A_1772 = arith.addi %add3A_1746, %min3A_1599 : vector<16xi32>
      %swap3A_1773 = arith.constant 4 : i32
      %swap3A_1774 = arith.index_cast %swap3A_1773 : i32 to index
      %swap3A_1775 = arith.constant 80 : index
      %swap3A_1776 = tpu.vector_load %arg12[%swap3A_1774, %swap3A_1775] {strides = array<i32>} : memref<8x128xi32, #tpu.memory_space<vmem>>, vector<16xi32>,
      tpu.vector_store %arg12[%swap3A_1774, %swap3A_1775], %add3A_1772 {strides = array<i32>} : memref<8x128xi32, #tpu.memory_space<vmem>>, vector<16xi32>,
      %add3A_1777 = arith.addi %add3A_1746, %min3A_1605 : vector<16xi32>
      %swap3A_1778 = arith.constant 5 : i32
      %swap3A_1779 = arith.index_cast %swap3A_1778 : i32 to index
      %swap3A_1780 = arith.constant 80 : index
      %swap3A_1781 = tpu.vector_load %arg12[%swap3A_1779, %swap3A_1780] {strides = array<i32>} : memref<8x128xi32, #tpu.memory_space<vmem>>, vector<16xi32>,
      tpu.vector_store %arg12[%swap3A_1779, %swap3A_1780], %add3A_1777 {strides = array<i32>} : memref<8x128xi32, #tpu.memory_space<vmem>>, vector<16xi32>,
      %add3A_1782 = arith.addi %add3A_1747, %min3A_1599 : vector<16xi32>
      %swap3A_1783 = arith.constant 6 : i32
      %swap3A_1784 = arith.index_cast %swap3A_1783 : i32 to index
      %swap3A_1785 = arith.constant 80 : index
      %swap3A_1786 = tpu.vector_load %arg12[%swap3A_1784, %swap3A_1785] {strides = array<i32>} : memref<8x128xi32, #tpu.memory_space<vmem>>, vector<16xi32>,
      tpu.vector_store %arg12[%swap3A_1784, %swap3A_1785], %add3A_1782 {strides = array<i32>} : memref<8x128xi32, #tpu.memory_space<vmem>>, vector<16xi32>,
      %add3A_1787 = arith.addi %add3A_1747, %min3A_1605 : vector<16xi32>
      %swap3A_1788 = arith.constant 7 : i32
      %swap3A_1789 = arith.index_cast %swap3A_1788 : i32 to index
      %swap3A_1790 = arith.constant 80 : index
      %swap3A_1791 = tpu.vector_load %arg12[%swap3A_1789, %swap3A_1790] {strides = array<i32>} : memref<8x128xi32, #tpu.memory_space<vmem>>, vector<16xi32>,
      tpu.vector_store %arg12[%swap3A_1789, %swap3A_1790], %add3A_1787 {strides = array<i32>} : memref<8x128xi32, #tpu.memory_space<vmem>>, vector<16xi32>,
      %mul3A_1792 = arith.mulf %mul3A_1748, %mul3A_1592 : vector<16xf32>
      %swap3A_1793 = arith.constant 0 : i32
      %swap3A_1794 = arith.index_cast %swap3A_1793 : i32 to index
      %swap3A_1795 = arith.constant 80 : index
      %swap3A_1796 = tpu.vector_load %arg13[%swap3A_1794, %swap3A_1795] {strides = array<i32>} : memref<8x128xf32, #tpu.memory_space<vmem>>, vector<16xf32>,
      tpu.vector_store %arg13[%swap3A_1794, %swap3A_1795], %mul3A_1792 {strides = array<i32>} : memref<8x128xf32, #tpu.memory_space<vmem>>, vector<16xf32>,
      %mul3A_1797 = arith.mulf %mul3A_1748, %mul3A_1593 : vector<16xf32>
      %swap3A_1798 = arith.constant 1 : i32
      %swap3A_1799 = arith.index_cast %swap3A_1798 : i32 to index
      %swap3A_1800 = arith.constant 80 : index
      %swap3A_1801 = tpu.vector_load %arg13[%swap3A_1799, %swap3A_1800] {strides = array<i32>} : memref<8x128xf32, #tpu.memory_space<vmem>>, vector<16xf32>,
      tpu.vector_store %arg13[%swap3A_1799, %swap3A_1800], %mul3A_1797 {strides = array<i32>} : memref<8x128xf32, #tpu.memory_space<vmem>>, vector<16xf32>,
      %mul3A_1802 = arith.mulf %mul3A_1749, %mul3A_1592 : vector<16xf32>
      %swap3A_1803 = arith.constant 2 : i32
      %swap3A_1804 = arith.index_cast %swap3A_1803 : i32 to index
      %swap3A_1805 = arith.constant 80 : index
      %swap3A_1806 = tpu.vector_load %arg13[%swap3A_1804, %swap3A_1805] {strides = array<i32>} : memref<8x128xf32, #tpu.memory_space<vmem>>, vector<16xf32>,
      tpu.vector_store %arg13[%swap3A_1804, %swap3A_1805], %mul3A_1802 {strides = array<i32>} : memref<8x128xf32, #tpu.memory_space<vmem>>, vector<16xf32>,
      %mul3A_1807 = arith.mulf %mul3A_1749, %mul3A_1593 : vector<16xf32>
      %swap3A_1808 = arith.constant 3 : i32
      %swap3A_1809 = arith.index_cast %swap3A_1808 : i32 to index
      %swap3A_1810 = arith.constant 80 : index
      %swap3A_1811 = tpu.vector_load %arg13[%swap3A_1809, %swap3A_1810] {strides = array<i32>} : memref<8x128xf32, #tpu.memory_space<vmem>>, vector<16xf32>,
      tpu.vector_store %arg13[%swap3A_1809, %swap3A_1810], %mul3A_1807 {strides = array<i32>} : memref<8x128xf32, #tpu.memory_space<vmem>>, vector<16xf32>,
      %mul3A_1812 = arith.mulf %mul3A_1750, %mul3A_1592 : vector<16xf32>
      %swap3A_1813 = arith.constant 4 : i32
      %swap3A_1814 = arith.index_cast %swap3A_1813 : i32 to index
      %swap3A_1815 = arith.constant 80 : index
      %swap3A_1816 = tpu.vector_load %arg13[%swap3A_1814, %swap3A_1815] {strides = array<i32>} : memref<8x128xf32, #tpu.memory_space<vmem>>, vector<16xf32>,
      tpu.vector_store %arg13[%swap3A_1814, %swap3A_1815], %mul3A_1812 {strides = array<i32>} : memref<8x128xf32, #tpu.memory_space<vmem>>, vector<16xf32>,
      %mul3A_1817 = arith.mulf %mul3A_1750, %mul3A_1593 : vector<16xf32>
      %swap3A_1818 = arith.constant 5 : i32
      %swap3A_1819 = arith.index_cast %swap3A_1818 : i32 to index
      %swap3A_1820 = arith.constant 80 : index
      %swap3A_1821 = tpu.vector_load %arg13[%swap3A_1819, %swap3A_1820] {strides = array<i32>} : memref<8x128xf32, #tpu.memory_space<vmem>>, vector<16xf32>,
      tpu.vector_store %arg13[%swap3A_1819, %swap3A_1820], %mul3A_1817 {strides = array<i32>} : memref<8x128xf32, #tpu.memory_space<vmem>>, vector<16xf32>,
      %mul3A_1822 = arith.mulf %mul3A_1751, %mul3A_1592 : vector<16xf32>
      %swap3A_1823 = arith.constant 6 : i32
      %swap3A_1824 = arith.index_cast %swap3A_1823 : i32 to index
      %swap3A_1825 = arith.constant 80 : index
      %swap3A_1826 = tpu.vector_load %arg13[%swap3A_1824, %swap3A_1825] {strides = array<i32>} : memref<8x128xf32, #tpu.memory_space<vmem>>, vector<16xf32>,
      tpu.vector_store %arg13[%swap3A_1824, %swap3A_1825], %mul3A_1822 {strides = array<i32>} : memref<8x128xf32, #tpu.memory_space<vmem>>, vector<16xf32>,
      %mul3A_1827 = arith.mulf %mul3A_1751, %mul3A_1593 : vector<16xf32>
      %swap3A_1828 = arith.constant 7 : i32
      %swap3A_1829 = arith.index_cast %swap3A_1828 : i32 to index
      %swap3A_1830 = arith.constant 80 : index
      %swap3A_1831 = tpu.vector_load %arg13[%swap3A_1829, %swap3A_1830] {strides = array<i32>} : memref<8x128xf32, #tpu.memory_space<vmem>>, vector<16xf32>,
      tpu.vector_store %arg13[%swap3A_1829, %swap3A_1830], %mul3A_1827 {strides = array<i32>} : memref<8x128xf32, #tpu.memory_space<vmem>>, vector<16xf32>,
      %get3A_1832 = arith.constant 0 : i32
      %get3A_1833 = arith.index_cast %get3A_1832 : i32 to index
      %get3A_1834 = arith.constant 96 : index
      %get3A_1835 = tpu.vector_load %arg11[%get3A_1833, %get3A_1834] {strides = array<i32>} : memref<3x128xf32, #tpu.memory_space<vmem>>, vector<16xf32>,
      %get3A_1836 = arith.constant 1 : i32
      %get3A_1837 = arith.index_cast %get3A_1836 : i32 to index
      %get3A_1838 = arith.constant 96 : index
      %get3A_1839 = tpu.vector_load %arg11[%get3A_1837, %get3A_1838] {strides = array<i32>} : memref<3x128xf32, #tpu.memory_space<vmem>>, vector<16xf32>,
      %get3A_1840 = arith.constant 2 : i32
      %get3A_1841 = arith.index_cast %get3A_1840 : i32 to index
      %get3A_1842 = arith.constant 96 : index
      %get3A_1843 = tpu.vector_load %arg11[%get3A_1841, %get3A_1842] {strides = array<i32>} : memref<3x128xf32, #tpu.memory_space<vmem>>, vector<16xf32>,
      %mul3A_1844 = vector.broadcast %squeeze3A : f32 to vector<16xf32>
      %mul3A_1845 = arith.mulf %get3A_1835, %mul3A_1844 : vector<16xf32>
      %add3A_1846 = vector.broadcast %squeeze3A_9 : f32 to vector<16xf32>
      %add3A_1847 = arith.addf %mul3A_1845, %add3A_1846 : vector<16xf32>
      %jit3A_1848 = arith.constant -1.500000e+00 : f32
      %jit3A_1849 = arith.constant 9.650000e+01 : f32
      %max3A_1850 = vector.broadcast %jit3A_1848 : f32 to vector<16xf32>
      %max3A_1851 = arith.maximumf %max3A_1850, %add3A_1847 : vector<16xf32>
      %min3A_1852 = vector.broadcast %jit3A_1849 : f32 to vector<16xf32>
      %min3A_1853 = arith.minimumf %min3A_1852, %max3A_1851 : vector<16xf32>
      %convert_element_type3A_1854 = arith.fptosi %min3A_1853 : vector<16xf32> to vector<16xi32>
      %convert_element_type3A_1855 = arith.sitofp %convert_element_type3A_1854 : vector<16xi32> to vector<16xf32>
      %gt3A_1856 = arith.cmpf ogt, %convert_element_type3A_1855, %min3A_1853 : vector<16xf32>
      %sub3A_1857 = arith.constant 1 : i32
      %sub3A_1858 = vector.broadcast %sub3A_1857 : i32 to vector<16xi32>
      %sub3A_1859 = arith.subi %convert_element_type3A_1854, %sub3A_1858 : vector<16xi32>
      %select_n3A_1860 = arith.select %gt3A_1856, %sub3A_1859, %convert_element_type3A_1854 : vector<16xi1>, vector<16xi32>
      %convert_element_type3A_1861 = arith.sitofp %select_n3A_1860 : vector<16xi32> to vector<16xf32>
      %sub3A_1862 = arith.subf %min3A_1853, %convert_element_type3A_1861 : vector<16xf32>
      %sub3A_1863 = arith.constant 1.000000e+00 : f32
      %sub3A_1864 = vector.broadcast %sub3A_1863 : f32 to vector<16xf32>
      %sub3A_1865 = arith.subf %sub3A_1864, %sub3A_1862 : vector<16xf32>
      %add3A_1866 = arith.constant 1 : i32
      %add3A_1867 = vector.broadcast %add3A_1866 : i32 to vector<16xi32>
      %add3A_1868 = arith.addi %select_n3A_1860, %add3A_1867 : vector<16xi32>
      %ge3A_1869 = arith.constant 0 : i32
      %ge3A_1870 = vector.broadcast %ge3A_1869 : i32 to vector<16xi32>
      %ge3A_1871 = arith.cmpi sge, %select_n3A_1860, %ge3A_1870 : vector<16xi32>
      %lt3A_1872 = arith.constant 96 : i32
      %lt3A_1873 = vector.broadcast %lt3A_1872 : i32 to vector<16xi32>
      %lt3A_1874 = arith.cmpi slt, %select_n3A_1860, %lt3A_1873 : vector<16xi32>
      %and3A_1875 = arith.andi %ge3A_1871, %lt3A_1874 : vector<16xi1>
      %jit3A_1876 = arith.constant 1.000000e+00 : f32
      %jit3A_1877 = arith.constant 0.000000e+00 : f32
      %broadcast_in_dim3A_1878 = vector.broadcast %jit3A_1876 : f32 to vector<16xf32>
      %broadcast_in_dim3A_1879 = vector.broadcast %jit3A_1877 : f32 to vector<16xf32>
      %select_n3A_1880 = arith.select %and3A_1875, %broadcast_in_dim3A_1878, %broadcast_in_dim3A_1879 : vector<16xi1>, vector<16xf32>
      %ge3A_1881 = arith.constant 0 : i32
      %ge3A_1882 = vector.broadcast %ge3A_1881 : i32 to vector<16xi32>
      %ge3A_1883 = arith.cmpi sge, %add3A_1868, %ge3A_1882 : vector<16xi32>
      %lt3A_1884 = arith.constant 96 : i32
      %lt3A_1885 = vector.broadcast %lt3A_1884 : i32 to vector<16xi32>
      %lt3A_1886 = arith.cmpi slt, %add3A_1868, %lt3A_1885 : vector<16xi32>
      %and3A_1887 = arith.andi %ge3A_1883, %lt3A_1886 : vector<16xi1>
      %jit3A_1888 = arith.constant 1.000000e+00 : f32
      %jit3A_1889 = arith.constant 0.000000e+00 : f32
      %broadcast_in_dim3A_1890 = vector.broadcast %jit3A_1888 : f32 to vector<16xf32>
      %broadcast_in_dim3A_1891 = vector.broadcast %jit3A_1889 : f32 to vector<16xf32>
      %select_n3A_1892 = arith.select %and3A_1887, %broadcast_in_dim3A_1890, %broadcast_in_dim3A_1891 : vector<16xi1>, vector<16xf32>
      %mul3A_1893 = arith.mulf %sub3A_1865, %select_n3A_1880 : vector<16xf32>
      %mul3A_1894 = arith.mulf %sub3A_1862, %select_n3A_1892 : vector<16xf32>
      %jit3A_1895 = arith.constant 0 : i32
      %jit3A_1896 = arith.constant 95 : i32
      %max3A_1897 = vector.broadcast %jit3A_1895 : i32 to vector<16xi32>
      %max3A_1898 = arith.maxsi %max3A_1897, %select_n3A_1860 : vector<16xi32>
      %min3A_1899 = vector.broadcast %jit3A_1896 : i32 to vector<16xi32>
      %min3A_1900 = arith.minsi %min3A_1899, %max3A_1898 : vector<16xi32>
      %jit3A_1901 = arith.constant 0 : i32
      %jit3A_1902 = arith.constant 95 : i32
      %max3A_1903 = vector.broadcast %jit3A_1901 : i32 to vector<16xi32>
      %max3A_1904 = arith.maxsi %max3A_1903, %add3A_1868 : vector<16xi32>
      %min3A_1905 = vector.broadcast %jit3A_1902 : i32 to vector<16xi32>
      %min3A_1906 = arith.minsi %min3A_1905, %max3A_1904 : vector<16xi32>
      %mul3A_1907 = vector.broadcast %squeeze3A_13 : f32 to vector<16xf32>
      %mul3A_1908 = arith.mulf %get3A_1839, %mul3A_1907 : vector<16xf32>
      %add3A_1909 = vector.broadcast %squeeze3A_17 : f32 to vector<16xf32>
      %add3A_1910 = arith.addf %mul3A_1908, %add3A_1909 : vector<16xf32>
      %jit3A_1911 = arith.constant -1.500000e+00 : f32
      %jit3A_1912 = arith.constant 9.650000e+01 : f32
      %max3A_1913 = vector.broadcast %jit3A_1911 : f32 to vector<16xf32>
      %max3A_1914 = arith.maximumf %max3A_1913, %add3A_1910 : vector<16xf32>
      %min3A_1915 = vector.broadcast %jit3A_1912 : f32 to vector<16xf32>
      %min3A_1916 = arith.minimumf %min3A_1915, %max3A_1914 : vector<16xf32>
      %convert_element_type3A_1917 = arith.fptosi %min3A_1916 : vector<16xf32> to vector<16xi32>
      %convert_element_type3A_1918 = arith.sitofp %convert_element_type3A_1917 : vector<16xi32> to vector<16xf32>
      %gt3A_1919 = arith.cmpf ogt, %convert_element_type3A_1918, %min3A_1916 : vector<16xf32>
      %sub3A_1920 = arith.constant 1 : i32
      %sub3A_1921 = vector.broadcast %sub3A_1920 : i32 to vector<16xi32>
      %sub3A_1922 = arith.subi %convert_element_type3A_1917, %sub3A_1921 : vector<16xi32>
      %select_n3A_1923 = arith.select %gt3A_1919, %sub3A_1922, %convert_element_type3A_1917 : vector<16xi1>, vector<16xi32>
      %convert_element_type3A_1924 = arith.sitofp %select_n3A_1923 : vector<16xi32> to vector<16xf32>
      %sub3A_1925 = arith.subf %min3A_1916, %convert_element_type3A_1924 : vector<16xf32>
      %sub3A_1926 = arith.constant 1.000000e+00 : f32
      %sub3A_1927 = vector.broadcast %sub3A_1926 : f32 to vector<16xf32>
      %sub3A_1928 = arith.subf %sub3A_1927, %sub3A_1925 : vector<16xf32>
      %add3A_1929 = arith.constant 1 : i32
      %add3A_1930 = vector.broadcast %add3A_1929 : i32 to vector<16xi32>
      %add3A_1931 = arith.addi %select_n3A_1923, %add3A_1930 : vector<16xi32>
      %ge3A_1932 = arith.constant 0 : i32
      %ge3A_1933 = vector.broadcast %ge3A_1932 : i32 to vector<16xi32>
      %ge3A_1934 = arith.cmpi sge, %select_n3A_1923, %ge3A_1933 : vector<16xi32>
      %lt3A_1935 = arith.constant 96 : i32
      %lt3A_1936 = vector.broadcast %lt3A_1935 : i32 to vector<16xi32>
      %lt3A_1937 = arith.cmpi slt, %select_n3A_1923, %lt3A_1936 : vector<16xi32>
      %and3A_1938 = arith.andi %ge3A_1934, %lt3A_1937 : vector<16xi1>
      %jit3A_1939 = arith.constant 1.000000e+00 : f32
      %jit3A_1940 = arith.constant 0.000000e+00 : f32
      %broadcast_in_dim3A_1941 = vector.broadcast %jit3A_1939 : f32 to vector<16xf32>
      %broadcast_in_dim3A_1942 = vector.broadcast %jit3A_1940 : f32 to vector<16xf32>
      %select_n3A_1943 = arith.select %and3A_1938, %broadcast_in_dim3A_1941, %broadcast_in_dim3A_1942 : vector<16xi1>, vector<16xf32>
      %ge3A_1944 = arith.constant 0 : i32
      %ge3A_1945 = vector.broadcast %ge3A_1944 : i32 to vector<16xi32>
      %ge3A_1946 = arith.cmpi sge, %add3A_1931, %ge3A_1945 : vector<16xi32>
      %lt3A_1947 = arith.constant 96 : i32
      %lt3A_1948 = vector.broadcast %lt3A_1947 : i32 to vector<16xi32>
      %lt3A_1949 = arith.cmpi slt, %add3A_1931, %lt3A_1948 : vector<16xi32>
      %and3A_1950 = arith.andi %ge3A_1946, %lt3A_1949 : vector<16xi1>
      %jit3A_1951 = arith.constant 1.000000e+00 : f32
      %jit3A_1952 = arith.constant 0.000000e+00 : f32
      %broadcast_in_dim3A_1953 = vector.broadcast %jit3A_1951 : f32 to vector<16xf32>
      %broadcast_in_dim3A_1954 = vector.broadcast %jit3A_1952 : f32 to vector<16xf32>
      %select_n3A_1955 = arith.select %and3A_1950, %broadcast_in_dim3A_1953, %broadcast_in_dim3A_1954 : vector<16xi1>, vector<16xf32>
      %mul3A_1956 = arith.mulf %sub3A_1928, %select_n3A_1943 : vector<16xf32>
      %mul3A_1957 = arith.mulf %sub3A_1925, %select_n3A_1955 : vector<16xf32>
      %jit3A_1958 = arith.constant 0 : i32
      %jit3A_1959 = arith.constant 95 : i32
      %max3A_1960 = vector.broadcast %jit3A_1958 : i32 to vector<16xi32>
      %max3A_1961 = arith.maxsi %max3A_1960, %select_n3A_1923 : vector<16xi32>
      %min3A_1962 = vector.broadcast %jit3A_1959 : i32 to vector<16xi32>
      %min3A_1963 = arith.minsi %min3A_1962, %max3A_1961 : vector<16xi32>
      %jit3A_1964 = arith.constant 0 : i32
      %jit3A_1965 = arith.constant 95 : i32
      %max3A_1966 = vector.broadcast %jit3A_1964 : i32 to vector<16xi32>
      %max3A_1967 = arith.maxsi %max3A_1966, %add3A_1931 : vector<16xi32>
      %min3A_1968 = vector.broadcast %jit3A_1965 : i32 to vector<16xi32>
      %min3A_1969 = arith.minsi %min3A_1968, %max3A_1967 : vector<16xi32>
      %mul3A_1970 = vector.broadcast %squeeze3A_21 : f32 to vector<16xf32>
      %mul3A_1971 = arith.mulf %get3A_1843, %mul3A_1970 : vector<16xf32>
      %add3A_1972 = vector.broadcast %squeeze3A_25 : f32 to vector<16xf32>
      %add3A_1973 = arith.addf %mul3A_1971, %add3A_1972 : vector<16xf32>
      %jit3A_1974 = arith.constant -1.500000e+00 : f32
      %jit3A_1975 = arith.constant 9.650000e+01 : f32
      %max3A_1976 = vector.broadcast %jit3A_1974 : f32 to vector<16xf32>
      %max3A_1977 = arith.maximumf %max3A_1976, %add3A_1973 : vector<16xf32>
      %min3A_1978 = vector.broadcast %jit3A_1975 : f32 to vector<16xf32>
      %min3A_1979 = arith.minimumf %min3A_1978, %max3A_1977 : vector<16xf32>
      %convert_element_type3A_1980 = arith.fptosi %min3A_1979 : vector<16xf32> to vector<16xi32>
      %convert_element_type3A_1981 = arith.sitofp %convert_element_type3A_1980 : vector<16xi32> to vector<16xf32>
      %gt3A_1982 = arith.cmpf ogt, %convert_element_type3A_1981, %min3A_1979 : vector<16xf32>
      %sub3A_1983 = arith.constant 1 : i32
      %sub3A_1984 = vector.broadcast %sub3A_1983 : i32 to vector<16xi32>
      %sub3A_1985 = arith.subi %convert_element_type3A_1980, %sub3A_1984 : vector<16xi32>
      %select_n3A_1986 = arith.select %gt3A_1982, %sub3A_1985, %convert_element_type3A_1980 : vector<16xi1>, vector<16xi32>
      %convert_element_type3A_1987 = arith.sitofp %select_n3A_1986 : vector<16xi32> to vector<16xf32>
      %sub3A_1988 = arith.subf %min3A_1979, %convert_element_type3A_1987 : vector<16xf32>
      %sub3A_1989 = arith.constant 1.000000e+00 : f32
      %sub3A_1990 = vector.broadcast %sub3A_1989 : f32 to vector<16xf32>
      %sub3A_1991 = arith.subf %sub3A_1990, %sub3A_1988 : vector<16xf32>
      %add3A_1992 = arith.constant 1 : i32
      %add3A_1993 = vector.broadcast %add3A_1992 : i32 to vector<16xi32>
      %add3A_1994 = arith.addi %select_n3A_1986, %add3A_1993 : vector<16xi32>
      %ge3A_1995 = arith.constant 0 : i32
      %ge3A_1996 = vector.broadcast %ge3A_1995 : i32 to vector<16xi32>
      %ge3A_1997 = arith.cmpi sge, %select_n3A_1986, %ge3A_1996 : vector<16xi32>
      %lt3A_1998 = arith.constant 96 : i32
      %lt3A_1999 = vector.broadcast %lt3A_1998 : i32 to vector<16xi32>
      %lt3A_2000 = arith.cmpi slt, %select_n3A_1986, %lt3A_1999 : vector<16xi32>
      %and3A_2001 = arith.andi %ge3A_1997, %lt3A_2000 : vector<16xi1>
      %jit3A_2002 = arith.constant 1.000000e+00 : f32
      %jit3A_2003 = arith.constant 0.000000e+00 : f32
      %broadcast_in_dim3A_2004 = vector.broadcast %jit3A_2002 : f32 to vector<16xf32>
      %broadcast_in_dim3A_2005 = vector.broadcast %jit3A_2003 : f32 to vector<16xf32>
      %select_n3A_2006 = arith.select %and3A_2001, %broadcast_in_dim3A_2004, %broadcast_in_dim3A_2005 : vector<16xi1>, vector<16xf32>
      %ge3A_2007 = arith.constant 0 : i32
      %ge3A_2008 = vector.broadcast %ge3A_2007 : i32 to vector<16xi32>
      %ge3A_2009 = arith.cmpi sge, %add3A_1994, %ge3A_2008 : vector<16xi32>
      %lt3A_2010 = arith.constant 96 : i32
      %lt3A_2011 = vector.broadcast %lt3A_2010 : i32 to vector<16xi32>
      %lt3A_2012 = arith.cmpi slt, %add3A_1994, %lt3A_2011 : vector<16xi32>
      %and3A_2013 = arith.andi %ge3A_2009, %lt3A_2012 : vector<16xi1>
      %jit3A_2014 = arith.constant 1.000000e+00 : f32
      %jit3A_2015 = arith.constant 0.000000e+00 : f32
      %broadcast_in_dim3A_2016 = vector.broadcast %jit3A_2014 : f32 to vector<16xf32>
      %broadcast_in_dim3A_2017 = vector.broadcast %jit3A_2015 : f32 to vector<16xf32>
      %select_n3A_2018 = arith.select %and3A_2013, %broadcast_in_dim3A_2016, %broadcast_in_dim3A_2017 : vector<16xi1>, vector<16xf32>
      %mul3A_2019 = arith.mulf %sub3A_1991, %select_n3A_2006 : vector<16xf32>
      %mul3A_2020 = arith.mulf %sub3A_1988, %select_n3A_2018 : vector<16xf32>
      %jit3A_2021 = arith.constant 0 : i32
      %jit3A_2022 = arith.constant 95 : i32
      %max3A_2023 = vector.broadcast %jit3A_2021 : i32 to vector<16xi32>
      %max3A_2024 = arith.maxsi %max3A_2023, %select_n3A_1986 : vector<16xi32>
      %min3A_2025 = vector.broadcast %jit3A_2022 : i32 to vector<16xi32>
      %min3A_2026 = arith.minsi %min3A_2025, %max3A_2024 : vector<16xi32>
      %jit3A_2027 = arith.constant 0 : i32
      %jit3A_2028 = arith.constant 95 : i32
      %max3A_2029 = vector.broadcast %jit3A_2027 : i32 to vector<16xi32>
      %max3A_2030 = arith.maxsi %max3A_2029, %add3A_1994 : vector<16xi32>
      %min3A_2031 = vector.broadcast %jit3A_2028 : i32 to vector<16xi32>
      %min3A_2032 = arith.minsi %min3A_2031, %max3A_2030 : vector<16xi32>
      %mul3A_2033 = arith.constant 9216 : i32
      %mul3A_2034 = vector.broadcast %mul3A_2033 : i32 to vector<16xi32>
      %mul3A_2035 = arith.muli %min3A_2026, %mul3A_2034 : vector<16xi32>
      %mul3A_2036 = arith.constant 9216 : i32
      %mul3A_2037 = vector.broadcast %mul3A_2036 : i32 to vector<16xi32>
      %mul3A_2038 = arith.muli %min3A_2032, %mul3A_2037 : vector<16xi32>
      %mul3A_2039 = arith.constant 96 : i32
      %mul3A_2040 = vector.broadcast %mul3A_2039 : i32 to vector<16xi32>
      %mul3A_2041 = arith.muli %min3A_1963, %mul3A_2040 : vector<16xi32>
      %mul3A_2042 = arith.constant 96 : i32
      %mul3A_2043 = vector.broadcast %mul3A_2042 : i32 to vector<16xi32>
      %mul3A_2044 = arith.muli %min3A_1969, %mul3A_2043 : vector<16xi32>
      %add3A_2045 = arith.addi %mul3A_2035, %mul3A_2041 : vector<16xi32>
      %add3A_2046 = arith.addi %mul3A_2035, %mul3A_2044 : vector<16xi32>
      %add3A_2047 = arith.addi %mul3A_2038, %mul3A_2041 : vector<16xi32>
      %add3A_2048 = arith.addi %mul3A_2038, %mul3A_2044 : vector<16xi32>
      %mul3A_2049 = arith.mulf %mul3A_2019, %mul3A_1956 : vector<16xf32>
      %mul3A_2050 = arith.mulf %mul3A_2019, %mul3A_1957 : vector<16xf32>
      %mul3A_2051 = arith.mulf %mul3A_2020, %mul3A_1956 : vector<16xf32>
      %mul3A_2052 = arith.mulf %mul3A_2020, %mul3A_1957 : vector<16xf32>
      %add3A_2053 = arith.addi %add3A_2045, %min3A_1900 : vector<16xi32>
      %swap3A_2054 = arith.constant 0 : i32
      %swap3A_2055 = arith.index_cast %swap3A_2054 : i32 to index
      %swap3A_2056 = arith.constant 96 : index
      %swap3A_2057 = tpu.vector_load %arg12[%swap3A_2055, %swap3A_2056] {strides = array<i32>} : memref<8x128xi32, #tpu.memory_space<vmem>>, vector<16xi32>,
      tpu.vector_store %arg12[%swap3A_2055, %swap3A_2056], %add3A_2053 {strides = array<i32>} : memref<8x128xi32, #tpu.memory_space<vmem>>, vector<16xi32>,
      %add3A_2058 = arith.addi %add3A_2045, %min3A_1906 : vector<16xi32>
      %swap3A_2059 = arith.constant 1 : i32
      %swap3A_2060 = arith.index_cast %swap3A_2059 : i32 to index
      %swap3A_2061 = arith.constant 96 : index
      %swap3A_2062 = tpu.vector_load %arg12[%swap3A_2060, %swap3A_2061] {strides = array<i32>} : memref<8x128xi32, #tpu.memory_space<vmem>>, vector<16xi32>,
      tpu.vector_store %arg12[%swap3A_2060, %swap3A_2061], %add3A_2058 {strides = array<i32>} : memref<8x128xi32, #tpu.memory_space<vmem>>, vector<16xi32>,
      %add3A_2063 = arith.addi %add3A_2046, %min3A_1900 : vector<16xi32>
      %swap3A_2064 = arith.constant 2 : i32
      %swap3A_2065 = arith.index_cast %swap3A_2064 : i32 to index
      %swap3A_2066 = arith.constant 96 : index
      %swap3A_2067 = tpu.vector_load %arg12[%swap3A_2065, %swap3A_2066] {strides = array<i32>} : memref<8x128xi32, #tpu.memory_space<vmem>>, vector<16xi32>,
      tpu.vector_store %arg12[%swap3A_2065, %swap3A_2066], %add3A_2063 {strides = array<i32>} : memref<8x128xi32, #tpu.memory_space<vmem>>, vector<16xi32>,
      %add3A_2068 = arith.addi %add3A_2046, %min3A_1906 : vector<16xi32>
      %swap3A_2069 = arith.constant 3 : i32
      %swap3A_2070 = arith.index_cast %swap3A_2069 : i32 to index
      %swap3A_2071 = arith.constant 96 : index
      %swap3A_2072 = tpu.vector_load %arg12[%swap3A_2070, %swap3A_2071] {strides = array<i32>} : memref<8x128xi32, #tpu.memory_space<vmem>>, vector<16xi32>,
      tpu.vector_store %arg12[%swap3A_2070, %swap3A_2071], %add3A_2068 {strides = array<i32>} : memref<8x128xi32, #tpu.memory_space<vmem>>, vector<16xi32>,
      %add3A_2073 = arith.addi %add3A_2047, %min3A_1900 : vector<16xi32>
      %swap3A_2074 = arith.constant 4 : i32
      %swap3A_2075 = arith.index_cast %swap3A_2074 : i32 to index
      %swap3A_2076 = arith.constant 96 : index
      %swap3A_2077 = tpu.vector_load %arg12[%swap3A_2075, %swap3A_2076] {strides = array<i32>} : memref<8x128xi32, #tpu.memory_space<vmem>>, vector<16xi32>,
      tpu.vector_store %arg12[%swap3A_2075, %swap3A_2076], %add3A_2073 {strides = array<i32>} : memref<8x128xi32, #tpu.memory_space<vmem>>, vector<16xi32>,
      %add3A_2078 = arith.addi %add3A_2047, %min3A_1906 : vector<16xi32>
      %swap3A_2079 = arith.constant 5 : i32
      %swap3A_2080 = arith.index_cast %swap3A_2079 : i32 to index
      %swap3A_2081 = arith.constant 96 : index
      %swap3A_2082 = tpu.vector_load %arg12[%swap3A_2080, %swap3A_2081] {strides = array<i32>} : memref<8x128xi32, #tpu.memory_space<vmem>>, vector<16xi32>,
      tpu.vector_store %arg12[%swap3A_2080, %swap3A_2081], %add3A_2078 {strides = array<i32>} : memref<8x128xi32, #tpu.memory_space<vmem>>, vector<16xi32>,
      %add3A_2083 = arith.addi %add3A_2048, %min3A_1900 : vector<16xi32>
      %swap3A_2084 = arith.constant 6 : i32
      %swap3A_2085 = arith.index_cast %swap3A_2084 : i32 to index
      %swap3A_2086 = arith.constant 96 : index
      %swap3A_2087 = tpu.vector_load %arg12[%swap3A_2085, %swap3A_2086] {strides = array<i32>} : memref<8x128xi32, #tpu.memory_space<vmem>>, vector<16xi32>,
      tpu.vector_store %arg12[%swap3A_2085, %swap3A_2086], %add3A_2083 {strides = array<i32>} : memref<8x128xi32, #tpu.memory_space<vmem>>, vector<16xi32>,
      %add3A_2088 = arith.addi %add3A_2048, %min3A_1906 : vector<16xi32>
      %swap3A_2089 = arith.constant 7 : i32
      %swap3A_2090 = arith.index_cast %swap3A_2089 : i32 to index
      %swap3A_2091 = arith.constant 96 : index
      %swap3A_2092 = tpu.vector_load %arg12[%swap3A_2090, %swap3A_2091] {strides = array<i32>} : memref<8x128xi32, #tpu.memory_space<vmem>>, vector<16xi32>,
      tpu.vector_store %arg12[%swap3A_2090, %swap3A_2091], %add3A_2088 {strides = array<i32>} : memref<8x128xi32, #tpu.memory_space<vmem>>, vector<16xi32>,
      %mul3A_2093 = arith.mulf %mul3A_2049, %mul3A_1893 : vector<16xf32>
      %swap3A_2094 = arith.constant 0 : i32
      %swap3A_2095 = arith.index_cast %swap3A_2094 : i32 to index
      %swap3A_2096 = arith.constant 96 : index
      %swap3A_2097 = tpu.vector_load %arg13[%swap3A_2095, %swap3A_2096] {strides = array<i32>} : memref<8x128xf32, #tpu.memory_space<vmem>>, vector<16xf32>,
      tpu.vector_store %arg13[%swap3A_2095, %swap3A_2096], %mul3A_2093 {strides = array<i32>} : memref<8x128xf32, #tpu.memory_space<vmem>>, vector<16xf32>,
      %mul3A_2098 = arith.mulf %mul3A_2049, %mul3A_1894 : vector<16xf32>
      %swap3A_2099 = arith.constant 1 : i32
      %swap3A_2100 = arith.index_cast %swap3A_2099 : i32 to index
      %swap3A_2101 = arith.constant 96 : index
      %swap3A_2102 = tpu.vector_load %arg13[%swap3A_2100, %swap3A_2101] {strides = array<i32>} : memref<8x128xf32, #tpu.memory_space<vmem>>, vector<16xf32>,
      tpu.vector_store %arg13[%swap3A_2100, %swap3A_2101], %mul3A_2098 {strides = array<i32>} : memref<8x128xf32, #tpu.memory_space<vmem>>, vector<16xf32>,
      %mul3A_2103 = arith.mulf %mul3A_2050, %mul3A_1893 : vector<16xf32>
      %swap3A_2104 = arith.constant 2 : i32
      %swap3A_2105 = arith.index_cast %swap3A_2104 : i32 to index
      %swap3A_2106 = arith.constant 96 : index
      %swap3A_2107 = tpu.vector_load %arg13[%swap3A_2105, %swap3A_2106] {strides = array<i32>} : memref<8x128xf32, #tpu.memory_space<vmem>>, vector<16xf32>,
      tpu.vector_store %arg13[%swap3A_2105, %swap3A_2106], %mul3A_2103 {strides = array<i32>} : memref<8x128xf32, #tpu.memory_space<vmem>>, vector<16xf32>,
      %mul3A_2108 = arith.mulf %mul3A_2050, %mul3A_1894 : vector<16xf32>
      %swap3A_2109 = arith.constant 3 : i32
      %swap3A_2110 = arith.index_cast %swap3A_2109 : i32 to index
      %swap3A_2111 = arith.constant 96 : index
      %swap3A_2112 = tpu.vector_load %arg13[%swap3A_2110, %swap3A_2111] {strides = array<i32>} : memref<8x128xf32, #tpu.memory_space<vmem>>, vector<16xf32>,
      tpu.vector_store %arg13[%swap3A_2110, %swap3A_2111], %mul3A_2108 {strides = array<i32>} : memref<8x128xf32, #tpu.memory_space<vmem>>, vector<16xf32>,
      %mul3A_2113 = arith.mulf %mul3A_2051, %mul3A_1893 : vector<16xf32>
      %swap3A_2114 = arith.constant 4 : i32
      %swap3A_2115 = arith.index_cast %swap3A_2114 : i32 to index
      %swap3A_2116 = arith.constant 96 : index
      %swap3A_2117 = tpu.vector_load %arg13[%swap3A_2115, %swap3A_2116] {strides = array<i32>} : memref<8x128xf32, #tpu.memory_space<vmem>>, vector<16xf32>,
      tpu.vector_store %arg13[%swap3A_2115, %swap3A_2116], %mul3A_2113 {strides = array<i32>} : memref<8x128xf32, #tpu.memory_space<vmem>>, vector<16xf32>,
      %mul3A_2118 = arith.mulf %mul3A_2051, %mul3A_1894 : vector<16xf32>
      %swap3A_2119 = arith.constant 5 : i32
      %swap3A_2120 = arith.index_cast %swap3A_2119 : i32 to index
      %swap3A_2121 = arith.constant 96 : index
      %swap3A_2122 = tpu.vector_load %arg13[%swap3A_2120, %swap3A_2121] {strides = array<i32>} : memref<8x128xf32, #tpu.memory_space<vmem>>, vector<16xf32>,
      tpu.vector_store %arg13[%swap3A_2120, %swap3A_2121], %mul3A_2118 {strides = array<i32>} : memref<8x128xf32, #tpu.memory_space<vmem>>, vector<16xf32>,
      %mul3A_2123 = arith.mulf %mul3A_2052, %mul3A_1893 : vector<16xf32>
      %swap3A_2124 = arith.constant 6 : i32
      %swap3A_2125 = arith.index_cast %swap3A_2124 : i32 to index
      %swap3A_2126 = arith.constant 96 : index
      %swap3A_2127 = tpu.vector_load %arg13[%swap3A_2125, %swap3A_2126] {strides = array<i32>} : memref<8x128xf32, #tpu.memory_space<vmem>>, vector<16xf32>,
      tpu.vector_store %arg13[%swap3A_2125, %swap3A_2126], %mul3A_2123 {strides = array<i32>} : memref<8x128xf32, #tpu.memory_space<vmem>>, vector<16xf32>,
      %mul3A_2128 = arith.mulf %mul3A_2052, %mul3A_1894 : vector<16xf32>
      %swap3A_2129 = arith.constant 7 : i32
      %swap3A_2130 = arith.index_cast %swap3A_2129 : i32 to index
      %swap3A_2131 = arith.constant 96 : index
      %swap3A_2132 = tpu.vector_load %arg13[%swap3A_2130, %swap3A_2131] {strides = array<i32>} : memref<8x128xf32, #tpu.memory_space<vmem>>, vector<16xf32>,
      tpu.vector_store %arg13[%swap3A_2130, %swap3A_2131], %mul3A_2128 {strides = array<i32>} : memref<8x128xf32, #tpu.memory_space<vmem>>, vector<16xf32>,
      %get3A_2133 = arith.constant 0 : i32
      %get3A_2134 = arith.index_cast %get3A_2133 : i32 to index
      %get3A_2135 = arith.constant 112 : index
      %get3A_2136 = tpu.vector_load %arg11[%get3A_2134, %get3A_2135] {strides = array<i32>} : memref<3x128xf32, #tpu.memory_space<vmem>>, vector<16xf32>,
      %get3A_2137 = arith.constant 1 : i32
      %get3A_2138 = arith.index_cast %get3A_2137 : i32 to index
      %get3A_2139 = arith.constant 112 : index
      %get3A_2140 = tpu.vector_load %arg11[%get3A_2138, %get3A_2139] {strides = array<i32>} : memref<3x128xf32, #tpu.memory_space<vmem>>, vector<16xf32>,
      %get3A_2141 = arith.constant 2 : i32
      %get3A_2142 = arith.index_cast %get3A_2141 : i32 to index
      %get3A_2143 = arith.constant 112 : index
      %get3A_2144 = tpu.vector_load %arg11[%get3A_2142, %get3A_2143] {strides = array<i32>} : memref<3x128xf32, #tpu.memory_space<vmem>>, vector<16xf32>,
      %mul3A_2145 = vector.broadcast %squeeze3A : f32 to vector<16xf32>
      %mul3A_2146 = arith.mulf %get3A_2136, %mul3A_2145 : vector<16xf32>
      %add3A_2147 = vector.broadcast %squeeze3A_9 : f32 to vector<16xf32>
      %add3A_2148 = arith.addf %mul3A_2146, %add3A_2147 : vector<16xf32>
      %jit3A_2149 = arith.constant -1.500000e+00 : f32
      %jit3A_2150 = arith.constant 9.650000e+01 : f32
      %max3A_2151 = vector.broadcast %jit3A_2149 : f32 to vector<16xf32>
      %max3A_2152 = arith.maximumf %max3A_2151, %add3A_2148 : vector<16xf32>
      %min3A_2153 = vector.broadcast %jit3A_2150 : f32 to vector<16xf32>
      %min3A_2154 = arith.minimumf %min3A_2153, %max3A_2152 : vector<16xf32>
      %convert_element_type3A_2155 = arith.fptosi %min3A_2154 : vector<16xf32> to vector<16xi32>
      %convert_element_type3A_2156 = arith.sitofp %convert_element_type3A_2155 : vector<16xi32> to vector<16xf32>
      %gt3A_2157 = arith.cmpf ogt, %convert_element_type3A_2156, %min3A_2154 : vector<16xf32>
      %sub3A_2158 = arith.constant 1 : i32
      %sub3A_2159 = vector.broadcast %sub3A_2158 : i32 to vector<16xi32>
      %sub3A_2160 = arith.subi %convert_element_type3A_2155, %sub3A_2159 : vector<16xi32>
      %select_n3A_2161 = arith.select %gt3A_2157, %sub3A_2160, %convert_element_type3A_2155 : vector<16xi1>, vector<16xi32>
      %convert_element_type3A_2162 = arith.sitofp %select_n3A_2161 : vector<16xi32> to vector<16xf32>
      %sub3A_2163 = arith.subf %min3A_2154, %convert_element_type3A_2162 : vector<16xf32>
      %sub3A_2164 = arith.constant 1.000000e+00 : f32
      %sub3A_2165 = vector.broadcast %sub3A_2164 : f32 to vector<16xf32>
      %sub3A_2166 = arith.subf %sub3A_2165, %sub3A_2163 : vector<16xf32>
      %add3A_2167 = arith.constant 1 : i32
      %add3A_2168 = vector.broadcast %add3A_2167 : i32 to vector<16xi32>
      %add3A_2169 = arith.addi %select_n3A_2161, %add3A_2168 : vector<16xi32>
      %ge3A_2170 = arith.constant 0 : i32
      %ge3A_2171 = vector.broadcast %ge3A_2170 : i32 to vector<16xi32>
      %ge3A_2172 = arith.cmpi sge, %select_n3A_2161, %ge3A_2171 : vector<16xi32>
      %lt3A_2173 = arith.constant 96 : i32
      %lt3A_2174 = vector.broadcast %lt3A_2173 : i32 to vector<16xi32>
      %lt3A_2175 = arith.cmpi slt, %select_n3A_2161, %lt3A_2174 : vector<16xi32>
      %and3A_2176 = arith.andi %ge3A_2172, %lt3A_2175 : vector<16xi1>
      %jit3A_2177 = arith.constant 1.000000e+00 : f32
      %jit3A_2178 = arith.constant 0.000000e+00 : f32
      %broadcast_in_dim3A_2179 = vector.broadcast %jit3A_2177 : f32 to vector<16xf32>
      %broadcast_in_dim3A_2180 = vector.broadcast %jit3A_2178 : f32 to vector<16xf32>
      %select_n3A_2181 = arith.select %and3A_2176, %broadcast_in_dim3A_2179, %broadcast_in_dim3A_2180 : vector<16xi1>, vector<16xf32>
      %ge3A_2182 = arith.constant 0 : i32
      %ge3A_2183 = vector.broadcast %ge3A_2182 : i32 to vector<16xi32>
      %ge3A_2184 = arith.cmpi sge, %add3A_2169, %ge3A_2183 : vector<16xi32>
      %lt3A_2185 = arith.constant 96 : i32
      %lt3A_2186 = vector.broadcast %lt3A_2185 : i32 to vector<16xi32>
      %lt3A_2187 = arith.cmpi slt, %add3A_2169, %lt3A_2186 : vector<16xi32>
      %and3A_2188 = arith.andi %ge3A_2184, %lt3A_2187 : vector<16xi1>
      %jit3A_2189 = arith.constant 1.000000e+00 : f32
      %jit3A_2190 = arith.constant 0.000000e+00 : f32
      %broadcast_in_dim3A_2191 = vector.broadcast %jit3A_2189 : f32 to vector<16xf32>
      %broadcast_in_dim3A_2192 = vector.broadcast %jit3A_2190 : f32 to vector<16xf32>
      %select_n3A_2193 = arith.select %and3A_2188, %broadcast_in_dim3A_2191, %broadcast_in_dim3A_2192 : vector<16xi1>, vector<16xf32>
      %mul3A_2194 = arith.mulf %sub3A_2166, %select_n3A_2181 : vector<16xf32>
      %mul3A_2195 = arith.mulf %sub3A_2163, %select_n3A_2193 : vector<16xf32>
      %jit3A_2196 = arith.constant 0 : i32
      %jit3A_2197 = arith.constant 95 : i32
      %max3A_2198 = vector.broadcast %jit3A_2196 : i32 to vector<16xi32>
      %max3A_2199 = arith.maxsi %max3A_2198, %select_n3A_2161 : vector<16xi32>
      %min3A_2200 = vector.broadcast %jit3A_2197 : i32 to vector<16xi32>
      %min3A_2201 = arith.minsi %min3A_2200, %max3A_2199 : vector<16xi32>
      %jit3A_2202 = arith.constant 0 : i32
      %jit3A_2203 = arith.constant 95 : i32
      %max3A_2204 = vector.broadcast %jit3A_2202 : i32 to vector<16xi32>
      %max3A_2205 = arith.maxsi %max3A_2204, %add3A_2169 : vector<16xi32>
      %min3A_2206 = vector.broadcast %jit3A_2203 : i32 to vector<16xi32>
      %min3A_2207 = arith.minsi %min3A_2206, %max3A_2205 : vector<16xi32>
      %mul3A_2208 = vector.broadcast %squeeze3A_13 : f32 to vector<16xf32>
      %mul3A_2209 = arith.mulf %get3A_2140, %mul3A_2208 : vector<16xf32>
      %add3A_2210 = vector.broadcast %squeeze3A_17 : f32 to vector<16xf32>
      %add3A_2211 = arith.addf %mul3A_2209, %add3A_2210 : vector<16xf32>
      %jit3A_2212 = arith.constant -1.500000e+00 : f32
      %jit3A_2213 = arith.constant 9.650000e+01 : f32
      %max3A_2214 = vector.broadcast %jit3A_2212 : f32 to vector<16xf32>
      %max3A_2215 = arith.maximumf %max3A_2214, %add3A_2211 : vector<16xf32>
      %min3A_2216 = vector.broadcast %jit3A_2213 : f32 to vector<16xf32>
      %min3A_2217 = arith.minimumf %min3A_2216, %max3A_2215 : vector<16xf32>
      %convert_element_type3A_2218 = arith.fptosi %min3A_2217 : vector<16xf32> to vector<16xi32>
      %convert_element_type3A_2219 = arith.sitofp %convert_element_type3A_2218 : vector<16xi32> to vector<16xf32>
      %gt3A_2220 = arith.cmpf ogt, %convert_element_type3A_2219, %min3A_2217 : vector<16xf32>
      %sub3A_2221 = arith.constant 1 : i32
      %sub3A_2222 = vector.broadcast %sub3A_2221 : i32 to vector<16xi32>
      %sub3A_2223 = arith.subi %convert_element_type3A_2218, %sub3A_2222 : vector<16xi32>
      %select_n3A_2224 = arith.select %gt3A_2220, %sub3A_2223, %convert_element_type3A_2218 : vector<16xi1>, vector<16xi32>
      %convert_element_type3A_2225 = arith.sitofp %select_n3A_2224 : vector<16xi32> to vector<16xf32>
      %sub3A_2226 = arith.subf %min3A_2217, %convert_element_type3A_2225 : vector<16xf32>
      %sub3A_2227 = arith.constant 1.000000e+00 : f32
      %sub3A_2228 = vector.broadcast %sub3A_2227 : f32 to vector<16xf32>
      %sub3A_2229 = arith.subf %sub3A_2228, %sub3A_2226 : vector<16xf32>
      %add3A_2230 = arith.constant 1 : i32
      %add3A_2231 = vector.broadcast %add3A_2230 : i32 to vector<16xi32>
      %add3A_2232 = arith.addi %select_n3A_2224, %add3A_2231 : vector<16xi32>
      %ge3A_2233 = arith.constant 0 : i32
      %ge3A_2234 = vector.broadcast %ge3A_2233 : i32 to vector<16xi32>
      %ge3A_2235 = arith.cmpi sge, %select_n3A_2224, %ge3A_2234 : vector<16xi32>
      %lt3A_2236 = arith.constant 96 : i32
      %lt3A_2237 = vector.broadcast %lt3A_2236 : i32 to vector<16xi32>
      %lt3A_2238 = arith.cmpi slt, %select_n3A_2224, %lt3A_2237 : vector<16xi32>
      %and3A_2239 = arith.andi %ge3A_2235, %lt3A_2238 : vector<16xi1>
      %jit3A_2240 = arith.constant 1.000000e+00 : f32
      %jit3A_2241 = arith.constant 0.000000e+00 : f32
      %broadcast_in_dim3A_2242 = vector.broadcast %jit3A_2240 : f32 to vector<16xf32>
      %broadcast_in_dim3A_2243 = vector.broadcast %jit3A_2241 : f32 to vector<16xf32>
      %select_n3A_2244 = arith.select %and3A_2239, %broadcast_in_dim3A_2242, %broadcast_in_dim3A_2243 : vector<16xi1>, vector<16xf32>
      %ge3A_2245 = arith.constant 0 : i32
      %ge3A_2246 = vector.broadcast %ge3A_2245 : i32 to vector<16xi32>
      %ge3A_2247 = arith.cmpi sge, %add3A_2232, %ge3A_2246 : vector<16xi32>
      %lt3A_2248 = arith.constant 96 : i32
      %lt3A_2249 = vector.broadcast %lt3A_2248 : i32 to vector<16xi32>
      %lt3A_2250 = arith.cmpi slt, %add3A_2232, %lt3A_2249 : vector<16xi32>
      %and3A_2251 = arith.andi %ge3A_2247, %lt3A_2250 : vector<16xi1>
      %jit3A_2252 = arith.constant 1.000000e+00 : f32
      %jit3A_2253 = arith.constant 0.000000e+00 : f32
      %broadcast_in_dim3A_2254 = vector.broadcast %jit3A_2252 : f32 to vector<16xf32>
      %broadcast_in_dim3A_2255 = vector.broadcast %jit3A_2253 : f32 to vector<16xf32>
      %select_n3A_2256 = arith.select %and3A_2251, %broadcast_in_dim3A_2254, %broadcast_in_dim3A_2255 : vector<16xi1>, vector<16xf32>
      %mul3A_2257 = arith.mulf %sub3A_2229, %select_n3A_2244 : vector<16xf32>
      %mul3A_2258 = arith.mulf %sub3A_2226, %select_n3A_2256 : vector<16xf32>
      %jit3A_2259 = arith.constant 0 : i32
      %jit3A_2260 = arith.constant 95 : i32
      %max3A_2261 = vector.broadcast %jit3A_2259 : i32 to vector<16xi32>
      %max3A_2262 = arith.maxsi %max3A_2261, %select_n3A_2224 : vector<16xi32>
      %min3A_2263 = vector.broadcast %jit3A_2260 : i32 to vector<16xi32>
      %min3A_2264 = arith.minsi %min3A_2263, %max3A_2262 : vector<16xi32>
      %jit3A_2265 = arith.constant 0 : i32
      %jit3A_2266 = arith.constant 95 : i32
      %max3A_2267 = vector.broadcast %jit3A_2265 : i32 to vector<16xi32>
      %max3A_2268 = arith.maxsi %max3A_2267, %add3A_2232 : vector<16xi32>
      %min3A_2269 = vector.broadcast %jit3A_2266 : i32 to vector<16xi32>
      %min3A_2270 = arith.minsi %min3A_2269, %max3A_2268 : vector<16xi32>
      %mul3A_2271 = vector.broadcast %squeeze3A_21 : f32 to vector<16xf32>
      %mul3A_2272 = arith.mulf %get3A_2144, %mul3A_2271 : vector<16xf32>
      %add3A_2273 = vector.broadcast %squeeze3A_25 : f32 to vector<16xf32>
      %add3A_2274 = arith.addf %mul3A_2272, %add3A_2273 : vector<16xf32>
      %jit3A_2275 = arith.constant -1.500000e+00 : f32
      %jit3A_2276 = arith.constant 9.650000e+01 : f32
      %max3A_2277 = vector.broadcast %jit3A_2275 : f32 to vector<16xf32>
      %max3A_2278 = arith.maximumf %max3A_2277, %add3A_2274 : vector<16xf32>
      %min3A_2279 = vector.broadcast %jit3A_2276 : f32 to vector<16xf32>
      %min3A_2280 = arith.minimumf %min3A_2279, %max3A_2278 : vector<16xf32>
      %convert_element_type3A_2281 = arith.fptosi %min3A_2280 : vector<16xf32> to vector<16xi32>
      %convert_element_type3A_2282 = arith.sitofp %convert_element_type3A_2281 : vector<16xi32> to vector<16xf32>
      %gt3A_2283 = arith.cmpf ogt, %convert_element_type3A_2282, %min3A_2280 : vector<16xf32>
      %sub3A_2284 = arith.constant 1 : i32
      %sub3A_2285 = vector.broadcast %sub3A_2284 : i32 to vector<16xi32>
      %sub3A_2286 = arith.subi %convert_element_type3A_2281, %sub3A_2285 : vector<16xi32>
      %select_n3A_2287 = arith.select %gt3A_2283, %sub3A_2286, %convert_element_type3A_2281 : vector<16xi1>, vector<16xi32>
      %convert_element_type3A_2288 = arith.sitofp %select_n3A_2287 : vector<16xi32> to vector<16xf32>
      %sub3A_2289 = arith.subf %min3A_2280, %convert_element_type3A_2288 : vector<16xf32>
      %sub3A_2290 = arith.constant 1.000000e+00 : f32
      %sub3A_2291 = vector.broadcast %sub3A_2290 : f32 to vector<16xf32>
      %sub3A_2292 = arith.subf %sub3A_2291, %sub3A_2289 : vector<16xf32>
      %add3A_2293 = arith.constant 1 : i32
      %add3A_2294 = vector.broadcast %add3A_2293 : i32 to vector<16xi32>
      %add3A_2295 = arith.addi %select_n3A_2287, %add3A_2294 : vector<16xi32>
      %ge3A_2296 = arith.constant 0 : i32
      %ge3A_2297 = vector.broadcast %ge3A_2296 : i32 to vector<16xi32>
      %ge3A_2298 = arith.cmpi sge, %select_n3A_2287, %ge3A_2297 : vector<16xi32>
      %lt3A_2299 = arith.constant 96 : i32
      %lt3A_2300 = vector.broadcast %lt3A_2299 : i32 to vector<16xi32>
      %lt3A_2301 = arith.cmpi slt, %select_n3A_2287, %lt3A_2300 : vector<16xi32>
      %and3A_2302 = arith.andi %ge3A_2298, %lt3A_2301 : vector<16xi1>
      %jit3A_2303 = arith.constant 1.000000e+00 : f32
      %jit3A_2304 = arith.constant 0.000000e+00 : f32
      %broadcast_in_dim3A_2305 = vector.broadcast %jit3A_2303 : f32 to vector<16xf32>
      %broadcast_in_dim3A_2306 = vector.broadcast %jit3A_2304 : f32 to vector<16xf32>
      %select_n3A_2307 = arith.select %and3A_2302, %broadcast_in_dim3A_2305, %broadcast_in_dim3A_2306 : vector<16xi1>, vector<16xf32>
      %ge3A_2308 = arith.constant 0 : i32
      %ge3A_2309 = vector.broadcast %ge3A_2308 : i32 to vector<16xi32>
      %ge3A_2310 = arith.cmpi sge, %add3A_2295, %ge3A_2309 : vector<16xi32>
      %lt3A_2311 = arith.constant 96 : i32
      %lt3A_2312 = vector.broadcast %lt3A_2311 : i32 to vector<16xi32>
      %lt3A_2313 = arith.cmpi slt, %add3A_2295, %lt3A_2312 : vector<16xi32>
      %and3A_2314 = arith.andi %ge3A_2310, %lt3A_2313 : vector<16xi1>
      %jit3A_2315 = arith.constant 1.000000e+00 : f32
      %jit3A_2316 = arith.constant 0.000000e+00 : f32
      %broadcast_in_dim3A_2317 = vector.broadcast %jit3A_2315 : f32 to vector<16xf32>
      %broadcast_in_dim3A_2318 = vector.broadcast %jit3A_2316 : f32 to vector<16xf32>
      %select_n3A_2319 = arith.select %and3A_2314, %broadcast_in_dim3A_2317, %broadcast_in_dim3A_2318 : vector<16xi1>, vector<16xf32>
      %mul3A_2320 = arith.mulf %sub3A_2292, %select_n3A_2307 : vector<16xf32>
      %mul3A_2321 = arith.mulf %sub3A_2289, %select_n3A_2319 : vector<16xf32>
      %jit3A_2322 = arith.constant 0 : i32
      %jit3A_2323 = arith.constant 95 : i32
      %max3A_2324 = vector.broadcast %jit3A_2322 : i32 to vector<16xi32>
      %max3A_2325 = arith.maxsi %max3A_2324, %select_n3A_2287 : vector<16xi32>
      %min3A_2326 = vector.broadcast %jit3A_2323 : i32 to vector<16xi32>
      %min3A_2327 = arith.minsi %min3A_2326, %max3A_2325 : vector<16xi32>
      %jit3A_2328 = arith.constant 0 : i32
      %jit3A_2329 = arith.constant 95 : i32
      %max3A_2330 = vector.broadcast %jit3A_2328 : i32 to vector<16xi32>
      %max3A_2331 = arith.maxsi %max3A_2330, %add3A_2295 : vector<16xi32>
      %min3A_2332 = vector.broadcast %jit3A_2329 : i32 to vector<16xi32>
      %min3A_2333 = arith.minsi %min3A_2332, %max3A_2331 : vector<16xi32>
      %mul3A_2334 = arith.constant 9216 : i32
      %mul3A_2335 = vector.broadcast %mul3A_2334 : i32 to vector<16xi32>
      %mul3A_2336 = arith.muli %min3A_2327, %mul3A_2335 : vector<16xi32>
      %mul3A_2337 = arith.constant 9216 : i32
      %mul3A_2338 = vector.broadcast %mul3A_2337 : i32 to vector<16xi32>
      %mul3A_2339 = arith.muli %min3A_2333, %mul3A_2338 : vector<16xi32>
      %mul3A_2340 = arith.constant 96 : i32
      %mul3A_2341 = vector.broadcast %mul3A_2340 : i32 to vector<16xi32>
      %mul3A_2342 = arith.muli %min3A_2264, %mul3A_2341 : vector<16xi32>
      %mul3A_2343 = arith.constant 96 : i32
      %mul3A_2344 = vector.broadcast %mul3A_2343 : i32 to vector<16xi32>
      %mul3A_2345 = arith.muli %min3A_2270, %mul3A_2344 : vector<16xi32>
      %add3A_2346 = arith.addi %mul3A_2336, %mul3A_2342 : vector<16xi32>
      %add3A_2347 = arith.addi %mul3A_2336, %mul3A_2345 : vector<16xi32>
      %add3A_2348 = arith.addi %mul3A_2339, %mul3A_2342 : vector<16xi32>
      %add3A_2349 = arith.addi %mul3A_2339, %mul3A_2345 : vector<16xi32>
      %mul3A_2350 = arith.mulf %mul3A_2320, %mul3A_2257 : vector<16xf32>
      %mul3A_2351 = arith.mulf %mul3A_2320, %mul3A_2258 : vector<16xf32>
      %mul3A_2352 = arith.mulf %mul3A_2321, %mul3A_2257 : vector<16xf32>
      %mul3A_2353 = arith.mulf %mul3A_2321, %mul3A_2258 : vector<16xf32>
      %add3A_2354 = arith.addi %add3A_2346, %min3A_2201 : vector<16xi32>
      %swap3A_2355 = arith.constant 0 : i32
      %swap3A_2356 = arith.index_cast %swap3A_2355 : i32 to index
      %swap3A_2357 = arith.constant 112 : index
      %swap3A_2358 = tpu.vector_load %arg12[%swap3A_2356, %swap3A_2357] {strides = array<i32>} : memref<8x128xi32, #tpu.memory_space<vmem>>, vector<16xi32>,
      tpu.vector_store %arg12[%swap3A_2356, %swap3A_2357], %add3A_2354 {strides = array<i32>} : memref<8x128xi32, #tpu.memory_space<vmem>>, vector<16xi32>,
      %add3A_2359 = arith.addi %add3A_2346, %min3A_2207 : vector<16xi32>
      %swap3A_2360 = arith.constant 1 : i32
      %swap3A_2361 = arith.index_cast %swap3A_2360 : i32 to index
      %swap3A_2362 = arith.constant 112 : index
      %swap3A_2363 = tpu.vector_load %arg12[%swap3A_2361, %swap3A_2362] {strides = array<i32>} : memref<8x128xi32, #tpu.memory_space<vmem>>, vector<16xi32>,
      tpu.vector_store %arg12[%swap3A_2361, %swap3A_2362], %add3A_2359 {strides = array<i32>} : memref<8x128xi32, #tpu.memory_space<vmem>>, vector<16xi32>,
      %add3A_2364 = arith.addi %add3A_2347, %min3A_2201 : vector<16xi32>
      %swap3A_2365 = arith.constant 2 : i32
      %swap3A_2366 = arith.index_cast %swap3A_2365 : i32 to index
      %swap3A_2367 = arith.constant 112 : index
      %swap3A_2368 = tpu.vector_load %arg12[%swap3A_2366, %swap3A_2367] {strides = array<i32>} : memref<8x128xi32, #tpu.memory_space<vmem>>, vector<16xi32>,
      tpu.vector_store %arg12[%swap3A_2366, %swap3A_2367], %add3A_2364 {strides = array<i32>} : memref<8x128xi32, #tpu.memory_space<vmem>>, vector<16xi32>,
      %add3A_2369 = arith.addi %add3A_2347, %min3A_2207 : vector<16xi32>
      %swap3A_2370 = arith.constant 3 : i32
      %swap3A_2371 = arith.index_cast %swap3A_2370 : i32 to index
      %swap3A_2372 = arith.constant 112 : index
      %swap3A_2373 = tpu.vector_load %arg12[%swap3A_2371, %swap3A_2372] {strides = array<i32>} : memref<8x128xi32, #tpu.memory_space<vmem>>, vector<16xi32>,
      tpu.vector_store %arg12[%swap3A_2371, %swap3A_2372], %add3A_2369 {strides = array<i32>} : memref<8x128xi32, #tpu.memory_space<vmem>>, vector<16xi32>,
      %add3A_2374 = arith.addi %add3A_2348, %min3A_2201 : vector<16xi32>
      %swap3A_2375 = arith.constant 4 : i32
      %swap3A_2376 = arith.index_cast %swap3A_2375 : i32 to index
      %swap3A_2377 = arith.constant 112 : index
      %swap3A_2378 = tpu.vector_load %arg12[%swap3A_2376, %swap3A_2377] {strides = array<i32>} : memref<8x128xi32, #tpu.memory_space<vmem>>, vector<16xi32>,
      tpu.vector_store %arg12[%swap3A_2376, %swap3A_2377], %add3A_2374 {strides = array<i32>} : memref<8x128xi32, #tpu.memory_space<vmem>>, vector<16xi32>,
      %add3A_2379 = arith.addi %add3A_2348, %min3A_2207 : vector<16xi32>
      %swap3A_2380 = arith.constant 5 : i32
      %swap3A_2381 = arith.index_cast %swap3A_2380 : i32 to index
      %swap3A_2382 = arith.constant 112 : index
      %swap3A_2383 = tpu.vector_load %arg12[%swap3A_2381, %swap3A_2382] {strides = array<i32>} : memref<8x128xi32, #tpu.memory_space<vmem>>, vector<16xi32>,
      tpu.vector_store %arg12[%swap3A_2381, %swap3A_2382], %add3A_2379 {strides = array<i32>} : memref<8x128xi32, #tpu.memory_space<vmem>>, vector<16xi32>,
      %add3A_2384 = arith.addi %add3A_2349, %min3A_2201 : vector<16xi32>
      %swap3A_2385 = arith.constant 6 : i32
      %swap3A_2386 = arith.index_cast %swap3A_2385 : i32 to index
      %swap3A_2387 = arith.constant 112 : index
      %swap3A_2388 = tpu.vector_load %arg12[%swap3A_2386, %swap3A_2387] {strides = array<i32>} : memref<8x128xi32, #tpu.memory_space<vmem>>, vector<16xi32>,
      tpu.vector_store %arg12[%swap3A_2386, %swap3A_2387], %add3A_2384 {strides = array<i32>} : memref<8x128xi32, #tpu.memory_space<vmem>>, vector<16xi32>,
      %add3A_2389 = arith.addi %add3A_2349, %min3A_2207 : vector<16xi32>
      %swap3A_2390 = arith.constant 7 : i32
      %swap3A_2391 = arith.index_cast %swap3A_2390 : i32 to index
      %swap3A_2392 = arith.constant 112 : index
      %swap3A_2393 = tpu.vector_load %arg12[%swap3A_2391, %swap3A_2392] {strides = array<i32>} : memref<8x128xi32, #tpu.memory_space<vmem>>, vector<16xi32>,
      tpu.vector_store %arg12[%swap3A_2391, %swap3A_2392], %add3A_2389 {strides = array<i32>} : memref<8x128xi32, #tpu.memory_space<vmem>>, vector<16xi32>,
      %mul3A_2394 = arith.mulf %mul3A_2350, %mul3A_2194 : vector<16xf32>
      %swap3A_2395 = arith.constant 0 : i32
      %swap3A_2396 = arith.index_cast %swap3A_2395 : i32 to index
      %swap3A_2397 = arith.constant 112 : index
      %swap3A_2398 = tpu.vector_load %arg13[%swap3A_2396, %swap3A_2397] {strides = array<i32>} : memref<8x128xf32, #tpu.memory_space<vmem>>, vector<16xf32>,
      tpu.vector_store %arg13[%swap3A_2396, %swap3A_2397], %mul3A_2394 {strides = array<i32>} : memref<8x128xf32, #tpu.memory_space<vmem>>, vector<16xf32>,
      %mul3A_2399 = arith.mulf %mul3A_2350, %mul3A_2195 : vector<16xf32>
      %swap3A_2400 = arith.constant 1 : i32
      %swap3A_2401 = arith.index_cast %swap3A_2400 : i32 to index
      %swap3A_2402 = arith.constant 112 : index
      %swap3A_2403 = tpu.vector_load %arg13[%swap3A_2401, %swap3A_2402] {strides = array<i32>} : memref<8x128xf32, #tpu.memory_space<vmem>>, vector<16xf32>,
      tpu.vector_store %arg13[%swap3A_2401, %swap3A_2402], %mul3A_2399 {strides = array<i32>} : memref<8x128xf32, #tpu.memory_space<vmem>>, vector<16xf32>,
      %mul3A_2404 = arith.mulf %mul3A_2351, %mul3A_2194 : vector<16xf32>
      %swap3A_2405 = arith.constant 2 : i32
      %swap3A_2406 = arith.index_cast %swap3A_2405 : i32 to index
      %swap3A_2407 = arith.constant 112 : index
      %swap3A_2408 = tpu.vector_load %arg13[%swap3A_2406, %swap3A_2407] {strides = array<i32>} : memref<8x128xf32, #tpu.memory_space<vmem>>, vector<16xf32>,
      tpu.vector_store %arg13[%swap3A_2406, %swap3A_2407], %mul3A_2404 {strides = array<i32>} : memref<8x128xf32, #tpu.memory_space<vmem>>, vector<16xf32>,
      %mul3A_2409 = arith.mulf %mul3A_2351, %mul3A_2195 : vector<16xf32>
      %swap3A_2410 = arith.constant 3 : i32
      %swap3A_2411 = arith.index_cast %swap3A_2410 : i32 to index
      %swap3A_2412 = arith.constant 112 : index
      %swap3A_2413 = tpu.vector_load %arg13[%swap3A_2411, %swap3A_2412] {strides = array<i32>} : memref<8x128xf32, #tpu.memory_space<vmem>>, vector<16xf32>,
      tpu.vector_store %arg13[%swap3A_2411, %swap3A_2412], %mul3A_2409 {strides = array<i32>} : memref<8x128xf32, #tpu.memory_space<vmem>>, vector<16xf32>,
      %mul3A_2414 = arith.mulf %mul3A_2352, %mul3A_2194 : vector<16xf32>
      %swap3A_2415 = arith.constant 4 : i32
      %swap3A_2416 = arith.index_cast %swap3A_2415 : i32 to index
      %swap3A_2417 = arith.constant 112 : index
      %swap3A_2418 = tpu.vector_load %arg13[%swap3A_2416, %swap3A_2417] {strides = array<i32>} : memref<8x128xf32, #tpu.memory_space<vmem>>, vector<16xf32>,
      tpu.vector_store %arg13[%swap3A_2416, %swap3A_2417], %mul3A_2414 {strides = array<i32>} : memref<8x128xf32, #tpu.memory_space<vmem>>, vector<16xf32>,
      %mul3A_2419 = arith.mulf %mul3A_2352, %mul3A_2195 : vector<16xf32>
      %swap3A_2420 = arith.constant 5 : i32
      %swap3A_2421 = arith.index_cast %swap3A_2420 : i32 to index
      %swap3A_2422 = arith.constant 112 : index
      %swap3A_2423 = tpu.vector_load %arg13[%swap3A_2421, %swap3A_2422] {strides = array<i32>} : memref<8x128xf32, #tpu.memory_space<vmem>>, vector<16xf32>,
      tpu.vector_store %arg13[%swap3A_2421, %swap3A_2422], %mul3A_2419 {strides = array<i32>} : memref<8x128xf32, #tpu.memory_space<vmem>>, vector<16xf32>,
      %mul3A_2424 = arith.mulf %mul3A_2353, %mul3A_2194 : vector<16xf32>
      %swap3A_2425 = arith.constant 6 : i32
      %swap3A_2426 = arith.index_cast %swap3A_2425 : i32 to index
      %swap3A_2427 = arith.constant 112 : index
      %swap3A_2428 = tpu.vector_load %arg13[%swap3A_2426, %swap3A_2427] {strides = array<i32>} : memref<8x128xf32, #tpu.memory_space<vmem>>, vector<16xf32>,
      tpu.vector_store %arg13[%swap3A_2426, %swap3A_2427], %mul3A_2424 {strides = array<i32>} : memref<8x128xf32, #tpu.memory_space<vmem>>, vector<16xf32>,
      %mul3A_2429 = arith.mulf %mul3A_2353, %mul3A_2195 : vector<16xf32>
      %swap3A_2430 = arith.constant 7 : i32
      %swap3A_2431 = arith.index_cast %swap3A_2430 : i32 to index
      %swap3A_2432 = arith.constant 112 : index
      %swap3A_2433 = tpu.vector_load %arg13[%swap3A_2431, %swap3A_2432] {strides = array<i32>} : memref<8x128xf32, #tpu.memory_space<vmem>>, vector<16xf32>,
      tpu.vector_store %arg13[%swap3A_2431, %swap3A_2432], %mul3A_2429 {strides = array<i32>} : memref<8x128xf32, #tpu.memory_space<vmem>>, vector<16xf32>,
      %dma_start3A = arith.constant 0 : i32
      %dma_start3A_2434 = arith.constant 0 : i32
      %dma_start3A_2435 = arith.constant 0 : i32
      %dma_start3A_2436 = tpu.memref_slice %arg14[%dma_start3A_2434, %dma_start3A_2435] : memref<1024x32xf32, #tpu.memory_space<vmem>> -> memref<128x32xf32, #tpu.memory_space<vmem>>
      %dma_start3A_2437 = arith.constant 0 : i32
      %dma_start3A_2438 = tpu.memref_slice %arg12[%dma_start3A, %dma_start3A_2437] : memref<8x128xi32, #tpu.memory_space<vmem>> -> memref<1x128xi32, #tpu.memory_space<vmem>>
      %dma_start3A_2439 = tpu.memref_squeeze %dma_start3A_2438 : memref<1x128xi32, #tpu.memory_space<vmem>> -> memref<128xi32, #tpu.memory_space<vmem>>
      %dma_start3A_2440 = arith.constant 0 : i32
      %dma_start3A_2441 = arith.constant 0 : i32
      %dma_start3A_2442 = tpu.memref_slice %arg2[%dma_start3A_2440, %dma_start3A_2441] : memref<884736x32xf32, #tpu.memory_space<hbm>> -> memref<884736x32xf32, #tpu.memory_space<hbm>>
      tpu.enqueue_indirect_dma source(%dma_start3A_2442 : memref<884736x32xf32, #tpu.memory_space<hbm>>) target(%dma_start3A_2436 : memref<128x32xf32, #tpu.memory_space<vmem>>) offsets(%dma_start3A_2439 : memref<128xi32, #tpu.memory_space<vmem>>) semaphore(%arg16 : memref<!tpu.dma_semaphore, #tpu.memory_space<semaphore_mem>>)
      %dma_start3A_2443 = arith.constant 1 : i32
      %dma_start3A_2444 = arith.constant 128 : i32
      %dma_start3A_2445 = arith.constant 0 : i32
      %dma_start3A_2446 = tpu.memref_slice %arg14[%dma_start3A_2444, %dma_start3A_2445] : memref<1024x32xf32, #tpu.memory_space<vmem>> -> memref<128x32xf32, #tpu.memory_space<vmem>>
      %dma_start3A_2447 = arith.constant 0 : i32
      %dma_start3A_2448 = tpu.memref_slice %arg12[%dma_start3A_2443, %dma_start3A_2447] : memref<8x128xi32, #tpu.memory_space<vmem>> -> memref<1x128xi32, #tpu.memory_space<vmem>>
      %dma_start3A_2449 = tpu.memref_squeeze %dma_start3A_2448 : memref<1x128xi32, #tpu.memory_space<vmem>> -> memref<128xi32, #tpu.memory_space<vmem>>
      %dma_start3A_2450 = arith.constant 0 : i32
      %dma_start3A_2451 = arith.constant 0 : i32
      %dma_start3A_2452 = tpu.memref_slice %arg2[%dma_start3A_2450, %dma_start3A_2451] : memref<884736x32xf32, #tpu.memory_space<hbm>> -> memref<884736x32xf32, #tpu.memory_space<hbm>>
      tpu.enqueue_indirect_dma source(%dma_start3A_2452 : memref<884736x32xf32, #tpu.memory_space<hbm>>) target(%dma_start3A_2446 : memref<128x32xf32, #tpu.memory_space<vmem>>) offsets(%dma_start3A_2449 : memref<128xi32, #tpu.memory_space<vmem>>) semaphore(%arg16 : memref<!tpu.dma_semaphore, #tpu.memory_space<semaphore_mem>>)
      %dma_start3A_2453 = arith.constant 2 : i32
      %dma_start3A_2454 = arith.constant 256 : i32
      %dma_start3A_2455 = arith.constant 0 : i32
      %dma_start3A_2456 = tpu.memref_slice %arg14[%dma_start3A_2454, %dma_start3A_2455] : memref<1024x32xf32, #tpu.memory_space<vmem>> -> memref<128x32xf32, #tpu.memory_space<vmem>>
      %dma_start3A_2457 = arith.constant 0 : i32
      %dma_start3A_2458 = tpu.memref_slice %arg12[%dma_start3A_2453, %dma_start3A_2457] : memref<8x128xi32, #tpu.memory_space<vmem>> -> memref<1x128xi32, #tpu.memory_space<vmem>>
      %dma_start3A_2459 = tpu.memref_squeeze %dma_start3A_2458 : memref<1x128xi32, #tpu.memory_space<vmem>> -> memref<128xi32, #tpu.memory_space<vmem>>
      %dma_start3A_2460 = arith.constant 0 : i32
      %dma_start3A_2461 = arith.constant 0 : i32
      %dma_start3A_2462 = tpu.memref_slice %arg2[%dma_start3A_2460, %dma_start3A_2461] : memref<884736x32xf32, #tpu.memory_space<hbm>> -> memref<884736x32xf32, #tpu.memory_space<hbm>>
      tpu.enqueue_indirect_dma source(%dma_start3A_2462 : memref<884736x32xf32, #tpu.memory_space<hbm>>) target(%dma_start3A_2456 : memref<128x32xf32, #tpu.memory_space<vmem>>) offsets(%dma_start3A_2459 : memref<128xi32, #tpu.memory_space<vmem>>) semaphore(%arg16 : memref<!tpu.dma_semaphore, #tpu.memory_space<semaphore_mem>>)
      %dma_start3A_2463 = arith.constant 3 : i32
      %dma_start3A_2464 = arith.constant 384 : i32
      %dma_start3A_2465 = arith.constant 0 : i32
      %dma_start3A_2466 = tpu.memref_slice %arg14[%dma_start3A_2464, %dma_start3A_2465] : memref<1024x32xf32, #tpu.memory_space<vmem>> -> memref<128x32xf32, #tpu.memory_space<vmem>>
      %dma_start3A_2467 = arith.constant 0 : i32
      %dma_start3A_2468 = tpu.memref_slice %arg12[%dma_start3A_2463, %dma_start3A_2467] : memref<8x128xi32, #tpu.memory_space<vmem>> -> memref<1x128xi32, #tpu.memory_space<vmem>>
      %dma_start3A_2469 = tpu.memref_squeeze %dma_start3A_2468 : memref<1x128xi32, #tpu.memory_space<vmem>> -> memref<128xi32, #tpu.memory_space<vmem>>
      %dma_start3A_2470 = arith.constant 0 : i32
      %dma_start3A_2471 = arith.constant 0 : i32
      %dma_start3A_2472 = tpu.memref_slice %arg2[%dma_start3A_2470, %dma_start3A_2471] : memref<884736x32xf32, #tpu.memory_space<hbm>> -> memref<884736x32xf32, #tpu.memory_space<hbm>>
      tpu.enqueue_indirect_dma source(%dma_start3A_2472 : memref<884736x32xf32, #tpu.memory_space<hbm>>) target(%dma_start3A_2466 : memref<128x32xf32, #tpu.memory_space<vmem>>) offsets(%dma_start3A_2469 : memref<128xi32, #tpu.memory_space<vmem>>) semaphore(%arg16 : memref<!tpu.dma_semaphore, #tpu.memory_space<semaphore_mem>>)
      %dma_start3A_2473 = arith.constant 4 : i32
      %dma_start3A_2474 = arith.constant 512 : i32
      %dma_start3A_2475 = arith.constant 0 : i32
      %dma_start3A_2476 = tpu.memref_slice %arg14[%dma_start3A_2474, %dma_start3A_2475] : memref<1024x32xf32, #tpu.memory_space<vmem>> -> memref<128x32xf32, #tpu.memory_space<vmem>>
      %dma_start3A_2477 = arith.constant 0 : i32
      %dma_start3A_2478 = tpu.memref_slice %arg12[%dma_start3A_2473, %dma_start3A_2477] : memref<8x128xi32, #tpu.memory_space<vmem>> -> memref<1x128xi32, #tpu.memory_space<vmem>>
      %dma_start3A_2479 = tpu.memref_squeeze %dma_start3A_2478 : memref<1x128xi32, #tpu.memory_space<vmem>> -> memref<128xi32, #tpu.memory_space<vmem>>
      %dma_start3A_2480 = arith.constant 0 : i32
      %dma_start3A_2481 = arith.constant 0 : i32
      %dma_start3A_2482 = tpu.memref_slice %arg2[%dma_start3A_2480, %dma_start3A_2481] : memref<884736x32xf32, #tpu.memory_space<hbm>> -> memref<884736x32xf32, #tpu.memory_space<hbm>>
      tpu.enqueue_indirect_dma source(%dma_start3A_2482 : memref<884736x32xf32, #tpu.memory_space<hbm>>) target(%dma_start3A_2476 : memref<128x32xf32, #tpu.memory_space<vmem>>) offsets(%dma_start3A_2479 : memref<128xi32, #tpu.memory_space<vmem>>) semaphore(%arg16 : memref<!tpu.dma_semaphore, #tpu.memory_space<semaphore_mem>>)
      %dma_start3A_2483 = arith.constant 5 : i32
      %dma_start3A_2484 = arith.constant 640 : i32
      %dma_start3A_2485 = arith.constant 0 : i32
      %dma_start3A_2486 = tpu.memref_slice %arg14[%dma_start3A_2484, %dma_start3A_2485] : memref<1024x32xf32, #tpu.memory_space<vmem>> -> memref<128x32xf32, #tpu.memory_space<vmem>>
      %dma_start3A_2487 = arith.constant 0 : i32
      %dma_start3A_2488 = tpu.memref_slice %arg12[%dma_start3A_2483, %dma_start3A_2487] : memref<8x128xi32, #tpu.memory_space<vmem>> -> memref<1x128xi32, #tpu.memory_space<vmem>>
      %dma_start3A_2489 = tpu.memref_squeeze %dma_start3A_2488 : memref<1x128xi32, #tpu.memory_space<vmem>> -> memref<128xi32, #tpu.memory_space<vmem>>
      %dma_start3A_2490 = arith.constant 0 : i32
      %dma_start3A_2491 = arith.constant 0 : i32
      %dma_start3A_2492 = tpu.memref_slice %arg2[%dma_start3A_2490, %dma_start3A_2491] : memref<884736x32xf32, #tpu.memory_space<hbm>> -> memref<884736x32xf32, #tpu.memory_space<hbm>>
      tpu.enqueue_indirect_dma source(%dma_start3A_2492 : memref<884736x32xf32, #tpu.memory_space<hbm>>) target(%dma_start3A_2486 : memref<128x32xf32, #tpu.memory_space<vmem>>) offsets(%dma_start3A_2489 : memref<128xi32, #tpu.memory_space<vmem>>) semaphore(%arg16 : memref<!tpu.dma_semaphore, #tpu.memory_space<semaphore_mem>>)
      %dma_start3A_2493 = arith.constant 6 : i32
      %dma_start3A_2494 = arith.constant 768 : i32
      %dma_start3A_2495 = arith.constant 0 : i32
      %dma_start3A_2496 = tpu.memref_slice %arg14[%dma_start3A_2494, %dma_start3A_2495] : memref<1024x32xf32, #tpu.memory_space<vmem>> -> memref<128x32xf32, #tpu.memory_space<vmem>>
      %dma_start3A_2497 = arith.constant 0 : i32
      %dma_start3A_2498 = tpu.memref_slice %arg12[%dma_start3A_2493, %dma_start3A_2497] : memref<8x128xi32, #tpu.memory_space<vmem>> -> memref<1x128xi32, #tpu.memory_space<vmem>>
      %dma_start3A_2499 = tpu.memref_squeeze %dma_start3A_2498 : memref<1x128xi32, #tpu.memory_space<vmem>> -> memref<128xi32, #tpu.memory_space<vmem>>
      %dma_start3A_2500 = arith.constant 0 : i32
      %dma_start3A_2501 = arith.constant 0 : i32
      %dma_start3A_2502 = tpu.memref_slice %arg2[%dma_start3A_2500, %dma_start3A_2501] : memref<884736x32xf32, #tpu.memory_space<hbm>> -> memref<884736x32xf32, #tpu.memory_space<hbm>>
      tpu.enqueue_indirect_dma source(%dma_start3A_2502 : memref<884736x32xf32, #tpu.memory_space<hbm>>) target(%dma_start3A_2496 : memref<128x32xf32, #tpu.memory_space<vmem>>) offsets(%dma_start3A_2499 : memref<128xi32, #tpu.memory_space<vmem>>) semaphore(%arg16 : memref<!tpu.dma_semaphore, #tpu.memory_space<semaphore_mem>>)
      %dma_start3A_2503 = arith.constant 7 : i32
      %dma_start3A_2504 = arith.constant 896 : i32
      %dma_start3A_2505 = arith.constant 0 : i32
      %dma_start3A_2506 = tpu.memref_slice %arg14[%dma_start3A_2504, %dma_start3A_2505] : memref<1024x32xf32, #tpu.memory_space<vmem>> -> memref<128x32xf32, #tpu.memory_space<vmem>>
      %dma_start3A_2507 = arith.constant 0 : i32
      %dma_start3A_2508 = tpu.memref_slice %arg12[%dma_start3A_2503, %dma_start3A_2507] : memref<8x128xi32, #tpu.memory_space<vmem>> -> memref<1x128xi32, #tpu.memory_space<vmem>>
      %dma_start3A_2509 = tpu.memref_squeeze %dma_start3A_2508 : memref<1x128xi32, #tpu.memory_space<vmem>> -> memref<128xi32, #tpu.memory_space<vmem>>
      %dma_start3A_2510 = arith.constant 0 : i32
      %dma_start3A_2511 = arith.constant 0 : i32
      %dma_start3A_2512 = tpu.memref_slice %arg2[%dma_start3A_2510, %dma_start3A_2511] : memref<884736x32xf32, #tpu.memory_space<hbm>> -> memref<884736x32xf32, #tpu.memory_space<hbm>>
      tpu.enqueue_indirect_dma source(%dma_start3A_2512 : memref<884736x32xf32, #tpu.memory_space<hbm>>) target(%dma_start3A_2506 : memref<128x32xf32, #tpu.memory_space<vmem>>) offsets(%dma_start3A_2509 : memref<128xi32, #tpu.memory_space<vmem>>) semaphore(%arg16 : memref<!tpu.dma_semaphore, #tpu.memory_space<semaphore_mem>>)
      %dma_wait3A = arith.constant 0 : i32
      %dma_wait3A_2513 = arith.constant 0 : i32
      %dma_wait3A_2514 = arith.constant 0 : i32
      %dma_wait3A_2515 = tpu.memref_slice %arg14[%dma_wait3A_2513, %dma_wait3A_2514] : memref<1024x32xf32, #tpu.memory_space<vmem>> -> memref<128x32xf32, #tpu.memory_space<vmem>>
      %dma_wait3A_2516 = arith.constant 0 : i32
      %dma_wait3A_2517 = tpu.memref_slice %arg12[%dma_wait3A, %dma_wait3A_2516] : memref<8x128xi32, #tpu.memory_space<vmem>> -> memref<1x128xi32, #tpu.memory_space<vmem>>
      %dma_wait3A_2518 = tpu.memref_squeeze %dma_wait3A_2517 : memref<1x128xi32, #tpu.memory_space<vmem>> -> memref<128xi32, #tpu.memory_space<vmem>>
      %dma_wait3A_2519 = arith.constant 0 : i32
      %dma_wait3A_2520 = arith.constant 0 : i32
      %dma_wait3A_2521 = tpu.memref_slice %arg2[%dma_wait3A_2519, %dma_wait3A_2520] : memref<884736x32xf32, #tpu.memory_space<hbm>> -> memref<884736x32xf32, #tpu.memory_space<hbm>>
      tpu.wait_indirect_dma semaphore(%arg16 : memref<!tpu.dma_semaphore, #tpu.memory_space<semaphore_mem>>) src(%dma_wait3A_2521 : memref<884736x32xf32, #tpu.memory_space<hbm>>) dst(%dma_wait3A_2515 : memref<128x32xf32, #tpu.memory_space<vmem>>)
      %dma_wait3A_2522 = arith.constant 1 : i32
      %dma_wait3A_2523 = arith.constant 128 : i32
      %dma_wait3A_2524 = arith.constant 0 : i32
      %dma_wait3A_2525 = tpu.memref_slice %arg14[%dma_wait3A_2523, %dma_wait3A_2524] : memref<1024x32xf32, #tpu.memory_space<vmem>> -> memref<128x32xf32, #tpu.memory_space<vmem>>
      %dma_wait3A_2526 = arith.constant 0 : i32
      %dma_wait3A_2527 = tpu.memref_slice %arg12[%dma_wait3A_2522, %dma_wait3A_2526] : memref<8x128xi32, #tpu.memory_space<vmem>> -> memref<1x128xi32, #tpu.memory_space<vmem>>
      %dma_wait3A_2528 = tpu.memref_squeeze %dma_wait3A_2527 : memref<1x128xi32, #tpu.memory_space<vmem>> -> memref<128xi32, #tpu.memory_space<vmem>>
      %dma_wait3A_2529 = arith.constant 0 : i32
      %dma_wait3A_2530 = arith.constant 0 : i32
      %dma_wait3A_2531 = tpu.memref_slice %arg2[%dma_wait3A_2529, %dma_wait3A_2530] : memref<884736x32xf32, #tpu.memory_space<hbm>> -> memref<884736x32xf32, #tpu.memory_space<hbm>>
      tpu.wait_indirect_dma semaphore(%arg16 : memref<!tpu.dma_semaphore, #tpu.memory_space<semaphore_mem>>) src(%dma_wait3A_2531 : memref<884736x32xf32, #tpu.memory_space<hbm>>) dst(%dma_wait3A_2525 : memref<128x32xf32, #tpu.memory_space<vmem>>)
      %dma_wait3A_2532 = arith.constant 2 : i32
      %dma_wait3A_2533 = arith.constant 256 : i32
      %dma_wait3A_2534 = arith.constant 0 : i32
      %dma_wait3A_2535 = tpu.memref_slice %arg14[%dma_wait3A_2533, %dma_wait3A_2534] : memref<1024x32xf32, #tpu.memory_space<vmem>> -> memref<128x32xf32, #tpu.memory_space<vmem>>
      %dma_wait3A_2536 = arith.constant 0 : i32
      %dma_wait3A_2537 = tpu.memref_slice %arg12[%dma_wait3A_2532, %dma_wait3A_2536] : memref<8x128xi32, #tpu.memory_space<vmem>> -> memref<1x128xi32, #tpu.memory_space<vmem>>
      %dma_wait3A_2538 = tpu.memref_squeeze %dma_wait3A_2537 : memref<1x128xi32, #tpu.memory_space<vmem>> -> memref<128xi32, #tpu.memory_space<vmem>>
      %dma_wait3A_2539 = arith.constant 0 : i32
      %dma_wait3A_2540 = arith.constant 0 : i32
      %dma_wait3A_2541 = tpu.memref_slice %arg2[%dma_wait3A_2539, %dma_wait3A_2540] : memref<884736x32xf32, #tpu.memory_space<hbm>> -> memref<884736x32xf32, #tpu.memory_space<hbm>>
      tpu.wait_indirect_dma semaphore(%arg16 : memref<!tpu.dma_semaphore, #tpu.memory_space<semaphore_mem>>) src(%dma_wait3A_2541 : memref<884736x32xf32, #tpu.memory_space<hbm>>) dst(%dma_wait3A_2535 : memref<128x32xf32, #tpu.memory_space<vmem>>)
      %dma_wait3A_2542 = arith.constant 3 : i32
      %dma_wait3A_2543 = arith.constant 384 : i32
      %dma_wait3A_2544 = arith.constant 0 : i32
      %dma_wait3A_2545 = tpu.memref_slice %arg14[%dma_wait3A_2543, %dma_wait3A_2544] : memref<1024x32xf32, #tpu.memory_space<vmem>> -> memref<128x32xf32, #tpu.memory_space<vmem>>
      %dma_wait3A_2546 = arith.constant 0 : i32
      %dma_wait3A_2547 = tpu.memref_slice %arg12[%dma_wait3A_2542, %dma_wait3A_2546] : memref<8x128xi32, #tpu.memory_space<vmem>> -> memref<1x128xi32, #tpu.memory_space<vmem>>
      %dma_wait3A_2548 = tpu.memref_squeeze %dma_wait3A_2547 : memref<1x128xi32, #tpu.memory_space<vmem>> -> memref<128xi32, #tpu.memory_space<vmem>>
      %dma_wait3A_2549 = arith.constant 0 : i32
      %dma_wait3A_2550 = arith.constant 0 : i32
      %dma_wait3A_2551 = tpu.memref_slice %arg2[%dma_wait3A_2549, %dma_wait3A_2550] : memref<884736x32xf32, #tpu.memory_space<hbm>> -> memref<884736x32xf32, #tpu.memory_space<hbm>>
      tpu.wait_indirect_dma semaphore(%arg16 : memref<!tpu.dma_semaphore, #tpu.memory_space<semaphore_mem>>) src(%dma_wait3A_2551 : memref<884736x32xf32, #tpu.memory_space<hbm>>) dst(%dma_wait3A_2545 : memref<128x32xf32, #tpu.memory_space<vmem>>)
      %dma_wait3A_2552 = arith.constant 4 : i32
      %dma_wait3A_2553 = arith.constant 512 : i32
      %dma_wait3A_2554 = arith.constant 0 : i32
      %dma_wait3A_2555 = tpu.memref_slice %arg14[%dma_wait3A_2553, %dma_wait3A_2554] : memref<1024x32xf32, #tpu.memory_space<vmem>> -> memref<128x32xf32, #tpu.memory_space<vmem>>
      %dma_wait3A_2556 = arith.constant 0 : i32
      %dma_wait3A_2557 = tpu.memref_slice %arg12[%dma_wait3A_2552, %dma_wait3A_2556] : memref<8x128xi32, #tpu.memory_space<vmem>> -> memref<1x128xi32, #tpu.memory_space<vmem>>
      %dma_wait3A_2558 = tpu.memref_squeeze %dma_wait3A_2557 : memref<1x128xi32, #tpu.memory_space<vmem>> -> memref<128xi32, #tpu.memory_space<vmem>>
      %dma_wait3A_2559 = arith.constant 0 : i32
      %dma_wait3A_2560 = arith.constant 0 : i32
      %dma_wait3A_2561 = tpu.memref_slice %arg2[%dma_wait3A_2559, %dma_wait3A_2560] : memref<884736x32xf32, #tpu.memory_space<hbm>> -> memref<884736x32xf32, #tpu.memory_space<hbm>>
      tpu.wait_indirect_dma semaphore(%arg16 : memref<!tpu.dma_semaphore, #tpu.memory_space<semaphore_mem>>) src(%dma_wait3A_2561 : memref<884736x32xf32, #tpu.memory_space<hbm>>) dst(%dma_wait3A_2555 : memref<128x32xf32, #tpu.memory_space<vmem>>)
      %dma_wait3A_2562 = arith.constant 5 : i32
      %dma_wait3A_2563 = arith.constant 640 : i32
      %dma_wait3A_2564 = arith.constant 0 : i32
      %dma_wait3A_2565 = tpu.memref_slice %arg14[%dma_wait3A_2563, %dma_wait3A_2564] : memref<1024x32xf32, #tpu.memory_space<vmem>> -> memref<128x32xf32, #tpu.memory_space<vmem>>
      %dma_wait3A_2566 = arith.constant 0 : i32
      %dma_wait3A_2567 = tpu.memref_slice %arg12[%dma_wait3A_2562, %dma_wait3A_2566] : memref<8x128xi32, #tpu.memory_space<vmem>> -> memref<1x128xi32, #tpu.memory_space<vmem>>
      %dma_wait3A_2568 = tpu.memref_squeeze %dma_wait3A_2567 : memref<1x128xi32, #tpu.memory_space<vmem>> -> memref<128xi32, #tpu.memory_space<vmem>>
      %dma_wait3A_2569 = arith.constant 0 : i32
      %dma_wait3A_2570 = arith.constant 0 : i32
      %dma_wait3A_2571 = tpu.memref_slice %arg2[%dma_wait3A_2569, %dma_wait3A_2570] : memref<884736x32xf32, #tpu.memory_space<hbm>> -> memref<884736x32xf32, #tpu.memory_space<hbm>>
      tpu.wait_indirect_dma semaphore(%arg16 : memref<!tpu.dma_semaphore, #tpu.memory_space<semaphore_mem>>) src(%dma_wait3A_2571 : memref<884736x32xf32, #tpu.memory_space<hbm>>) dst(%dma_wait3A_2565 : memref<128x32xf32, #tpu.memory_space<vmem>>)
      %dma_wait3A_2572 = arith.constant 6 : i32
      %dma_wait3A_2573 = arith.constant 768 : i32
      %dma_wait3A_2574 = arith.constant 0 : i32
      %dma_wait3A_2575 = tpu.memref_slice %arg14[%dma_wait3A_2573, %dma_wait3A_2574] : memref<1024x32xf32, #tpu.memory_space<vmem>> -> memref<128x32xf32, #tpu.memory_space<vmem>>
      %dma_wait3A_2576 = arith.constant 0 : i32
      %dma_wait3A_2577 = tpu.memref_slice %arg12[%dma_wait3A_2572, %dma_wait3A_2576] : memref<8x128xi32, #tpu.memory_space<vmem>> -> memref<1x128xi32, #tpu.memory_space<vmem>>
      %dma_wait3A_2578 = tpu.memref_squeeze %dma_wait3A_2577 : memref<1x128xi32, #tpu.memory_space<vmem>> -> memref<128xi32, #tpu.memory_space<vmem>>
      %dma_wait3A_2579 = arith.constant 0 : i32
      %dma_wait3A_2580 = arith.constant 0 : i32
      %dma_wait3A_2581 = tpu.memref_slice %arg2[%dma_wait3A_2579, %dma_wait3A_2580] : memref<884736x32xf32, #tpu.memory_space<hbm>> -> memref<884736x32xf32, #tpu.memory_space<hbm>>
      tpu.wait_indirect_dma semaphore(%arg16 : memref<!tpu.dma_semaphore, #tpu.memory_space<semaphore_mem>>) src(%dma_wait3A_2581 : memref<884736x32xf32, #tpu.memory_space<hbm>>) dst(%dma_wait3A_2575 : memref<128x32xf32, #tpu.memory_space<vmem>>)
      %dma_wait3A_2582 = arith.constant 7 : i32
      %dma_wait3A_2583 = arith.constant 896 : i32
      %dma_wait3A_2584 = arith.constant 0 : i32
      %dma_wait3A_2585 = tpu.memref_slice %arg14[%dma_wait3A_2583, %dma_wait3A_2584] : memref<1024x32xf32, #tpu.memory_space<vmem>> -> memref<128x32xf32, #tpu.memory_space<vmem>>
      %dma_wait3A_2586 = arith.constant 0 : i32
      %dma_wait3A_2587 = tpu.memref_slice %arg12[%dma_wait3A_2582, %dma_wait3A_2586] : memref<8x128xi32, #tpu.memory_space<vmem>> -> memref<1x128xi32, #tpu.memory_space<vmem>>
      %dma_wait3A_2588 = tpu.memref_squeeze %dma_wait3A_2587 : memref<1x128xi32, #tpu.memory_space<vmem>> -> memref<128xi32, #tpu.memory_space<vmem>>
      %dma_wait3A_2589 = arith.constant 0 : i32
      %dma_wait3A_2590 = arith.constant 0 : i32
      %dma_wait3A_2591 = tpu.memref_slice %arg2[%dma_wait3A_2589, %dma_wait3A_2590] : memref<884736x32xf32, #tpu.memory_space<hbm>> -> memref<884736x32xf32, #tpu.memory_space<hbm>>
      tpu.wait_indirect_dma semaphore(%arg16 : memref<!tpu.dma_semaphore, #tpu.memory_space<semaphore_mem>>) src(%dma_wait3A_2591 : memref<884736x32xf32, #tpu.memory_space<hbm>>) dst(%dma_wait3A_2585 : memref<128x32xf32, #tpu.memory_space<vmem>>)
      %get3A_2592 = arith.constant 0 : i32
      %get3A_2593 = arith.index_cast %get3A_2592 : i32 to index
      %get3A_2594 = arith.constant 0 : index
      %get3A_2595 = tpu.vector_load %arg13[%get3A_2593, %get3A_2594] {strides = array<i32>} : memref<8x128xf32, #tpu.memory_space<vmem>>, vector<16xf32>,
      %get3A_2596 = arith.constant 1 : i32
      %get3A_2597 = arith.index_cast %get3A_2596 : i32 to index
      %get3A_2598 = arith.constant 0 : index
      %get3A_2599 = tpu.vector_load %arg13[%get3A_2597, %get3A_2598] {strides = array<i32>} : memref<8x128xf32, #tpu.memory_space<vmem>>, vector<16xf32>,
      %get3A_2600 = arith.constant 2 : i32
      %get3A_2601 = arith.index_cast %get3A_2600 : i32 to index
      %get3A_2602 = arith.constant 0 : index
      %get3A_2603 = tpu.vector_load %arg13[%get3A_2601, %get3A_2602] {strides = array<i32>} : memref<8x128xf32, #tpu.memory_space<vmem>>, vector<16xf32>,
      %get3A_2604 = arith.constant 3 : i32
      %get3A_2605 = arith.index_cast %get3A_2604 : i32 to index
      %get3A_2606 = arith.constant 0 : index
      %get3A_2607 = tpu.vector_load %arg13[%get3A_2605, %get3A_2606] {strides = array<i32>} : memref<8x128xf32, #tpu.memory_space<vmem>>, vector<16xf32>,
      %get3A_2608 = arith.constant 4 : i32
      %get3A_2609 = arith.index_cast %get3A_2608 : i32 to index
      %get3A_2610 = arith.constant 0 : index
      %get3A_2611 = tpu.vector_load %arg13[%get3A_2609, %get3A_2610] {strides = array<i32>} : memref<8x128xf32, #tpu.memory_space<vmem>>, vector<16xf32>,
      %get3A_2612 = arith.constant 5 : i32
      %get3A_2613 = arith.index_cast %get3A_2612 : i32 to index
      %get3A_2614 = arith.constant 0 : index
      %get3A_2615 = tpu.vector_load %arg13[%get3A_2613, %get3A_2614] {strides = array<i32>} : memref<8x128xf32, #tpu.memory_space<vmem>>, vector<16xf32>,
      %get3A_2616 = arith.constant 6 : i32
      %get3A_2617 = arith.index_cast %get3A_2616 : i32 to index
      %get3A_2618 = arith.constant 0 : index
      %get3A_2619 = tpu.vector_load %arg13[%get3A_2617, %get3A_2618] {strides = array<i32>} : memref<8x128xf32, #tpu.memory_space<vmem>>, vector<16xf32>,
      %get3A_2620 = arith.constant 7 : i32
      %get3A_2621 = arith.index_cast %get3A_2620 : i32 to index
      %get3A_2622 = arith.constant 0 : index
      %get3A_2623 = tpu.vector_load %arg13[%get3A_2621, %get3A_2622] {strides = array<i32>} : memref<8x128xf32, #tpu.memory_space<vmem>>, vector<16xf32>,
      %add3A_2624 = arith.constant 0 : i32
      %add3A_2625 = vector.broadcast %add3A_2624 : i32 to vector<16xi32>
      %add3A_2626 = arith.addi %add3A_2625, %iota3A : vector<16xi32>
      %add3A_2627 = arith.constant 128 : i32
      %add3A_2628 = vector.broadcast %add3A_2627 : i32 to vector<16xi32>
      %add3A_2629 = arith.addi %add3A_2628, %iota3A : vector<16xi32>
      %add3A_2630 = arith.constant 256 : i32
      %add3A_2631 = vector.broadcast %add3A_2630 : i32 to vector<16xi32>
      %add3A_2632 = arith.addi %add3A_2631, %iota3A : vector<16xi32>
      %add3A_2633 = arith.constant 384 : i32
      %add3A_2634 = vector.broadcast %add3A_2633 : i32 to vector<16xi32>
      %add3A_2635 = arith.addi %add3A_2634, %iota3A : vector<16xi32>
      %add3A_2636 = arith.constant 512 : i32
      %add3A_2637 = vector.broadcast %add3A_2636 : i32 to vector<16xi32>
      %add3A_2638 = arith.addi %add3A_2637, %iota3A : vector<16xi32>
      %add3A_2639 = arith.constant 640 : i32
      %add3A_2640 = vector.broadcast %add3A_2639 : i32 to vector<16xi32>
      %add3A_2641 = arith.addi %add3A_2640, %iota3A : vector<16xi32>
      %add3A_2642 = arith.constant 768 : i32
      %add3A_2643 = vector.broadcast %add3A_2642 : i32 to vector<16xi32>
      %add3A_2644 = arith.addi %add3A_2643, %iota3A : vector<16xi32>
      %add3A_2645 = arith.constant 896 : i32
      %add3A_2646 = vector.broadcast %add3A_2645 : i32 to vector<16xi32>
      %add3A_2647 = arith.addi %add3A_2646, %iota3A : vector<16xi32>
      %add3A_2648 = arith.constant 0 : i32
      %add3A_2649 = vector.broadcast %add3A_2648 : i32 to vector<16xi32>
      %add3A_2650 = arith.addi %add3A_2649, %iota3A : vector<16xi32>
      %mul3A_2651 = arith.constant 32 : i32
      %mul3A_2652 = vector.broadcast %mul3A_2651 : i32 to vector<16xi32>
      %mul3A_2653 = arith.muli %add3A_2650, %mul3A_2652 : vector<16xi32>
      %broadcast_in_dim3A_2654 = arith.constant 0 : i32
      %broadcast_in_dim3A_2655 = vector.broadcast %broadcast_in_dim3A_2654 : i32 to vector<16xi32>
      %scan3A_2656 = arith.constant 0 : i32
      %scan3A_2657 = arith.constant 32 : i32
      %scan3A_2658 = arith.addi %scan3A_2656, %scan3A_2657 : i32
      %scan3A_2659 = arith.constant 1 : i32
      %scan3A_2660:2 = scf.for %scan3A_3154 = %scan3A_2656 to %scan3A_2658 step %scan3A_2659 iter_args(%scan3A_3155 = %broadcast_in_dim3A_2655, %scan3A_3156 = %mul3A_2653) -> (vector<16xi32>, vector<16xi32>)  : i32 {
        %gather3A = tpu.vector_load_idx %arg14[%add3A_2626, %scan3A_3155] : memref<1024x32xf32, #tpu.memory_space<vmem>>[vector<16xi32>, vector<16xi32>], vector<16xf32>,
        %mul3A_3157 = arith.mulf %get3A_2595, %gather3A : vector<16xf32>
        %gather3A_3158 = tpu.vector_load_idx %arg14[%add3A_2629, %scan3A_3155] : memref<1024x32xf32, #tpu.memory_space<vmem>>[vector<16xi32>, vector<16xi32>], vector<16xf32>,
        %mul3A_3159 = arith.mulf %get3A_2599, %gather3A_3158 : vector<16xf32>
        %add3A_3160 = arith.addf %mul3A_3157, %mul3A_3159 : vector<16xf32>
        %gather3A_3161 = tpu.vector_load_idx %arg14[%add3A_2632, %scan3A_3155] : memref<1024x32xf32, #tpu.memory_space<vmem>>[vector<16xi32>, vector<16xi32>], vector<16xf32>,
        %mul3A_3162 = arith.mulf %get3A_2603, %gather3A_3161 : vector<16xf32>
        %add3A_3163 = arith.addf %add3A_3160, %mul3A_3162 : vector<16xf32>
        %gather3A_3164 = tpu.vector_load_idx %arg14[%add3A_2635, %scan3A_3155] : memref<1024x32xf32, #tpu.memory_space<vmem>>[vector<16xi32>, vector<16xi32>], vector<16xf32>,
        %mul3A_3165 = arith.mulf %get3A_2607, %gather3A_3164 : vector<16xf32>
        %add3A_3166 = arith.addf %add3A_3163, %mul3A_3165 : vector<16xf32>
        %gather3A_3167 = tpu.vector_load_idx %arg14[%add3A_2638, %scan3A_3155] : memref<1024x32xf32, #tpu.memory_space<vmem>>[vector<16xi32>, vector<16xi32>], vector<16xf32>,
        %mul3A_3168 = arith.mulf %get3A_2611, %gather3A_3167 : vector<16xf32>
        %add3A_3169 = arith.addf %add3A_3166, %mul3A_3168 : vector<16xf32>
        %gather3A_3170 = tpu.vector_load_idx %arg14[%add3A_2641, %scan3A_3155] : memref<1024x32xf32, #tpu.memory_space<vmem>>[vector<16xi32>, vector<16xi32>], vector<16xf32>,
        %mul3A_3171 = arith.mulf %get3A_2615, %gather3A_3170 : vector<16xf32>
        %add3A_3172 = arith.addf %add3A_3169, %mul3A_3171 : vector<16xf32>
        %gather3A_3173 = tpu.vector_load_idx %arg14[%add3A_2644, %scan3A_3155] : memref<1024x32xf32, #tpu.memory_space<vmem>>[vector<16xi32>, vector<16xi32>], vector<16xf32>,
        %mul3A_3174 = arith.mulf %get3A_2619, %gather3A_3173 : vector<16xf32>
        %add3A_3175 = arith.addf %add3A_3172, %mul3A_3174 : vector<16xf32>
        %gather3A_3176 = tpu.vector_load_idx %arg14[%add3A_2647, %scan3A_3155] : memref<1024x32xf32, #tpu.memory_space<vmem>>[vector<16xi32>, vector<16xi32>], vector<16xf32>,
        %mul3A_3177 = arith.mulf %get3A_2623, %gather3A_3176 : vector<16xf32>
        %add3A_3178 = arith.addf %add3A_3175, %mul3A_3177 : vector<16xf32>
        tpu.vector_store_idx %arg15[%scan3A_3156], %add3A_3178 : memref<4096xf32, #tpu.memory_space<vmem>>[vector<16xi32>], vector<16xf32>,
        %add3A_3179 = arith.constant 1 : i32
        %add3A_3180 = vector.broadcast %add3A_3179 : i32 to vector<16xi32>
        %add3A_3181 = arith.addi %scan3A_3155, %add3A_3180 : vector<16xi32>
        %add3A_3182 = arith.constant 1 : i32
        %add3A_3183 = vector.broadcast %add3A_3182 : i32 to vector<16xi32>
        %add3A_3184 = arith.addi %scan3A_3156, %add3A_3183 : vector<16xi32>
        scf.yield %add3A_3181, %add3A_3184 : vector<16xi32>, vector<16xi32>
      }
      %scan3A_2661 = arith.constant 32 : i32
      %get3A_2662 = arith.constant 0 : i32
      %get3A_2663 = arith.index_cast %get3A_2662 : i32 to index
      %get3A_2664 = arith.constant 16 : index
      %get3A_2665 = tpu.vector_load %arg13[%get3A_2663, %get3A_2664] {strides = array<i32>} : memref<8x128xf32, #tpu.memory_space<vmem>>, vector<16xf32>,
      %get3A_2666 = arith.constant 1 : i32
      %get3A_2667 = arith.index_cast %get3A_2666 : i32 to index
      %get3A_2668 = arith.constant 16 : index
      %get3A_2669 = tpu.vector_load %arg13[%get3A_2667, %get3A_2668] {strides = array<i32>} : memref<8x128xf32, #tpu.memory_space<vmem>>, vector<16xf32>,
      %get3A_2670 = arith.constant 2 : i32
      %get3A_2671 = arith.index_cast %get3A_2670 : i32 to index
      %get3A_2672 = arith.constant 16 : index
      %get3A_2673 = tpu.vector_load %arg13[%get3A_2671, %get3A_2672] {strides = array<i32>} : memref<8x128xf32, #tpu.memory_space<vmem>>, vector<16xf32>,
      %get3A_2674 = arith.constant 3 : i32
      %get3A_2675 = arith.index_cast %get3A_2674 : i32 to index
      %get3A_2676 = arith.constant 16 : index
      %get3A_2677 = tpu.vector_load %arg13[%get3A_2675, %get3A_2676] {strides = array<i32>} : memref<8x128xf32, #tpu.memory_space<vmem>>, vector<16xf32>,
      %get3A_2678 = arith.constant 4 : i32
      %get3A_2679 = arith.index_cast %get3A_2678 : i32 to index
      %get3A_2680 = arith.constant 16 : index
      %get3A_2681 = tpu.vector_load %arg13[%get3A_2679, %get3A_2680] {strides = array<i32>} : memref<8x128xf32, #tpu.memory_space<vmem>>, vector<16xf32>,
      %get3A_2682 = arith.constant 5 : i32
      %get3A_2683 = arith.index_cast %get3A_2682 : i32 to index
      %get3A_2684 = arith.constant 16 : index
      %get3A_2685 = tpu.vector_load %arg13[%get3A_2683, %get3A_2684] {strides = array<i32>} : memref<8x128xf32, #tpu.memory_space<vmem>>, vector<16xf32>,
      %get3A_2686 = arith.constant 6 : i32
      %get3A_2687 = arith.index_cast %get3A_2686 : i32 to index
      %get3A_2688 = arith.constant 16 : index
      %get3A_2689 = tpu.vector_load %arg13[%get3A_2687, %get3A_2688] {strides = array<i32>} : memref<8x128xf32, #tpu.memory_space<vmem>>, vector<16xf32>,
      %get3A_2690 = arith.constant 7 : i32
      %get3A_2691 = arith.index_cast %get3A_2690 : i32 to index
      %get3A_2692 = arith.constant 16 : index
      %get3A_2693 = tpu.vector_load %arg13[%get3A_2691, %get3A_2692] {strides = array<i32>} : memref<8x128xf32, #tpu.memory_space<vmem>>, vector<16xf32>,
      %add3A_2694 = arith.constant 16 : i32
      %add3A_2695 = vector.broadcast %add3A_2694 : i32 to vector<16xi32>
      %add3A_2696 = arith.addi %add3A_2695, %iota3A : vector<16xi32>
      %add3A_2697 = arith.constant 144 : i32
      %add3A_2698 = vector.broadcast %add3A_2697 : i32 to vector<16xi32>
      %add3A_2699 = arith.addi %add3A_2698, %iota3A : vector<16xi32>
      %add3A_2700 = arith.constant 272 : i32
      %add3A_2701 = vector.broadcast %add3A_2700 : i32 to vector<16xi32>
      %add3A_2702 = arith.addi %add3A_2701, %iota3A : vector<16xi32>
      %add3A_2703 = arith.constant 400 : i32
      %add3A_2704 = vector.broadcast %add3A_2703 : i32 to vector<16xi32>
      %add3A_2705 = arith.addi %add3A_2704, %iota3A : vector<16xi32>
      %add3A_2706 = arith.constant 528 : i32
      %add3A_2707 = vector.broadcast %add3A_2706 : i32 to vector<16xi32>
      %add3A_2708 = arith.addi %add3A_2707, %iota3A : vector<16xi32>
      %add3A_2709 = arith.constant 656 : i32
      %add3A_2710 = vector.broadcast %add3A_2709 : i32 to vector<16xi32>
      %add3A_2711 = arith.addi %add3A_2710, %iota3A : vector<16xi32>
      %add3A_2712 = arith.constant 784 : i32
      %add3A_2713 = vector.broadcast %add3A_2712 : i32 to vector<16xi32>
      %add3A_2714 = arith.addi %add3A_2713, %iota3A : vector<16xi32>
      %add3A_2715 = arith.constant 912 : i32
      %add3A_2716 = vector.broadcast %add3A_2715 : i32 to vector<16xi32>
      %add3A_2717 = arith.addi %add3A_2716, %iota3A : vector<16xi32>
      %add3A_2718 = arith.constant 16 : i32
      %add3A_2719 = vector.broadcast %add3A_2718 : i32 to vector<16xi32>
      %add3A_2720 = arith.addi %add3A_2719, %iota3A : vector<16xi32>
      %mul3A_2721 = arith.constant 32 : i32
      %mul3A_2722 = vector.broadcast %mul3A_2721 : i32 to vector<16xi32>
      %mul3A_2723 = arith.muli %add3A_2720, %mul3A_2722 : vector<16xi32>
      %broadcast_in_dim3A_2724 = arith.constant 0 : i32
      %broadcast_in_dim3A_2725 = vector.broadcast %broadcast_in_dim3A_2724 : i32 to vector<16xi32>
      %scan3A_2726 = arith.constant 0 : i32
      %scan3A_2727 = arith.constant 32 : i32
      %scan3A_2728 = arith.addi %scan3A_2726, %scan3A_2727 : i32
      %scan3A_2729 = arith.constant 1 : i32
      %scan3A_2730:2 = scf.for %scan3A_3154 = %scan3A_2726 to %scan3A_2728 step %scan3A_2729 iter_args(%scan3A_3155 = %broadcast_in_dim3A_2725, %scan3A_3156 = %mul3A_2723) -> (vector<16xi32>, vector<16xi32>)  : i32 {
        %gather3A = tpu.vector_load_idx %arg14[%add3A_2696, %scan3A_3155] : memref<1024x32xf32, #tpu.memory_space<vmem>>[vector<16xi32>, vector<16xi32>], vector<16xf32>,
        %mul3A_3157 = arith.mulf %get3A_2665, %gather3A : vector<16xf32>
        %gather3A_3158 = tpu.vector_load_idx %arg14[%add3A_2699, %scan3A_3155] : memref<1024x32xf32, #tpu.memory_space<vmem>>[vector<16xi32>, vector<16xi32>], vector<16xf32>,
        %mul3A_3159 = arith.mulf %get3A_2669, %gather3A_3158 : vector<16xf32>
        %add3A_3160 = arith.addf %mul3A_3157, %mul3A_3159 : vector<16xf32>
        %gather3A_3161 = tpu.vector_load_idx %arg14[%add3A_2702, %scan3A_3155] : memref<1024x32xf32, #tpu.memory_space<vmem>>[vector<16xi32>, vector<16xi32>], vector<16xf32>,
        %mul3A_3162 = arith.mulf %get3A_2673, %gather3A_3161 : vector<16xf32>
        %add3A_3163 = arith.addf %add3A_3160, %mul3A_3162 : vector<16xf32>
        %gather3A_3164 = tpu.vector_load_idx %arg14[%add3A_2705, %scan3A_3155] : memref<1024x32xf32, #tpu.memory_space<vmem>>[vector<16xi32>, vector<16xi32>], vector<16xf32>,
        %mul3A_3165 = arith.mulf %get3A_2677, %gather3A_3164 : vector<16xf32>
        %add3A_3166 = arith.addf %add3A_3163, %mul3A_3165 : vector<16xf32>
        %gather3A_3167 = tpu.vector_load_idx %arg14[%add3A_2708, %scan3A_3155] : memref<1024x32xf32, #tpu.memory_space<vmem>>[vector<16xi32>, vector<16xi32>], vector<16xf32>,
        %mul3A_3168 = arith.mulf %get3A_2681, %gather3A_3167 : vector<16xf32>
        %add3A_3169 = arith.addf %add3A_3166, %mul3A_3168 : vector<16xf32>
        %gather3A_3170 = tpu.vector_load_idx %arg14[%add3A_2711, %scan3A_3155] : memref<1024x32xf32, #tpu.memory_space<vmem>>[vector<16xi32>, vector<16xi32>], vector<16xf32>,
        %mul3A_3171 = arith.mulf %get3A_2685, %gather3A_3170 : vector<16xf32>
        %add3A_3172 = arith.addf %add3A_3169, %mul3A_3171 : vector<16xf32>
        %gather3A_3173 = tpu.vector_load_idx %arg14[%add3A_2714, %scan3A_3155] : memref<1024x32xf32, #tpu.memory_space<vmem>>[vector<16xi32>, vector<16xi32>], vector<16xf32>,
        %mul3A_3174 = arith.mulf %get3A_2689, %gather3A_3173 : vector<16xf32>
        %add3A_3175 = arith.addf %add3A_3172, %mul3A_3174 : vector<16xf32>
        %gather3A_3176 = tpu.vector_load_idx %arg14[%add3A_2717, %scan3A_3155] : memref<1024x32xf32, #tpu.memory_space<vmem>>[vector<16xi32>, vector<16xi32>], vector<16xf32>,
        %mul3A_3177 = arith.mulf %get3A_2693, %gather3A_3176 : vector<16xf32>
        %add3A_3178 = arith.addf %add3A_3175, %mul3A_3177 : vector<16xf32>
        tpu.vector_store_idx %arg15[%scan3A_3156], %add3A_3178 : memref<4096xf32, #tpu.memory_space<vmem>>[vector<16xi32>], vector<16xf32>,
        %add3A_3179 = arith.constant 1 : i32
        %add3A_3180 = vector.broadcast %add3A_3179 : i32 to vector<16xi32>
        %add3A_3181 = arith.addi %scan3A_3155, %add3A_3180 : vector<16xi32>
        %add3A_3182 = arith.constant 1 : i32
        %add3A_3183 = vector.broadcast %add3A_3182 : i32 to vector<16xi32>
        %add3A_3184 = arith.addi %scan3A_3156, %add3A_3183 : vector<16xi32>
        scf.yield %add3A_3181, %add3A_3184 : vector<16xi32>, vector<16xi32>
      }
      %scan3A_2731 = arith.constant 32 : i32
      %get3A_2732 = arith.constant 0 : i32
      %get3A_2733 = arith.index_cast %get3A_2732 : i32 to index
      %get3A_2734 = arith.constant 32 : index
      %get3A_2735 = tpu.vector_load %arg13[%get3A_2733, %get3A_2734] {strides = array<i32>} : memref<8x128xf32, #tpu.memory_space<vmem>>, vector<16xf32>,
      %get3A_2736 = arith.constant 1 : i32
      %get3A_2737 = arith.index_cast %get3A_2736 : i32 to index
      %get3A_2738 = arith.constant 32 : index
      %get3A_2739 = tpu.vector_load %arg13[%get3A_2737, %get3A_2738] {strides = array<i32>} : memref<8x128xf32, #tpu.memory_space<vmem>>, vector<16xf32>,
      %get3A_2740 = arith.constant 2 : i32
      %get3A_2741 = arith.index_cast %get3A_2740 : i32 to index
      %get3A_2742 = arith.constant 32 : index
      %get3A_2743 = tpu.vector_load %arg13[%get3A_2741, %get3A_2742] {strides = array<i32>} : memref<8x128xf32, #tpu.memory_space<vmem>>, vector<16xf32>,
      %get3A_2744 = arith.constant 3 : i32
      %get3A_2745 = arith.index_cast %get3A_2744 : i32 to index
      %get3A_2746 = arith.constant 32 : index
      %get3A_2747 = tpu.vector_load %arg13[%get3A_2745, %get3A_2746] {strides = array<i32>} : memref<8x128xf32, #tpu.memory_space<vmem>>, vector<16xf32>,
      %get3A_2748 = arith.constant 4 : i32
      %get3A_2749 = arith.index_cast %get3A_2748 : i32 to index
      %get3A_2750 = arith.constant 32 : index
      %get3A_2751 = tpu.vector_load %arg13[%get3A_2749, %get3A_2750] {strides = array<i32>} : memref<8x128xf32, #tpu.memory_space<vmem>>, vector<16xf32>,
      %get3A_2752 = arith.constant 5 : i32
      %get3A_2753 = arith.index_cast %get3A_2752 : i32 to index
      %get3A_2754 = arith.constant 32 : index
      %get3A_2755 = tpu.vector_load %arg13[%get3A_2753, %get3A_2754] {strides = array<i32>} : memref<8x128xf32, #tpu.memory_space<vmem>>, vector<16xf32>,
      %get3A_2756 = arith.constant 6 : i32
      %get3A_2757 = arith.index_cast %get3A_2756 : i32 to index
      %get3A_2758 = arith.constant 32 : index
      %get3A_2759 = tpu.vector_load %arg13[%get3A_2757, %get3A_2758] {strides = array<i32>} : memref<8x128xf32, #tpu.memory_space<vmem>>, vector<16xf32>,
      %get3A_2760 = arith.constant 7 : i32
      %get3A_2761 = arith.index_cast %get3A_2760 : i32 to index
      %get3A_2762 = arith.constant 32 : index
      %get3A_2763 = tpu.vector_load %arg13[%get3A_2761, %get3A_2762] {strides = array<i32>} : memref<8x128xf32, #tpu.memory_space<vmem>>, vector<16xf32>,
      %add3A_2764 = arith.constant 32 : i32
      %add3A_2765 = vector.broadcast %add3A_2764 : i32 to vector<16xi32>
      %add3A_2766 = arith.addi %add3A_2765, %iota3A : vector<16xi32>
      %add3A_2767 = arith.constant 160 : i32
      %add3A_2768 = vector.broadcast %add3A_2767 : i32 to vector<16xi32>
      %add3A_2769 = arith.addi %add3A_2768, %iota3A : vector<16xi32>
      %add3A_2770 = arith.constant 288 : i32
      %add3A_2771 = vector.broadcast %add3A_2770 : i32 to vector<16xi32>
      %add3A_2772 = arith.addi %add3A_2771, %iota3A : vector<16xi32>
      %add3A_2773 = arith.constant 416 : i32
      %add3A_2774 = vector.broadcast %add3A_2773 : i32 to vector<16xi32>
      %add3A_2775 = arith.addi %add3A_2774, %iota3A : vector<16xi32>
      %add3A_2776 = arith.constant 544 : i32
      %add3A_2777 = vector.broadcast %add3A_2776 : i32 to vector<16xi32>
      %add3A_2778 = arith.addi %add3A_2777, %iota3A : vector<16xi32>
      %add3A_2779 = arith.constant 672 : i32
      %add3A_2780 = vector.broadcast %add3A_2779 : i32 to vector<16xi32>
      %add3A_2781 = arith.addi %add3A_2780, %iota3A : vector<16xi32>
      %add3A_2782 = arith.constant 800 : i32
      %add3A_2783 = vector.broadcast %add3A_2782 : i32 to vector<16xi32>
      %add3A_2784 = arith.addi %add3A_2783, %iota3A : vector<16xi32>
      %add3A_2785 = arith.constant 928 : i32
      %add3A_2786 = vector.broadcast %add3A_2785 : i32 to vector<16xi32>
      %add3A_2787 = arith.addi %add3A_2786, %iota3A : vector<16xi32>
      %add3A_2788 = arith.constant 32 : i32
      %add3A_2789 = vector.broadcast %add3A_2788 : i32 to vector<16xi32>
      %add3A_2790 = arith.addi %add3A_2789, %iota3A : vector<16xi32>
      %mul3A_2791 = arith.constant 32 : i32
      %mul3A_2792 = vector.broadcast %mul3A_2791 : i32 to vector<16xi32>
      %mul3A_2793 = arith.muli %add3A_2790, %mul3A_2792 : vector<16xi32>
      %broadcast_in_dim3A_2794 = arith.constant 0 : i32
      %broadcast_in_dim3A_2795 = vector.broadcast %broadcast_in_dim3A_2794 : i32 to vector<16xi32>
      %scan3A_2796 = arith.constant 0 : i32
      %scan3A_2797 = arith.constant 32 : i32
      %scan3A_2798 = arith.addi %scan3A_2796, %scan3A_2797 : i32
      %scan3A_2799 = arith.constant 1 : i32
      %scan3A_2800:2 = scf.for %scan3A_3154 = %scan3A_2796 to %scan3A_2798 step %scan3A_2799 iter_args(%scan3A_3155 = %broadcast_in_dim3A_2795, %scan3A_3156 = %mul3A_2793) -> (vector<16xi32>, vector<16xi32>)  : i32 {
        %gather3A = tpu.vector_load_idx %arg14[%add3A_2766, %scan3A_3155] : memref<1024x32xf32, #tpu.memory_space<vmem>>[vector<16xi32>, vector<16xi32>], vector<16xf32>,
        %mul3A_3157 = arith.mulf %get3A_2735, %gather3A : vector<16xf32>
        %gather3A_3158 = tpu.vector_load_idx %arg14[%add3A_2769, %scan3A_3155] : memref<1024x32xf32, #tpu.memory_space<vmem>>[vector<16xi32>, vector<16xi32>], vector<16xf32>,
        %mul3A_3159 = arith.mulf %get3A_2739, %gather3A_3158 : vector<16xf32>
        %add3A_3160 = arith.addf %mul3A_3157, %mul3A_3159 : vector<16xf32>
        %gather3A_3161 = tpu.vector_load_idx %arg14[%add3A_2772, %scan3A_3155] : memref<1024x32xf32, #tpu.memory_space<vmem>>[vector<16xi32>, vector<16xi32>], vector<16xf32>,
        %mul3A_3162 = arith.mulf %get3A_2743, %gather3A_3161 : vector<16xf32>
        %add3A_3163 = arith.addf %add3A_3160, %mul3A_3162 : vector<16xf32>
        %gather3A_3164 = tpu.vector_load_idx %arg14[%add3A_2775, %scan3A_3155] : memref<1024x32xf32, #tpu.memory_space<vmem>>[vector<16xi32>, vector<16xi32>], vector<16xf32>,
        %mul3A_3165 = arith.mulf %get3A_2747, %gather3A_3164 : vector<16xf32>
        %add3A_3166 = arith.addf %add3A_3163, %mul3A_3165 : vector<16xf32>
        %gather3A_3167 = tpu.vector_load_idx %arg14[%add3A_2778, %scan3A_3155] : memref<1024x32xf32, #tpu.memory_space<vmem>>[vector<16xi32>, vector<16xi32>], vector<16xf32>,
        %mul3A_3168 = arith.mulf %get3A_2751, %gather3A_3167 : vector<16xf32>
        %add3A_3169 = arith.addf %add3A_3166, %mul3A_3168 : vector<16xf32>
        %gather3A_3170 = tpu.vector_load_idx %arg14[%add3A_2781, %scan3A_3155] : memref<1024x32xf32, #tpu.memory_space<vmem>>[vector<16xi32>, vector<16xi32>], vector<16xf32>,
        %mul3A_3171 = arith.mulf %get3A_2755, %gather3A_3170 : vector<16xf32>
        %add3A_3172 = arith.addf %add3A_3169, %mul3A_3171 : vector<16xf32>
        %gather3A_3173 = tpu.vector_load_idx %arg14[%add3A_2784, %scan3A_3155] : memref<1024x32xf32, #tpu.memory_space<vmem>>[vector<16xi32>, vector<16xi32>], vector<16xf32>,
        %mul3A_3174 = arith.mulf %get3A_2759, %gather3A_3173 : vector<16xf32>
        %add3A_3175 = arith.addf %add3A_3172, %mul3A_3174 : vector<16xf32>
        %gather3A_3176 = tpu.vector_load_idx %arg14[%add3A_2787, %scan3A_3155] : memref<1024x32xf32, #tpu.memory_space<vmem>>[vector<16xi32>, vector<16xi32>], vector<16xf32>,
        %mul3A_3177 = arith.mulf %get3A_2763, %gather3A_3176 : vector<16xf32>
        %add3A_3178 = arith.addf %add3A_3175, %mul3A_3177 : vector<16xf32>
        tpu.vector_store_idx %arg15[%scan3A_3156], %add3A_3178 : memref<4096xf32, #tpu.memory_space<vmem>>[vector<16xi32>], vector<16xf32>,
        %add3A_3179 = arith.constant 1 : i32
        %add3A_3180 = vector.broadcast %add3A_3179 : i32 to vector<16xi32>
        %add3A_3181 = arith.addi %scan3A_3155, %add3A_3180 : vector<16xi32>
        %add3A_3182 = arith.constant 1 : i32
        %add3A_3183 = vector.broadcast %add3A_3182 : i32 to vector<16xi32>
        %add3A_3184 = arith.addi %scan3A_3156, %add3A_3183 : vector<16xi32>
        scf.yield %add3A_3181, %add3A_3184 : vector<16xi32>, vector<16xi32>
      }
      %scan3A_2801 = arith.constant 32 : i32
      %get3A_2802 = arith.constant 0 : i32
      %get3A_2803 = arith.index_cast %get3A_2802 : i32 to index
      %get3A_2804 = arith.constant 48 : index
      %get3A_2805 = tpu.vector_load %arg13[%get3A_2803, %get3A_2804] {strides = array<i32>} : memref<8x128xf32, #tpu.memory_space<vmem>>, vector<16xf32>,
      %get3A_2806 = arith.constant 1 : i32
      %get3A_2807 = arith.index_cast %get3A_2806 : i32 to index
      %get3A_2808 = arith.constant 48 : index
      %get3A_2809 = tpu.vector_load %arg13[%get3A_2807, %get3A_2808] {strides = array<i32>} : memref<8x128xf32, #tpu.memory_space<vmem>>, vector<16xf32>,
      %get3A_2810 = arith.constant 2 : i32
      %get3A_2811 = arith.index_cast %get3A_2810 : i32 to index
      %get3A_2812 = arith.constant 48 : index
      %get3A_2813 = tpu.vector_load %arg13[%get3A_2811, %get3A_2812] {strides = array<i32>} : memref<8x128xf32, #tpu.memory_space<vmem>>, vector<16xf32>,
      %get3A_2814 = arith.constant 3 : i32
      %get3A_2815 = arith.index_cast %get3A_2814 : i32 to index
      %get3A_2816 = arith.constant 48 : index
      %get3A_2817 = tpu.vector_load %arg13[%get3A_2815, %get3A_2816] {strides = array<i32>} : memref<8x128xf32, #tpu.memory_space<vmem>>, vector<16xf32>,
      %get3A_2818 = arith.constant 4 : i32
      %get3A_2819 = arith.index_cast %get3A_2818 : i32 to index
      %get3A_2820 = arith.constant 48 : index
      %get3A_2821 = tpu.vector_load %arg13[%get3A_2819, %get3A_2820] {strides = array<i32>} : memref<8x128xf32, #tpu.memory_space<vmem>>, vector<16xf32>,
      %get3A_2822 = arith.constant 5 : i32
      %get3A_2823 = arith.index_cast %get3A_2822 : i32 to index
      %get3A_2824 = arith.constant 48 : index
      %get3A_2825 = tpu.vector_load %arg13[%get3A_2823, %get3A_2824] {strides = array<i32>} : memref<8x128xf32, #tpu.memory_space<vmem>>, vector<16xf32>,
      %get3A_2826 = arith.constant 6 : i32
      %get3A_2827 = arith.index_cast %get3A_2826 : i32 to index
      %get3A_2828 = arith.constant 48 : index
      %get3A_2829 = tpu.vector_load %arg13[%get3A_2827, %get3A_2828] {strides = array<i32>} : memref<8x128xf32, #tpu.memory_space<vmem>>, vector<16xf32>,
      %get3A_2830 = arith.constant 7 : i32
      %get3A_2831 = arith.index_cast %get3A_2830 : i32 to index
      %get3A_2832 = arith.constant 48 : index
      %get3A_2833 = tpu.vector_load %arg13[%get3A_2831, %get3A_2832] {strides = array<i32>} : memref<8x128xf32, #tpu.memory_space<vmem>>, vector<16xf32>,
      %add3A_2834 = arith.constant 48 : i32
      %add3A_2835 = vector.broadcast %add3A_2834 : i32 to vector<16xi32>
      %add3A_2836 = arith.addi %add3A_2835, %iota3A : vector<16xi32>
      %add3A_2837 = arith.constant 176 : i32
      %add3A_2838 = vector.broadcast %add3A_2837 : i32 to vector<16xi32>
      %add3A_2839 = arith.addi %add3A_2838, %iota3A : vector<16xi32>
      %add3A_2840 = arith.constant 304 : i32
      %add3A_2841 = vector.broadcast %add3A_2840 : i32 to vector<16xi32>
      %add3A_2842 = arith.addi %add3A_2841, %iota3A : vector<16xi32>
      %add3A_2843 = arith.constant 432 : i32
      %add3A_2844 = vector.broadcast %add3A_2843 : i32 to vector<16xi32>
      %add3A_2845 = arith.addi %add3A_2844, %iota3A : vector<16xi32>
      %add3A_2846 = arith.constant 560 : i32
      %add3A_2847 = vector.broadcast %add3A_2846 : i32 to vector<16xi32>
      %add3A_2848 = arith.addi %add3A_2847, %iota3A : vector<16xi32>
      %add3A_2849 = arith.constant 688 : i32
      %add3A_2850 = vector.broadcast %add3A_2849 : i32 to vector<16xi32>
      %add3A_2851 = arith.addi %add3A_2850, %iota3A : vector<16xi32>
      %add3A_2852 = arith.constant 816 : i32
      %add3A_2853 = vector.broadcast %add3A_2852 : i32 to vector<16xi32>
      %add3A_2854 = arith.addi %add3A_2853, %iota3A : vector<16xi32>
      %add3A_2855 = arith.constant 944 : i32
      %add3A_2856 = vector.broadcast %add3A_2855 : i32 to vector<16xi32>
      %add3A_2857 = arith.addi %add3A_2856, %iota3A : vector<16xi32>
      %add3A_2858 = arith.constant 48 : i32
      %add3A_2859 = vector.broadcast %add3A_2858 : i32 to vector<16xi32>
      %add3A_2860 = arith.addi %add3A_2859, %iota3A : vector<16xi32>
      %mul3A_2861 = arith.constant 32 : i32
      %mul3A_2862 = vector.broadcast %mul3A_2861 : i32 to vector<16xi32>
      %mul3A_2863 = arith.muli %add3A_2860, %mul3A_2862 : vector<16xi32>
      %broadcast_in_dim3A_2864 = arith.constant 0 : i32
      %broadcast_in_dim3A_2865 = vector.broadcast %broadcast_in_dim3A_2864 : i32 to vector<16xi32>
      %scan3A_2866 = arith.constant 0 : i32
      %scan3A_2867 = arith.constant 32 : i32
      %scan3A_2868 = arith.addi %scan3A_2866, %scan3A_2867 : i32
      %scan3A_2869 = arith.constant 1 : i32
      %scan3A_2870:2 = scf.for %scan3A_3154 = %scan3A_2866 to %scan3A_2868 step %scan3A_2869 iter_args(%scan3A_3155 = %broadcast_in_dim3A_2865, %scan3A_3156 = %mul3A_2863) -> (vector<16xi32>, vector<16xi32>)  : i32 {
        %gather3A = tpu.vector_load_idx %arg14[%add3A_2836, %scan3A_3155] : memref<1024x32xf32, #tpu.memory_space<vmem>>[vector<16xi32>, vector<16xi32>], vector<16xf32>,
        %mul3A_3157 = arith.mulf %get3A_2805, %gather3A : vector<16xf32>
        %gather3A_3158 = tpu.vector_load_idx %arg14[%add3A_2839, %scan3A_3155] : memref<1024x32xf32, #tpu.memory_space<vmem>>[vector<16xi32>, vector<16xi32>], vector<16xf32>,
        %mul3A_3159 = arith.mulf %get3A_2809, %gather3A_3158 : vector<16xf32>
        %add3A_3160 = arith.addf %mul3A_3157, %mul3A_3159 : vector<16xf32>
        %gather3A_3161 = tpu.vector_load_idx %arg14[%add3A_2842, %scan3A_3155] : memref<1024x32xf32, #tpu.memory_space<vmem>>[vector<16xi32>, vector<16xi32>], vector<16xf32>,
        %mul3A_3162 = arith.mulf %get3A_2813, %gather3A_3161 : vector<16xf32>
        %add3A_3163 = arith.addf %add3A_3160, %mul3A_3162 : vector<16xf32>
        %gather3A_3164 = tpu.vector_load_idx %arg14[%add3A_2845, %scan3A_3155] : memref<1024x32xf32, #tpu.memory_space<vmem>>[vector<16xi32>, vector<16xi32>], vector<16xf32>,
        %mul3A_3165 = arith.mulf %get3A_2817, %gather3A_3164 : vector<16xf32>
        %add3A_3166 = arith.addf %add3A_3163, %mul3A_3165 : vector<16xf32>
        %gather3A_3167 = tpu.vector_load_idx %arg14[%add3A_2848, %scan3A_3155] : memref<1024x32xf32, #tpu.memory_space<vmem>>[vector<16xi32>, vector<16xi32>], vector<16xf32>,
        %mul3A_3168 = arith.mulf %get3A_2821, %gather3A_3167 : vector<16xf32>
        %add3A_3169 = arith.addf %add3A_3166, %mul3A_3168 : vector<16xf32>
        %gather3A_3170 = tpu.vector_load_idx %arg14[%add3A_2851, %scan3A_3155] : memref<1024x32xf32, #tpu.memory_space<vmem>>[vector<16xi32>, vector<16xi32>], vector<16xf32>,
        %mul3A_3171 = arith.mulf %get3A_2825, %gather3A_3170 : vector<16xf32>
        %add3A_3172 = arith.addf %add3A_3169, %mul3A_3171 : vector<16xf32>
        %gather3A_3173 = tpu.vector_load_idx %arg14[%add3A_2854, %scan3A_3155] : memref<1024x32xf32, #tpu.memory_space<vmem>>[vector<16xi32>, vector<16xi32>], vector<16xf32>,
        %mul3A_3174 = arith.mulf %get3A_2829, %gather3A_3173 : vector<16xf32>
        %add3A_3175 = arith.addf %add3A_3172, %mul3A_3174 : vector<16xf32>
        %gather3A_3176 = tpu.vector_load_idx %arg14[%add3A_2857, %scan3A_3155] : memref<1024x32xf32, #tpu.memory_space<vmem>>[vector<16xi32>, vector<16xi32>], vector<16xf32>,
        %mul3A_3177 = arith.mulf %get3A_2833, %gather3A_3176 : vector<16xf32>
        %add3A_3178 = arith.addf %add3A_3175, %mul3A_3177 : vector<16xf32>
        tpu.vector_store_idx %arg15[%scan3A_3156], %add3A_3178 : memref<4096xf32, #tpu.memory_space<vmem>>[vector<16xi32>], vector<16xf32>,
        %add3A_3179 = arith.constant 1 : i32
        %add3A_3180 = vector.broadcast %add3A_3179 : i32 to vector<16xi32>
        %add3A_3181 = arith.addi %scan3A_3155, %add3A_3180 : vector<16xi32>
        %add3A_3182 = arith.constant 1 : i32
        %add3A_3183 = vector.broadcast %add3A_3182 : i32 to vector<16xi32>
        %add3A_3184 = arith.addi %scan3A_3156, %add3A_3183 : vector<16xi32>
        scf.yield %add3A_3181, %add3A_3184 : vector<16xi32>, vector<16xi32>
      }
      %scan3A_2871 = arith.constant 32 : i32
      %get3A_2872 = arith.constant 0 : i32
      %get3A_2873 = arith.index_cast %get3A_2872 : i32 to index
      %get3A_2874 = arith.constant 64 : index
      %get3A_2875 = tpu.vector_load %arg13[%get3A_2873, %get3A_2874] {strides = array<i32>} : memref<8x128xf32, #tpu.memory_space<vmem>>, vector<16xf32>,
      %get3A_2876 = arith.constant 1 : i32
      %get3A_2877 = arith.index_cast %get3A_2876 : i32 to index
      %get3A_2878 = arith.constant 64 : index
      %get3A_2879 = tpu.vector_load %arg13[%get3A_2877, %get3A_2878] {strides = array<i32>} : memref<8x128xf32, #tpu.memory_space<vmem>>, vector<16xf32>,
      %get3A_2880 = arith.constant 2 : i32
      %get3A_2881 = arith.index_cast %get3A_2880 : i32 to index
      %get3A_2882 = arith.constant 64 : index
      %get3A_2883 = tpu.vector_load %arg13[%get3A_2881, %get3A_2882] {strides = array<i32>} : memref<8x128xf32, #tpu.memory_space<vmem>>, vector<16xf32>,
      %get3A_2884 = arith.constant 3 : i32
      %get3A_2885 = arith.index_cast %get3A_2884 : i32 to index
      %get3A_2886 = arith.constant 64 : index
      %get3A_2887 = tpu.vector_load %arg13[%get3A_2885, %get3A_2886] {strides = array<i32>} : memref<8x128xf32, #tpu.memory_space<vmem>>, vector<16xf32>,
      %get3A_2888 = arith.constant 4 : i32
      %get3A_2889 = arith.index_cast %get3A_2888 : i32 to index
      %get3A_2890 = arith.constant 64 : index
      %get3A_2891 = tpu.vector_load %arg13[%get3A_2889, %get3A_2890] {strides = array<i32>} : memref<8x128xf32, #tpu.memory_space<vmem>>, vector<16xf32>,
      %get3A_2892 = arith.constant 5 : i32
      %get3A_2893 = arith.index_cast %get3A_2892 : i32 to index
      %get3A_2894 = arith.constant 64 : index
      %get3A_2895 = tpu.vector_load %arg13[%get3A_2893, %get3A_2894] {strides = array<i32>} : memref<8x128xf32, #tpu.memory_space<vmem>>, vector<16xf32>,
      %get3A_2896 = arith.constant 6 : i32
      %get3A_2897 = arith.index_cast %get3A_2896 : i32 to index
      %get3A_2898 = arith.constant 64 : index
      %get3A_2899 = tpu.vector_load %arg13[%get3A_2897, %get3A_2898] {strides = array<i32>} : memref<8x128xf32, #tpu.memory_space<vmem>>, vector<16xf32>,
      %get3A_2900 = arith.constant 7 : i32
      %get3A_2901 = arith.index_cast %get3A_2900 : i32 to index
      %get3A_2902 = arith.constant 64 : index
      %get3A_2903 = tpu.vector_load %arg13[%get3A_2901, %get3A_2902] {strides = array<i32>} : memref<8x128xf32, #tpu.memory_space<vmem>>, vector<16xf32>,
      %add3A_2904 = arith.constant 64 : i32
      %add3A_2905 = vector.broadcast %add3A_2904 : i32 to vector<16xi32>
      %add3A_2906 = arith.addi %add3A_2905, %iota3A : vector<16xi32>
      %add3A_2907 = arith.constant 192 : i32
      %add3A_2908 = vector.broadcast %add3A_2907 : i32 to vector<16xi32>
      %add3A_2909 = arith.addi %add3A_2908, %iota3A : vector<16xi32>
      %add3A_2910 = arith.constant 320 : i32
      %add3A_2911 = vector.broadcast %add3A_2910 : i32 to vector<16xi32>
      %add3A_2912 = arith.addi %add3A_2911, %iota3A : vector<16xi32>
      %add3A_2913 = arith.constant 448 : i32
      %add3A_2914 = vector.broadcast %add3A_2913 : i32 to vector<16xi32>
      %add3A_2915 = arith.addi %add3A_2914, %iota3A : vector<16xi32>
      %add3A_2916 = arith.constant 576 : i32
      %add3A_2917 = vector.broadcast %add3A_2916 : i32 to vector<16xi32>
      %add3A_2918 = arith.addi %add3A_2917, %iota3A : vector<16xi32>
      %add3A_2919 = arith.constant 704 : i32
      %add3A_2920 = vector.broadcast %add3A_2919 : i32 to vector<16xi32>
      %add3A_2921 = arith.addi %add3A_2920, %iota3A : vector<16xi32>
      %add3A_2922 = arith.constant 832 : i32
      %add3A_2923 = vector.broadcast %add3A_2922 : i32 to vector<16xi32>
      %add3A_2924 = arith.addi %add3A_2923, %iota3A : vector<16xi32>
      %add3A_2925 = arith.constant 960 : i32
      %add3A_2926 = vector.broadcast %add3A_2925 : i32 to vector<16xi32>
      %add3A_2927 = arith.addi %add3A_2926, %iota3A : vector<16xi32>
      %add3A_2928 = arith.constant 64 : i32
      %add3A_2929 = vector.broadcast %add3A_2928 : i32 to vector<16xi32>
      %add3A_2930 = arith.addi %add3A_2929, %iota3A : vector<16xi32>
      %mul3A_2931 = arith.constant 32 : i32
      %mul3A_2932 = vector.broadcast %mul3A_2931 : i32 to vector<16xi32>
      %mul3A_2933 = arith.muli %add3A_2930, %mul3A_2932 : vector<16xi32>
      %broadcast_in_dim3A_2934 = arith.constant 0 : i32
      %broadcast_in_dim3A_2935 = vector.broadcast %broadcast_in_dim3A_2934 : i32 to vector<16xi32>
      %scan3A_2936 = arith.constant 0 : i32
      %scan3A_2937 = arith.constant 32 : i32
      %scan3A_2938 = arith.addi %scan3A_2936, %scan3A_2937 : i32
      %scan3A_2939 = arith.constant 1 : i32
      %scan3A_2940:2 = scf.for %scan3A_3154 = %scan3A_2936 to %scan3A_2938 step %scan3A_2939 iter_args(%scan3A_3155 = %broadcast_in_dim3A_2935, %scan3A_3156 = %mul3A_2933) -> (vector<16xi32>, vector<16xi32>)  : i32 {
        %gather3A = tpu.vector_load_idx %arg14[%add3A_2906, %scan3A_3155] : memref<1024x32xf32, #tpu.memory_space<vmem>>[vector<16xi32>, vector<16xi32>], vector<16xf32>,
        %mul3A_3157 = arith.mulf %get3A_2875, %gather3A : vector<16xf32>
        %gather3A_3158 = tpu.vector_load_idx %arg14[%add3A_2909, %scan3A_3155] : memref<1024x32xf32, #tpu.memory_space<vmem>>[vector<16xi32>, vector<16xi32>], vector<16xf32>,
        %mul3A_3159 = arith.mulf %get3A_2879, %gather3A_3158 : vector<16xf32>
        %add3A_3160 = arith.addf %mul3A_3157, %mul3A_3159 : vector<16xf32>
        %gather3A_3161 = tpu.vector_load_idx %arg14[%add3A_2912, %scan3A_3155] : memref<1024x32xf32, #tpu.memory_space<vmem>>[vector<16xi32>, vector<16xi32>], vector<16xf32>,
        %mul3A_3162 = arith.mulf %get3A_2883, %gather3A_3161 : vector<16xf32>
        %add3A_3163 = arith.addf %add3A_3160, %mul3A_3162 : vector<16xf32>
        %gather3A_3164 = tpu.vector_load_idx %arg14[%add3A_2915, %scan3A_3155] : memref<1024x32xf32, #tpu.memory_space<vmem>>[vector<16xi32>, vector<16xi32>], vector<16xf32>,
        %mul3A_3165 = arith.mulf %get3A_2887, %gather3A_3164 : vector<16xf32>
        %add3A_3166 = arith.addf %add3A_3163, %mul3A_3165 : vector<16xf32>
        %gather3A_3167 = tpu.vector_load_idx %arg14[%add3A_2918, %scan3A_3155] : memref<1024x32xf32, #tpu.memory_space<vmem>>[vector<16xi32>, vector<16xi32>], vector<16xf32>,
        %mul3A_3168 = arith.mulf %get3A_2891, %gather3A_3167 : vector<16xf32>
        %add3A_3169 = arith.addf %add3A_3166, %mul3A_3168 : vector<16xf32>
        %gather3A_3170 = tpu.vector_load_idx %arg14[%add3A_2921, %scan3A_3155] : memref<1024x32xf32, #tpu.memory_space<vmem>>[vector<16xi32>, vector<16xi32>], vector<16xf32>,
        %mul3A_3171 = arith.mulf %get3A_2895, %gather3A_3170 : vector<16xf32>
        %add3A_3172 = arith.addf %add3A_3169, %mul3A_3171 : vector<16xf32>
        %gather3A_3173 = tpu.vector_load_idx %arg14[%add3A_2924, %scan3A_3155] : memref<1024x32xf32, #tpu.memory_space<vmem>>[vector<16xi32>, vector<16xi32>], vector<16xf32>,
        %mul3A_3174 = arith.mulf %get3A_2899, %gather3A_3173 : vector<16xf32>
        %add3A_3175 = arith.addf %add3A_3172, %mul3A_3174 : vector<16xf32>
        %gather3A_3176 = tpu.vector_load_idx %arg14[%add3A_2927, %scan3A_3155] : memref<1024x32xf32, #tpu.memory_space<vmem>>[vector<16xi32>, vector<16xi32>], vector<16xf32>,
        %mul3A_3177 = arith.mulf %get3A_2903, %gather3A_3176 : vector<16xf32>
        %add3A_3178 = arith.addf %add3A_3175, %mul3A_3177 : vector<16xf32>
        tpu.vector_store_idx %arg15[%scan3A_3156], %add3A_3178 : memref<4096xf32, #tpu.memory_space<vmem>>[vector<16xi32>], vector<16xf32>,
        %add3A_3179 = arith.constant 1 : i32
        %add3A_3180 = vector.broadcast %add3A_3179 : i32 to vector<16xi32>
        %add3A_3181 = arith.addi %scan3A_3155, %add3A_3180 : vector<16xi32>
        %add3A_3182 = arith.constant 1 : i32
        %add3A_3183 = vector.broadcast %add3A_3182 : i32 to vector<16xi32>
        %add3A_3184 = arith.addi %scan3A_3156, %add3A_3183 : vector<16xi32>
        scf.yield %add3A_3181, %add3A_3184 : vector<16xi32>, vector<16xi32>
      }
      %scan3A_2941 = arith.constant 32 : i32
      %get3A_2942 = arith.constant 0 : i32
      %get3A_2943 = arith.index_cast %get3A_2942 : i32 to index
      %get3A_2944 = arith.constant 80 : index
      %get3A_2945 = tpu.vector_load %arg13[%get3A_2943, %get3A_2944] {strides = array<i32>} : memref<8x128xf32, #tpu.memory_space<vmem>>, vector<16xf32>,
      %get3A_2946 = arith.constant 1 : i32
      %get3A_2947 = arith.index_cast %get3A_2946 : i32 to index
      %get3A_2948 = arith.constant 80 : index
      %get3A_2949 = tpu.vector_load %arg13[%get3A_2947, %get3A_2948] {strides = array<i32>} : memref<8x128xf32, #tpu.memory_space<vmem>>, vector<16xf32>,
      %get3A_2950 = arith.constant 2 : i32
      %get3A_2951 = arith.index_cast %get3A_2950 : i32 to index
      %get3A_2952 = arith.constant 80 : index
      %get3A_2953 = tpu.vector_load %arg13[%get3A_2951, %get3A_2952] {strides = array<i32>} : memref<8x128xf32, #tpu.memory_space<vmem>>, vector<16xf32>,
      %get3A_2954 = arith.constant 3 : i32
      %get3A_2955 = arith.index_cast %get3A_2954 : i32 to index
      %get3A_2956 = arith.constant 80 : index
      %get3A_2957 = tpu.vector_load %arg13[%get3A_2955, %get3A_2956] {strides = array<i32>} : memref<8x128xf32, #tpu.memory_space<vmem>>, vector<16xf32>,
      %get3A_2958 = arith.constant 4 : i32
      %get3A_2959 = arith.index_cast %get3A_2958 : i32 to index
      %get3A_2960 = arith.constant 80 : index
      %get3A_2961 = tpu.vector_load %arg13[%get3A_2959, %get3A_2960] {strides = array<i32>} : memref<8x128xf32, #tpu.memory_space<vmem>>, vector<16xf32>,
      %get3A_2962 = arith.constant 5 : i32
      %get3A_2963 = arith.index_cast %get3A_2962 : i32 to index
      %get3A_2964 = arith.constant 80 : index
      %get3A_2965 = tpu.vector_load %arg13[%get3A_2963, %get3A_2964] {strides = array<i32>} : memref<8x128xf32, #tpu.memory_space<vmem>>, vector<16xf32>,
      %get3A_2966 = arith.constant 6 : i32
      %get3A_2967 = arith.index_cast %get3A_2966 : i32 to index
      %get3A_2968 = arith.constant 80 : index
      %get3A_2969 = tpu.vector_load %arg13[%get3A_2967, %get3A_2968] {strides = array<i32>} : memref<8x128xf32, #tpu.memory_space<vmem>>, vector<16xf32>,
      %get3A_2970 = arith.constant 7 : i32
      %get3A_2971 = arith.index_cast %get3A_2970 : i32 to index
      %get3A_2972 = arith.constant 80 : index
      %get3A_2973 = tpu.vector_load %arg13[%get3A_2971, %get3A_2972] {strides = array<i32>} : memref<8x128xf32, #tpu.memory_space<vmem>>, vector<16xf32>,
      %add3A_2974 = arith.constant 80 : i32
      %add3A_2975 = vector.broadcast %add3A_2974 : i32 to vector<16xi32>
      %add3A_2976 = arith.addi %add3A_2975, %iota3A : vector<16xi32>
      %add3A_2977 = arith.constant 208 : i32
      %add3A_2978 = vector.broadcast %add3A_2977 : i32 to vector<16xi32>
      %add3A_2979 = arith.addi %add3A_2978, %iota3A : vector<16xi32>
      %add3A_2980 = arith.constant 336 : i32
      %add3A_2981 = vector.broadcast %add3A_2980 : i32 to vector<16xi32>
      %add3A_2982 = arith.addi %add3A_2981, %iota3A : vector<16xi32>
      %add3A_2983 = arith.constant 464 : i32
      %add3A_2984 = vector.broadcast %add3A_2983 : i32 to vector<16xi32>
      %add3A_2985 = arith.addi %add3A_2984, %iota3A : vector<16xi32>
      %add3A_2986 = arith.constant 592 : i32
      %add3A_2987 = vector.broadcast %add3A_2986 : i32 to vector<16xi32>
      %add3A_2988 = arith.addi %add3A_2987, %iota3A : vector<16xi32>
      %add3A_2989 = arith.constant 720 : i32
      %add3A_2990 = vector.broadcast %add3A_2989 : i32 to vector<16xi32>
      %add3A_2991 = arith.addi %add3A_2990, %iota3A : vector<16xi32>
      %add3A_2992 = arith.constant 848 : i32
      %add3A_2993 = vector.broadcast %add3A_2992 : i32 to vector<16xi32>
      %add3A_2994 = arith.addi %add3A_2993, %iota3A : vector<16xi32>
      %add3A_2995 = arith.constant 976 : i32
      %add3A_2996 = vector.broadcast %add3A_2995 : i32 to vector<16xi32>
      %add3A_2997 = arith.addi %add3A_2996, %iota3A : vector<16xi32>
      %add3A_2998 = arith.constant 80 : i32
      %add3A_2999 = vector.broadcast %add3A_2998 : i32 to vector<16xi32>
      %add3A_3000 = arith.addi %add3A_2999, %iota3A : vector<16xi32>
      %mul3A_3001 = arith.constant 32 : i32
      %mul3A_3002 = vector.broadcast %mul3A_3001 : i32 to vector<16xi32>
      %mul3A_3003 = arith.muli %add3A_3000, %mul3A_3002 : vector<16xi32>
      %broadcast_in_dim3A_3004 = arith.constant 0 : i32
      %broadcast_in_dim3A_3005 = vector.broadcast %broadcast_in_dim3A_3004 : i32 to vector<16xi32>
      %scan3A_3006 = arith.constant 0 : i32
      %scan3A_3007 = arith.constant 32 : i32
      %scan3A_3008 = arith.addi %scan3A_3006, %scan3A_3007 : i32
      %scan3A_3009 = arith.constant 1 : i32
      %scan3A_3010:2 = scf.for %scan3A_3154 = %scan3A_3006 to %scan3A_3008 step %scan3A_3009 iter_args(%scan3A_3155 = %broadcast_in_dim3A_3005, %scan3A_3156 = %mul3A_3003) -> (vector<16xi32>, vector<16xi32>)  : i32 {
        %gather3A = tpu.vector_load_idx %arg14[%add3A_2976, %scan3A_3155] : memref<1024x32xf32, #tpu.memory_space<vmem>>[vector<16xi32>, vector<16xi32>], vector<16xf32>,
        %mul3A_3157 = arith.mulf %get3A_2945, %gather3A : vector<16xf32>
        %gather3A_3158 = tpu.vector_load_idx %arg14[%add3A_2979, %scan3A_3155] : memref<1024x32xf32, #tpu.memory_space<vmem>>[vector<16xi32>, vector<16xi32>], vector<16xf32>,
        %mul3A_3159 = arith.mulf %get3A_2949, %gather3A_3158 : vector<16xf32>
        %add3A_3160 = arith.addf %mul3A_3157, %mul3A_3159 : vector<16xf32>
        %gather3A_3161 = tpu.vector_load_idx %arg14[%add3A_2982, %scan3A_3155] : memref<1024x32xf32, #tpu.memory_space<vmem>>[vector<16xi32>, vector<16xi32>], vector<16xf32>,
        %mul3A_3162 = arith.mulf %get3A_2953, %gather3A_3161 : vector<16xf32>
        %add3A_3163 = arith.addf %add3A_3160, %mul3A_3162 : vector<16xf32>
        %gather3A_3164 = tpu.vector_load_idx %arg14[%add3A_2985, %scan3A_3155] : memref<1024x32xf32, #tpu.memory_space<vmem>>[vector<16xi32>, vector<16xi32>], vector<16xf32>,
        %mul3A_3165 = arith.mulf %get3A_2957, %gather3A_3164 : vector<16xf32>
        %add3A_3166 = arith.addf %add3A_3163, %mul3A_3165 : vector<16xf32>
        %gather3A_3167 = tpu.vector_load_idx %arg14[%add3A_2988, %scan3A_3155] : memref<1024x32xf32, #tpu.memory_space<vmem>>[vector<16xi32>, vector<16xi32>], vector<16xf32>,
        %mul3A_3168 = arith.mulf %get3A_2961, %gather3A_3167 : vector<16xf32>
        %add3A_3169 = arith.addf %add3A_3166, %mul3A_3168 : vector<16xf32>
        %gather3A_3170 = tpu.vector_load_idx %arg14[%add3A_2991, %scan3A_3155] : memref<1024x32xf32, #tpu.memory_space<vmem>>[vector<16xi32>, vector<16xi32>], vector<16xf32>,
        %mul3A_3171 = arith.mulf %get3A_2965, %gather3A_3170 : vector<16xf32>
        %add3A_3172 = arith.addf %add3A_3169, %mul3A_3171 : vector<16xf32>
        %gather3A_3173 = tpu.vector_load_idx %arg14[%add3A_2994, %scan3A_3155] : memref<1024x32xf32, #tpu.memory_space<vmem>>[vector<16xi32>, vector<16xi32>], vector<16xf32>,
        %mul3A_3174 = arith.mulf %get3A_2969, %gather3A_3173 : vector<16xf32>
        %add3A_3175 = arith.addf %add3A_3172, %mul3A_3174 : vector<16xf32>
        %gather3A_3176 = tpu.vector_load_idx %arg14[%add3A_2997, %scan3A_3155] : memref<1024x32xf32, #tpu.memory_space<vmem>>[vector<16xi32>, vector<16xi32>], vector<16xf32>,
        %mul3A_3177 = arith.mulf %get3A_2973, %gather3A_3176 : vector<16xf32>
        %add3A_3178 = arith.addf %add3A_3175, %mul3A_3177 : vector<16xf32>
        tpu.vector_store_idx %arg15[%scan3A_3156], %add3A_3178 : memref<4096xf32, #tpu.memory_space<vmem>>[vector<16xi32>], vector<16xf32>,
        %add3A_3179 = arith.constant 1 : i32
        %add3A_3180 = vector.broadcast %add3A_3179 : i32 to vector<16xi32>
        %add3A_3181 = arith.addi %scan3A_3155, %add3A_3180 : vector<16xi32>
        %add3A_3182 = arith.constant 1 : i32
        %add3A_3183 = vector.broadcast %add3A_3182 : i32 to vector<16xi32>
        %add3A_3184 = arith.addi %scan3A_3156, %add3A_3183 : vector<16xi32>
        scf.yield %add3A_3181, %add3A_3184 : vector<16xi32>, vector<16xi32>
      }
      %scan3A_3011 = arith.constant 32 : i32
      %get3A_3012 = arith.constant 0 : i32
      %get3A_3013 = arith.index_cast %get3A_3012 : i32 to index
      %get3A_3014 = arith.constant 96 : index
      %get3A_3015 = tpu.vector_load %arg13[%get3A_3013, %get3A_3014] {strides = array<i32>} : memref<8x128xf32, #tpu.memory_space<vmem>>, vector<16xf32>,
      %get3A_3016 = arith.constant 1 : i32
      %get3A_3017 = arith.index_cast %get3A_3016 : i32 to index
      %get3A_3018 = arith.constant 96 : index
      %get3A_3019 = tpu.vector_load %arg13[%get3A_3017, %get3A_3018] {strides = array<i32>} : memref<8x128xf32, #tpu.memory_space<vmem>>, vector<16xf32>,
      %get3A_3020 = arith.constant 2 : i32
      %get3A_3021 = arith.index_cast %get3A_3020 : i32 to index
      %get3A_3022 = arith.constant 96 : index
      %get3A_3023 = tpu.vector_load %arg13[%get3A_3021, %get3A_3022] {strides = array<i32>} : memref<8x128xf32, #tpu.memory_space<vmem>>, vector<16xf32>,
      %get3A_3024 = arith.constant 3 : i32
      %get3A_3025 = arith.index_cast %get3A_3024 : i32 to index
      %get3A_3026 = arith.constant 96 : index
      %get3A_3027 = tpu.vector_load %arg13[%get3A_3025, %get3A_3026] {strides = array<i32>} : memref<8x128xf32, #tpu.memory_space<vmem>>, vector<16xf32>,
      %get3A_3028 = arith.constant 4 : i32
      %get3A_3029 = arith.index_cast %get3A_3028 : i32 to index
      %get3A_3030 = arith.constant 96 : index
      %get3A_3031 = tpu.vector_load %arg13[%get3A_3029, %get3A_3030] {strides = array<i32>} : memref<8x128xf32, #tpu.memory_space<vmem>>, vector<16xf32>,
      %get3A_3032 = arith.constant 5 : i32
      %get3A_3033 = arith.index_cast %get3A_3032 : i32 to index
      %get3A_3034 = arith.constant 96 : index
      %get3A_3035 = tpu.vector_load %arg13[%get3A_3033, %get3A_3034] {strides = array<i32>} : memref<8x128xf32, #tpu.memory_space<vmem>>, vector<16xf32>,
      %get3A_3036 = arith.constant 6 : i32
      %get3A_3037 = arith.index_cast %get3A_3036 : i32 to index
      %get3A_3038 = arith.constant 96 : index
      %get3A_3039 = tpu.vector_load %arg13[%get3A_3037, %get3A_3038] {strides = array<i32>} : memref<8x128xf32, #tpu.memory_space<vmem>>, vector<16xf32>,
      %get3A_3040 = arith.constant 7 : i32
      %get3A_3041 = arith.index_cast %get3A_3040 : i32 to index
      %get3A_3042 = arith.constant 96 : index
      %get3A_3043 = tpu.vector_load %arg13[%get3A_3041, %get3A_3042] {strides = array<i32>} : memref<8x128xf32, #tpu.memory_space<vmem>>, vector<16xf32>,
      %add3A_3044 = arith.constant 96 : i32
      %add3A_3045 = vector.broadcast %add3A_3044 : i32 to vector<16xi32>
      %add3A_3046 = arith.addi %add3A_3045, %iota3A : vector<16xi32>
      %add3A_3047 = arith.constant 224 : i32
      %add3A_3048 = vector.broadcast %add3A_3047 : i32 to vector<16xi32>
      %add3A_3049 = arith.addi %add3A_3048, %iota3A : vector<16xi32>
      %add3A_3050 = arith.constant 352 : i32
      %add3A_3051 = vector.broadcast %add3A_3050 : i32 to vector<16xi32>
      %add3A_3052 = arith.addi %add3A_3051, %iota3A : vector<16xi32>
      %add3A_3053 = arith.constant 480 : i32
      %add3A_3054 = vector.broadcast %add3A_3053 : i32 to vector<16xi32>
      %add3A_3055 = arith.addi %add3A_3054, %iota3A : vector<16xi32>
      %add3A_3056 = arith.constant 608 : i32
      %add3A_3057 = vector.broadcast %add3A_3056 : i32 to vector<16xi32>
      %add3A_3058 = arith.addi %add3A_3057, %iota3A : vector<16xi32>
      %add3A_3059 = arith.constant 736 : i32
      %add3A_3060 = vector.broadcast %add3A_3059 : i32 to vector<16xi32>
      %add3A_3061 = arith.addi %add3A_3060, %iota3A : vector<16xi32>
      %add3A_3062 = arith.constant 864 : i32
      %add3A_3063 = vector.broadcast %add3A_3062 : i32 to vector<16xi32>
      %add3A_3064 = arith.addi %add3A_3063, %iota3A : vector<16xi32>
      %add3A_3065 = arith.constant 992 : i32
      %add3A_3066 = vector.broadcast %add3A_3065 : i32 to vector<16xi32>
      %add3A_3067 = arith.addi %add3A_3066, %iota3A : vector<16xi32>
      %add3A_3068 = arith.constant 96 : i32
      %add3A_3069 = vector.broadcast %add3A_3068 : i32 to vector<16xi32>
      %add3A_3070 = arith.addi %add3A_3069, %iota3A : vector<16xi32>
      %mul3A_3071 = arith.constant 32 : i32
      %mul3A_3072 = vector.broadcast %mul3A_3071 : i32 to vector<16xi32>
      %mul3A_3073 = arith.muli %add3A_3070, %mul3A_3072 : vector<16xi32>
      %broadcast_in_dim3A_3074 = arith.constant 0 : i32
      %broadcast_in_dim3A_3075 = vector.broadcast %broadcast_in_dim3A_3074 : i32 to vector<16xi32>
      %scan3A_3076 = arith.constant 0 : i32
      %scan3A_3077 = arith.constant 32 : i32
      %scan3A_3078 = arith.addi %scan3A_3076, %scan3A_3077 : i32
      %scan3A_3079 = arith.constant 1 : i32
      %scan3A_3080:2 = scf.for %scan3A_3154 = %scan3A_3076 to %scan3A_3078 step %scan3A_3079 iter_args(%scan3A_3155 = %broadcast_in_dim3A_3075, %scan3A_3156 = %mul3A_3073) -> (vector<16xi32>, vector<16xi32>)  : i32 {
        %gather3A = tpu.vector_load_idx %arg14[%add3A_3046, %scan3A_3155] : memref<1024x32xf32, #tpu.memory_space<vmem>>[vector<16xi32>, vector<16xi32>], vector<16xf32>,
        %mul3A_3157 = arith.mulf %get3A_3015, %gather3A : vector<16xf32>
        %gather3A_3158 = tpu.vector_load_idx %arg14[%add3A_3049, %scan3A_3155] : memref<1024x32xf32, #tpu.memory_space<vmem>>[vector<16xi32>, vector<16xi32>], vector<16xf32>,
        %mul3A_3159 = arith.mulf %get3A_3019, %gather3A_3158 : vector<16xf32>
        %add3A_3160 = arith.addf %mul3A_3157, %mul3A_3159 : vector<16xf32>
        %gather3A_3161 = tpu.vector_load_idx %arg14[%add3A_3052, %scan3A_3155] : memref<1024x32xf32, #tpu.memory_space<vmem>>[vector<16xi32>, vector<16xi32>], vector<16xf32>,
        %mul3A_3162 = arith.mulf %get3A_3023, %gather3A_3161 : vector<16xf32>
        %add3A_3163 = arith.addf %add3A_3160, %mul3A_3162 : vector<16xf32>
        %gather3A_3164 = tpu.vector_load_idx %arg14[%add3A_3055, %scan3A_3155] : memref<1024x32xf32, #tpu.memory_space<vmem>>[vector<16xi32>, vector<16xi32>], vector<16xf32>,
        %mul3A_3165 = arith.mulf %get3A_3027, %gather3A_3164 : vector<16xf32>
        %add3A_3166 = arith.addf %add3A_3163, %mul3A_3165 : vector<16xf32>
        %gather3A_3167 = tpu.vector_load_idx %arg14[%add3A_3058, %scan3A_3155] : memref<1024x32xf32, #tpu.memory_space<vmem>>[vector<16xi32>, vector<16xi32>], vector<16xf32>,
        %mul3A_3168 = arith.mulf %get3A_3031, %gather3A_3167 : vector<16xf32>
        %add3A_3169 = arith.addf %add3A_3166, %mul3A_3168 : vector<16xf32>
        %gather3A_3170 = tpu.vector_load_idx %arg14[%add3A_3061, %scan3A_3155] : memref<1024x32xf32, #tpu.memory_space<vmem>>[vector<16xi32>, vector<16xi32>], vector<16xf32>,
        %mul3A_3171 = arith.mulf %get3A_3035, %gather3A_3170 : vector<16xf32>
        %add3A_3172 = arith.addf %add3A_3169, %mul3A_3171 : vector<16xf32>
        %gather3A_3173 = tpu.vector_load_idx %arg14[%add3A_3064, %scan3A_3155] : memref<1024x32xf32, #tpu.memory_space<vmem>>[vector<16xi32>, vector<16xi32>], vector<16xf32>,
        %mul3A_3174 = arith.mulf %get3A_3039, %gather3A_3173 : vector<16xf32>
        %add3A_3175 = arith.addf %add3A_3172, %mul3A_3174 : vector<16xf32>
        %gather3A_3176 = tpu.vector_load_idx %arg14[%add3A_3067, %scan3A_3155] : memref<1024x32xf32, #tpu.memory_space<vmem>>[vector<16xi32>, vector<16xi32>], vector<16xf32>,
        %mul3A_3177 = arith.mulf %get3A_3043, %gather3A_3176 : vector<16xf32>
        %add3A_3178 = arith.addf %add3A_3175, %mul3A_3177 : vector<16xf32>
        tpu.vector_store_idx %arg15[%scan3A_3156], %add3A_3178 : memref<4096xf32, #tpu.memory_space<vmem>>[vector<16xi32>], vector<16xf32>,
        %add3A_3179 = arith.constant 1 : i32
        %add3A_3180 = vector.broadcast %add3A_3179 : i32 to vector<16xi32>
        %add3A_3181 = arith.addi %scan3A_3155, %add3A_3180 : vector<16xi32>
        %add3A_3182 = arith.constant 1 : i32
        %add3A_3183 = vector.broadcast %add3A_3182 : i32 to vector<16xi32>
        %add3A_3184 = arith.addi %scan3A_3156, %add3A_3183 : vector<16xi32>
        scf.yield %add3A_3181, %add3A_3184 : vector<16xi32>, vector<16xi32>
      }
      %scan3A_3081 = arith.constant 32 : i32
      %get3A_3082 = arith.constant 0 : i32
      %get3A_3083 = arith.index_cast %get3A_3082 : i32 to index
      %get3A_3084 = arith.constant 112 : index
      %get3A_3085 = tpu.vector_load %arg13[%get3A_3083, %get3A_3084] {strides = array<i32>} : memref<8x128xf32, #tpu.memory_space<vmem>>, vector<16xf32>,
      %get3A_3086 = arith.constant 1 : i32
      %get3A_3087 = arith.index_cast %get3A_3086 : i32 to index
      %get3A_3088 = arith.constant 112 : index
      %get3A_3089 = tpu.vector_load %arg13[%get3A_3087, %get3A_3088] {strides = array<i32>} : memref<8x128xf32, #tpu.memory_space<vmem>>, vector<16xf32>,
      %get3A_3090 = arith.constant 2 : i32
      %get3A_3091 = arith.index_cast %get3A_3090 : i32 to index
      %get3A_3092 = arith.constant 112 : index
      %get3A_3093 = tpu.vector_load %arg13[%get3A_3091, %get3A_3092] {strides = array<i32>} : memref<8x128xf32, #tpu.memory_space<vmem>>, vector<16xf32>,
      %get3A_3094 = arith.constant 3 : i32
      %get3A_3095 = arith.index_cast %get3A_3094 : i32 to index
      %get3A_3096 = arith.constant 112 : index
      %get3A_3097 = tpu.vector_load %arg13[%get3A_3095, %get3A_3096] {strides = array<i32>} : memref<8x128xf32, #tpu.memory_space<vmem>>, vector<16xf32>,
      %get3A_3098 = arith.constant 4 : i32
      %get3A_3099 = arith.index_cast %get3A_3098 : i32 to index
      %get3A_3100 = arith.constant 112 : index
      %get3A_3101 = tpu.vector_load %arg13[%get3A_3099, %get3A_3100] {strides = array<i32>} : memref<8x128xf32, #tpu.memory_space<vmem>>, vector<16xf32>,
      %get3A_3102 = arith.constant 5 : i32
      %get3A_3103 = arith.index_cast %get3A_3102 : i32 to index
      %get3A_3104 = arith.constant 112 : index
      %get3A_3105 = tpu.vector_load %arg13[%get3A_3103, %get3A_3104] {strides = array<i32>} : memref<8x128xf32, #tpu.memory_space<vmem>>, vector<16xf32>,
      %get3A_3106 = arith.constant 6 : i32
      %get3A_3107 = arith.index_cast %get3A_3106 : i32 to index
      %get3A_3108 = arith.constant 112 : index
      %get3A_3109 = tpu.vector_load %arg13[%get3A_3107, %get3A_3108] {strides = array<i32>} : memref<8x128xf32, #tpu.memory_space<vmem>>, vector<16xf32>,
      %get3A_3110 = arith.constant 7 : i32
      %get3A_3111 = arith.index_cast %get3A_3110 : i32 to index
      %get3A_3112 = arith.constant 112 : index
      %get3A_3113 = tpu.vector_load %arg13[%get3A_3111, %get3A_3112] {strides = array<i32>} : memref<8x128xf32, #tpu.memory_space<vmem>>, vector<16xf32>,
      %add3A_3114 = arith.constant 112 : i32
      %add3A_3115 = vector.broadcast %add3A_3114 : i32 to vector<16xi32>
      %add3A_3116 = arith.addi %add3A_3115, %iota3A : vector<16xi32>
      %add3A_3117 = arith.constant 240 : i32
      %add3A_3118 = vector.broadcast %add3A_3117 : i32 to vector<16xi32>
      %add3A_3119 = arith.addi %add3A_3118, %iota3A : vector<16xi32>
      %add3A_3120 = arith.constant 368 : i32
      %add3A_3121 = vector.broadcast %add3A_3120 : i32 to vector<16xi32>
      %add3A_3122 = arith.addi %add3A_3121, %iota3A : vector<16xi32>
      %add3A_3123 = arith.constant 496 : i32
      %add3A_3124 = vector.broadcast %add3A_3123 : i32 to vector<16xi32>
      %add3A_3125 = arith.addi %add3A_3124, %iota3A : vector<16xi32>
      %add3A_3126 = arith.constant 624 : i32
      %add3A_3127 = vector.broadcast %add3A_3126 : i32 to vector<16xi32>
      %add3A_3128 = arith.addi %add3A_3127, %iota3A : vector<16xi32>
      %add3A_3129 = arith.constant 752 : i32
      %add3A_3130 = vector.broadcast %add3A_3129 : i32 to vector<16xi32>
      %add3A_3131 = arith.addi %add3A_3130, %iota3A : vector<16xi32>
      %add3A_3132 = arith.constant 880 : i32
      %add3A_3133 = vector.broadcast %add3A_3132 : i32 to vector<16xi32>
      %add3A_3134 = arith.addi %add3A_3133, %iota3A : vector<16xi32>
      %add3A_3135 = arith.constant 1008 : i32
      %add3A_3136 = vector.broadcast %add3A_3135 : i32 to vector<16xi32>
      %add3A_3137 = arith.addi %add3A_3136, %iota3A : vector<16xi32>
      %add3A_3138 = arith.constant 112 : i32
      %add3A_3139 = vector.broadcast %add3A_3138 : i32 to vector<16xi32>
      %add3A_3140 = arith.addi %add3A_3139, %iota3A : vector<16xi32>
      %mul3A_3141 = arith.constant 32 : i32
      %mul3A_3142 = vector.broadcast %mul3A_3141 : i32 to vector<16xi32>
      %mul3A_3143 = arith.muli %add3A_3140, %mul3A_3142 : vector<16xi32>
      %broadcast_in_dim3A_3144 = arith.constant 0 : i32
      %broadcast_in_dim3A_3145 = vector.broadcast %broadcast_in_dim3A_3144 : i32 to vector<16xi32>
      %scan3A_3146 = arith.constant 0 : i32
      %scan3A_3147 = arith.constant 32 : i32
      %scan3A_3148 = arith.addi %scan3A_3146, %scan3A_3147 : i32
      %scan3A_3149 = arith.constant 1 : i32
      %scan3A_3150:2 = scf.for %scan3A_3154 = %scan3A_3146 to %scan3A_3148 step %scan3A_3149 iter_args(%scan3A_3155 = %broadcast_in_dim3A_3145, %scan3A_3156 = %mul3A_3143) -> (vector<16xi32>, vector<16xi32>)  : i32 {
        %gather3A = tpu.vector_load_idx %arg14[%add3A_3116, %scan3A_3155] : memref<1024x32xf32, #tpu.memory_space<vmem>>[vector<16xi32>, vector<16xi32>], vector<16xf32>,
        %mul3A_3157 = arith.mulf %get3A_3085, %gather3A : vector<16xf32>
        %gather3A_3158 = tpu.vector_load_idx %arg14[%add3A_3119, %scan3A_3155] : memref<1024x32xf32, #tpu.memory_space<vmem>>[vector<16xi32>, vector<16xi32>], vector<16xf32>,
        %mul3A_3159 = arith.mulf %get3A_3089, %gather3A_3158 : vector<16xf32>
        %add3A_3160 = arith.addf %mul3A_3157, %mul3A_3159 : vector<16xf32>
        %gather3A_3161 = tpu.vector_load_idx %arg14[%add3A_3122, %scan3A_3155] : memref<1024x32xf32, #tpu.memory_space<vmem>>[vector<16xi32>, vector<16xi32>], vector<16xf32>,
        %mul3A_3162 = arith.mulf %get3A_3093, %gather3A_3161 : vector<16xf32>
        %add3A_3163 = arith.addf %add3A_3160, %mul3A_3162 : vector<16xf32>
        %gather3A_3164 = tpu.vector_load_idx %arg14[%add3A_3125, %scan3A_3155] : memref<1024x32xf32, #tpu.memory_space<vmem>>[vector<16xi32>, vector<16xi32>], vector<16xf32>,
        %mul3A_3165 = arith.mulf %get3A_3097, %gather3A_3164 : vector<16xf32>
        %add3A_3166 = arith.addf %add3A_3163, %mul3A_3165 : vector<16xf32>
        %gather3A_3167 = tpu.vector_load_idx %arg14[%add3A_3128, %scan3A_3155] : memref<1024x32xf32, #tpu.memory_space<vmem>>[vector<16xi32>, vector<16xi32>], vector<16xf32>,
        %mul3A_3168 = arith.mulf %get3A_3101, %gather3A_3167 : vector<16xf32>
        %add3A_3169 = arith.addf %add3A_3166, %mul3A_3168 : vector<16xf32>
        %gather3A_3170 = tpu.vector_load_idx %arg14[%add3A_3131, %scan3A_3155] : memref<1024x32xf32, #tpu.memory_space<vmem>>[vector<16xi32>, vector<16xi32>], vector<16xf32>,
        %mul3A_3171 = arith.mulf %get3A_3105, %gather3A_3170 : vector<16xf32>
        %add3A_3172 = arith.addf %add3A_3169, %mul3A_3171 : vector<16xf32>
        %gather3A_3173 = tpu.vector_load_idx %arg14[%add3A_3134, %scan3A_3155] : memref<1024x32xf32, #tpu.memory_space<vmem>>[vector<16xi32>, vector<16xi32>], vector<16xf32>,
        %mul3A_3174 = arith.mulf %get3A_3109, %gather3A_3173 : vector<16xf32>
        %add3A_3175 = arith.addf %add3A_3172, %mul3A_3174 : vector<16xf32>
        %gather3A_3176 = tpu.vector_load_idx %arg14[%add3A_3137, %scan3A_3155] : memref<1024x32xf32, #tpu.memory_space<vmem>>[vector<16xi32>, vector<16xi32>], vector<16xf32>,
        %mul3A_3177 = arith.mulf %get3A_3113, %gather3A_3176 : vector<16xf32>
        %add3A_3178 = arith.addf %add3A_3175, %mul3A_3177 : vector<16xf32>
        tpu.vector_store_idx %arg15[%scan3A_3156], %add3A_3178 : memref<4096xf32, #tpu.memory_space<vmem>>[vector<16xi32>], vector<16xf32>,
        %add3A_3179 = arith.constant 1 : i32
        %add3A_3180 = vector.broadcast %add3A_3179 : i32 to vector<16xi32>
        %add3A_3181 = arith.addi %scan3A_3155, %add3A_3180 : vector<16xi32>
        %add3A_3182 = arith.constant 1 : i32
        %add3A_3183 = vector.broadcast %add3A_3182 : i32 to vector<16xi32>
        %add3A_3184 = arith.addi %scan3A_3156, %add3A_3183 : vector<16xi32>
        scf.yield %add3A_3181, %add3A_3184 : vector<16xi32>, vector<16xi32>
      }
      %scan3A_3151 = arith.constant 32 : i32
      %mul3A_3152 = arith.constant 32 : i32
      %mul3A_3153 = arith.muli %add3A_37, %mul3A_3152 : i32
      "tpu.region"() ({
        %run_scoped3A = tpu.sem_alloc : memref<!tpu.dma_semaphore, #tpu.memory_space<semaphore_mem>>
        %dma_start3A_3154 = tpu.memref_slice %arg10[%mul3A_3153] : memref<28311552xf32, #tpu.memory_space<hbm>> -> memref<4096xf32, #tpu.memory_space<hbm>>
        %dma_start3A_3155 = tpu.memref_slice %arg10[%mul3A_3153] : memref<28311552xf32, #tpu.memory_space<hbm>> -> memref<4096xf32, #tpu.memory_space<hbm>>
        tpu.enqueue_dma source(%arg15 : memref<4096xf32, #tpu.memory_space<vmem>>) target(%dma_start3A_3155 : memref<4096xf32, #tpu.memory_space<hbm>>) target_semaphore(%run_scoped3A : memref<!tpu.dma_semaphore, #tpu.memory_space<semaphore_mem>>)
        %dma_wait3A_3156 = tpu.memref_slice %arg10[%mul3A_3153] : memref<28311552xf32, #tpu.memory_space<hbm>> -> memref<4096xf32, #tpu.memory_space<hbm>>
        %dma_wait3A_3157 = tpu.memref_slice %arg10[%mul3A_3153] : memref<28311552xf32, #tpu.memory_space<hbm>> -> memref<4096xf32, #tpu.memory_space<hbm>>
        tpu.wait_dma2 semaphore(%run_scoped3A : memref<!tpu.dma_semaphore, #tpu.memory_space<semaphore_mem>>) src(%arg15 : memref<4096xf32, #tpu.memory_space<vmem>>) dst(%dma_wait3A_3157 : memref<4096xf32, #tpu.memory_space<hbm>>)
        tpu.yield
      }) : () -> ()
    }
    %scan3A_33 = arith.constant 216 : i32
    return
  }
}

</mosaic_0001>

<sc_bundles>
// kernel: kernel.3.cloned.1.call-start
scs
__scs_entry_jumppad:
0x0: {  	(pc) =	sbr.rel $0x88, $3  }
0x1: {  	(tag) =	ssettag $0x0;
	lr =	simm.s32 $0x1  }
0x2: {  	[smem:$0x3F9F] =	sst lr;
	_ =	strace $0xD0000000  }
0x3: {  	_ = 	snop  }
0x4: {  	_ = 	snop  }
0x5: {  	_ = 	snop  }
0x6: {  	_ = 	snop  }
0x7: {  	_ = 	snop  }
__scs_overlays_trampoline_lowered:
0x8: {  	[smem:$0x3FAE] =	sst s0  }
0x9: {  	[smem:$0x3FAF] =	sst s1  }
0xa: {  	[smem:$0x3FB0] =	sst s2  }
0xb: {  	[smem:$0x3FB1] =	sst s3  }
0xc: {  	[smem:$0x3FB2] =	sst s4  }
0xd: {  	[smem:$0x3FB3] =	sst s5  }
0xe: {  	[smem:$0x3FB4] =	sst s6  }
0xf: {  	[smem:$0x3FB5] =	sst s7  }
0x10: {  	[smem:$0x3FB6] =	sst s8  }
0x11: {  	[smem:$0x3FB7] =	sst s9;
	s0 =	simm.s32 @!p0 $0x0  }
0x12: {  	s1 =	sld [smem:$0x3F9D];
	s0 =	simm.s32 @p0 $0x1  }
0x13: {  	[smem:$0x3FB8] =	sst s0;
	s0 =	simm.s32 @!p1 $0x0  }
0x14: {  	s2 =	sld [smem:$0x3F9C];
	s0 =	simm.s32 @p1 $0x1  }
0x15: {  	[smem:$0x3FB9] =	sst s0;
	s0 =	simm.s32 @!p2 $0x0  }
0x16: {  	s3 =	sld [smem:$0x3FDB];
	s0 =	simm.s32 @p2 $0x1  }
0x17: {  	s4 =	simm.s32 $0x1BF5;
	[smem:$0x3FBB] =	sst s0  }
0x18: {  	s0 =	sld [smem:$0x3F9E];
	_ =	swait.ge [sflag:s4], $0x0  }
0x19: {  	s7 =	sld [smem:$0x3F9F]  }
0x1a: {  	s8 =	sadd.s32 $0xFFFFE003, lr  }
0x1b: {  	s9 =	sadd.s32 $0xFFFFFEF7, lr;
	s5 =	simm.s32 $0xFFFFFFFF;
	p2 =	slt.u32 s8, $0xFFFFF086  }
0x1c: {  	p1 =	slt.u32 s9, $0xF7A;
	s5 =	simm.s32 @!p2 $0x0  }
0x1d: {  	s5 =	simm.s32 @p1 $0x1;
	p0 =	seq.s32 s7, s2  }
0x1e: {  	s7 =	smul.u32 @!p0 $0xF7A, s2;
	p2 =	seq.s32 @!p0 s5, $0x0  }
0x1f: {  	s9 =	smul.u32 $0xF7A, s1;
	s8 =	simm.s32 @!p0 $0x1BF5;
	p2 =	por !p2, p0  }
0x20: {  	[sflag:s8] =	ssyncset.s32 @!p0 $0xFFFFF086;
	s6 =	sadd.s32 @!p0 s3, s7;
	s7 =	simm.s32 @!p0 $0x108  }
0x21: {  	s3 =	sadd.s32 s3, s9;
	s6 =	sadd.s32 @!p0 $0x88, s6;
	s7 =	simm.s32 @p2 $0x1082  }
0x22: {  	[simem:s7], [sflag:s8] =	dma.local @!p0 [hbm:s6], $0xF7A  }
0x23: {  	s9 =	sor.u32 $0xD0000000, s2;
	s6 =	simm.s32 $0x108;
	_ =	swait.ge @!p0 [sflag:s8], $0x0  }
0x24: {  	s3 =	sadd.s32 $0x88, s3;
	s6 =	simm.s32 @!p1 $0x1082;
	[sflag:s4] =	ssyncset.s32 $0xFFFFF086  }
0x25: {  	[simem:s6], [sflag:s4] =	dma.local [hbm:s3], $0xF7A  }
0x26: {  	[smem:$0x3F9F] =	sst s1;
	(tag) =	ssettag s2;
	_ =	strace s9  }
0x27: {  	s1 =	sld [smem:$0x3FAF]  }
0x28: {  	s2 =	sld [smem:$0x3FB0]  }
0x29: {  	s4 =	sld [smem:$0x3FB2]  }
0x2a: {  	p0 =	seq.s32 s5, $0x0;
	s5 =	sld [smem:$0x3FB3]  }
0x2b: {  	s6 =	sld [smem:$0x3FB4]  }
0x2c: {  	s7 =	sld [smem:$0x3FB5]  }
0x2d: {  	s3 =	simm.s32 $0x108;
	s8 =	sld [smem:$0x3FB6]  }
0x2e: {  	s3 =	simm.s32 @!p0 $0x1082;
	s9 =	sld [smem:$0x3FB7]  }
0x2f: {  	lr =	sadd.s32 s0, s3;
	s0 =	sld [smem:$0x3FAE]  }
0x30: {  	s3 =	sld [smem:$0x3FB1]  }
0x31: {  	[smem:$0x3FBA] =	sst s10  }
0x32: {  	s10 =	sld [smem:$0x3FB8];
	_ =	sdelay $0x3  }
0x33: {  	p0 =	seq.s32 s10, $0x1;
	s10 =	sld [smem:$0x3FBA];
	_ =	sdelay $0x3  }
0x34: {  	[smem:$0x3FBA] =	sst s10  }
0x35: {  	s10 =	sld [smem:$0x3FB9];
	_ =	sdelay $0x3  }
0x36: {  	p1 =	seq.s32 s10, $0x1;
	s10 =	sld [smem:$0x3FBA];
	_ =	sdelay $0x3  }
0x37: {  	[smem:$0x3FBA] =	sst s10  }
0x38: {  	s10 =	sld [smem:$0x3FBB]  }
0x39: {  	_ = 	snop;
	(pc) =	sbr.ind lr, $3  }
0x3a: {  	_ = 	snop  }
0x3b: {  	_ = 	snop  }
0x3c: {  	p2 =	seq.s32 s10, $0x1;
	s10 =	sld [smem:$0x3FBA]  }
0x3d: {  	_ =	shalt  }
0x3e: {  	_ =	shalt  }
0x3f: {  	_ =	shalt  }
0x40: {  	_ =	shalt  }
0x41: {  	_ =	shalt  }
0x42: {  	_ =	shalt  }
0x43: {  	_ =	shalt  }
0x44: {  	_ =	shalt  }
0x45: {  	_ =	shalt  }
0x46: {  	_ =	shalt  }
0x47: {  	_ =	shalt  }
0x48: {  	_ =	shalt  }
0x49: {  	_ =	shalt  }
0x4a: {  	_ =	shalt  }
0x4b: {  	_ =	shalt  }
0x4c: {  	_ =	shalt  }
0x4d: {  	_ =	shalt  }
0x4e: {  	_ =	shalt  }
0x4f: {  	_ =	shalt  }
0x50: {  	_ =	shalt  }
0x51: {  	_ =	shalt  }
0x52: {  	_ =	shalt  }
0x53: {  	_ =	shalt  }
0x54: {  	_ =	shalt  }
0x55: {  	_ =	shalt  }
0x56: {  	_ =	shalt  }
0x57: {  	_ =	shalt  }
0x58: {  	_ =	shalt  }
0x59: {  	_ =	shalt  }
0x5a: {  	_ =	shalt  }
0x5b: {  	_ =	shalt  }
0x5c: {  	_ =	shalt  }
0x5d: {  	_ =	shalt  }
0x5e: {  	_ =	shalt  }
0x5f: {  	_ =	shalt  }
0x60: {  	_ =	shalt  }
0x61: {  	_ =	shalt  }
0x62: {  	_ =	shalt  }
0x63: {  	_ =	shalt  }
0x64: {  	_ =	shalt  }
0x65: {  	_ =	shalt  }
0x66: {  	_ =	shalt  }
0x67: {  	_ =	shalt  }
0x68: {  	_ =	shalt  }
0x69: {  	_ =	shalt  }
0x6a: {  	_ =	shalt  }
0x6b: {  	_ =	shalt  }
0x6c: {  	_ =	shalt  }
0x6d: {  	_ =	shalt  }
0x6e: {  	_ =	shalt  }
0x6f: {  	_ =	shalt  }
0x70: {  	_ =	shalt  }
0x71: {  	_ =	shalt  }
0x72: {  	_ =	shalt  }
0x73: {  	_ =	shalt  }
0x74: {  	_ =	shalt  }
0x75: {  	_ =	shalt  }
0x76: {  	_ =	shalt  }
0x77: {  	_ =	shalt  }
0x78: {  	_ =	shalt  }
0x79: {  	_ =	shalt  }
0x7a: {  	_ =	shalt  }
0x7b: {  	_ =	shalt  }
0x7c: {  	_ =	shalt  }
0x7d: {  	_ =	shalt  }
0x7e: {  	_ =	shalt  }
0x7f: {  	_ =	shalt  }
0x80: {  	_ =	shalt  }
0x81: {  	_ =	shalt  }
0x82: {  	_ =	shalt  }
0x83: {  	_ =	shalt  }
0x84: {  	_ =	shalt  }
0x85: {  	_ =	shalt  }
0x86: {  	_ =	shalt  }
0x87: {  	_ =	shalt  }
.Lfunc_end0:
.L_simem_size_0:
called_computation.1_lowered:
.L_overlay_start_0:
0x88: {  	s2 =	sld [smem:$0x3FD9]  }
0x89: {  	s3 =	sld [smem:$0x3FFE];
	_ =	sdelay $0x1  }
0x8a: {  	s1 =	srdreg.scid  }
0x8b: {  	s0 =	sand.u32 $0x1, s1  }
0x8c: {  	s17 =	sshll.u32 s0, $0xA;
	s2 =	sadd.s32 s3, s2  }
0x8d: {  	s2 =	sadd.s32 s2, s17  }
0x8e: {  	[smem:$0x3FC6] =	sst s2  }
0x8f: {  	_ = 	snop  }
0x90: {  	s2 =	sld [smem:$0x3FD0];
	(tm) =	ssettm $0x1  }
0x91: {  	s18 =	sld [smem:$0x3FFB];
	_ =	sdelay $0x3  }
0x92: {  	_ =	strace s18  }
0x93: {  	s3 =	sld [smem:$0x3FFC];
	_ =	sdelay $0x3  }
0x94: {  	_ =	strace s3  }
0x95: {  	s3 =	sld [smem:$0x3FFD];
	_ =	sdelay $0x3  }
0x96: {  	_ =	strace s3  }
0x97: {  	_ =	strace $0x8FFFFFFF  }
0x98: {  	s19 =	sld [smem:$0x3FDB];
	_ =	sdelay $0x1  }
0x99: {  	s4 =	simm.s32 $_scs_section_size  }
0x9a: {  	s5 =	simm.s32 $_size__tile_overlayer_lowered;
	s6 =	simm.s32 $_tile_overlayer_lowered  }
0x9b: {  	s22 =	simm.s32 $0x1BFF;
	s21 =	sshll.u32 s6, $0x1;
	s3 =	sadd.s32 s4, s19  }
0x9c: {  	s7 =	simm.s32 $0x0;
	s20 =	sshll.u32 s5, $0x1;
	s5 =	sadd.s32 s21, s3  }
0x9d: {  	[timem:s7], [sflag:s22] =	dma.local [hbm:s5], s20  }
0x9e: {  	_ =	swait.ge [sflag:s22], s20  }
0x9f: {  	s4 =	ssub.s32 $0x0, s20;
	[sflag:s22] =	ssyncset.done $0x0  }
0xa0: {  	[sflag:s22] =	ssyncadd.s32 s4;
	_ =	sdelay $0x1  }
0xa1: {  	s23 =	simm.s32 $0x1B8B  }
0xa2: {  	_ =	swait.ge [sflag:s23], $0x1  }
0xa3: {  	[sflag:s23] =	ssyncset.done $0x0  }
0xa4: {  	s25 =	simm.s32 $0x1B8E;
	s24 =	sld [smem:$0x3FFE];
	[sflag:s23] =	ssyncadd.s32 $0xFFFFFFFF  }
0xa5: {  	s26 =	simm.s32 $execute0_lowered;
	[smem:$0x3FD2] =	sst s25  }
0xa6: {  	s5 =	sshll.u32 s26, $0x1;
	_ =	strace $0x80000046;
	[dreg:$0x1] =	wrdreg $0xFFFFFFFF  }
0xa7: {  	s28 =	simm.s32 $_size_execute0_lowered;
	s3 =	sadd.s32 s3, s5;
	[dreg:$0x0] =	wrdreg $0x0  }
0xa8: {  	s5 =	sshll.u32 s28, $0x1;
	[dreg:$0x2] =	wrdreg s3  }
0xa9: {  	[dreg:$0x3] =	wrdreg s5  }
0xaa: {  	[dreg:$0x4] =	wrdreg $0xC0  }
0xab: {  	_ =	task [dreg:s7], $0x5FFFF  }
0xac: {  	[dreg:$0x1] =	wrdreg $0xFFFFFFFF  }
0xad: {  	[dreg:$0x0] =	wrdreg $0x60  }
0xae: {  	[dreg:$0x2] =	wrdreg s2  }
0xaf: {  	[dreg:$0x3] =	wrdreg s24  }
0xb0: {  	[dreg:$0x4] =	wrdreg $0x9  }
0xb1: {  	_ =	task.clear_ibuf [dreg:s7], $0x5FFFF;
	_ =	strace $0x90000046  }
0xb2: {  	s29 =	simm.s32 $0x9;
	_ =	strace $0x80000048  }
0xb3: {  	_ =	swait.ge [sflag:s29], $0x1  }
0xb4: {  	[sflag:s29] =	ssyncadd.s32 $0xFFFFFFFF  }
0xb5: {  	_ =	strace $0x90000048  }
0xb6: {  	_ =	sfence  }
0xb7: {  	s30 =	sld [smem:$0x0];
	_ =	sdelay $0x2  }
0xb8: {  	s31 =	sshll.u32 s1, $0xD;
	s1 =	sshrl.u32 s1, $0x2  }
0xb9: {  	s3 =	sand.u32 $0x4000, s31;
	s1 =	sadd.s32 s1, s30  }
0xba: {  	s0 =	sor.u32 s3, s0;
	s1 =	sshll.u32 s1, $0x11  }
0xbb: {  	s0 =	sor.u32 s1, s0  }
0xbc: {  	s0 =	sadd.s32 $0x8F2B, s0  }
0xbd: {  	[sflag:s0] =	ssyncadd.remote.s32 $0x1  }
0xbe: {  	_ =	sfence.sel $0xFFFF  }
0xbf: {  	[dreg:$0x0] =	wrdreg $0xFFFFFFFF;
	(pc) =	sbr.abs _section_cstart, $3  }
0xc0: {  	[dreg:$0x1] =	wrdreg $0xFFFFFFFF  }
0xc1: {  	_ =	task.clear_ibuf [dreg:s7], $0x2FFFF;
	_ =	strace $0x9FFFFFFF  }
0xc2: {  	(tm) =	ssettm $0x7FFFFFFF  }
0xc3: {  	_ =	shalt  }
tec
execute0_lowered:
.L_overlay_start_1:
0x0: {  	(tag) =	ssettag $0x1  }
0x1: {  	s1 =	rddreg [dreg:$0x0]  }
0x2: {  	s0 =	rddreg [dreg:$0x1];
	s2 =	simm.s32 $0x0;
	s4 =	srdreg.scid  }
0x3: {  	s9 =	stileid.u32;
	s16 =	simm.s32 $0x2;
	s17 =	simm.s32 $0x80  }
0x4: {  	s18 =	simm.s32 $0xD8000;
	s19 =	simm.s32 $0x180;
	s20 =	simm.s32 $0x980  }
0x5: {  	s21 =	simm.s32 $0x200;
	s22 =	simm.s32 $0x1980;
	s23 =	simm.s32 $0x280  }
0x6: {  	s24 =	simm.s32 $0x2980;
	s28 =	simm.s32 $0x380;
	s29 =	simm.s32 $0x4980  }
0x7: {  	s30 =	simm.s32 $0x400;
	s31 =	simm.s32 $0x5980;
	s10 =	simm.s32 $0x500  }
0x8: {  	s11 =	simm.s32 $0x7980;
	s12 =	simm.s32 $0x1;
	s13 =	simm.s32 $0x8980  }
0x9: {  	s14 =	simm.s32 $0x0;
	[smem:$0x7FF] =	sst s2;
	s3 =	sadd.s32 $0x800, s0  }
0xa: {  	s4 =	sand.u32 $0x1, s4;
	s5 =	sadd.s32 $0x51800, s0;
	s6 =	sadd.s32 $0x51A00, s0  }
0xb: {  	s7 =	sadd.s32 $0x51C00, s0;
	s25 =	ssub.s32 $0x2, s4;
	s4 =	sshll.u32 s4, $0x4  }
0xc: {  	_ =	strace $0x80000047;
	s8 =	sshrl.u32 s25, $0x1;
	s4 =	sor.u32 s9, s4  }
0xd: {  	[dreg:$0x3] =	wrdreg s5;
	s26 =	ssub.s32 s25, s8;
	s8 =	smul.u32 $0x6C00, s4  }
0xe: {  	v0 =	vlaneseq.u32;
	s25 =	simm.s32 $0x300;
	s4 =	simm.s32 $0x6980;
	s0 =	smax.u32 s26, $0x1  }
0xf: {  	v51 =	vimm.f32 $0.0e+00;
	v39 =	vimm.s32 $0x0;
	v3 =	vmul.u32 $0x20, v0;
	s26 =	simm.s32 $0x3980;
	[dreg:$0x4] =	wrdreg s0;
	s0 =	simm.s32 $0x480  }
.LBB2_1:
0x10: {  	s5 =	rddreg [dreg:$0x3];
	s9 =	simm.s32 $0x9980  }
0x11: {  	[tilespmem:s9], [sflag:$0x2] =	stream.linear.gather [hbm4b:s5+s2], $0x1, $0x38;
	[tilespmem:$0x99E0] =	vst v63  }
0x12: {  	s15 =	simm.s32 $0x9990  }
0x13: {  	[tilespmem:s15], [sflag:$0x2] =	stream.linear.gather [hbm4b:s6+s2], $0x1, $0x38;
	[tilespmem:$0x99E0] =	vst v63  }
0x14: {  	s15 =	simm.s32 $0x99A0  }
0x15: {  	[tilespmem:s15], [sflag:$0x2] =	stream.linear.gather [hbm4b:s5+s2], $0x1, $0x38;
	[tilespmem:$0x99E0] =	vst v63  }
0x16: {  	s15 =	simm.s32 $0x99B0  }
0x17: {  	[tilespmem:s15], [sflag:$0x2] =	stream.linear.gather [hbm4b:s6+s2], $0x1, $0x38;
	[tilespmem:$0x99E0] =	vst v63  }
0x18: {  	s15 =	simm.s32 $0x99C0  }
0x19: {  	[tilespmem:s15], [sflag:$0x2] =	stream.linear.gather [hbm4b:s5+s2], $0x1, $0x38;
	[tilespmem:$0x99E0] =	vst v63  }
0x1a: {  	s15 =	simm.s32 $0x99D0  }
0x1b: {  	[tilespmem:s15], [sflag:$0x2] =	stream.linear.gather [hbm4b:s6+s2], $0x1, $0x38;
	[tilespmem:$0x99E0] =	vst v63  }
0x1c: {  	_ =	swait.ge [sflag:s16], $0x1  }
0x1d: {  	[sflag:s16] =	ssyncset.done $0x0  }
0x1e: {  	[sflag:s16] =	ssyncadd.s32 $0xFFFFFFFF  }
0x1f: {  	_ =	swait.ge [sflag:s16], $0x1  }
0x20: {  	[sflag:s16] =	ssyncset.done $0x0  }
0x21: {  	[sflag:s16] =	ssyncadd.s32 $0xFFFFFFFF  }
0x22: {  	_ =	swait.ge [sflag:s16], $0x1  }
0x23: {  	[sflag:s16] =	ssyncset.done $0x0  }
0x24: {  	[sflag:s16] =	ssyncadd.s32 $0xFFFFFFFF  }
0x25: {  	_ =	swait.ge [sflag:s16], $0x1  }
0x26: {  	[sflag:s16] =	ssyncset.done $0x0  }
0x27: {  	[sflag:s16] =	ssyncadd.s32 $0xFFFFFFFF  }
0x28: {  	_ =	swait.ge [sflag:s16], $0x1  }
0x29: {  	[sflag:s16] =	ssyncset.done $0x0  }
0x2a: {  	[sflag:s16] =	ssyncadd.s32 $0xFFFFFFFF  }
0x2b: {  	_ =	swait.ge [sflag:s16], $0x1  }
0x2c: {  	[sflag:s16] =	ssyncset.done $0x0  }
0x2d: {  	[sflag:s16] =	ssyncadd.s32 $0xFFFFFFFF  }
0x2e: {  	v0 =	vld.msk [tilespmem:$0x9980 ss:$0x0], $0xffff;
	_ =	sdelay $0x4  }
0x2f: {  	[tilespmem:$0x1FFA0] =	vst v0;
	v0 =	vld.msk [tilespmem:$0x9990 ss:$0x0], $0xffff;
	_ =	sdelay $0x4  }
0x30: {  	[tilespmem:$0x1FFB0] =	vst v0;
	v0 =	vld.msk [tilespmem:$0x99A0 ss:$0x0], $0xffff;
	_ =	sdelay $0x4  }
0x31: {  	[tilespmem:$0x1FFC0] =	vst v0;
	v0 =	vld.msk [tilespmem:$0x99B0 ss:$0x0], $0xffff;
	_ =	sdelay $0x4  }
0x32: {  	[tilespmem:$0x1FFD0] =	vst v0;
	v0 =	vld.msk [tilespmem:$0x99C0 ss:$0x0], $0xffff;
	_ =	sdelay $0x4  }
0x33: {  	[tilespmem:$0x1FFE0] =	vst v0;
	v0 =	vld.msk [tilespmem:$0x99D0 ss:$0x0], $0xffff;
	_ =	sdelay $0x4  }
0x34: {  	s15 =	simm.s32 $0x0;
	[tilespmem:$0x1FFF0] =	vst v0  }
.LBB2_2:
0x35: {  	s5 =	sshll.u32 s15, $0x7  }
0x36: {  	s9 =	sadd.s32 s8, s5  }
0x37: {  	s5 =	sshrl.u32 s9, $0x3  }
0x38: {  	s5 =	sadd.s32 s3, s5  }
0x39: {  	[tilespmem:s2], [sflag:$0x2] =	stream.strided.gather [hbm4b:s5+s17], $0x180, s18, s17, $0x38;
	[tilespmem:$0x99E0] =	vst v63  }
0x3a: {  	_ =	swait.ge [sflag:s16], $0x180  }
0x3b: {  	[sflag:s16] =	ssyncset.done $0x0;
	v40 =	vld [tilespmem:$0x1FFA0]  }
0x3c: {  	v46 =	vld [tilespmem:$0x1FFB0];
	[sflag:s16] =	ssyncadd.s32 $0xFFFFFE80  }
0x3d: {  	v0 =	vld [tilespmem:$0x0]  }
0x3e: {  	v47 =	vld [tilespmem:$0x1FFC0]  }
0x3f: {  	v1 =	vld [tilespmem:$0x80];
	_ =	sdelay $0x1  }
0x40: {  	v49 =	vld [tilespmem:$0x1FFD0]  }
0x41: {  	v0 =	vmul.f32 v0, v40;
	_ =	sdelay $0x1  }
0x42: {  	v1 =	vmul.f32 v1, v47;
	v0 =	vadd.f32 v0, v46;
	_ =	sdelay $0x1  }
0x43: {  	v1 =	vadd.f32 v1, v49;
	v0 =	vmax.f32 v0, $-1.500000000e+00  }
0x44: {  	v0 =	vmin.f32 v0, $9.650000000e+01  }
0x45: {  	v1 =	vmax.f32 v1, $-1.500000000e+00;
	v4 =	vtrunc.f32 v0  }
0x46: {  	v1 =	vmin.f32 v1, $9.650000000e+01;
	v5 =	vcvt.f32.s32 v4;
	vm0 =	vlt.f32 v0, v4  }
0x47: {  	v52 =	vld [tilespmem:$0x1FFE0];
	v8 =	vtrunc.f32 v1;
	v4 =	vsel vm0, $0xFFFFFFFF, v39  }
0x48: {  	v10 =	vcvt.f32.s32 v8;
	vm8 =	vlt.f32 v1, v8;
	v4 =	vadd.s32 v5, v4;
	v5 =	vld [tilespmem:$0x100]  }
0x49: {  	v8 =	vsel vm8, $0xFFFFFFFF, v39  }
0x4a: {  	v53 =	vld [tilespmem:$0x1FFF0];
	v8 =	vadd.s32 v10, v8;
	v6 =	vcvt.s32.f32 v4  }
0x4b: {  	v7 =	vadd.s32 $0x1, v4;
	vm7 =	vlt.u32 v4, $0x60;
	vm9 =	vgt.s32 v4, $0x0  }
0x4c: {  	v12 =	vadd.s32 $0x1, v8;
	vm12 =	vlt.u32 v8, $0x60;
	vm14 =	vgt.s32 v8, $0x0  }
0x4d: {  	v9 =	vsel vm7, $0x3F800000, v51;
	v0 =	vsub.f32 v0, v6;
	v5 =	vmul.f32 v5, v52  }
0x4e: {  	vm1 =	vlt.u32 v7, $0x60;
	v4 =	vnsel vm9, $0x0, v4;
	vm10 =	vgt.s32 v7, $0x0  }
0x4f: {  	vm13 =	vlt.u32 v12, $0x60;
	v6 =	vsub.f32 $1.000000000e+00, v0;
	v5 =	vadd.f32 v5, v53  }
0x50: {  	vm15 =	vgt.s32 v12, $0x0;
	v11 =	vsel vm1, $0x3F800000, v51;
	v4 =	vmin.u32 v4, $0x5F  }
0x51: {  	v6 =	vmul.f32 v6, v9;
	v9 =	vcvt.s32.f32 v8;
	v5 =	vmax.f32 v5, $-1.500000000e+00  }
0x52: {  	v7 =	vnsel vm10, $0x0, v7;
	v14 =	vsel vm13, $0x3F800000, v51;
	v5 =	vmin.f32 v5, $9.650000000e+01  }
0x53: {  	v7 =	vmin.u32 v7, $0x5F;
	v1 =	vsub.f32 v1, v9;
	v9 =	vtrunc.f32 v5  }
0x54: {  	v8 =	vnsel vm14, $0x0, v8;
	v10 =	vcvt.f32.s32 v9;
	vm11 =	vlt.f32 v5, v9  }
0x55: {  	v0 =	vmul.f32 v11, v0;
	v8 =	vmin.u32 v8, $0x5F;
	v11 =	vsel vm11, $0xFFFFFFFF, v39  }
0x56: {  	v8 =	vmul.u32 $0x60, v8;
	v9 =	vsub.f32 $1.000000000e+00, v1;
	v10 =	vadd.s32 v10, v11  }
0x57: {  	v1 =	vmul.f32 v14, v1;
	v11 =	vsel vm12, $0x3F800000, v51;
	v13 =	vcvt.s32.f32 v10  }
0x58: {  	v9 =	vmul.f32 v9, v11;
	v11 =	vnsel vm15, $0x0, v12;
	v14 =	vadd.s32 $0x1, v10  }
0x59: {  	vm4 =	vlt.u32 v10, $0x60;
	vm5 =	vgt.s32 v10, $0x0;
	v11 =	vmin.u32 v11, $0x5F  }
0x5a: {  	v15 =	vsel vm4, $0x3F800000, v51;
	v10 =	vnsel vm5, $0x0, v10;
	v5 =	vsub.f32 v5, v13;
	v13 =	vld [tilespmem:$0x10]  }
0x5b: {  	vm6 =	vgt.s32 v14, $0x0;
	vm7 =	vlt.u32 v14, $0x60;
	v10 =	vmin.u32 v10, $0x5F  }
0x5c: {  	v14 =	vnsel vm6, $0x0, v14;
	v16 =	vsel vm7, $0x3F800000, v51;
	v12 =	vsub.f32 $1.000000000e+00, v5  }
0x5d: {  	v11 =	vmul.u32 $0x60, v11;
	v14 =	vmin.u32 v14, $0x5F;
	v10 =	vmul.u32 $0x2400, v10  }
0x5e: {  	v5 =	vmul.f32 v16, v5;
	v14 =	vmul.u32 $0x2400, v14;
	v12 =	vmul.f32 v12, v15  }
0x5f: {  	v15 =	vadd.s32 v8, v10;
	v10 =	vadd.s32 v11, v10;
	v13 =	vmul.f32 v13, v40  }
0x60: {  	v8 =	vadd.s32 v8, v14;
	v11 =	vadd.s32 v11, v14;
	v14 =	vmul.f32 v12, v9  }
0x61: {  	v25 =	vadd.s32 v4, v15;
	v22 =	vadd.s32 v4, v10;
	v13 =	vadd.f32 v13, v46  }
0x62: {  	v18 =	vadd.s32 v4, v8;
	v19 =	vadd.s32 v4, v11;
	v2 =	vmul.f32 v14, v6  }
0x63: {  	v4 =	vld [tilespmem:$0x110];
	v12 =	vmul.f32 v12, v1;
	v9 =	vmul.f32 v5, v9;
	v13 =	vmax.f32 v13, $-1.500000000e+00  }
0x64: {  	v1 =	vmul.f32 v5, v1;
	v5 =	vld [tilespmem:$0x90];
	v13 =	vmin.f32 v13, $9.650000000e+01;
	[tilespmem:$0x1FE60] =	vst v2;
	v2 =	vmul.f32 v14, v0  }
0x65: {  	v24 =	vadd.s32 v7, v15;
	v20 =	vadd.s32 v7, v10;
	v15 =	vtrunc.f32 v13  }
0x66: {  	v10 =	vcvt.f32.s32 v15;
	vm8 =	vlt.f32 v13, v15;
	[tilespmem:$0x1FE70] =	vst v2;
	v2 =	vmul.f32 v12, v6  }
0x67: {  	v15 =	vsel vm8, $0xFFFFFFFF, v39  }
0x68: {  	v4 =	vmul.f32 v4, v52;
	[tilespmem:$0x1FE80] =	vst v2;
	v26 =	vadd.s32 v10, v15;
	v2 =	vmul.f32 v12, v0  }
0x69: {  	v21 =	vadd.s32 v7, v8;
	v5 =	vmul.f32 v5, v47;
	v8 =	vcvt.s32.f32 v26  }
0x6a: {  	v23 =	vadd.s32 v7, v11;
	v4 =	vadd.f32 v4, v53;
	[tilespmem:$0x1FE90] =	vst v2;
	v2 =	vmul.f32 v9, v6  }
0x6b: {  	v16 =	vmul.f32 v1, v0;
	v5 =	vadd.f32 v5, v49;
	v8 =	vsub.f32 v13, v8  }
0x6c: {  	v4 =	vmax.f32 v4, $-1.500000000e+00;
	vm9 =	vlt.u32 v26, $0x60;
	[tilespmem:$0x1FEA0] =	vst v2;
	v2 =	vmul.f32 v9, v0  }
0x6d: {  	vm12 =	vgt.s32 v26, $0x0;
	v4 =	vmin.f32 v4, $9.650000000e+01;
	v0 =	vsub.f32 $1.000000000e+00, v8  }
0x6e: {  	[tilespmem:$0x1FEB0] =	vst v2;
	v2 =	vmul.f32 v1, v6;
	v1 =	vmax.f32 v5, $-1.500000000e+00;
	v5 =	vadd.s32 $0x1, v26  }
0x6f: {  	v6 =	vsel vm9, $0x3F800000, v51;
	v1 =	vmin.f32 v1, $9.650000000e+01;
	vm10 =	vlt.u32 v5, $0x60  }
0x70: {  	v0 =	vmul.f32 v0, v6;
	vm13 =	vgt.s32 v5, $0x0;
	v7 =	vtrunc.f32 v1  }
0x71: {  	v9 =	vsel vm10, $0x3F800000, v51;
	v11 =	vcvt.f32.s32 v7;
	vm11 =	vlt.f32 v1, v7  }
0x72: {  	v5 =	vnsel vm13, $0x0, v5;
	v7 =	vmul.f32 v9, v8;
	v6 =	vsel vm11, $0xFFFFFFFF, v39  }
0x73: {  	v8 =	vnsel vm12, $0x0, v26;
	v5 =	vmin.u32 v5, $0x5F;
	v6 =	vadd.s32 v11, v6  }
0x74: {  	v8 =	vmin.u32 v8, $0x5F;
	v9 =	vcvt.s32.f32 v6;
	v12 =	vadd.s32 $0x1, v6  }
0x75: {  	vm15 =	vlt.u32 v6, $0x60;
	vm5 =	vgt.s32 v6, $0x0;
	vm4 =	vlt.u32 v12, $0x60  }
0x76: {  	vm6 =	vgt.s32 v12, $0x0;
	v6 =	vnsel vm5, $0x0, v6;
	v1 =	vsub.f32 v1, v9  }
0x77: {  	v9 =	vtrunc.f32 v4;
	v48 =	vsel vm4, $0x3F800000, v51;
	v12 =	vnsel vm6, $0x0, v12  }
0x78: {  	v6 =	vmin.u32 v6, $0x5F;
	v11 =	vcvt.f32.s32 v9;
	vm14 =	vlt.f32 v4, v9  }
0x79: {  	v12 =	vmin.u32 v12, $0x5F;
	v6 =	vmul.u32 $0x60, v6;
	v13 =	vsel vm14, $0xFFFFFFFF, v39  }
0x7a: {  	v9 =	vsub.f32 $1.000000000e+00, v1;
	v1 =	vmul.f32 v48, v1;
	v11 =	vadd.s32 v11, v13  }
0x7b: {  	v12 =	vmul.u32 $0x60, v12;
	v13 =	vsel vm15, $0x3F800000, v51;
	v27 =	vcvt.s32.f32 v11  }
0x7c: {  	v9 =	vmul.f32 v9, v13;
	v13 =	vld [tilespmem:$0x20];
	v54 =	vadd.s32 $0x1, v11;
	vm7 =	vlt.u32 v11, $0x60  }
0x7d: {  	vm8 =	vgt.s32 v11, $0x0;
	v29 =	vsel vm7, $0x3F800000, v51;
	vm9 =	vgt.s32 v54, $0x0  }
0x7e: {  	vm2 =	vlt.u32 v54, $0x60;
	v11 =	vnsel vm8, $0x0, v11;
	v4 =	vsub.f32 v4, v27  }
0x7f: {  	v27 =	vnsel vm9, $0x0, v54;
	v30 =	vsel vm2, $0x3F800000, v51;
	v11 =	vmin.u32 v11, $0x5F  }
0x80: {  	v27 =	vmin.u32 v27, $0x5F;
	v11 =	vmul.u32 $0x2400, v11;
	v50 =	vsub.f32 $1.000000000e+00, v4  }
0x81: {  	v27 =	vmul.u32 $0x2400, v27;
	v4 =	vmul.f32 v30, v4;
	v13 =	vmul.f32 v13, v40  }
0x82: {  	v55 =	vadd.s32 v6, v11;
	v11 =	vadd.s32 v12, v11;
	v26 =	vmul.f32 v50, v29  }
0x83: {  	v6 =	vadd.s32 v6, v27;
	v12 =	vadd.s32 v12, v27;
	v41 =	vadd.s32 v8, v55  }
0x84: {  	v14 =	vadd.s32 v8, v11;
	v13 =	vadd.f32 v13, v46;
	v29 =	vadd.s32 v8, v6  }
0x85: {  	v30 =	vadd.s32 v8, v12;
	v8 =	vld [tilespmem:$0x120];
	v56 =	vmul.f32 v26, v9;
	v26 =	vmul.f32 v26, v1  }
0x86: {  	v9 =	vmul.f32 v4, v9;
	v1 =	vmul.f32 v4, v1;
	v4 =	vld [tilespmem:$0xA0];
	v13 =	vmax.f32 v13, $-1.500000000e+00  }
0x87: {  	v61 =	vld [tilespmem:$0x30];
	v10 =	vadd.s32 v5, v55;
	v15 =	vadd.s32 v5, v11;
	v13 =	vmin.f32 v13, $9.650000000e+01  }
0x88: {  	[tilespmem:$0x1FEC0] =	vst v2;
	v31 =	vadd.s32 v5, v6;
	v2 =	vmul.f32 v56, v7;
	v57 =	vtrunc.f32 v13  }
0x89: {  	v17 =	vadd.s32 v5, v12;
	v58 =	vcvt.f32.s32 v57;
	vm10 =	vlt.f32 v13, v57  }
0x8a: {  	[tilespmem:$0x1FED0] =	vst v2;
	v2 =	vmul.f32 v26, v0;
	v8 =	vmul.f32 v8, v52;
	v11 =	vsel vm10, $0xFFFFFFFF, v39  }
0x8b: {  	v32 =	vmul.f32 v56, v0;
	v4 =	vmul.f32 v4, v47;
	v11 =	vadd.s32 v58, v11  }
0x8c: {  	[tilespmem:$0x1FEE0] =	vst v2;
	v2 =	vmul.f32 v26, v7;
	v8 =	vadd.f32 v8, v53;
	v26 =	vmul.f32 v61, v40  }
0x8d: {  	v6 =	vcvt.s32.f32 v11;
	v4 =	vadd.f32 v4, v49;
	vm11 =	vlt.u32 v11, $0x60  }
0x8e: {  	vm14 =	vgt.s32 v11, $0x0;
	[tilespmem:$0x1FEF0] =	vst v2;
	v2 =	vmul.f32 v9, v0;
	v0 =	vmul.f32 v1, v0  }
0x8f: {  	v5 =	vsel vm11, $0x3F800000, v51;
	v8 =	vmax.f32 v8, $-1.500000000e+00;
	v26 =	vadd.f32 v26, v46  }
0x90: {  	v6 =	vsub.f32 v13, v6;
	v8 =	vmin.f32 v8, $9.650000000e+01;
	[tilespmem:$0x1FF00] =	vst v2;
	v2 =	vmul.f32 v9, v7  }
0x91: {  	[tilespmem:$0x1FF20] =	vst v0;
	v0 =	vmul.f32 v1, v7;
	v1 =	vmax.f32 v4, $-1.500000000e+00;
	v4 =	vadd.s32 $0x1, v11  }
0x92: {  	v26 =	vmax.f32 v26, $-1.500000000e+00;
	v1 =	vmin.f32 v1, $9.650000000e+01;
	vm12 =	vlt.u32 v4, $0x60  }
0x93: {  	vm15 =	vgt.s32 v4, $0x0;
	v26 =	vmin.f32 v26, $9.650000000e+01;
	v7 =	vtrunc.f32 v1  }
0x94: {  	[tilespmem:$0x1FF30] =	vst v0;
	v0 =	vsub.f32 $1.000000000e+00, v6;
	v9 =	vcvt.f32.s32 v7;
	vm13 =	vlt.f32 v1, v7  }
0x95: {  	v4 =	vnsel vm15, $0x0, v4;
	v7 =	vsel vm12, $0x3F800000, v51;
	v12 =	vsel vm13, $0xFFFFFFFF, v39  }
0x96: {  	v4 =	vmin.u32 v4, $0x5F;
	v0 =	vmul.f32 v0, v5;
	v5 =	vadd.s32 v9, v12  }
0x97: {  	v6 =	vmul.f32 v7, v6;
	v9 =	vnsel vm14, $0x0, v11;
	v11 =	vcvt.s32.f32 v5  }
0x98: {  	v7 =	vmin.u32 v9, $0x5F;
	v9 =	vtrunc.f32 v8;
	v13 =	vadd.s32 $0x1, v5  }
0x99: {  	vm5 =	vlt.u32 v5, $0x60;
	vm7 =	vgt.s32 v5, $0x0;
	vm4 =	vlt.f32 v8, v9  }
0x9a: {  	vm6 =	vlt.u32 v13, $0x60;
	v5 =	vnsel vm7, $0x0, v5;
	vm8 =	vgt.s32 v13, $0x0  }
0x9b: {  	v1 =	vsub.f32 v1, v11;
	v11 =	vcvt.f32.s32 v9;
	v5 =	vmin.u32 v5, $0x5F  }
0x9c: {  	v12 =	vsel vm4, $0xFFFFFFFF, v39;
	v60 =	vsel vm6, $0x3F800000, v51;
	v5 =	vmul.u32 $0x60, v5  }
0x9d: {  	v9 =	vsub.f32 $1.000000000e+00, v1;
	v11 =	vadd.s32 v11, v12;
	v12 =	vsel vm5, $0x3F800000, v51  }
0x9e: {  	v1 =	vmul.f32 v60, v1;
	v59 =	vcvt.s32.f32 v11;
	vm9 =	vlt.u32 v11, $0x60  }
0x9f: {  	v62 =	vadd.s32 $0x1, v11;
	vm10 =	vgt.s32 v11, $0x0;
	v9 =	vmul.f32 v9, v12  }
0xa0: {  	v12 =	vnsel vm8, $0x0, v13;
	v42 =	vsel vm9, $0x3F800000, v51;
	vm11 =	vlt.u32 v62, $0x60  }
0xa1: {  	v11 =	vnsel vm10, $0x0, v11;
	vm12 =	vgt.s32 v62, $0x0;
	v8 =	vsub.f32 v8, v59  }
0xa2: {  	v12 =	vmin.u32 v12, $0x5F;
	v11 =	vmin.u32 v11, $0x5F;
	v27 =	vnsel vm12, $0x0, v62  }
0xa3: {  	v27 =	vmin.u32 v27, $0x5F;
	v11 =	vmul.u32 $0x2400, v11;
	v12 =	vmul.u32 $0x60, v12  }
0xa4: {  	v43 =	vsel vm11, $0x3F800000, v51;
	v13 =	vsub.f32 $1.000000000e+00, v8;
	v27 =	vmul.u32 $0x2400, v27  }
0xa5: {  	v8 =	vmul.f32 v43, v8;
	v63 =	vadd.s32 v5, v11;
	v11 =	vadd.s32 v12, v11  }
0xa6: {  	v13 =	vmul.f32 v13, v42;
	v5 =	vadd.s32 v5, v27;
	v12 =	vadd.s32 v12, v27  }
0xa7: {  	v60 =	vld [tilespmem:$0xC0];
	v55 =	vadd.s32 v7, v11;
	v54 =	vadd.s32 v4, v11;
	v11 =	vtrunc.f32 v26  }
0xa8: {  	v56 =	vadd.s32 v4, v63;
	v34 =	vcvt.f32.s32 v11;
	v44 =	vadd.s32 v4, v5  }
0xa9: {  	v42 =	vadd.s32 v4, v12;
	v4 =	vld [tilespmem:$0x130];
	v33 =	vmul.f32 v13, v9;
	v13 =	vmul.f32 v13, v1  }
0xaa: {  	vm13 =	vlt.f32 v26, v11;
	v9 =	vmul.f32 v8, v9;
	v1 =	vmul.f32 v8, v1;
	v8 =	vld [tilespmem:$0xB0]  }
0xab: {  	v43 =	vadd.s32 v7, v5;
	v5 =	vsel vm13, $0xFFFFFFFF, v39  }
0xac: {  	[tilespmem:$0x1FF10] =	vst v2;
	v5 =	vadd.s32 v34, v5;
	v34 =	vmul.f32 v60, v47;
	v2 =	vmul.f32 v13, v0  }
0xad: {  	v45 =	vmul.f32 v33, v0;
	v48 =	vmul.f32 v33, v6  }
0xae: {  	v57 =	vadd.s32 v7, v63;
	[tilespmem:$0x1FF40] =	vst v2;
	v2 =	vmul.f32 v13, v6;
	v4 =	vmul.f32 v4, v52  }
0xaf: {  	v50 =	vadd.s32 v7, v12;
	v7 =	vmul.f32 v8, v47;
	v8 =	vcvt.s32.f32 v5  }
0xb0: {  	vm14 =	vlt.u32 v5, $0x60;
	[tilespmem:$0x1FF50] =	vst v2;
	v2 =	vmul.f32 v9, v0;
	v0 =	vmul.f32 v1, v0  }
0xb1: {  	vm5 =	vgt.s32 v5, $0x0;
	v60 =	vadd.f32 v34, v49;
	v4 =	vadd.f32 v4, v53  }
0xb2: {  	v7 =	vadd.f32 v7, v49;
	v8 =	vsub.f32 v26, v8;
	[tilespmem:$0x1FF80] =	vst v0;
	v0 =	vmul.f32 v1, v6  }
0xb3: {  	[tilespmem:$0x1FF60] =	vst v2;
	v2 =	vmul.f32 v9, v6;
	v6 =	vadd.s32 $0x1, v5;
	v9 =	vsel vm14, $0x3F800000, v51  }
0xb4: {  	v4 =	vmax.f32 v4, $-1.500000000e+00;
	v5 =	vnsel vm5, $0x0, v5;
	[tilespmem:$0x1FF90] =	vst v0;
	v0 =	vmax.f32 v7, $-1.500000000e+00  }
0xb5: {  	v58 =	vld [tilespmem:$0x40];
	v1 =	vsub.f32 $1.000000000e+00, v8;
	vm4 =	vlt.u32 v6, $0x60;
	v0 =	vmin.f32 v0, $9.650000000e+01  }
0xb6: {  	v4 =	vmin.f32 v4, $9.650000000e+01;
	v5 =	vmin.u32 v5, $0x5F;
	v7 =	vtrunc.f32 v0  }
0xb7: {  	vm6 =	vgt.s32 v6, $0x0;
	v11 =	vcvt.f32.s32 v7;
	vm15 =	vlt.f32 v0, v7  }
0xb8: {  	v12 =	vsel vm4, $0x3F800000, v51;
	v6 =	vnsel vm6, $0x0, v6;
	v7 =	vsel vm15, $0xFFFFFFFF, v39  }
0xb9: {  	v13 =	vmul.f32 v1, v9;
	v26 =	vmul.f32 v12, v8;
	v1 =	vadd.s32 v11, v7  }
0xba: {  	v27 =	vmin.u32 v6, $0x5F;
	v6 =	vmul.f32 v58, v40;
	v7 =	vcvt.s32.f32 v1  }
0xbb: {  	v11 =	vadd.s32 $0x1, v1;
	vm8 =	vlt.u32 v1, $0x60;
	vm10 =	vgt.s32 v1, $0x0  }
0xbc: {  	vm9 =	vlt.u32 v11, $0x60;
	v1 =	vnsel vm10, $0x0, v1;
	vm11 =	vgt.s32 v11, $0x0  }
0xbd: {  	v0 =	vsub.f32 v0, v7;
	v7 =	vtrunc.f32 v4;
	v35 =	vsel vm9, $0x3F800000, v51  }
0xbe: {  	v1 =	vmin.u32 v1, $0x5F;
	v8 =	vcvt.f32.s32 v7;
	vm7 =	vlt.f32 v4, v7  }
0xbf: {  	v1 =	vmul.u32 $0x60, v1;
	v7 =	vsub.f32 $1.000000000e+00, v0;
	v9 =	vsel vm7, $0xFFFFFFFF, v39  }
0xc0: {  	v0 =	vmul.f32 v35, v0;
	v8 =	vadd.s32 v8, v9;
	v9 =	vsel vm8, $0x3F800000, v51  }
0xc1: {  	v12 =	vcvt.s32.f32 v8;
	v7 =	vmul.f32 v7, v9;
	v9 =	vnsel vm11, $0x0, v11  }
0xc2: {  	vm12 =	vlt.u32 v8, $0x60;
	vm13 =	vgt.s32 v8, $0x0;
	v9 =	vmin.u32 v9, $0x5F  }
0xc3: {  	v36 =	vsel vm12, $0x3F800000, v51;
	v4 =	vsub.f32 v4, v12;
	v12 =	vadd.s32 $0x1, v8  }
0xc4: {  	v8 =	vnsel vm13, $0x0, v8;
	v9 =	vmul.u32 $0x60, v9;
	vm14 =	vlt.u32 v12, $0x60  }
0xc5: {  	vm15 =	vgt.s32 v12, $0x0;
	v8 =	vmin.u32 v8, $0x5F;
	v11 =	vsub.f32 $1.000000000e+00, v4  }
0xc6: {  	v59 =	vsel vm14, $0x3F800000, v51;
	v12 =	vnsel vm15, $0x0, v12;
	v8 =	vmul.u32 $0x2400, v8  }
0xc7: {  	v12 =	vmin.u32 v12, $0x5F;
	v4 =	vmul.f32 v59, v4;
	v59 =	vmax.f32 v60, $-1.500000000e+00  }
0xc8: {  	v11 =	vmul.f32 v11, v36;
	v12 =	vmul.u32 $0x2400, v12;
	v37 =	vadd.s32 v1, v8  }
0xc9: {  	[tilespmem:$0x1FF70] =	vst v2;
	v8 =	vadd.s32 v9, v8;
	v2 =	vmin.f32 v59, $9.650000000e+01;
	v28 =	vmul.f32 v4, v7  }
0xca: {  	v59 =	vtrunc.f32 v2;
	v38 =	vadd.s32 v1, v12;
	v1 =	vadd.f32 v6, v46  }
0xcb: {  	v61 =	vmul.f32 v11, v7;
	v62 =	vmul.f32 v11, v0;
	v63 =	vadd.s32 v9, v12  }
0xcc: {  	v0 =	vmul.f32 v4, v0;
	v12 =	vadd.s32 v5, v37;
	v4 =	vmax.f32 v1, $-1.500000000e+00;
	v1 =	vld [tilespmem:$0x140]  }
0xcd: {  	v11 =	vadd.s32 v27, v37;
	v6 =	vadd.s32 v5, v8;
	v8 =	vadd.s32 v27, v8  }
0xce: {  	v9 =	vadd.s32 v5, v38;
	v7 =	vadd.s32 v27, v38;
	v58 =	vmin.f32 v4, $9.650000000e+01  }
0xcf: {  	v5 =	vadd.s32 v5, v63;
	v33 =	vadd.s32 v27, v63;
	v4 =	vtrunc.f32 v58  }
0xd0: {  	v60 =	vmul.f32 v28, v26;
	vm4 =	vlt.f32 v58, v4;
	v35 =	vcvt.f32.s32 v4  }
0xd1: {  	v34 =	vmul.f32 v61, v13;
	v36 =	vsel vm4, $0xFFFFFFFF, v39;
	v1 =	vmul.f32 v1, v52  }
0xd2: {  	v63 =	vmul.f32 v62, v13;
	v62 =	vmul.f32 v62, v26;
	v27 =	vadd.s32 v35, v36  }
0xd3: {  	v35 =	vmul.f32 v61, v26;
	v61 =	vmul.f32 v28, v13;
	v1 =	vadd.f32 v1, v53  }
0xd4: {  	vm5 =	vlt.f32 v2, v59;
	v28 =	vmul.f32 v0, v13;
	v36 =	vcvt.s32.f32 v27  }
0xd5: {  	v13 =	vcvt.f32.s32 v59;
	v59 =	vmul.f32 v0, v26;
	v1 =	vmax.f32 v1, $-1.500000000e+00  }
0xd6: {  	v26 =	vsub.f32 v58, v36;
	v0 =	vmin.f32 v1, $9.650000000e+01;
	v1 =	vsel vm5, $0xFFFFFFFF, v39  }
0xd7: {  	vm7 =	vlt.u32 v27, $0x60;
	v1 =	vadd.s32 v13, v1;
	v13 =	vtrunc.f32 v0  }
0xd8: {  	v58 =	vsub.f32 $1.000000000e+00, v26;
	vm6 =	vlt.f32 v0, v13;
	v13 =	vcvt.f32.s32 v13  }
0xd9: {  	v36 =	vcvt.s32.f32 v1;
	vm9 =	vlt.u32 v1, $0x60;
	v4 =	vsel vm6, $0xFFFFFFFF, v39  }
0xda: {  	vm12 =	vgt.s32 v1, $0x0;
	v4 =	vadd.s32 v13, v4;
	v13 =	vsel vm7, $0x3F800000, v51  }
0xdb: {  	v38 =	vsel vm9, $0x3F800000, v51;
	v2 =	vsub.f32 v2, v36;
	v36 =	vmul.f32 v58, v13  }
0xdc: {  	v13 =	vadd.s32 $0x1, v27;
	v58 =	vcvt.s32.f32 v4;
	vm11 =	vlt.u32 v4, $0x60  }
0xdd: {  	[tilespmem:$0x300] =	vst v20;
	vm14 =	vgt.s32 v4, $0x0;
	v20 =	vadd.s32 $0x1, v4;
	vm8 =	vlt.u32 v13, $0x60  }
0xde: {  	[tilespmem:$0x180] =	vst v25;
	v37 =	vsub.f32 $1.000000000e+00, v2;
	vm15 =	vgt.s32 v20, $0x0;
	vm4 =	vlt.u32 v20, $0x60  }
0xdf: {  	[tilespmem:$0x400] =	vst v21;
	v21 =	vld [tilespmem:$0x50];
	v0 =	vsub.f32 v0, v58;
	v58 =	vsel vm8, $0x3F800000, v51;
	v20 =	vnsel vm15, $0x0, v20  }
0xe0: {  	[tilespmem:$0x500] =	vst v23;
	v23 =	vld [tilespmem:$0x1FE70];
	v58 =	vmul.f32 v58, v26;
	v26 =	vmul.f32 v37, v38;
	v37 =	vadd.s32 $0x1, v1  }
0xe1: {  	[tilespmem:$0x480] =	vst v19;
	v19 =	vmin.u32 v20, $0x5F;
	v20 =	vld [tilespmem:$0x1FE60];
	v25 =	vsub.f32 $1.000000000e+00, v0;
	vm13 =	vgt.s32 v37, $0x0  }
0xe2: {  	[tilespmem:$0x380] =	vst v18;
	v38 =	vsel vm11, $0x3F800000, v51;
	vm10 =	vlt.u32 v37, $0x60;
	v18 =	vnsel vm13, $0x0, v37;
	v37 =	vld [tilespmem:$0x1FE80]  }
0xe3: {  	[tilespmem:$0x280] =	vst v22;
	v4 =	vnsel vm14, $0x0, v4;
	v1 =	vnsel vm12, $0x0, v1;
	v22 =	vmul.f32 v25, v38;
	v38 =	vld [tilespmem:$0x1FE90]  }
0xe4: {  	[tilespmem:$0x200] =	vst v24;
	v21 =	vmul.f32 v21, v40;
	v4 =	vmin.u32 v4, $0x5F;
	v1 =	vmin.u32 v1, $0x5F  }
0xe5: {  	[tilespmem:$0x600] =	vst v23;
	vm5 =	vgt.s32 v27, $0x0;
	v4 =	vmul.u32 $0x2400, v4;
	v1 =	vmul.u32 $0x60, v1  }
0xe6: {  	v19 =	vmul.u32 $0x2400, v19;
	v24 =	vsel vm10, $0x3F800000, v51;
	v18 =	vmin.u32 v18, $0x5F;
	[tilespmem:$0x580] =	vst v20  }
0xe7: {  	v18 =	vmul.u32 $0x60, v18;
	v23 =	vadd.s32 v1, v4;
	v20 =	vsel vm4, $0x3F800000, v51;
	[tilespmem:$0x680] =	vst v37;
	v37 =	vld [tilespmem:$0x1FEA0]  }
0xe8: {  	v1 =	vadd.s32 v1, v19;
	v0 =	vmul.f32 v20, v0;
	v20 =	vnsel vm5, $0x0, v27;
	[tilespmem:$0x700] =	vst v38;
	v38 =	vld [tilespmem:$0x1FEB0]  }
0xe9: {  	v4 =	vadd.s32 v18, v4;
	v18 =	vadd.s32 v18, v19;
	v19 =	vmin.u32 v20, $0x5F;
	v20 =	vld [tilespmem:$0xD0]  }
0xea: {  	[tilespmem:$0x190] =	vst v41;
	vm6 =	vgt.s32 v13, $0x0;
	v2 =	vmul.f32 v24, v2  }
0xeb: {  	v21 =	vadd.f32 v21, v46;
	[tilespmem:$0x510] =	vst v17;
	v41 =	vld [tilespmem:$0x1FED0];
	v13 =	vnsel vm6, $0x0, v13;
	v24 =	vmul.f32 v0, v26  }
0xec: {  	v0 =	vmul.f32 v0, v2;
	v27 =	vadd.s32 v19, v23;
	v25 =	vadd.s32 v19, v18;
	[tilespmem:$0x780] =	vst v37  }
0xed: {  	v17 =	vmul.f32 v24, v36;
	v37 =	vmul.f32 v22, v26;
	[tilespmem:$0x800] =	vst v38;
	v38 =	vmin.u32 v13, $0x5F;
	v13 =	vld [tilespmem:$0x1FEC0]  }
0xee: {  	[tilespmem:$0x900] =	vst v16;
	v22 =	vmul.f32 v22, v2;
	v2 =	vmax.f32 v21, $-1.500000000e+00;
	v20 =	vmul.f32 v20, v47  }
0xef: {  	[tilespmem:$0x210] =	vst v10;
	v21 =	vmin.f32 v2, $9.650000000e+01;
	v26 =	vadd.s32 v38, v23;
	v2 =	vadd.s32 v38, v4  }
0xf0: {  	[tilespmem:$0x610] =	vst v41;
	v41 =	vld [tilespmem:$0x1FF00];
	v23 =	vadd.s32 v19, v1;
	v16 =	vadd.s32 v38, v1;
	v10 =	vadd.f32 v20, v49  }
0xf1: {  	[tilespmem:$0x310] =	vst v15;
	v20 =	vadd.s32 v38, v18;
	v18 =	vmul.f32 v22, v36;
	v15 =	vmul.f32 v22, v58  }
0xf2: {  	v10 =	vmax.f32 v10, $-1.500000000e+00;
	[tilespmem:$0x880] =	vst v13;
	v13 =	vadd.s32 v19, v4;
	v4 =	vtrunc.f32 v21  }
0xf3: {  	[tilespmem:$0x290] =	vst v14;
	v38 =	vmin.f32 v10, $9.650000000e+01;
	v19 =	vmul.f32 v37, v36;
	v37 =	vmul.f32 v37, v58  }
0xf4: {  	[tilespmem:$0x590] =	vst v32;
	v32 =	vld [tilespmem:$0x1FEF0];
	v10 =	vtrunc.f32 v38;
	vm7 =	vlt.f32 v21, v4;
	v4 =	vcvt.f32.s32 v4  }
0xf5: {  	[tilespmem:$0x790] =	vst v41;
	v41 =	vld [tilespmem:$0x1FF20];
	vm8 =	vlt.f32 v38, v10;
	v22 =	vcvt.f32.s32 v10;
	v1 =	vsel vm7, $0xFFFFFFFF, v39  }
0xf6: {  	[tilespmem:$0x390] =	vst v29;
	v10 =	vmul.f32 v24, v58;
	v58 =	vmul.f32 v0, v58;
	v1 =	vadd.s32 v4, v1;
	v4 =	vld [tilespmem:$0x150]  }
0xf7: {  	[tilespmem:$0x410] =	vst v31;
	v14 =	vcvt.s32.f32 v1;
	vm9 =	vlt.u32 v1, $0x60;
	v29 =	vadd.s32 $0x1, v1  }
0xf8: {  	[tilespmem:$0x490] =	vst v30;
	vm11 =	vgt.s32 v1, $0x0;
	vm10 =	vlt.u32 v29, $0x60;
	vm12 =	vgt.s32 v29, $0x0  }
0xf9: {  	[tilespmem:$0x710] =	vst v32;
	v21 =	vsub.f32 v21, v14;
	v14 =	vmul.f32 v0, v36;
	v36 =	vsel vm8, $0xFFFFFFFF, v39  }
0xfa: {  	[tilespmem:$0x890] =	vst v41;
	v1 =	vnsel vm11, $0x0, v1;
	v29 =	vnsel vm12, $0x0, v29;
	v0 =	vadd.s32 v22, v36;
	v22 =	vld [tilespmem:$0x1FEE0]  }
0xfb: {  	[tilespmem:$0x1A0] =	vst v57;
	v1 =	vmin.u32 v1, $0x5F;
	v36 =	vsel vm9, $0x3F800000, v51;
	v4 =	vmul.f32 v4, v52  }
0xfc: {  	[tilespmem:$0x620] =	vst v48;
	v48 =	vmin.u32 v29, $0x5F;
	v24 =	vcvt.s32.f32 v0;
	v30 =	vadd.s32 $0x1, v0  }
0xfd: {  	[tilespmem:$0x220] =	vst v56;
	vm14 =	vlt.u32 v0, $0x60;
	vm4 =	vgt.s32 v0, $0x0;
	v4 =	vadd.f32 v4, v53  }
0xfe: {  	[tilespmem:$0x2A0] =	vst v55;
	v57 =	vsel vm14, $0x3F800000, v51;
	vm15 =	vlt.u32 v30, $0x60;
	v24 =	vsub.f32 v38, v24  }
0xff: {  	v38 =	vsel vm10, $0x3F800000, v51;
	[tilespmem:$0x690] =	vst v22;
	v22 =	vsub.f32 $1.000000000e+00, v21;
	v4 =	vmax.f32 v4, $-1.500000000e+00  }
0x100: {  	[tilespmem:$0x320] =	vst v54;
	v0 =	vnsel vm4, $0x0, v0;
	v21 =	vmul.f32 v38, v21;
	v4 =	vmin.f32 v4, $9.650000000e+01  }
0x101: {  	[tilespmem:$0x3A0] =	vst v43;
	vm5 =	vgt.s32 v30, $0x0;
	v22 =	vmul.f32 v22, v36;
	v36 =	vld [tilespmem:$0x1FF10];
	v38 =	vtrunc.f32 v4  }
0x102: {  	[tilespmem:$0x4A0] =	vst v50;
	v50 =	vld [tilespmem:$0x1FF60];
	v55 =	vsel vm15, $0x3F800000, v51;
	v41 =	vcvt.f32.s32 v38;
	vm13 =	vlt.f32 v4, v38  }
0x103: {  	[tilespmem:$0x420] =	vst v44;
	v30 =	vnsel vm5, $0x0, v30;
	v0 =	vmin.u32 v0, $0x5F;
	v56 =	vsel vm13, $0xFFFFFFFF, v39  }
0x104: {  	[tilespmem:$0x520] =	vst v42;
	v42 =	vmin.u32 v30, $0x5F;
	v31 =	vsub.f32 $1.000000000e+00, v24;
	v32 =	vadd.s32 v41, v56  }
0x105: {  	[tilespmem:$0x5A0] =	vst v45;
	v0 =	vmul.u32 $0x60, v0;
	v24 =	vmul.f32 v55, v24;
	v56 =	vcvt.s32.f32 v32  }
0x106: {  	v31 =	vmul.f32 v31, v57;
	vm6 =	vlt.u32 v32, $0x60;
	v57 =	vadd.s32 $0x1, v32;
	[tilespmem:$0x810] =	vst v36;
	v36 =	vld [tilespmem:$0x1FF30]  }
0x107: {  	[tilespmem:$0x7A0] =	vst v50;
	vm7 =	vgt.s32 v32, $0x0;
	vm8 =	vgt.s32 v57, $0x0;
	v4 =	vsub.f32 v4, v56;
	v56 =	vld [tilespmem:$0x60]  }
0x108: {  	[tilespmem:$0x1B0] =	vst v12;
	v32 =	vnsel vm7, $0x0, v32;
	vm9 =	vlt.u32 v57, $0x60;
	v55 =	vnsel vm8, $0x0, v57;
	v57 =	vld [tilespmem:$0x1FF40]  }
0x109: {  	[tilespmem:$0x230] =	vst v11;
	v43 =	vmin.u32 v32, $0x5F;
	v45 =	vmin.u32 v55, $0x5F;
	v54 =	vsub.f32 $1.000000000e+00, v4  }
0x10a: {  	[tilespmem:$0x2B0] =	vst v6;
	v44 =	vsel vm6, $0x3F800000, v51;
	v30 =	vmul.u32 $0x2400, v43;
	v55 =	vld [tilespmem:$0x1FF70];
	v32 =	vmul.u32 $0x2400, v45  }
0x10b: {  	[tilespmem:$0x330] =	vst v8;
	v29 =	vmul.u32 $0x60, v42;
	v41 =	vmul.f32 v54, v44;
	v54 =	vsel vm9, $0x3F800000, v51  }
0x10c: {  	[tilespmem:$0x910] =	vst v36;
	v36 =	vadd.s32 v0, v30;
	v0 =	vadd.s32 v0, v32;
	v38 =	vmul.f32 v56, v40;
	v56 =	vld [tilespmem:$0x1FF80]  }
0x10d: {  	v44 =	vld [tilespmem:$0x1FF50];
	[tilespmem:$0x6A0] =	vst v57;
	v4 =	vmul.f32 v54, v4;
	v57 =	vadd.s32 v29, v30;
	v54 =	vmul.f32 v41, v31  }
0x10e: {  	v50 =	vld [tilespmem:$0x1FF90];
	[tilespmem:$0x3B0] =	vst v9;
	v45 =	vadd.s32 v1, v36;
	v12 =	vadd.s32 v48, v0;
	v41 =	vmul.f32 v41, v24  }
0x10f: {  	[tilespmem:$0x820] =	vst v55;
	v55 =	vadd.f32 v38, v46;
	v24 =	vmul.f32 v4, v24;
	v8 =	vmul.f32 v54, v22  }
0x110: {  	[tilespmem:$0x430] =	vst v7;
	v30 =	vadd.s32 v1, v57;
	v9 =	vmul.f32 v54, v21;
	v7 =	vmul.f32 v41, v22  }
0x111: {  	v6 =	vmul.f32 v41, v21;
	v11 =	vmax.f32 v55, $-1.500000000e+00;
	[tilespmem:$0x8A0] =	vst v56;
	v56 =	vmul.f32 v4, v31;
	v4 =	vld [tilespmem:$0xE0]  }
0x112: {  	[tilespmem:$0x720] =	vst v44;
	v44 =	vadd.s32 v29, v32;
	v31 =	vadd.s32 v48, v57;
	v57 =	vmin.f32 v11, $9.650000000e+01  }
0x113: {  	[tilespmem:$0x920] =	vst v50;
	v32 =	vadd.s32 v48, v36;
	v29 =	vadd.s32 v1, v0;
	v0 =	vtrunc.f32 v57  }
0x114: {  	[tilespmem:$0x4B0] =	vst v5;
	v11 =	vadd.s32 v1, v44;
	v1 =	vcvt.f32.s32 v0;
	vm10 =	vlt.f32 v57, v0  }
0x115: {  	v50 =	vld [tilespmem:$0x160];
	[tilespmem:$0x530] =	vst v33;
	v33 =	vadd.s32 v48, v44;
	v5 =	vmul.f32 v56, v22;
	v0 =	vsel vm10, $0xFFFFFFFF, v39  }
0x116: {  	v41 =	vadd.s32 v1, v0;
	v1 =	vmul.f32 v24, v22;
	v0 =	vmul.f32 v4, v47  }
0x117: {  	[tilespmem:$0x830] =	vst v60;
	v54 =	vcvt.s32.f32 v41;
	v4 =	vmul.f32 v56, v21;
	vm11 =	vlt.u32 v41, $0x60  }
0x118: {  	[tilespmem:$0x5B0] =	vst v34;
	v55 =	vadd.s32 $0x1, v41;
	vm14 =	vgt.s32 v41, $0x0;
	v22 =	vadd.f32 v0, v49  }
0x119: {  	[tilespmem:$0x6B0] =	vst v63;
	v56 =	vsel vm11, $0x3F800000, v51;
	vm12 =	vlt.u32 v55, $0x60;
	v0 =	vmul.f32 v24, v21  }
0x11a: {  	[tilespmem:$0x730] =	vst v62;
	v21 =	vsub.f32 v57, v54;
	v57 =	vmul.f32 v50, v52;
	v22 =	vmax.f32 v22, $-1.500000000e+00  }
0x11b: {  	[tilespmem:$0x630] =	vst v35;
	v44 =	vnsel vm14, $0x0, v41;
	vm15 =	vgt.s32 v55, $0x0;
	v22 =	vmin.f32 v22, $9.650000000e+01  }
0x11c: {  	[tilespmem:$0x7B0] =	vst v61;
	v62 =	vsel vm12, $0x3F800000, v51;
	v35 =	vadd.f32 v57, v53;
	v63 =	vtrunc.f32 v22  }
0x11d: {  	[tilespmem:$0x8B0] =	vst v28;
	v24 =	vnsel vm15, $0x0, v55;
	vm13 =	vlt.f32 v22, v63;
	v42 =	vcvt.f32.s32 v63  }
0x11e: {  	[tilespmem:$0x930] =	vst v59;
	v36 =	vsub.f32 $1.000000000e+00, v21;
	v35 =	vmax.f32 v35, $-1.500000000e+00;
	v43 =	vsel vm13, $0xFFFFFFFF, v39  }
0x11f: {  	[tilespmem:$0x240] =	vst v26;
	v21 =	vmul.f32 v62, v21;
	v35 =	vmin.f32 v35, $9.650000000e+01;
	v34 =	vadd.s32 v42, v43  }
0x120: {  	[tilespmem:$0x8C0] =	vst v14;
	v14 =	vmin.u32 v44, $0x5F;
	v50 =	vtrunc.f32 v35;
	v48 =	vcvt.s32.f32 v34  }
0x121: {  	[tilespmem:$0x340] =	vst v2;
	v28 =	vmul.f32 v36, v56;
	vm4 =	vlt.f32 v35, v50;
	v2 =	vadd.s32 $0x1, v34  }
0x122: {  	[tilespmem:$0x2C0] =	vst v13;
	vm5 =	vlt.u32 v34, $0x60;
	v13 =	vsub.f32 v22, v48;
	v22 =	vcvt.f32.s32 v50  }
0x123: {  	[tilespmem:$0x3C0] =	vst v23;
	v26 =	vsel vm4, $0xFFFFFFFF, v39;
	vm7 =	vgt.s32 v34, $0x0;
	v23 =	vsel vm5, $0x3F800000, v51  }
0x124: {  	[tilespmem:$0x1C0] =	vst v27;
	vm6 =	vlt.u32 v2, $0x60;
	vm8 =	vgt.s32 v2, $0x0;
	v22 =	vadd.s32 v22, v26  }
0x125: {  	[tilespmem:$0x4C0] =	vst v25;
	v34 =	vnsel vm7, $0x0, v34;
	v2 =	vnsel vm8, $0x0, v2;
	v55 =	vcvt.s32.f32 v22  }
0x126: {  	[tilespmem:$0x440] =	vst v16;
	v54 =	vsel vm6, $0x3F800000, v51;
	v16 =	vmin.u32 v34, $0x5F;
	v2 =	vmin.u32 v2, $0x5F  }
0x127: {  	[tilespmem:$0x540] =	vst v20;
	v16 =	vmul.u32 $0x60, v16;
	v56 =	vsub.f32 $1.000000000e+00, v13;
	v20 =	vsub.f32 v35, v55  }
0x128: {  	[tilespmem:$0x6C0] =	vst v18;
	v13 =	vmul.f32 v54, v13;
	v2 =	vmul.u32 $0x60, v2;
	vm9 =	vlt.u32 v22, $0x60  }
0x129: {  	[tilespmem:$0x5C0] =	vst v19;
	v19 =	vadd.s32 $0x1, v22;
	vm10 =	vgt.s32 v22, $0x0;
	v18 =	vsub.f32 $1.000000000e+00, v20  }
0x12a: {  	[tilespmem:$0x7C0] =	vst v17;
	v57 =	vsel vm9, $0x3F800000, v51;
	v22 =	vnsel vm10, $0x0, v22;
	vm11 =	vgt.s32 v19, $0x0  }
0x12b: {  	[tilespmem:$0x740] =	vst v15;
	v59 =	vnsel vm11, $0x0, v19;
	v17 =	vmul.f32 v18, v57;
	v18 =	vmin.u32 v22, $0x5F  }
0x12c: {  	[tilespmem:$0x640] =	vst v37;
	vm12 =	vlt.u32 v19, $0x60;
	v19 =	vmin.u32 v59, $0x5F;
	v15 =	vmul.u32 $0x2400, v18  }
0x12d: {  	[tilespmem:$0x840] =	vst v10;
	v23 =	vmul.f32 v56, v23;
	v19 =	vmul.u32 $0x2400, v19;
	v22 =	vld [tilespmem:$0x70];
	v18 =	vsel vm12, $0x3F800000, v51  }
0x12e: {  	[tilespmem:$0x940] =	vst v58;
	v10 =	vmul.f32 v18, v20;
	v18 =	vadd.s32 v16, v15;
	v15 =	vadd.s32 v2, v15  }
0x12f: {  	[tilespmem:$0x1D0] =	vst v45;
	v20 =	vld [tilespmem:$0xF0];
	v16 =	vadd.s32 v16, v19;
	v2 =	vadd.s32 v2, v19;
	v19 =	vmul.f32 v17, v23  }
0x130: {  	[tilespmem:$0x450] =	vst v12;
	v24 =	vmin.u32 v24, $0x5F;
	v17 =	vmul.f32 v17, v13;
	v23 =	vmul.f32 v10, v23  }
0x131: {  	[tilespmem:$0x2D0] =	vst v30;
	v10 =	vmul.f32 v10, v13;
	v13 =	vadd.s32 v14, v18;
	v18 =	vadd.s32 v24, v18  }
0x132: {  	[tilespmem:$0x250] =	vst v32;
	v60 =	vadd.s32 v14, v15;
	v15 =	vadd.s32 v24, v15;
	v22 =	vmul.f32 v22, v40  }
0x133: {  	[tilespmem:$0x650] =	vst v9;
	v61 =	vadd.s32 v14, v16;
	v16 =	vadd.s32 v24, v16;
	v9 =	vmul.f32 v23, v28  }
0x134: {  	[tilespmem:$0x6D0] =	vst v7;
	v7 =	vmul.f32 v23, v21;
	v23 =	vld [tilespmem:$0x170];
	v22 =	vadd.f32 v22, v46;
	v20 =	vmul.f32 v20, v47  }
0x135: {  	[tilespmem:$0x4D0] =	vst v11;
	v12 =	vadd.s32 v14, v2;
	v2 =	vadd.s32 v24, v2;
	v11 =	vmul.f32 v19, v28  }
0x136: {  	[tilespmem:$0x5D0] =	vst v8;
	v19 =	vmul.f32 v19, v21;
	v14 =	vmax.f32 v22, $-1.500000000e+00;
	v20 =	vadd.f32 v20, v49  }
0x137: {  	[tilespmem:$0x7D0] =	vst v5;
	v8 =	vmul.f32 v17, v21;
	v5 =	vmul.f32 v10, v28;
	v14 =	vmin.f32 v14, $9.650000000e+01  }
0x138: {  	[tilespmem:$0x3D0] =	vst v29;
	v22 =	vmul.f32 v17, v28;
	v62 =	vtrunc.f32 v14;
	v20 =	vmax.f32 v20, $-1.500000000e+00  }
0x139: {  	[tilespmem:$0x750] =	vst v6;
	v23 =	vmul.f32 v23, v52;
	v17 =	vcvt.f32.s32 v62;
	vm13 =	vlt.f32 v14, v62  }
0x13a: {  	[tilespmem:$0x350] =	vst v31;
	v10 =	vmul.f32 v10, v21;
	v20 =	vmin.f32 v20, $9.650000000e+01;
	v27 =	vsel vm13, $0xFFFFFFFF, v39  }
0x13b: {  	[tilespmem:$0x260] =	vst v18;
	v63 =	vtrunc.f32 v20;
	v18 =	vadd.f32 v23, v53;
	v17 =	vadd.s32 v17, v27  }
0x13c: {  	[tilespmem:$0x550] =	vst v33;
	vm14 =	vlt.f32 v20, v63;
	v24 =	vcvt.f32.s32 v63;
	v6 =	vcvt.s32.f32 v17  }
0x13d: {  	[tilespmem:$0x8D0] =	vst v1;
	vm15 =	vlt.u32 v17, $0x60;
	v1 =	vadd.s32 $0x1, v17;
	vm5 =	vgt.s32 v17, $0x0  }
0x13e: {  	[tilespmem:$0x850] =	vst v4;
	vm4 =	vlt.u32 v1, $0x60;
	vm6 =	vgt.s32 v1, $0x0;
	v4 =	vsub.f32 v14, v6  }
0x13f: {  	[tilespmem:$0x950] =	vst v0;
	v6 =	vsel vm14, $0xFFFFFFFF, v39;
	v14 =	vsel vm15, $0x3F800000, v51;
	v21 =	vsel vm4, $0x3F800000, v51  }
0x140: {  	[tilespmem:$0x1E0] =	vst v13;
	v1 =	vnsel vm6, $0x0, v1;
	v6 =	vadd.s32 v24, v6;
	v13 =	vsub.f32 $1.000000000e+00, v4  }
0x141: {  	[tilespmem:$0x2E0] =	vst v60;
	v1 =	vmin.u32 v1, $0x5F;
	v0 =	vcvt.s32.f32 v6;
	vm7 =	vlt.u32 v6, $0x60  }
0x142: {  	[tilespmem:$0x360] =	vst v15;
	v13 =	vmul.f32 v13, v14;
	v14 =	vnsel vm5, $0x0, v17;
	v17 =	vmax.f32 v18, $-1.500000000e+00  }
0x143: {  	[tilespmem:$0x460] =	vst v16;
	vm10 =	vgt.s32 v6, $0x0;
	v16 =	vsel vm7, $0x3F800000, v51;
	v17 =	vmin.f32 v17, $9.650000000e+01  }
0x144: {  	[tilespmem:$0x3E0] =	vst v61;
	v0 =	vsub.f32 v20, v0;
	v18 =	vadd.s32 $0x1, v6;
	v20 =	vtrunc.f32 v17  }
0x145: {  	[tilespmem:$0x4E0] =	vst v12;
	v6 =	vnsel vm10, $0x0, v6;
	v23 =	vcvt.f32.s32 v20;
	vm9 =	vlt.f32 v17, v20  }
0x146: {  	[tilespmem:$0x560] =	vst v2;
	vm8 =	vlt.u32 v18, $0x60;
	v2 =	vmin.u32 v14, $0x5F;
	v14 =	vsel vm9, $0xFFFFFFFF, v39  }
0x147: {  	[tilespmem:$0x5E0] =	vst v11;
	vm12 =	vgt.s32 v18, $0x0;
	v15 =	vsub.f32 $1.000000000e+00, v0;
	v14 =	vadd.s32 v23, v14  }
0x148: {  	[tilespmem:$0x760] =	vst v8;
	v6 =	vmin.u32 v6, $0x5F;
	v8 =	vnsel vm12, $0x0, v18;
	vm11 =	vgt.s32 v14, $0x0  }
0x149: {  	[tilespmem:$0x860] =	vst v7;
	v7 =	vmin.u32 v8, $0x5F;
	v11 =	vmul.f32 v15, v16;
	v16 =	vnsel vm11, $0x0, v14  }
0x14a: {  	[tilespmem:$0x660] =	vst v19;
	v6 =	vmul.u32 $0x60, v6;
	v7 =	vmul.u32 $0x60, v7;
	v16 =	vmin.u32 v16, $0x5F  }
0x14b: {  	[tilespmem:$0x7E0] =	vst v9;
	v15 =	vcvt.s32.f32 v14;
	v9 =	vadd.s32 $0x1, v14;
	v16 =	vmul.u32 $0x2400, v16  }
0x14c: {  	[tilespmem:$0x8E0] =	vst v5;
	vm14 =	vlt.u32 v14, $0x60;
	vm13 =	vgt.s32 v9, $0x0;
	vm15 =	vlt.u32 v9, $0x60  }
0x14d: {  	[tilespmem:$0x960] =	vst v10;
	v15 =	vsub.f32 v17, v15;
	v5 =	vnsel vm13, $0x0, v9;
	v17 =	vadd.s32 v6, v16  }
0x14e: {  	[tilespmem:$0x6E0] =	vst v22;
	v5 =	vmin.u32 v5, $0x5F;
	v14 =	vadd.s32 v7, v16;
	v10 =	vadd.s32 v2, v17  }
0x14f: {  	v8 =	vsub.f32 $1.000000000e+00, v15;
	v5 =	vmul.u32 $0x2400, v5;
	v9 =	vadd.s32 v2, v14;
	[tilespmem:$0x1F0] =	vst v10  }
0x150: {  	v12 =	vsel vm8, $0x3F800000, v51;
	v16 =	vsel vm14, $0x3F800000, v51;
	v10 =	vadd.s32 v1, v17;
	[tilespmem:$0x2F0] =	vst v9  }
0x151: {  	v8 =	vmul.f32 v8, v16;
	v6 =	vadd.s32 v6, v5;
	v9 =	vadd.s32 v1, v14;
	[tilespmem:$0x270] =	vst v10  }
0x152: {  	v0 =	vmul.f32 v12, v0;
	v5 =	vadd.s32 v7, v5;
	[tilespmem:$0x370] =	vst v9;
	v9 =	vadd.s32 v2, v6  }
0x153: {  	v10 =	vsel vm15, $0x3F800000, v51;
	v7 =	vmul.f32 v8, v11;
	v6 =	vadd.s32 v1, v6;
	[tilespmem:$0x3F0] =	vst v9  }
0x154: {  	v4 =	vmul.f32 v21, v4;
	v2 =	vadd.s32 v2, v5;
	v9 =	vmul.f32 v10, v15;
	[tilespmem:$0x470] =	vst v6  }
0x155: {  	v1 =	vadd.s32 v1, v5;
	v6 =	vmul.f32 v8, v0;
	[tilespmem:$0x4F0] =	vst v2;
	v2 =	vmul.f32 v7, v13  }
0x156: {  	[tilespmem:$0x570] =	vst v1;
	v1 =	vmul.f32 v7, v4  }
0x157: {  	v5 =	vmul.f32 v9, v11;
	[tilespmem:$0x5F0] =	vst v2;
	v2 =	vmul.f32 v6, v13  }
0x158: {  	[tilespmem:$0x670] =	vst v1;
	v1 =	vmul.f32 v6, v4  }
0x159: {  	v0 =	vmul.f32 v9, v0;
	[tilespmem:$0x6F0] =	vst v2;
	v2 =	vmul.f32 v5, v13  }
0x15a: {  	[tilespmem:$0x770] =	vst v1;
	v1 =	vmul.f32 v5, v4  }
0x15b: {  	[tilespmem:$0x7F0] =	vst v2;
	v2 =	vmul.f32 v0, v13  }
0x15c: {  	[tilespmem:$0x870] =	vst v1;
	v0 =	vmul.f32 v0, v4  }
0x15d: {  	[tilespmem:$0x8F0] =	vst v2  }
0x15e: {  	[tilespmem:$0x970] =	vst v0  }
0x15f: {  	[tilespmem:s20], [sflag:$0x1] =	stream.indirect.gather [hbm4b:s1+s17], $0x20, s19, s17, $0xb8;
	[tilespmem:$0x99E0] =	vst v63  }
0x160: {  	_ = 	snop  }
0x161: {  	[tilespmem:s22], [sflag:$0x1] =	stream.indirect.gather [hbm4b:s1+s17], $0x20, s21, s17, $0xb8;
	[tilespmem:$0x99E0] =	vst v63  }
0x162: {  	_ = 	snop  }
0x163: {  	[tilespmem:s24], [sflag:$0x1] =	stream.indirect.gather [hbm4b:s1+s17], $0x20, s23, s17, $0xb8;
	[tilespmem:$0x99E0] =	vst v63  }
0x164: {  	_ = 	snop  }
0x165: {  	[tilespmem:s26], [sflag:$0x1] =	stream.indirect.gather [hbm4b:s1+s17], $0x20, s25, s17, $0xb8;
	[tilespmem:$0x99E0] =	vst v63  }
0x166: {  	_ = 	snop  }
0x167: {  	[tilespmem:s29], [sflag:$0x1] =	stream.indirect.gather [hbm4b:s1+s17], $0x20, s28, s17, $0xb8;
	[tilespmem:$0x99E0] =	vst v63  }
0x168: {  	_ = 	snop  }
0x169: {  	[tilespmem:s31], [sflag:$0x1] =	stream.indirect.gather [hbm4b:s1+s17], $0x20, s30, s17, $0xb8;
	[tilespmem:$0x99E0] =	vst v63  }
0x16a: {  	_ = 	snop  }
0x16b: {  	[tilespmem:s4], [sflag:$0x1] =	stream.indirect.gather [hbm4b:s1+s17], $0x20, s0, s17, $0xb8;
	[tilespmem:$0x99E0] =	vst v63  }
0x16c: {  	_ = 	snop  }
0x16d: {  	[tilespmem:s11], [sflag:$0x1] =	stream.indirect.gather [hbm4b:s1+s17], $0x20, s10, s17, $0xb8;
	[tilespmem:$0x99E0] =	vst v63  }
0x16e: {  	_ =	swait.ge [sflag:s12], $0x1000  }
0x16f: {  	[sflag:s12] =	ssyncset.done $0x0  }
0x170: {  	[sflag:s12] =	ssyncadd.s32 $0xFFFFF000  }
0x171: {  	_ =	swait.ge [sflag:s12], $0x1000  }
0x172: {  	[sflag:s12] =	ssyncset.done $0x0  }
0x173: {  	[sflag:s12] =	ssyncadd.s32 $0xFFFFF000  }
0x174: {  	_ =	swait.ge [sflag:s12], $0x1000  }
0x175: {  	[sflag:s12] =	ssyncset.done $0x0  }
0x176: {  	[sflag:s12] =	ssyncadd.s32 $0xFFFFF000  }
0x177: {  	_ =	swait.ge [sflag:s12], $0x1000  }
0x178: {  	[sflag:s12] =	ssyncset.done $0x0  }
0x179: {  	[sflag:s12] =	ssyncadd.s32 $0xFFFFF000  }
0x17a: {  	_ =	swait.ge [sflag:s12], $0x1000  }
0x17b: {  	[sflag:s12] =	ssyncset.done $0x0  }
0x17c: {  	[sflag:s12] =	ssyncadd.s32 $0xFFFFF000  }
0x17d: {  	_ =	swait.ge [sflag:s12], $0x1000  }
0x17e: {  	[sflag:s12] =	ssyncset.done $0x0  }
0x17f: {  	[sflag:s12] =	ssyncadd.s32 $0xFFFFF000  }
0x180: {  	_ =	swait.ge [sflag:s12], $0x1000  }
0x181: {  	[sflag:s12] =	ssyncset.done $0x0  }
0x182: {  	v2 =	vimm.s32 $0x0;
	[sflag:s12] =	ssyncadd.s32 $0xFFFFF000  }
0x183: {  	v7 =	vor.u32 $0x1000, v3;
	v4 =	vadd.s32 v3, v2;
	_ =	swait.ge [sflag:s12], $0x1000  }
0x184: {  	v5 =	vadd.s32 v7, v2;
	[sflag:s12] =	ssyncset.done $0x0  }
0x185: {  	v9 =	vor.u32 $0x2000, v3;
	[sflag:s12] =	ssyncadd.s32 $0xFFFFF000  }
0x186: {  	v6 =	vadd.s32 v9, v2;
	v0 =	vld [tilespmem:$0x580]  }
0x187: {  	v10 =	vor.u32 $0x3000, v3;
	v1 =	vld [tilespmem:$0x600]  }
0x188: {  	v11 =	vadd.s32 v10, v2;
	v8 =	vld.idx.msk [tilespmem:v4+s20+$0x0], $0xffff  }
0x189: {  	v13 =	vor.u32 $0x4000, v3;
	v12 =	vld.idx.msk [tilespmem:v5+s20+$0x0], $0xffff  }
0x18a: {  	v14 =	vor.u32 $0x5000, v3;
	v16 =	vadd.s32 v13, v2;
	v4 =	vld [tilespmem:$0x680]  }
0x18b: {  	v18 =	vadd.s32 v14, v2;
	v17 =	vld.idx.msk [tilespmem:v6+s20+$0x0], $0xffff  }
0x18c: {  	v5 =	vld [tilespmem:$0x700]  }
0x18d: {  	v19 =	vld.idx.msk [tilespmem:v11+s20+$0x0], $0xffff  }
0x18e: {  	v15 =	vor.u32 $0x6000, v3;
	v6 =	vld [tilespmem:$0x780];
	v11 =	vmul.f32 v8, v0;
	v12 =	vmul.f32 v12, v1  }
0x18f: {  	v20 =	vadd.s32 v15, v2;
	v21 =	vld.idx.msk [tilespmem:v16+s20+$0x0], $0xffff  }
0x190: {  	v18 =	vld.idx.msk [tilespmem:v18+s20+$0x0], $0xffff;
	v17 =	vmul.f32 v17, v4;
	v12 =	vadd.f32 v12, v11  }
0x191: {  	v8 =	vld [tilespmem:$0x800]  }
0x192: {  	v16 =	vor.u32 $0x7000, v3;
	v19 =	vmul.f32 v19, v5;
	v17 =	vadd.f32 v17, v12  }
0x193: {  	v22 =	vadd.s32 v16, v2  }
0x194: {  	v20 =	vld.idx.msk [tilespmem:v20+s20+$0x0], $0xffff;
	v17 =	vadd.f32 v19, v17;
	v19 =	vmul.f32 v21, v6  }
0x195: {  	v11 =	vld [tilespmem:$0x880]  }
0x196: {  	v18 =	vmul.f32 v18, v8;
	v17 =	vadd.f32 v19, v17  }
0x197: {  	v12 =	vld [tilespmem:$0x900]  }
0x198: {  	v21 =	vld.idx.msk [tilespmem:v22+s20+$0x0], $0xffff;
	v17 =	vadd.f32 v18, v17;
	_ =	sdelay $0x1  }
0x199: {  	v20 =	vmul.f32 v20, v11;
	_ =	sdelay $0x1  }
0x19a: {  	v18 =	vadd.s32 $0x1, v2;
	v20 =	vadd.f32 v20, v17;
	v17 =	vmov v3  }
0x19b: {  	s5 =	simm.s32 $0x1E;
	v19 =	vadd.s32 v3, v18;
	v21 =	vmul.f32 v21, v12  }
.LBB2_3:
0x19c: {  	p0 =	sne.s32 s5, $0x1;
	v2 =	vadd.s32 v7, v18  }
0x19d: {  	v20 =	vadd.f32 v21, v20  }
0x19e: {  	v21 =	vadd.s32 v9, v18  }
0x19f: {  	[tilespmem:v17+s13+$0x0] =	vst.idx.msk $0xffff, v20  }
0x1a0: {  	v20 =	vadd.s32 v10, v18;
	v19 =	vld.idx.msk [tilespmem:v19+s20+$0x0], $0xffff  }
0x1a1: {  	v2 =	vld.idx.msk [tilespmem:v2+s20+$0x0], $0xffff  }
0x1a2: {  	v22 =	vadd.s32 v13, v18  }
0x1a3: {  	v21 =	vld.idx.msk [tilespmem:v21+s20+$0x0], $0xffff  }
0x1a4: {  	v23 =	vadd.s32 v14, v18  }
0x1a5: {  	v20 =	vld.idx.msk [tilespmem:v20+s20+$0x0], $0xffff  }
0x1a6: {  	v24 =	vadd.s32 v15, v18  }
0x1a7: {  	v19 =	vmul.f32 v19, v0;
	v2 =	vmul.f32 v2, v1;
	v22 =	vld.idx.msk [tilespmem:v22+s20+$0x0], $0xffff  }
0x1a8: {  	v25 =	vadd.s32 v16, v18  }
0x1a9: {  	v2 =	vadd.f32 v2, v19;
	v19 =	vmul.f32 v21, v4;
	v21 =	vld.idx.msk [tilespmem:v23+s20+$0x0], $0xffff;
	_ =	sdelay $0x1  }
0x1aa: {  	v2 =	vadd.f32 v19, v2;
	v19 =	vmul.f32 v20, v5;
	v20 =	vld.idx.msk [tilespmem:v24+s20+$0x0], $0xffff;
	_ =	sdelay $0x1  }
0x1ab: {  	v2 =	vadd.f32 v19, v2;
	v19 =	vmul.f32 v22, v6;
	v22 =	vld.idx.msk [tilespmem:v25+s20+$0x0], $0xffff;
	_ =	sdelay $0x1  }
.Ltmp0:
0x1ac: {  	v2 =	vadd.f32 v19, v2;
	v19 =	vmul.f32 v21, v8;
	(pc) =	sbr.rel @p0 .LBB2_3-.Ltmp0, $4  }
0x1ad: {  	_ = 	snop  }
0x1ae: {  	v2 =	vadd.f32 v19, v2;
	v20 =	vmul.f32 v20, v11  }
0x1af: {  	v18 =	vadd.s32 $0x1, v18;
	v17 =	vadd.s32 $0x1, v17  }
0x1b0: {  	s5 =	sadd.s32 $0xFFFFFFFF, s5;
	v19 =	vadd.s32 v3, v18;
	v20 =	vadd.f32 v20, v2;
	v21 =	vmul.f32 v22, v12  }
0x1b1: {  	_ = 	snop  }
0x1b2: {  	v2 =	vadd.s32 v7, v18  }
0x1b3: {  	v7 =	vadd.f32 v21, v20  }
0x1b4: {  	v9 =	vadd.s32 v9, v18  }
0x1b5: {  	[tilespmem:v17+s13+$0x0] =	vst.idx.msk $0xffff, v7  }
0x1b6: {  	v10 =	vadd.s32 v10, v18;
	v7 =	vld.idx.msk [tilespmem:v19+s20+$0x0], $0xffff  }
0x1b7: {  	v2 =	vld.idx.msk [tilespmem:v2+s20+$0x0], $0xffff  }
0x1b8: {  	v13 =	vadd.s32 v13, v18  }
0x1b9: {  	v9 =	vld.idx.msk [tilespmem:v9+s20+$0x0], $0xffff  }
0x1ba: {  	v14 =	vadd.s32 v14, v18  }
0x1bb: {  	v10 =	vld.idx.msk [tilespmem:v10+s20+$0x0], $0xffff  }
0x1bc: {  	v15 =	vadd.s32 v15, v18;
	v0 =	vmul.f32 v7, v0;
	v1 =	vmul.f32 v2, v1  }
0x1bd: {  	v2 =	vld.idx.msk [tilespmem:v13+s20+$0x0], $0xffff  }
0x1be: {  	v7 =	vadd.s32 v16, v18;
	v0 =	vadd.f32 v1, v0;
	v1 =	vmul.f32 v9, v4  }
0x1bf: {  	v4 =	vld.idx.msk [tilespmem:v14+s20+$0x0], $0xffff  }
0x1c0: {  	v0 =	vadd.f32 v1, v0;
	v1 =	vmul.f32 v10, v5  }
0x1c1: {  	v5 =	vld.idx.msk [tilespmem:v15+s20+$0x0], $0xffff  }
0x1c2: {  	v0 =	vadd.f32 v1, v0;
	v1 =	vmul.f32 v2, v6  }
0x1c3: {  	v2 =	vld.idx.msk [tilespmem:v7+s20+$0x0], $0xffff  }
0x1c4: {  	v0 =	vadd.f32 v1, v0;
	v1 =	vmul.f32 v4, v8;
	_ =	sdelay $0x1  }
0x1c5: {  	v0 =	vadd.f32 v1, v0;
	v1 =	vmul.f32 v5, v11;
	v5 =	vlaneseq.u32  }
0x1c6: {  	v4 =	vadd.s32 $0x1, v17;
	v10 =	vmul.u32 $0x20, v5  }
0x1c7: {  	v0 =	vadd.f32 v1, v0;
	v1 =	vmul.f32 v2, v12  }
0x1c8: {  	v2 =	vimm.s32 $0x0;
	v7 =	vor.u32 $0x200, v10  }
0x1c9: {  	v8 =	vor.u32 $0x1200, v10;
	v0 =	vadd.f32 v1, v0;
	v5 =	vadd.s32 v7, v2  }
0x1ca: {  	v6 =	vadd.s32 v8, v2  }
0x1cb: {  	v11 =	vor.u32 $0x2200, v10;
	[tilespmem:v4+s13+$0x0] =	vst.idx.msk $0xffff, v0  }
0x1cc: {  	v9 =	vadd.s32 v11, v2;
	v0 =	vld [tilespmem:$0x590]  }
0x1cd: {  	v12 =	vor.u32 $0x3200, v10;
	v1 =	vld [tilespmem:$0x610]  }
0x1ce: {  	v14 =	vadd.s32 v12, v2;
	v13 =	vld.idx.msk [tilespmem:v5+s20+$0x0], $0xffff  }
0x1cf: {  	v15 =	vor.u32 $0x4200, v10;
	v18 =	vld.idx.msk [tilespmem:v6+s20+$0x0], $0xffff  }
0x1d0: {  	v19 =	vadd.s32 v15, v2;
	v4 =	vld [tilespmem:$0x690]  }
0x1d1: {  	v16 =	vor.u32 $0x5200, v10;
	v20 =	vld.idx.msk [tilespmem:v9+s20+$0x0], $0xffff  }
0x1d2: {  	v21 =	vadd.s32 v16, v2;
	v5 =	vld [tilespmem:$0x710]  }
0x1d3: {  	v14 =	vld.idx.msk [tilespmem:v14+s20+$0x0], $0xffff  }
0x1d4: {  	v17 =	vor.u32 $0x6200, v10;
	v6 =	vld [tilespmem:$0x790];
	v13 =	vmul.f32 v13, v0;
	v23 =	vmul.f32 v18, v1  }
0x1d5: {  	v22 =	vadd.s32 v17, v2;
	v19 =	vld.idx.msk [tilespmem:v19+s20+$0x0], $0xffff  }
0x1d6: {  	v9 =	vld [tilespmem:$0x810];
	v20 =	vmul.f32 v20, v4;
	v23 =	vadd.f32 v23, v13  }
0x1d7: {  	v21 =	vld.idx.msk [tilespmem:v21+s20+$0x0], $0xffff  }
0x1d8: {  	v18 =	vor.u32 $0x7200, v10;
	v20 =	vadd.f32 v20, v23;
	v23 =	vmul.f32 v14, v5  }
0x1d9: {  	v24 =	vadd.s32 v18, v2  }
0x1da: {  	v22 =	vld.idx.msk [tilespmem:v22+s20+$0x0], $0xffff;
	v19 =	vmul.f32 v19, v6;
	v20 =	vadd.f32 v23, v20  }
0x1db: {  	v13 =	vld [tilespmem:$0x890]  }
0x1dc: {  	v19 =	vadd.f32 v19, v20;
	v20 =	vmul.f32 v21, v9  }
0x1dd: {  	v14 =	vld [tilespmem:$0x910]  }
0x1de: {  	v23 =	vld.idx.msk [tilespmem:v24+s20+$0x0], $0xffff;
	v19 =	vadd.f32 v20, v19;
	_ =	sdelay $0x1  }
0x1df: {  	v22 =	vmul.f32 v22, v13;
	_ =	sdelay $0x1  }
0x1e0: {  	v20 =	vadd.s32 $0x1, v2;
	v22 =	vadd.f32 v22, v19;
	v19 =	vmov v7  }
0x1e1: {  	s5 =	simm.s32 $0x1E;
	v21 =	vadd.s32 v7, v20;
	v23 =	vmul.f32 v23, v14  }
.LBB2_5:
0x1e2: {  	p0 =	sne.s32 s5, $0x1;
	v2 =	vadd.s32 v8, v20  }
0x1e3: {  	v22 =	vadd.f32 v23, v22  }
0x1e4: {  	v23 =	vadd.s32 v11, v20  }
0x1e5: {  	[tilespmem:v19+s13+$0x0] =	vst.idx.msk $0xffff, v22  }
0x1e6: {  	v22 =	vadd.s32 v12, v20;
	v21 =	vld.idx.msk [tilespmem:v21+s20+$0x0], $0xffff  }
0x1e7: {  	v2 =	vld.idx.msk [tilespmem:v2+s20+$0x0], $0xffff  }
0x1e8: {  	v24 =	vadd.s32 v15, v20  }
0x1e9: {  	v23 =	vld.idx.msk [tilespmem:v23+s20+$0x0], $0xffff  }
0x1ea: {  	v25 =	vadd.s32 v16, v20  }
0x1eb: {  	v22 =	vld.idx.msk [tilespmem:v22+s20+$0x0], $0xffff  }
0x1ec: {  	v26 =	vadd.s32 v17, v20  }
0x1ed: {  	v21 =	vmul.f32 v21, v0;
	v2 =	vmul.f32 v2, v1;
	v24 =	vld.idx.msk [tilespmem:v24+s20+$0x0], $0xffff  }
0x1ee: {  	v27 =	vadd.s32 v18, v20  }
0x1ef: {  	v2 =	vadd.f32 v2, v21;
	v21 =	vmul.f32 v23, v4;
	v23 =	vld.idx.msk [tilespmem:v25+s20+$0x0], $0xffff;
	_ =	sdelay $0x1  }
0x1f0: {  	v2 =	vadd.f32 v21, v2;
	v21 =	vmul.f32 v22, v5;
	v22 =	vld.idx.msk [tilespmem:v26+s20+$0x0], $0xffff;
	_ =	sdelay $0x1  }
0x1f1: {  	v2 =	vadd.f32 v21, v2;
	v21 =	vmul.f32 v24, v6;
	v24 =	vld.idx.msk [tilespmem:v27+s20+$0x0], $0xffff;
	_ =	sdelay $0x1  }
.Ltmp1:
0x1f2: {  	v2 =	vadd.f32 v21, v2;
	v21 =	vmul.f32 v23, v9;
	(pc) =	sbr.rel @p0 .LBB2_5-.Ltmp1, $4  }
0x1f3: {  	_ = 	snop  }
0x1f4: {  	v2 =	vadd.f32 v21, v2;
	v22 =	vmul.f32 v22, v13  }
0x1f5: {  	v20 =	vadd.s32 $0x1, v20;
	v19 =	vadd.s32 $0x1, v19  }
0x1f6: {  	s5 =	sadd.s32 $0xFFFFFFFF, s5;
	v21 =	vadd.s32 v7, v20;
	v22 =	vadd.f32 v22, v2;
	v23 =	vmul.f32 v24, v14  }
0x1f7: {  	_ = 	snop  }
0x1f8: {  	v2 =	vadd.s32 v8, v20  }
0x1f9: {  	v7 =	vadd.f32 v23, v22  }
0x1fa: {  	v8 =	vadd.s32 v11, v20  }
0x1fb: {  	[tilespmem:v19+s13+$0x0] =	vst.idx.msk $0xffff, v7  }
0x1fc: {  	v11 =	vadd.s32 v12, v20;
	v7 =	vld.idx.msk [tilespmem:v21+s20+$0x0], $0xffff  }
0x1fd: {  	v2 =	vld.idx.msk [tilespmem:v2+s20+$0x0], $0xffff  }
0x1fe: {  	v12 =	vadd.s32 v15, v20  }
0x1ff: {  	v8 =	vld.idx.msk [tilespmem:v8+s20+$0x0], $0xffff  }
0x200: {  	v15 =	vadd.s32 v16, v20  }
0x201: {  	v11 =	vld.idx.msk [tilespmem:v11+s20+$0x0], $0xffff  }
0x202: {  	v16 =	vadd.s32 v17, v20;
	v0 =	vmul.f32 v7, v0;
	v1 =	vmul.f32 v2, v1  }
0x203: {  	v2 =	vld.idx.msk [tilespmem:v12+s20+$0x0], $0xffff  }
0x204: {  	v7 =	vadd.s32 v18, v20;
	v0 =	vadd.f32 v1, v0;
	v1 =	vmul.f32 v8, v4  }
0x205: {  	v4 =	vld.idx.msk [tilespmem:v15+s20+$0x0], $0xffff  }
0x206: {  	v0 =	vadd.f32 v1, v0;
	v1 =	vmul.f32 v11, v5  }
0x207: {  	v5 =	vld.idx.msk [tilespmem:v16+s20+$0x0], $0xffff  }
0x208: {  	v0 =	vadd.f32 v1, v0;
	v1 =	vmul.f32 v2, v6  }
0x209: {  	v2 =	vld.idx.msk [tilespmem:v7+s20+$0x0], $0xffff  }
0x20a: {  	v0 =	vadd.f32 v1, v0;
	v1 =	vmul.f32 v4, v9;
	_ =	sdelay $0x1  }
0x20b: {  	v0 =	vadd.f32 v1, v0;
	v1 =	vmul.f32 v5, v13  }
0x20c: {  	v4 =	vadd.s32 $0x1, v19  }
0x20d: {  	v0 =	vadd.f32 v1, v0;
	v1 =	vmul.f32 v2, v14  }
0x20e: {  	v7 =	vor.u32 $0x400, v10;
	v2 =	vimm.s32 $0x0  }
0x20f: {  	v8 =	vor.u32 $0x1400, v10;
	v5 =	vadd.s32 v7, v2;
	v0 =	vadd.f32 v1, v0  }
0x210: {  	v6 =	vadd.s32 v8, v2  }
0x211: {  	v11 =	vor.u32 $0x2400, v10;
	[tilespmem:v4+s13+$0x0] =	vst.idx.msk $0xffff, v0  }
0x212: {  	v9 =	vadd.s32 v11, v2;
	v0 =	vld [tilespmem:$0x5A0]  }
0x213: {  	v12 =	vor.u32 $0x3400, v10;
	v1 =	vld [tilespmem:$0x620]  }
0x214: {  	v14 =	vadd.s32 v12, v2;
	v13 =	vld.idx.msk [tilespmem:v5+s20+$0x0], $0xffff  }
0x215: {  	v15 =	vor.u32 $0x4400, v10;
	v18 =	vld.idx.msk [tilespmem:v6+s20+$0x0], $0xffff  }
0x216: {  	v19 =	vadd.s32 v15, v2;
	v4 =	vld [tilespmem:$0x6A0]  }
0x217: {  	v16 =	vor.u32 $0x5400, v10;
	v20 =	vld.idx.msk [tilespmem:v9+s20+$0x0], $0xffff  }
0x218: {  	v21 =	vadd.s32 v16, v2;
	v5 =	vld [tilespmem:$0x720]  }
0x219: {  	v14 =	vld.idx.msk [tilespmem:v14+s20+$0x0], $0xffff  }
0x21a: {  	v17 =	vor.u32 $0x6400, v10;
	v6 =	vld [tilespmem:$0x7A0];
	v13 =	vmul.f32 v13, v0;
	v23 =	vmul.f32 v18, v1  }
0x21b: {  	v22 =	vadd.s32 v17, v2;
	v19 =	vld.idx.msk [tilespmem:v19+s20+$0x0], $0xffff  }
0x21c: {  	v9 =	vld [tilespmem:$0x820];
	v20 =	vmul.f32 v20, v4;
	v23 =	vadd.f32 v23, v13  }
0x21d: {  	v21 =	vld.idx.msk [tilespmem:v21+s20+$0x0], $0xffff  }
0x21e: {  	v18 =	vor.u32 $0x7400, v10;
	v20 =	vadd.f32 v20, v23;
	v23 =	vmul.f32 v14, v5  }
0x21f: {  	v24 =	vadd.s32 v18, v2  }
0x220: {  	v22 =	vld.idx.msk [tilespmem:v22+s20+$0x0], $0xffff;
	v19 =	vmul.f32 v19, v6;
	v20 =	vadd.f32 v23, v20  }
0x221: {  	v13 =	vld [tilespmem:$0x8A0]  }
0x222: {  	v19 =	vadd.f32 v19, v20;
	v20 =	vmul.f32 v21, v9  }
0x223: {  	v14 =	vld [tilespmem:$0x920]  }
0x224: {  	v23 =	vld.idx.msk [tilespmem:v24+s20+$0x0], $0xffff;
	v19 =	vadd.f32 v20, v19;
	_ =	sdelay $0x1  }
0x225: {  	v22 =	vmul.f32 v22, v13;
	_ =	sdelay $0x1  }
0x226: {  	v20 =	vadd.s32 $0x1, v2;
	v22 =	vadd.f32 v22, v19;
	v19 =	vmov v7  }
0x227: {  	s5 =	simm.s32 $0x1E;
	v21 =	vadd.s32 v7, v20;
	v23 =	vmul.f32 v23, v14  }
.LBB2_7:
0x228: {  	p0 =	sne.s32 s5, $0x1;
	v2 =	vadd.s32 v8, v20  }
0x229: {  	v22 =	vadd.f32 v23, v22  }
0x22a: {  	v23 =	vadd.s32 v11, v20  }
0x22b: {  	[tilespmem:v19+s13+$0x0] =	vst.idx.msk $0xffff, v22  }
0x22c: {  	v22 =	vadd.s32 v12, v20;
	v21 =	vld.idx.msk [tilespmem:v21+s20+$0x0], $0xffff  }
0x22d: {  	v2 =	vld.idx.msk [tilespmem:v2+s20+$0x0], $0xffff  }
0x22e: {  	v24 =	vadd.s32 v15, v20  }
0x22f: {  	v23 =	vld.idx.msk [tilespmem:v23+s20+$0x0], $0xffff  }
0x230: {  	v25 =	vadd.s32 v16, v20  }
0x231: {  	v22 =	vld.idx.msk [tilespmem:v22+s20+$0x0], $0xffff  }
0x232: {  	v26 =	vadd.s32 v17, v20  }
0x233: {  	v21 =	vmul.f32 v21, v0;
	v2 =	vmul.f32 v2, v1;
	v24 =	vld.idx.msk [tilespmem:v24+s20+$0x0], $0xffff  }
0x234: {  	v27 =	vadd.s32 v18, v20  }
0x235: {  	v2 =	vadd.f32 v2, v21;
	v21 =	vmul.f32 v23, v4;
	v23 =	vld.idx.msk [tilespmem:v25+s20+$0x0], $0xffff;
	_ =	sdelay $0x1  }
0x236: {  	v2 =	vadd.f32 v21, v2;
	v21 =	vmul.f32 v22, v5;
	v22 =	vld.idx.msk [tilespmem:v26+s20+$0x0], $0xffff;
	_ =	sdelay $0x1  }
0x237: {  	v2 =	vadd.f32 v21, v2;
	v21 =	vmul.f32 v24, v6;
	v24 =	vld.idx.msk [tilespmem:v27+s20+$0x0], $0xffff;
	_ =	sdelay $0x1  }
.Ltmp2:
0x238: {  	v2 =	vadd.f32 v21, v2;
	v21 =	vmul.f32 v23, v9;
	(pc) =	sbr.rel @p0 .LBB2_7-.Ltmp2, $4  }
0x239: {  	_ = 	snop  }
0x23a: {  	v2 =	vadd.f32 v21, v2;
	v22 =	vmul.f32 v22, v13  }
0x23b: {  	v20 =	vadd.s32 $0x1, v20;
	v19 =	vadd.s32 $0x1, v19  }
0x23c: {  	s5 =	sadd.s32 $0xFFFFFFFF, s5;
	v21 =	vadd.s32 v7, v20;
	v22 =	vadd.f32 v22, v2;
	v23 =	vmul.f32 v24, v14  }
0x23d: {  	_ = 	snop  }
0x23e: {  	v2 =	vadd.s32 v8, v20  }
0x23f: {  	v7 =	vadd.f32 v23, v22  }
0x240: {  	v8 =	vadd.s32 v11, v20  }
0x241: {  	[tilespmem:v19+s13+$0x0] =	vst.idx.msk $0xffff, v7  }
0x242: {  	v11 =	vadd.s32 v12, v20;
	v7 =	vld.idx.msk [tilespmem:v21+s20+$0x0], $0xffff  }
0x243: {  	v2 =	vld.idx.msk [tilespmem:v2+s20+$0x0], $0xffff  }
0x244: {  	v12 =	vadd.s32 v15, v20  }
0x245: {  	v8 =	vld.idx.msk [tilespmem:v8+s20+$0x0], $0xffff  }
0x246: {  	v15 =	vadd.s32 v16, v20  }
0x247: {  	v11 =	vld.idx.msk [tilespmem:v11+s20+$0x0], $0xffff  }
0x248: {  	v16 =	vadd.s32 v17, v20;
	v0 =	vmul.f32 v7, v0;
	v1 =	vmul.f32 v2, v1  }
0x249: {  	v2 =	vld.idx.msk [tilespmem:v12+s20+$0x0], $0xffff  }
0x24a: {  	v7 =	vadd.s32 v18, v20;
	v0 =	vadd.f32 v1, v0;
	v1 =	vmul.f32 v8, v4  }
0x24b: {  	v4 =	vld.idx.msk [tilespmem:v15+s20+$0x0], $0xffff  }
0x24c: {  	v0 =	vadd.f32 v1, v0;
	v1 =	vmul.f32 v11, v5  }
0x24d: {  	v5 =	vld.idx.msk [tilespmem:v16+s20+$0x0], $0xffff  }
0x24e: {  	v0 =	vadd.f32 v1, v0;
	v1 =	vmul.f32 v2, v6  }
0x24f: {  	v2 =	vld.idx.msk [tilespmem:v7+s20+$0x0], $0xffff  }
0x250: {  	v0 =	vadd.f32 v1, v0;
	v1 =	vmul.f32 v4, v9;
	_ =	sdelay $0x1  }
0x251: {  	v0 =	vadd.f32 v1, v0;
	v1 =	vmul.f32 v5, v13  }
0x252: {  	v4 =	vadd.s32 $0x1, v19  }
0x253: {  	v0 =	vadd.f32 v1, v0;
	v1 =	vmul.f32 v2, v14  }
0x254: {  	v7 =	vor.u32 $0x600, v10;
	v2 =	vimm.s32 $0x0  }
0x255: {  	v8 =	vor.u32 $0x1600, v10;
	v5 =	vadd.s32 v7, v2;
	v0 =	vadd.f32 v1, v0  }
0x256: {  	v6 =	vadd.s32 v8, v2  }
0x257: {  	v11 =	vor.u32 $0x2600, v10;
	[tilespmem:v4+s13+$0x0] =	vst.idx.msk $0xffff, v0  }
0x258: {  	v9 =	vadd.s32 v11, v2;
	v0 =	vld [tilespmem:$0x5B0]  }
0x259: {  	v12 =	vor.u32 $0x3600, v10;
	v1 =	vld [tilespmem:$0x630]  }
0x25a: {  	v14 =	vadd.s32 v12, v2;
	v13 =	vld.idx.msk [tilespmem:v5+s20+$0x0], $0xffff  }
0x25b: {  	v15 =	vor.u32 $0x4600, v10;
	v18 =	vld.idx.msk [tilespmem:v6+s20+$0x0], $0xffff  }
0x25c: {  	v19 =	vadd.s32 v15, v2;
	v4 =	vld [tilespmem:$0x6B0]  }
0x25d: {  	v16 =	vor.u32 $0x5600, v10;
	v20 =	vld.idx.msk [tilespmem:v9+s20+$0x0], $0xffff  }
0x25e: {  	v21 =	vadd.s32 v16, v2;
	v5 =	vld [tilespmem:$0x730]  }
0x25f: {  	v14 =	vld.idx.msk [tilespmem:v14+s20+$0x0], $0xffff  }
0x260: {  	v17 =	vor.u32 $0x6600, v10;
	v6 =	vld [tilespmem:$0x7B0];
	v13 =	vmul.f32 v13, v0;
	v23 =	vmul.f32 v18, v1  }
0x261: {  	v22 =	vadd.s32 v17, v2;
	v19 =	vld.idx.msk [tilespmem:v19+s20+$0x0], $0xffff  }
0x262: {  	v9 =	vld [tilespmem:$0x830];
	v20 =	vmul.f32 v20, v4;
	v23 =	vadd.f32 v23, v13  }
0x263: {  	v21 =	vld.idx.msk [tilespmem:v21+s20+$0x0], $0xffff  }
0x264: {  	v18 =	vor.u32 $0x7600, v10;
	v20 =	vadd.f32 v20, v23;
	v23 =	vmul.f32 v14, v5  }
0x265: {  	v24 =	vadd.s32 v18, v2  }
0x266: {  	v22 =	vld.idx.msk [tilespmem:v22+s20+$0x0], $0xffff;
	v19 =	vmul.f32 v19, v6;
	v20 =	vadd.f32 v23, v20  }
0x267: {  	v13 =	vld [tilespmem:$0x8B0]  }
0x268: {  	v19 =	vadd.f32 v19, v20;
	v20 =	vmul.f32 v21, v9  }
0x269: {  	v14 =	vld [tilespmem:$0x930]  }
0x26a: {  	v23 =	vld.idx.msk [tilespmem:v24+s20+$0x0], $0xffff;
	v19 =	vadd.f32 v20, v19;
	_ =	sdelay $0x1  }
0x26b: {  	v22 =	vmul.f32 v22, v13;
	_ =	sdelay $0x1  }
0x26c: {  	v20 =	vadd.s32 $0x1, v2;
	v22 =	vadd.f32 v22, v19;
	v19 =	vmov v7  }
0x26d: {  	s5 =	simm.s32 $0x1E;
	v21 =	vadd.s32 v7, v20;
	v23 =	vmul.f32 v23, v14  }
.LBB2_9:
0x26e: {  	p0 =	sne.s32 s5, $0x1;
	v2 =	vadd.s32 v8, v20  }
0x26f: {  	v22 =	vadd.f32 v23, v22  }
0x270: {  	v23 =	vadd.s32 v11, v20  }
0x271: {  	[tilespmem:v19+s13+$0x0] =	vst.idx.msk $0xffff, v22  }
0x272: {  	v22 =	vadd.s32 v12, v20;
	v21 =	vld.idx.msk [tilespmem:v21+s20+$0x0], $0xffff  }
0x273: {  	v2 =	vld.idx.msk [tilespmem:v2+s20+$0x0], $0xffff  }
0x274: {  	v24 =	vadd.s32 v15, v20  }
0x275: {  	v23 =	vld.idx.msk [tilespmem:v23+s20+$0x0], $0xffff  }
0x276: {  	v25 =	vadd.s32 v16, v20  }
0x277: {  	v22 =	vld.idx.msk [tilespmem:v22+s20+$0x0], $0xffff  }
0x278: {  	v26 =	vadd.s32 v17, v20  }
0x279: {  	v21 =	vmul.f32 v21, v0;
	v2 =	vmul.f32 v2, v1;
	v24 =	vld.idx.msk [tilespmem:v24+s20+$0x0], $0xffff  }
0x27a: {  	v27 =	vadd.s32 v18, v20  }
0x27b: {  	v2 =	vadd.f32 v2, v21;
	v21 =	vmul.f32 v23, v4;
	v23 =	vld.idx.msk [tilespmem:v25+s20+$0x0], $0xffff;
	_ =	sdelay $0x1  }
0x27c: {  	v2 =	vadd.f32 v21, v2;
	v21 =	vmul.f32 v22, v5;
	v22 =	vld.idx.msk [tilespmem:v26+s20+$0x0], $0xffff;
	_ =	sdelay $0x1  }
0x27d: {  	v2 =	vadd.f32 v21, v2;
	v21 =	vmul.f32 v24, v6;
	v24 =	vld.idx.msk [tilespmem:v27+s20+$0x0], $0xffff;
	_ =	sdelay $0x1  }
.Ltmp3:
0x27e: {  	v2 =	vadd.f32 v21, v2;
	v21 =	vmul.f32 v23, v9;
	(pc) =	sbr.rel @p0 .LBB2_9-.Ltmp3, $4  }
0x27f: {  	_ = 	snop  }
0x280: {  	v2 =	vadd.f32 v21, v2;
	v22 =	vmul.f32 v22, v13  }
0x281: {  	v20 =	vadd.s32 $0x1, v20;
	v19 =	vadd.s32 $0x1, v19  }
0x282: {  	s5 =	sadd.s32 $0xFFFFFFFF, s5;
	v21 =	vadd.s32 v7, v20;
	v22 =	vadd.f32 v22, v2;
	v23 =	vmul.f32 v24, v14  }
0x283: {  	_ = 	snop  }
0x284: {  	v2 =	vadd.s32 v8, v20  }
0x285: {  	v7 =	vadd.f32 v23, v22  }
0x286: {  	v8 =	vadd.s32 v11, v20  }
0x287: {  	[tilespmem:v19+s13+$0x0] =	vst.idx.msk $0xffff, v7  }
0x288: {  	v11 =	vadd.s32 v12, v20;
	v7 =	vld.idx.msk [tilespmem:v21+s20+$0x0], $0xffff  }
0x289: {  	v2 =	vld.idx.msk [tilespmem:v2+s20+$0x0], $0xffff  }
0x28a: {  	v12 =	vadd.s32 v15, v20  }
0x28b: {  	v8 =	vld.idx.msk [tilespmem:v8+s20+$0x0], $0xffff  }
0x28c: {  	v15 =	vadd.s32 v16, v20  }
0x28d: {  	v11 =	vld.idx.msk [tilespmem:v11+s20+$0x0], $0xffff  }
0x28e: {  	v16 =	vadd.s32 v17, v20;
	v0 =	vmul.f32 v7, v0;
	v1 =	vmul.f32 v2, v1  }
0x28f: {  	v2 =	vld.idx.msk [tilespmem:v12+s20+$0x0], $0xffff  }
0x290: {  	v7 =	vadd.s32 v18, v20;
	v0 =	vadd.f32 v1, v0;
	v1 =	vmul.f32 v8, v4  }
0x291: {  	v4 =	vld.idx.msk [tilespmem:v15+s20+$0x0], $0xffff  }
0x292: {  	v0 =	vadd.f32 v1, v0;
	v1 =	vmul.f32 v11, v5  }
0x293: {  	v5 =	vld.idx.msk [tilespmem:v16+s20+$0x0], $0xffff  }
0x294: {  	v0 =	vadd.f32 v1, v0;
	v1 =	vmul.f32 v2, v6  }
0x295: {  	v2 =	vld.idx.msk [tilespmem:v7+s20+$0x0], $0xffff  }
0x296: {  	v0 =	vadd.f32 v1, v0;
	v1 =	vmul.f32 v4, v9;
	_ =	sdelay $0x1  }
0x297: {  	v0 =	vadd.f32 v1, v0;
	v1 =	vmul.f32 v5, v13  }
0x298: {  	v4 =	vadd.s32 $0x1, v19  }
0x299: {  	v0 =	vadd.f32 v1, v0;
	v1 =	vmul.f32 v2, v14  }
0x29a: {  	v7 =	vor.u32 $0x800, v10;
	v2 =	vimm.s32 $0x0  }
0x29b: {  	v8 =	vor.u32 $0x1800, v10;
	v5 =	vadd.s32 v7, v2;
	v0 =	vadd.f32 v1, v0  }
0x29c: {  	v6 =	vadd.s32 v8, v2  }
0x29d: {  	v11 =	vor.u32 $0x2800, v10;
	[tilespmem:v4+s13+$0x0] =	vst.idx.msk $0xffff, v0  }
0x29e: {  	v9 =	vadd.s32 v11, v2;
	v0 =	vld [tilespmem:$0x5C0]  }
0x29f: {  	v12 =	vor.u32 $0x3800, v10;
	v1 =	vld [tilespmem:$0x640]  }
0x2a0: {  	v14 =	vadd.s32 v12, v2;
	v13 =	vld.idx.msk [tilespmem:v5+s20+$0x0], $0xffff  }
0x2a1: {  	v15 =	vor.u32 $0x4800, v10;
	v18 =	vld.idx.msk [tilespmem:v6+s20+$0x0], $0xffff  }
0x2a2: {  	v19 =	vadd.s32 v15, v2;
	v4 =	vld [tilespmem:$0x6C0]  }
0x2a3: {  	v16 =	vor.u32 $0x5800, v10;
	v20 =	vld.idx.msk [tilespmem:v9+s20+$0x0], $0xffff  }
0x2a4: {  	v21 =	vadd.s32 v16, v2;
	v5 =	vld [tilespmem:$0x740]  }
0x2a5: {  	v14 =	vld.idx.msk [tilespmem:v14+s20+$0x0], $0xffff  }
0x2a6: {  	v17 =	vor.u32 $0x6800, v10;
	v6 =	vld [tilespmem:$0x7C0];
	v13 =	vmul.f32 v13, v0;
	v23 =	vmul.f32 v18, v1  }
0x2a7: {  	v22 =	vadd.s32 v17, v2;
	v19 =	vld.idx.msk [tilespmem:v19+s20+$0x0], $0xffff  }
0x2a8: {  	v9 =	vld [tilespmem:$0x840];
	v20 =	vmul.f32 v20, v4;
	v23 =	vadd.f32 v23, v13  }
0x2a9: {  	v21 =	vld.idx.msk [tilespmem:v21+s20+$0x0], $0xffff  }
0x2aa: {  	v18 =	vor.u32 $0x7800, v10;
	v20 =	vadd.f32 v20, v23;
	v23 =	vmul.f32 v14, v5  }
0x2ab: {  	v24 =	vadd.s32 v18, v2  }
0x2ac: {  	v22 =	vld.idx.msk [tilespmem:v22+s20+$0x0], $0xffff;
	v19 =	vmul.f32 v19, v6;
	v20 =	vadd.f32 v23, v20  }
0x2ad: {  	v13 =	vld [tilespmem:$0x8C0]  }
0x2ae: {  	v19 =	vadd.f32 v19, v20;
	v20 =	vmul.f32 v21, v9  }
0x2af: {  	v14 =	vld [tilespmem:$0x940]  }
0x2b0: {  	v23 =	vld.idx.msk [tilespmem:v24+s20+$0x0], $0xffff;
	v19 =	vadd.f32 v20, v19;
	_ =	sdelay $0x1  }
0x2b1: {  	v22 =	vmul.f32 v22, v13;
	_ =	sdelay $0x1  }
0x2b2: {  	v20 =	vadd.s32 $0x1, v2;
	v22 =	vadd.f32 v22, v19;
	v19 =	vmov v7  }
0x2b3: {  	s5 =	simm.s32 $0x1E;
	v21 =	vadd.s32 v7, v20;
	v23 =	vmul.f32 v23, v14  }
.LBB2_11:
0x2b4: {  	p0 =	sne.s32 s5, $0x1;
	v2 =	vadd.s32 v8, v20  }
0x2b5: {  	v22 =	vadd.f32 v23, v22  }
0x2b6: {  	v23 =	vadd.s32 v11, v20  }
0x2b7: {  	[tilespmem:v19+s13+$0x0] =	vst.idx.msk $0xffff, v22  }
0x2b8: {  	v22 =	vadd.s32 v12, v20;
	v21 =	vld.idx.msk [tilespmem:v21+s20+$0x0], $0xffff  }
0x2b9: {  	v2 =	vld.idx.msk [tilespmem:v2+s20+$0x0], $0xffff  }
0x2ba: {  	v24 =	vadd.s32 v15, v20  }
0x2bb: {  	v23 =	vld.idx.msk [tilespmem:v23+s20+$0x0], $0xffff  }
0x2bc: {  	v25 =	vadd.s32 v16, v20  }
0x2bd: {  	v22 =	vld.idx.msk [tilespmem:v22+s20+$0x0], $0xffff  }
0x2be: {  	v26 =	vadd.s32 v17, v20  }
0x2bf: {  	v21 =	vmul.f32 v21, v0;
	v2 =	vmul.f32 v2, v1;
	v24 =	vld.idx.msk [tilespmem:v24+s20+$0x0], $0xffff  }
0x2c0: {  	v27 =	vadd.s32 v18, v20  }
0x2c1: {  	v2 =	vadd.f32 v2, v21;
	v21 =	vmul.f32 v23, v4;
	v23 =	vld.idx.msk [tilespmem:v25+s20+$0x0], $0xffff;
	_ =	sdelay $0x1  }
0x2c2: {  	v2 =	vadd.f32 v21, v2;
	v21 =	vmul.f32 v22, v5;
	v22 =	vld.idx.msk [tilespmem:v26+s20+$0x0], $0xffff;
	_ =	sdelay $0x1  }
0x2c3: {  	v2 =	vadd.f32 v21, v2;
	v21 =	vmul.f32 v24, v6;
	v24 =	vld.idx.msk [tilespmem:v27+s20+$0x0], $0xffff;
	_ =	sdelay $0x1  }
.Ltmp4:
0x2c4: {  	v2 =	vadd.f32 v21, v2;
	v21 =	vmul.f32 v23, v9;
	(pc) =	sbr.rel @p0 .LBB2_11-.Ltmp4, $4  }
0x2c5: {  	_ = 	snop  }
0x2c6: {  	v2 =	vadd.f32 v21, v2;
	v22 =	vmul.f32 v22, v13  }
0x2c7: {  	v20 =	vadd.s32 $0x1, v20;
	v19 =	vadd.s32 $0x1, v19  }
0x2c8: {  	s5 =	sadd.s32 $0xFFFFFFFF, s5;
	v21 =	vadd.s32 v7, v20;
	v22 =	vadd.f32 v22, v2;
	v23 =	vmul.f32 v24, v14  }
0x2c9: {  	_ = 	snop  }
0x2ca: {  	v2 =	vadd.s32 v8, v20  }
0x2cb: {  	v7 =	vadd.f32 v23, v22  }
0x2cc: {  	v8 =	vadd.s32 v11, v20  }
0x2cd: {  	[tilespmem:v19+s13+$0x0] =	vst.idx.msk $0xffff, v7  }
0x2ce: {  	v11 =	vadd.s32 v12, v20;
	v7 =	vld.idx.msk [tilespmem:v21+s20+$0x0], $0xffff  }
0x2cf: {  	v2 =	vld.idx.msk [tilespmem:v2+s20+$0x0], $0xffff  }
0x2d0: {  	v12 =	vadd.s32 v15, v20  }
0x2d1: {  	v8 =	vld.idx.msk [tilespmem:v8+s20+$0x0], $0xffff  }
0x2d2: {  	v15 =	vadd.s32 v16, v20  }
0x2d3: {  	v11 =	vld.idx.msk [tilespmem:v11+s20+$0x0], $0xffff  }
0x2d4: {  	v16 =	vadd.s32 v17, v20;
	v0 =	vmul.f32 v7, v0;
	v1 =	vmul.f32 v2, v1  }
0x2d5: {  	v2 =	vld.idx.msk [tilespmem:v12+s20+$0x0], $0xffff  }
0x2d6: {  	v7 =	vadd.s32 v18, v20;
	v0 =	vadd.f32 v1, v0;
	v1 =	vmul.f32 v8, v4  }
0x2d7: {  	v4 =	vld.idx.msk [tilespmem:v15+s20+$0x0], $0xffff  }
0x2d8: {  	v0 =	vadd.f32 v1, v0;
	v1 =	vmul.f32 v11, v5  }
0x2d9: {  	v5 =	vld.idx.msk [tilespmem:v16+s20+$0x0], $0xffff  }
0x2da: {  	v0 =	vadd.f32 v1, v0;
	v1 =	vmul.f32 v2, v6  }
0x2db: {  	v2 =	vld.idx.msk [tilespmem:v7+s20+$0x0], $0xffff  }
0x2dc: {  	v0 =	vadd.f32 v1, v0;
	v1 =	vmul.f32 v4, v9;
	_ =	sdelay $0x1  }
0x2dd: {  	v0 =	vadd.f32 v1, v0;
	v1 =	vmul.f32 v5, v13  }
0x2de: {  	v4 =	vadd.s32 $0x1, v19  }
0x2df: {  	v0 =	vadd.f32 v1, v0;
	v1 =	vmul.f32 v2, v14  }
0x2e0: {  	v7 =	vor.u32 $0xA00, v10;
	v2 =	vimm.s32 $0x0  }
0x2e1: {  	v8 =	vor.u32 $0x1A00, v10;
	v5 =	vadd.s32 v7, v2;
	v0 =	vadd.f32 v1, v0  }
0x2e2: {  	v6 =	vadd.s32 v8, v2  }
0x2e3: {  	v11 =	vor.u32 $0x2A00, v10;
	[tilespmem:v4+s13+$0x0] =	vst.idx.msk $0xffff, v0  }
0x2e4: {  	v9 =	vadd.s32 v11, v2;
	v0 =	vld [tilespmem:$0x5D0]  }
0x2e5: {  	v12 =	vor.u32 $0x3A00, v10;
	v1 =	vld [tilespmem:$0x650]  }
0x2e6: {  	v14 =	vadd.s32 v12, v2;
	v13 =	vld.idx.msk [tilespmem:v5+s20+$0x0], $0xffff  }
0x2e7: {  	v15 =	vor.u32 $0x4A00, v10;
	v18 =	vld.idx.msk [tilespmem:v6+s20+$0x0], $0xffff  }
0x2e8: {  	v19 =	vadd.s32 v15, v2;
	v4 =	vld [tilespmem:$0x6D0]  }
0x2e9: {  	v16 =	vor.u32 $0x5A00, v10;
	v20 =	vld.idx.msk [tilespmem:v9+s20+$0x0], $0xffff  }
0x2ea: {  	v21 =	vadd.s32 v16, v2;
	v5 =	vld [tilespmem:$0x750]  }
0x2eb: {  	v14 =	vld.idx.msk [tilespmem:v14+s20+$0x0], $0xffff  }
0x2ec: {  	v17 =	vor.u32 $0x6A00, v10;
	v6 =	vld [tilespmem:$0x7D0];
	v13 =	vmul.f32 v13, v0;
	v23 =	vmul.f32 v18, v1  }
0x2ed: {  	v22 =	vadd.s32 v17, v2;
	v19 =	vld.idx.msk [tilespmem:v19+s20+$0x0], $0xffff  }
0x2ee: {  	v9 =	vld [tilespmem:$0x850];
	v20 =	vmul.f32 v20, v4;
	v23 =	vadd.f32 v23, v13  }
0x2ef: {  	v21 =	vld.idx.msk [tilespmem:v21+s20+$0x0], $0xffff  }
0x2f0: {  	v18 =	vor.u32 $0x7A00, v10;
	v20 =	vadd.f32 v20, v23;
	v23 =	vmul.f32 v14, v5  }
0x2f1: {  	v24 =	vadd.s32 v18, v2  }
0x2f2: {  	v22 =	vld.idx.msk [tilespmem:v22+s20+$0x0], $0xffff;
	v19 =	vmul.f32 v19, v6;
	v20 =	vadd.f32 v23, v20  }
0x2f3: {  	v13 =	vld [tilespmem:$0x8D0]  }
0x2f4: {  	v19 =	vadd.f32 v19, v20;
	v20 =	vmul.f32 v21, v9  }
0x2f5: {  	v14 =	vld [tilespmem:$0x950]  }
0x2f6: {  	v23 =	vld.idx.msk [tilespmem:v24+s20+$0x0], $0xffff;
	v19 =	vadd.f32 v20, v19;
	_ =	sdelay $0x1  }
0x2f7: {  	v22 =	vmul.f32 v22, v13;
	_ =	sdelay $0x1  }
0x2f8: {  	v20 =	vadd.s32 $0x1, v2;
	v22 =	vadd.f32 v22, v19;
	v19 =	vmov v7  }
0x2f9: {  	s5 =	simm.s32 $0x1E;
	v21 =	vadd.s32 v7, v20;
	v23 =	vmul.f32 v23, v14  }
.LBB2_13:
0x2fa: {  	p0 =	sne.s32 s5, $0x1;
	v2 =	vadd.s32 v8, v20  }
0x2fb: {  	v22 =	vadd.f32 v23, v22  }
0x2fc: {  	v23 =	vadd.s32 v11, v20  }
0x2fd: {  	[tilespmem:v19+s13+$0x0] =	vst.idx.msk $0xffff, v22  }
0x2fe: {  	v22 =	vadd.s32 v12, v20;
	v21 =	vld.idx.msk [tilespmem:v21+s20+$0x0], $0xffff  }
0x2ff: {  	v2 =	vld.idx.msk [tilespmem:v2+s20+$0x0], $0xffff  }
0x300: {  	v24 =	vadd.s32 v15, v20  }
0x301: {  	v23 =	vld.idx.msk [tilespmem:v23+s20+$0x0], $0xffff  }
0x302: {  	v25 =	vadd.s32 v16, v20  }
0x303: {  	v22 =	vld.idx.msk [tilespmem:v22+s20+$0x0], $0xffff  }
0x304: {  	v26 =	vadd.s32 v17, v20  }
0x305: {  	v21 =	vmul.f32 v21, v0;
	v2 =	vmul.f32 v2, v1;
	v24 =	vld.idx.msk [tilespmem:v24+s20+$0x0], $0xffff  }
0x306: {  	v27 =	vadd.s32 v18, v20  }
0x307: {  	v2 =	vadd.f32 v2, v21;
	v21 =	vmul.f32 v23, v4;
	v23 =	vld.idx.msk [tilespmem:v25+s20+$0x0], $0xffff;
	_ =	sdelay $0x1  }
0x308: {  	v2 =	vadd.f32 v21, v2;
	v21 =	vmul.f32 v22, v5;
	v22 =	vld.idx.msk [tilespmem:v26+s20+$0x0], $0xffff;
	_ =	sdelay $0x1  }
0x309: {  	v2 =	vadd.f32 v21, v2;
	v21 =	vmul.f32 v24, v6;
	v24 =	vld.idx.msk [tilespmem:v27+s20+$0x0], $0xffff;
	_ =	sdelay $0x1  }
.Ltmp5:
0x30a: {  	v2 =	vadd.f32 v21, v2;
	v21 =	vmul.f32 v23, v9;
	(pc) =	sbr.rel @p0 .LBB2_13-.Ltmp5, $4  }
0x30b: {  	_ = 	snop  }
0x30c: {  	v2 =	vadd.f32 v21, v2;
	v22 =	vmul.f32 v22, v13  }
0x30d: {  	v20 =	vadd.s32 $0x1, v20;
	v19 =	vadd.s32 $0x1, v19  }
0x30e: {  	s5 =	sadd.s32 $0xFFFFFFFF, s5;
	v21 =	vadd.s32 v7, v20;
	v22 =	vadd.f32 v22, v2;
	v23 =	vmul.f32 v24, v14  }
0x30f: {  	_ = 	snop  }
0x310: {  	v2 =	vadd.s32 v8, v20  }
0x311: {  	v7 =	vadd.f32 v23, v22  }
0x312: {  	v8 =	vadd.s32 v11, v20  }
0x313: {  	[tilespmem:v19+s13+$0x0] =	vst.idx.msk $0xffff, v7  }
0x314: {  	v11 =	vadd.s32 v12, v20;
	v7 =	vld.idx.msk [tilespmem:v21+s20+$0x0], $0xffff  }
0x315: {  	v2 =	vld.idx.msk [tilespmem:v2+s20+$0x0], $0xffff  }
0x316: {  	v12 =	vadd.s32 v15, v20  }
0x317: {  	v8 =	vld.idx.msk [tilespmem:v8+s20+$0x0], $0xffff  }
0x318: {  	v15 =	vadd.s32 v16, v20  }
0x319: {  	v11 =	vld.idx.msk [tilespmem:v11+s20+$0x0], $0xffff  }
0x31a: {  	v16 =	vadd.s32 v17, v20;
	v0 =	vmul.f32 v7, v0;
	v1 =	vmul.f32 v2, v1  }
0x31b: {  	v2 =	vld.idx.msk [tilespmem:v12+s20+$0x0], $0xffff  }
0x31c: {  	v7 =	vadd.s32 v18, v20;
	v0 =	vadd.f32 v1, v0;
	v1 =	vmul.f32 v8, v4  }
0x31d: {  	v4 =	vld.idx.msk [tilespmem:v15+s20+$0x0], $0xffff  }
0x31e: {  	v0 =	vadd.f32 v1, v0;
	v1 =	vmul.f32 v11, v5  }
0x31f: {  	v5 =	vld.idx.msk [tilespmem:v16+s20+$0x0], $0xffff  }
0x320: {  	v0 =	vadd.f32 v1, v0;
	v1 =	vmul.f32 v2, v6  }
0x321: {  	v2 =	vld.idx.msk [tilespmem:v7+s20+$0x0], $0xffff  }
0x322: {  	v0 =	vadd.f32 v1, v0;
	v1 =	vmul.f32 v4, v9;
	_ =	sdelay $0x1  }
0x323: {  	v0 =	vadd.f32 v1, v0;
	v1 =	vmul.f32 v5, v13  }
0x324: {  	v4 =	vadd.s32 $0x1, v19  }
0x325: {  	v0 =	vadd.f32 v1, v0;
	v1 =	vmul.f32 v2, v14  }
0x326: {  	v7 =	vor.u32 $0xC00, v10;
	v2 =	vimm.s32 $0x0  }
0x327: {  	v8 =	vor.u32 $0x1C00, v10;
	v5 =	vadd.s32 v7, v2;
	v0 =	vadd.f32 v1, v0  }
0x328: {  	v6 =	vadd.s32 v8, v2  }
0x329: {  	v11 =	vor.u32 $0x2C00, v10;
	[tilespmem:v4+s13+$0x0] =	vst.idx.msk $0xffff, v0  }
0x32a: {  	v9 =	vadd.s32 v11, v2;
	v0 =	vld [tilespmem:$0x5E0]  }
0x32b: {  	v12 =	vor.u32 $0x3C00, v10;
	v1 =	vld [tilespmem:$0x660]  }
0x32c: {  	v14 =	vadd.s32 v12, v2;
	v13 =	vld.idx.msk [tilespmem:v5+s20+$0x0], $0xffff  }
0x32d: {  	v15 =	vor.u32 $0x4C00, v10;
	v18 =	vld.idx.msk [tilespmem:v6+s20+$0x0], $0xffff  }
0x32e: {  	v19 =	vadd.s32 v15, v2;
	v4 =	vld [tilespmem:$0x6E0]  }
0x32f: {  	v16 =	vor.u32 $0x5C00, v10;
	v20 =	vld.idx.msk [tilespmem:v9+s20+$0x0], $0xffff  }
0x330: {  	v21 =	vadd.s32 v16, v2;
	v5 =	vld [tilespmem:$0x760]  }
0x331: {  	v14 =	vld.idx.msk [tilespmem:v14+s20+$0x0], $0xffff  }
0x332: {  	v17 =	vor.u32 $0x6C00, v10;
	v6 =	vld [tilespmem:$0x7E0];
	v13 =	vmul.f32 v13, v0;
	v23 =	vmul.f32 v18, v1  }
0x333: {  	v22 =	vadd.s32 v17, v2;
	v19 =	vld.idx.msk [tilespmem:v19+s20+$0x0], $0xffff  }
0x334: {  	v9 =	vld [tilespmem:$0x860];
	v20 =	vmul.f32 v20, v4;
	v23 =	vadd.f32 v23, v13  }
0x335: {  	v21 =	vld.idx.msk [tilespmem:v21+s20+$0x0], $0xffff  }
0x336: {  	v18 =	vor.u32 $0x7C00, v10;
	v20 =	vadd.f32 v20, v23;
	v23 =	vmul.f32 v14, v5  }
0x337: {  	v24 =	vadd.s32 v18, v2  }
0x338: {  	v22 =	vld.idx.msk [tilespmem:v22+s20+$0x0], $0xffff;
	v19 =	vmul.f32 v19, v6;
	v20 =	vadd.f32 v23, v20  }
0x339: {  	v13 =	vld [tilespmem:$0x8E0]  }
0x33a: {  	v19 =	vadd.f32 v19, v20;
	v20 =	vmul.f32 v21, v9  }
0x33b: {  	v14 =	vld [tilespmem:$0x960]  }
0x33c: {  	v23 =	vld.idx.msk [tilespmem:v24+s20+$0x0], $0xffff;
	v19 =	vadd.f32 v20, v19;
	_ =	sdelay $0x1  }
0x33d: {  	v22 =	vmul.f32 v22, v13;
	_ =	sdelay $0x1  }
0x33e: {  	v20 =	vadd.s32 $0x1, v2;
	v22 =	vadd.f32 v22, v19;
	v19 =	vmov v7  }
0x33f: {  	s5 =	simm.s32 $0x1E;
	v21 =	vadd.s32 v7, v20;
	v23 =	vmul.f32 v23, v14  }
.LBB2_15:
0x340: {  	p0 =	sne.s32 s5, $0x1;
	v2 =	vadd.s32 v8, v20  }
0x341: {  	v22 =	vadd.f32 v23, v22  }
0x342: {  	v23 =	vadd.s32 v11, v20  }
0x343: {  	[tilespmem:v19+s13+$0x0] =	vst.idx.msk $0xffff, v22  }
0x344: {  	v22 =	vadd.s32 v12, v20;
	v21 =	vld.idx.msk [tilespmem:v21+s20+$0x0], $0xffff  }
0x345: {  	v2 =	vld.idx.msk [tilespmem:v2+s20+$0x0], $0xffff  }
0x346: {  	v24 =	vadd.s32 v15, v20  }
0x347: {  	v23 =	vld.idx.msk [tilespmem:v23+s20+$0x0], $0xffff  }
0x348: {  	v25 =	vadd.s32 v16, v20  }
0x349: {  	v22 =	vld.idx.msk [tilespmem:v22+s20+$0x0], $0xffff  }
0x34a: {  	v26 =	vadd.s32 v17, v20  }
0x34b: {  	v21 =	vmul.f32 v21, v0;
	v2 =	vmul.f32 v2, v1;
	v24 =	vld.idx.msk [tilespmem:v24+s20+$0x0], $0xffff  }
0x34c: {  	v27 =	vadd.s32 v18, v20  }
0x34d: {  	v2 =	vadd.f32 v2, v21;
	v21 =	vmul.f32 v23, v4;
	v23 =	vld.idx.msk [tilespmem:v25+s20+$0x0], $0xffff;
	_ =	sdelay $0x1  }
0x34e: {  	v2 =	vadd.f32 v21, v2;
	v21 =	vmul.f32 v22, v5;
	v22 =	vld.idx.msk [tilespmem:v26+s20+$0x0], $0xffff;
	_ =	sdelay $0x1  }
0x34f: {  	v2 =	vadd.f32 v21, v2;
	v21 =	vmul.f32 v24, v6;
	v24 =	vld.idx.msk [tilespmem:v27+s20+$0x0], $0xffff;
	_ =	sdelay $0x1  }
.Ltmp6:
0x350: {  	v2 =	vadd.f32 v21, v2;
	v21 =	vmul.f32 v23, v9;
	(pc) =	sbr.rel @p0 .LBB2_15-.Ltmp6, $4  }
0x351: {  	_ = 	snop  }
0x352: {  	v2 =	vadd.f32 v21, v2;
	v22 =	vmul.f32 v22, v13  }
0x353: {  	v20 =	vadd.s32 $0x1, v20;
	v19 =	vadd.s32 $0x1, v19  }
0x354: {  	s5 =	sadd.s32 $0xFFFFFFFF, s5;
	v21 =	vadd.s32 v7, v20;
	v22 =	vadd.f32 v22, v2;
	v23 =	vmul.f32 v24, v14  }
0x355: {  	_ = 	snop  }
0x356: {  	v2 =	vadd.s32 v8, v20  }
0x357: {  	v7 =	vadd.f32 v23, v22  }
0x358: {  	v8 =	vadd.s32 v11, v20  }
0x359: {  	[tilespmem:v19+s13+$0x0] =	vst.idx.msk $0xffff, v7  }
0x35a: {  	v11 =	vadd.s32 v12, v20;
	v7 =	vld.idx.msk [tilespmem:v21+s20+$0x0], $0xffff  }
0x35b: {  	v2 =	vld.idx.msk [tilespmem:v2+s20+$0x0], $0xffff  }
0x35c: {  	v12 =	vadd.s32 v15, v20  }
0x35d: {  	v8 =	vld.idx.msk [tilespmem:v8+s20+$0x0], $0xffff  }
0x35e: {  	v15 =	vadd.s32 v16, v20  }
0x35f: {  	v11 =	vld.idx.msk [tilespmem:v11+s20+$0x0], $0xffff  }
0x360: {  	v16 =	vadd.s32 v17, v20;
	v0 =	vmul.f32 v7, v0;
	v1 =	vmul.f32 v2, v1  }
0x361: {  	v2 =	vld.idx.msk [tilespmem:v12+s20+$0x0], $0xffff  }
0x362: {  	v7 =	vadd.s32 v18, v20;
	v0 =	vadd.f32 v1, v0;
	v1 =	vmul.f32 v8, v4  }
0x363: {  	v4 =	vld.idx.msk [tilespmem:v15+s20+$0x0], $0xffff  }
0x364: {  	v0 =	vadd.f32 v1, v0;
	v1 =	vmul.f32 v11, v5  }
0x365: {  	v5 =	vld.idx.msk [tilespmem:v16+s20+$0x0], $0xffff  }
0x366: {  	v0 =	vadd.f32 v1, v0;
	v1 =	vmul.f32 v2, v6  }
0x367: {  	v2 =	vld.idx.msk [tilespmem:v7+s20+$0x0], $0xffff  }
0x368: {  	v0 =	vadd.f32 v1, v0;
	v1 =	vmul.f32 v4, v9;
	_ =	sdelay $0x1  }
0x369: {  	v0 =	vadd.f32 v1, v0;
	v1 =	vmul.f32 v5, v13  }
0x36a: {  	v4 =	vadd.s32 $0x1, v19  }
0x36b: {  	v0 =	vadd.f32 v1, v0;
	v1 =	vmul.f32 v2, v14  }
0x36c: {  	v7 =	vor.u32 $0xE00, v10;
	v2 =	vimm.s32 $0x0  }
0x36d: {  	v8 =	vor.u32 $0x1E00, v10;
	v5 =	vadd.s32 v7, v2;
	v0 =	vadd.f32 v1, v0  }
0x36e: {  	v6 =	vadd.s32 v8, v2  }
0x36f: {  	v11 =	vor.u32 $0x2E00, v10;
	[tilespmem:v4+s13+$0x0] =	vst.idx.msk $0xffff, v0  }
0x370: {  	v9 =	vadd.s32 v11, v2;
	v0 =	vld [tilespmem:$0x5F0]  }
0x371: {  	v12 =	vor.u32 $0x3E00, v10;
	v1 =	vld [tilespmem:$0x670]  }
0x372: {  	v16 =	vadd.s32 v12, v2;
	v13 =	vld.idx.msk [tilespmem:v5+s20+$0x0], $0xffff  }
0x373: {  	v14 =	vor.u32 $0x4E00, v10;
	v17 =	vld.idx.msk [tilespmem:v6+s20+$0x0], $0xffff  }
0x374: {  	v18 =	vadd.s32 v14, v2;
	v4 =	vld [tilespmem:$0x6F0]  }
0x375: {  	v15 =	vor.u32 $0x5E00, v10;
	v19 =	vld.idx.msk [tilespmem:v9+s20+$0x0], $0xffff  }
0x376: {  	v20 =	vadd.s32 v15, v2;
	v5 =	vld [tilespmem:$0x770]  }
0x377: {  	v21 =	vld.idx.msk [tilespmem:v16+s20+$0x0], $0xffff  }
0x378: {  	v6 =	vld [tilespmem:$0x7F0];
	v13 =	vmul.f32 v13, v0;
	v23 =	vmul.f32 v17, v1  }
0x379: {  	v16 =	vor.u32 $0x6E00, v10;
	v18 =	vld.idx.msk [tilespmem:v18+s20+$0x0], $0xffff  }
0x37a: {  	v9 =	vld [tilespmem:$0x870];
	v22 =	vadd.s32 v16, v2;
	v19 =	vmul.f32 v19, v4;
	v13 =	vadd.f32 v23, v13  }
0x37b: {  	v20 =	vld.idx.msk [tilespmem:v20+s20+$0x0], $0xffff  }
0x37c: {  	v17 =	vor.u32 $0x7E00, v10;
	v21 =	vmul.f32 v21, v5;
	v19 =	vadd.f32 v19, v13  }
0x37d: {  	v24 =	vadd.s32 v17, v2  }
0x37e: {  	v10 =	vld [tilespmem:$0x8F0];
	v18 =	vmul.f32 v18, v6;
	v19 =	vadd.f32 v21, v19  }
0x37f: {  	v22 =	vld.idx.msk [tilespmem:v22+s20+$0x0], $0xffff  }
0x380: {  	v18 =	vadd.f32 v18, v19;
	v19 =	vmul.f32 v20, v9  }
0x381: {  	v13 =	vld [tilespmem:$0x970]  }
0x382: {  	v23 =	vld.idx.msk [tilespmem:v24+s20+$0x0], $0xffff;
	v18 =	vadd.f32 v19, v18;
	_ =	sdelay $0x1  }
0x383: {  	v21 =	vmul.f32 v22, v10;
	_ =	sdelay $0x1  }
0x384: {  	v19 =	vadd.s32 $0x1, v2;
	v21 =	vadd.f32 v21, v18;
	v18 =	vmov v7  }
0x385: {  	s5 =	simm.s32 $0x1E;
	v20 =	vadd.s32 v7, v19;
	v22 =	vmul.f32 v23, v13  }
.LBB2_17:
0x386: {  	p0 =	sne.s32 s5, $0x1;
	v2 =	vadd.s32 v8, v19  }
0x387: {  	v21 =	vadd.f32 v22, v21  }
0x388: {  	v22 =	vadd.s32 v11, v19  }
0x389: {  	[tilespmem:v18+s13+$0x0] =	vst.idx.msk $0xffff, v21  }
0x38a: {  	v21 =	vadd.s32 v12, v19;
	v20 =	vld.idx.msk [tilespmem:v20+s20+$0x0], $0xffff  }
0x38b: {  	v2 =	vld.idx.msk [tilespmem:v2+s20+$0x0], $0xffff  }
0x38c: {  	v23 =	vadd.s32 v14, v19  }
0x38d: {  	v22 =	vld.idx.msk [tilespmem:v22+s20+$0x0], $0xffff  }
0x38e: {  	v24 =	vadd.s32 v15, v19  }
0x38f: {  	v21 =	vld.idx.msk [tilespmem:v21+s20+$0x0], $0xffff  }
0x390: {  	v25 =	vadd.s32 v16, v19  }
0x391: {  	v20 =	vmul.f32 v20, v0;
	v2 =	vmul.f32 v2, v1;
	v23 =	vld.idx.msk [tilespmem:v23+s20+$0x0], $0xffff  }
0x392: {  	v26 =	vadd.s32 v17, v19  }
0x393: {  	v2 =	vadd.f32 v2, v20;
	v20 =	vmul.f32 v22, v4;
	v22 =	vld.idx.msk [tilespmem:v24+s20+$0x0], $0xffff;
	_ =	sdelay $0x1  }
0x394: {  	v2 =	vadd.f32 v20, v2;
	v20 =	vmul.f32 v21, v5;
	v21 =	vld.idx.msk [tilespmem:v25+s20+$0x0], $0xffff;
	_ =	sdelay $0x1  }
0x395: {  	v2 =	vadd.f32 v20, v2;
	v20 =	vmul.f32 v23, v6;
	v23 =	vld.idx.msk [tilespmem:v26+s20+$0x0], $0xffff;
	_ =	sdelay $0x1  }
.Ltmp7:
0x396: {  	v2 =	vadd.f32 v20, v2;
	v20 =	vmul.f32 v22, v9;
	(pc) =	sbr.rel @p0 .LBB2_17-.Ltmp7, $4  }
0x397: {  	_ = 	snop  }
0x398: {  	v2 =	vadd.f32 v20, v2;
	v21 =	vmul.f32 v21, v10  }
0x399: {  	v19 =	vadd.s32 $0x1, v19;
	v18 =	vadd.s32 $0x1, v18  }
0x39a: {  	s5 =	sadd.s32 $0xFFFFFFFF, s5;
	v20 =	vadd.s32 v7, v19;
	v21 =	vadd.f32 v21, v2;
	v22 =	vmul.f32 v23, v13  }
0x39b: {  	_ = 	snop  }
0x39c: {  	v2 =	vadd.s32 v8, v19  }
0x39d: {  	v7 =	vadd.f32 v22, v21  }
0x39e: {  	v58 =	vadd.s32 v11, v19  }
0x39f: {  	[tilespmem:v18+s13+$0x0] =	vst.idx.msk $0xffff, v7  }
0x3a0: {  	v59 =	vadd.s32 v12, v19;
	v7 =	vld.idx.msk [tilespmem:v20+s20+$0x0], $0xffff  }
0x3a1: {  	v2 =	vld.idx.msk [tilespmem:v2+s20+$0x0], $0xffff  }
0x3a2: {  	v60 =	vadd.s32 v14, v19  }
0x3a3: {  	v8 =	vld.idx.msk [tilespmem:v58+s20+$0x0], $0xffff  }
0x3a4: {  	v61 =	vadd.s32 v15, v19  }
0x3a5: {  	v11 =	vld.idx.msk [tilespmem:v59+s20+$0x0], $0xffff  }
0x3a6: {  	v62 =	vadd.s32 v16, v19;
	v0 =	vmul.f32 v7, v0;
	v1 =	vmul.f32 v2, v1  }
0x3a7: {  	v2 =	vld.idx.msk [tilespmem:v60+s20+$0x0], $0xffff  }
0x3a8: {  	v63 =	vadd.s32 v17, v19;
	v0 =	vadd.f32 v1, v0;
	v1 =	vmul.f32 v8, v4  }
0x3a9: {  	v4 =	vld.idx.msk [tilespmem:v61+s20+$0x0], $0xffff  }
0x3aa: {  	v0 =	vadd.f32 v1, v0;
	v1 =	vmul.f32 v11, v5  }
0x3ab: {  	v5 =	vld.idx.msk [tilespmem:v62+s20+$0x0], $0xffff  }
0x3ac: {  	v0 =	vadd.f32 v1, v0;
	v1 =	vmul.f32 v2, v6  }
0x3ad: {  	v2 =	vld.idx.msk [tilespmem:v63+s20+$0x0], $0xffff  }
0x3ae: {  	v0 =	vadd.f32 v1, v0;
	v1 =	vmul.f32 v4, v9;
	_ =	sdelay $0x1  }
0x3af: {  	v0 =	vadd.f32 v1, v0;
	v1 =	vmul.f32 v5, v10  }
0x3b0: {  	v4 =	vadd.s32 $0x1, v18  }
0x3b1: {  	v0 =	vadd.f32 v1, v0;
	v1 =	vmul.f32 v2, v13;
	_ =	sdelay $0x1  }
0x3b2: {  	s15 =	sadd.s32 $0x1, s15;
	v0 =	vadd.f32 v1, v0  }
0x3b3: {  	s5 =	sshll.u32 s9, $0x2;
	p0 =	sne.s32 s15, $0xD8  }
.Ltmp8:
0x3b4: {  	s5 =	sadd.s32 s7, s5;
	[tilespmem:v4+s13+$0x0] =	vst.idx.msk $0xffff, v0;
	(pc) =	sbr.rel @p0 .LBB2_2-.Ltmp8, $4  }
0x3b5: {  	[hbm4b:s5+s2] =	stream.linear.scatter [tilespmem:s13], [sflag:$0x2], $0x1000, $0x38;
	[tilespmem:$0x99E0] =	vst v63  }
0x3b6: {  	_ =	swait.ge [sflag:s16], $0x1000  }
0x3b7: {  	[sflag:s16] =	ssyncset.done $0x0  }
0x3b8: {  	[sflag:s16] =	ssyncadd.s32 $0xFFFFF000  }
0x3b9: {  	s14 =	sadd.s32 $0x1, s14;
	s5 =	rddreg [dreg:$0x4]  }
0x3ba: {  	p0 =	sne.s32 s14, s5  }
.Ltmp9:
0x3bb: {  	_ = 	snop;
	(pc) =	sbr.rel @p0 .LBB2_1-.Ltmp9, $1  }
0x3bc: {  	_ =	sdelay $0x3  }
0x3bd: {  	_ =	sfence.sel $0x180000  }
0x3be: {  	[bflag:$0x0] =	sbarrier.arrive $0xFFFF  }
0x3bf: {  	_ =	strace $0x90000047  }
0x3c0: {  	s0 =	stileid.u32;
	[bflag:$0x2] =	sbarrier.arrive $0xFFFF  }
0x3c1: {  	p0 =	sne.s32 s0, $0x0;
	s0 =	rddreg [dreg:$0x2]  }
0x3c2: {  	s0 =	sadd.s32 @!p0 $0x100000, s0  }
0x3c3: {  	[sflag:s0] =	ssyncadd.tile.s32 @!p0 $0x1;
	_ =	shalt  }
.Lfunc_end2:
_tile_overlayer_lowered:
.L_overlay_start_2:
0x3c4: {  	(tag) =	ssettag $0x2  }
0x3c5: {  	s0 =	rddreg [dreg:$0x0];
	s2 =	stileid.u32  }
0x3c6: {  	s1 =	rddreg [dreg:$0x1];
	p0 =	sne.s32 s2, $0x0  }
0x3c7: {  	s3 =	rddreg [dreg:$0x2];
	[bflag:$0x3] =	sbarrier.arrive $0xFFFF;
	s2 =	simm.s32 @!p0 $0x1C02  }
0x3c8: {  	[timem:s3], [sflag:s2] =	dma.local @!p0 [hbm:s0], s1  }
0x3c9: {  	s0 =	simm.s32 @!p0 $0x2  }
0x3ca: {  	_ =	swait.ge @!p0 [sflag:s0], s1  }
0x3cb: {  	s1 =	ssub.s32 @!p0 $0x0, s1;
	[sflag:s0] =	ssyncset.done @!p0 $0x0  }
0x3cc: {  	[sflag:s0] =	ssyncadd.s32 @!p0 s1  }
0x3cd: {  	[bflag:$0x3] =	sbarrier.arrive $0xFFFF  }
0x3ce: {  	_ =	shalt  }

// kernel: sparse-core-data-format-call.cloned.1.call-start
scs
called_computation_lowered:
.L_overlay_start_0:
0x0: {  	s2 =	sld [smem:$0x3FD9]  }
0x1: {  	s3 =	sld [smem:$0x3FFE];
	_ =	sdelay $0x1  }
0x2: {  	s1 =	srdreg.scid  }
0x3: {  	s0 =	sand.u32 $0x1, s1  }
0x4: {  	s18 =	sshll.u32 s0, $0xA;
	s2 =	sadd.s32 s3, s2  }
0x5: {  	s2 =	sadd.s32 s2, s18  }
0x6: {  	[smem:$0x3FC6] =	sst s2  }
0x7: {  	_ = 	snop  }
0x8: {  	s2 =	sld [smem:$0x3FD0];
	(tm) =	ssettm $0x1  }
0x9: {  	s19 =	sld [smem:$0x3FFB];
	_ =	sdelay $0x3  }
0xa: {  	_ =	strace s19  }
0xb: {  	s3 =	sld [smem:$0x3FFC];
	_ =	sdelay $0x3  }
0xc: {  	_ =	strace s3  }
0xd: {  	s3 =	sld [smem:$0x3FFD];
	_ =	sdelay $0x3  }
0xe: {  	_ =	strace s3  }
0xf: {  	_ =	strace $0x8FFFFFFF  }
0x10: {  	s20 =	sld [smem:$0x3FDB];
	_ =	sdelay $0x1  }
0x11: {  	s4 =	simm.s32 $_scs_section_size  }
0x12: {  	s5 =	simm.s32 $_size__tile_overlayer_lowered;
	s6 =	simm.s32 $_tile_overlayer_lowered  }
0x13: {  	s23 =	simm.s32 $0x1BFF;
	s22 =	sshll.u32 s6, $0x1;
	s3 =	sadd.s32 s4, s20  }
0x14: {  	s7 =	simm.s32 $0x0;
	s21 =	sshll.u32 s5, $0x1;
	s5 =	sadd.s32 s22, s3  }
0x15: {  	[timem:s7], [sflag:s23] =	dma.local [hbm:s5], s21  }
0x16: {  	_ =	swait.ge [sflag:s23], s21  }
0x17: {  	s4 =	ssub.s32 $0x0, s21;
	[sflag:s23] =	ssyncset.done $0x0  }
0x18: {  	[sflag:s23] =	ssyncadd.s32 s4;
	_ =	sdelay $0x1  }
0x19: {  	s24 =	simm.s32 $0x1B8B  }
0x1a: {  	_ =	swait.ge [sflag:s24], $0x1  }
0x1b: {  	[sflag:s24] =	ssyncset.done $0x0  }
0x1c: {  	s26 =	simm.s32 $0x1B8E;
	s25 =	sld [smem:$0x3FFE];
	[sflag:s24] =	ssyncadd.s32 $0xFFFFFFFF  }
0x1d: {  	s27 =	simm.s32 $execute0_lowered;
	[smem:$0x3FD2] =	sst s26  }
0x1e: {  	s5 =	sshll.u32 s27, $0x1;
	_ =	strace $0x80000049;
	[dreg:$0x1] =	wrdreg $0xFFFFFFFF  }
0x1f: {  	s28 =	simm.s32 $_size_execute0_lowered;
	s3 =	sadd.s32 s3, s5;
	[dreg:$0x0] =	wrdreg $0x0  }
0x20: {  	s5 =	sshll.u32 s28, $0x1;
	[dreg:$0x2] =	wrdreg s3  }
0x21: {  	[dreg:$0x3] =	wrdreg s5  }
0x22: {  	[dreg:$0x4] =	wrdreg $0xC0  }
0x23: {  	_ =	task [dreg:s7], $0x5FFFF  }
0x24: {  	[dreg:$0x1] =	wrdreg $0xFFFFFFFF  }
0x25: {  	[dreg:$0x0] =	wrdreg $0x60  }
0x26: {  	[dreg:$0x2] =	wrdreg s25  }
0x27: {  	[dreg:$0x3] =	wrdreg s2  }
0x28: {  	[dreg:$0x4] =	wrdreg $0x9  }
0x29: {  	_ =	task.clear_ibuf [dreg:s7], $0x5FFFF;
	_ =	strace $0x90000049  }
0x2a: {  	s29 =	simm.s32 $0x9;
	_ =	strace $0x8000004B  }
0x2b: {  	_ =	swait.ge [sflag:s29], $0x1  }
0x2c: {  	[sflag:s29] =	ssyncadd.s32 $0xFFFFFFFF  }
0x2d: {  	_ =	strace $0x9000004B  }
0x2e: {  	_ =	sfence  }
0x2f: {  	s30 =	sld [smem:$0x0];
	_ =	sdelay $0x2  }
0x30: {  	s31 =	sshll.u32 s1, $0xD;
	s1 =	sshrl.u32 s1, $0x2  }
0x31: {  	s3 =	sand.u32 $0x4000, s31;
	s1 =	sadd.s32 s1, s30  }
0x32: {  	s0 =	sor.u32 s3, s0;
	s1 =	sshll.u32 s1, $0x11  }
0x33: {  	s0 =	sor.u32 s1, s0  }
0x34: {  	s0 =	sadd.s32 $0x8F2B, s0  }
0x35: {  	[sflag:s0] =	ssyncadd.remote.s32 $0x1  }
0x36: {  	_ =	sfence.sel $0xFFFF  }
0x37: {  	[dreg:$0x0] =	wrdreg $0xFFFFFFFF;
	(pc) =	sbr.abs _section_cstart, $3  }
0x38: {  	[dreg:$0x1] =	wrdreg $0xFFFFFFFF  }
0x39: {  	_ =	task.clear_ibuf [dreg:s7], $0x2FFFF;
	_ =	strace $0x9FFFFFFF  }
0x3a: {  	(tm) =	ssettm $0x7FFFFFFF  }
0x3b: {  	_ =	shalt  }
tec
execute0_lowered:
.L_overlay_start_1:
0x0: {  	(tag) =	ssettag $0x1  }
0x1: {  	s1 =	rddreg [dreg:$0x0]  }
0x2: {  	s2 =	rddreg [dreg:$0x1]  }
0x3: {  	s0 =	rddreg [dreg:$0x2];
	_ =	strace $0x8000004A;
	s4 =	srdreg.scid  }
0x4: {  	s6 =	simm.s32 $0x2;
	s11 =	simm.s32 $0x0;
	p0 =	por $0x0, $0x0  }
.Ltmp0:
0x5: {  	s7 =	simm.s32 $0x120000;
	s12 =	simm.s32 $0x0;
	(pc) =	sbr.rel .LBB1_1-.Ltmp0, $4  }
0x6: {  	s9 =	simm.s32 $0x0;
	s3 =	sadd.s32 $0x3B1C00, s1;
	s5 =	sshll.u32 s4, $0x4  }
0x7: {  	s1 =	stileid.u32;
	s4 =	simm.s32 $0x1;
	s5 =	sand.u32 $0x10, s5  }
0x8: {  	s8 =	simm.s32 $0x0;
	[sflag:s4] =	ssyncpa.u1 $0x0;
	s5 =	sor.u32 s1, s5  }
0x9: {  	[sflag:s6] =	ssyncpa.u1 $0x0;
	s6 =	simm.s32 $0x80;
	s10 =	smov.u32 s5  }
.LBB1_5:
0xa: {  	s13 =	sadd.s32 $0x1, s9  }
0xb: {  	s11 =	sadd.s32 $0x20, s10;
	s15 =	smov.u32 s10;
	p2 =	sgt.s32 s13, $0x5F  }
0xc: {  	p1 =	slt.u32 s8, $0x2;
	s15 =	smov.u32 @p2 s11  }
0xd: {  	s8 =	sadd.s32 $0x1, s8;
	s13 =	simm.s32 @p2 $0x0;
	p2 =	sgt.s32 s15, $0x5F  }
0xe: {  	s15 =	smov.u32 @p2 s5;
	p2 =	sne.s32 s8, $0x122  }
.Ltmp1:
0xf: {  	_ = 	snop;
	(pc) =	sbr.rel @!p2 .LBB1_6-.Ltmp1, $4  }
0x10: {  	s14 =	simm.s32 @!p1 $0x2  }
0x11: {  	s12 =	smov.u32 s10;
	_ =	swait.ge @!p1 [sflag:s14], $0x1000  }
0x12: {  	p0 =	por !p0, !p0;
	s11 =	smov.u32 s9;
	[sflag:s14] =	ssyncset.done @!p1 $0x0  }
0x13: {  	s9 =	smov.u32 s13;
	[sflag:s14] =	ssyncadd.s32 @!p1 $0xFFFFF000;
	s10 =	smov.u32 s15  }
.LBB1_1:
0x14: {  	p1 =	sgt.u32 s8, $0x11F  }
0x15: {  	p2 =	sgt.s32 @!p1 s10, $0x5F  }
0x16: {  	s13 =	smov.u32 s10;
	s15 =	smov.u32 s9;
	p2 =	por !p2, p1  }
0x17: {  	s14 =	sshra.s32 @!p1 s10, $0x1F;
	s13 =	simm.s32 @p2 $0x5F;
	p2 =	sgt.s32 @!p1 s9, $0x5F  }
0x18: {  	s16 =	sshra.s32 @!p1 s9, $0x1F;
	s14 =	sand.u32 @!p1 s14, s10;
	p2 =	por !p2, p1  }
0x19: {  	s16 =	sand.u32 @!p1 s16, s9;
	s13 =	ssub.s32 @!p1 s13, s14;
	s15 =	simm.s32 @p2 $0x5F  }
0x1a: {  	s14 =	ssub.s32 @!p1 s15, s16;
	s15 =	sadd.s32 @!p1 $0xFFFFFFA1, s13  }
0x1b: {  	s13 =	ssub.s32 @!p1 $0x60, s13;
	s16 =	sadd.s32 @!p1 $0xFFFFFFA1, s14;
	p2 =	sgt.s32 @!p1 s15, $0x0  }
0x1c: {  	s13 =	smul.u32 @!p1 $0x3000, s13;
	s14 =	ssub.s32 @!p1 $0x60, s14;
	p3 =	sgt.s32 @!p1 s16, $0x0  }
0x1d: {  	s15 =	smul.u32 @!p1 $0x24000, s10;
	p2 =	por !p2, p1;
	p3 =	por !p3, p1  }
0x1e: {  	s16 =	smul.u32 @!p1 $0x600, s9;
	s13 =	simm.s32 @!p2 $0x0;
	s14 =	simm.s32 @!p3 $0x0  }
0x1f: {  	s15 =	sadd.s32 @!p1 s3, s15;
	s13 =	smul.u32 @!p1 s14, s13;
	s14 =	sxor.u32 @!p1 $0xFFFFFFFF, s8  }
0x20: {  	s17 =	simm.s32 @!p1 $0x80;
	s15 =	sadd.s32 @!p1 s16, s15;
	s14 =	sshll.u32 @!p1 s14, $0xC  }
0x21: {  	s16 =	simm.s32 @!p1 $0x20;
	s14 =	sand.u32 @!p1 $0x1000, s14;
	s13 =	sshrl.u32 @!p1 s13, $0x2  }
0x22: {  	[tilespmem:s14], [sflag:$0x1] =	stream.strided.gather @!p1 [hbm4b:s15+s16], s13, s17, s16, $0x38;
	[tilespmem:$0x4040] =	vst v63  }
0x23: {  	p1 =	seq.s32 s8, $0x0  }
0x24: {  	p2 =	seq.s32 @!p1 s8, $0x121  }
0x25: {  	p1 =	por p1, p2  }
.Ltmp2:
0x26: {  	_ = 	snop;
	(pc) =	sbr.rel @p1 .LBB1_5-.Ltmp2, $1  }
0x27: {  	_ =	sdelay $0x3  }
0x28: {  	p1 =	sgt.s32 s12, $0x5F;
	s13 =	smov.u32 s12  }
0x29: {  	s14 =	sshra.s32 s12, $0x1F;
	s15 =	smov.u32 s11;
	s16 =	sshra.s32 s11, $0x1F  }
0x2a: {  	s13 =	simm.s32 @!p1 $0x5F;
	s14 =	sand.u32 s14, s12;
	p1 =	sgt.s32 s11, $0x5F  }
0x2b: {  	s25 =	sand.u32 s16, s11;
	s13 =	ssub.s32 s13, s14;
	s15 =	simm.s32 @!p1 $0x5F  }
0x2c: {  	s26 =	ssub.s32 $0x60, s13;
	s14 =	ssub.s32 s15, s25  }
0x2d: {  	s13 =	sadd.s32 $0xFFFFFFA1, s13;
	s15 =	sadd.s32 $0xFFFFFFA1, s14;
	s16 =	smul.u32 $0x3000, s26  }
0x2e: {  	p1 =	sgt.s32 s13, $0x0;
	s13 =	ssub.s32 $0x60, s14;
	p2 =	sgt.s32 s15, $0x0  }
0x2f: {  	s13 =	simm.s32 @p2 $0x0;
	s16 =	simm.s32 @p1 $0x0  }
0x30: {  	s13 =	smul.u32 s13, s16;
	_ =	sdelay $0x1  }
0x31: {  	s14 =	simm.s32 $0x1;
	s13 =	sshrl.u32 s13, $0x2  }
0x32: {  	s14 =	simm.s32 @!p0 $0x0;
	_ =	swait.ge [sflag:s4], s13  }
0x33: {  	s27 =	sshll.u32 s14, $0xC;
	s13 =	ssub.s32 $0x0, s13;
	[sflag:s4] =	ssyncset.done $0x0  }
0x34: {  	s17 =	sor.u32 $0x10, s27;
	[sflag:s4] =	ssyncadd.s32 s13  }
0x35: {  	s28 =	smul.u32 $0x4080, s14;
	v1 =	vld [tilespmem:s17+$0x0]  }
0x36: {  	s29 =	sand.u32 $0x1, s8;
	v0 =	vld [tilespmem:s17+$0xFFFFFFF0]  }
0x37: {  	s30 =	smul.u32 $0x4080, s29;
	s13 =	sshrl.u32 s28, $0x2  }
0x38: {  	s14 =	sor.u32 $0x2000, s13  }
0x39: {  	s31 =	sshrl.u32 s30, $0x2;
	s15 =	sadd.s32 $0x0, s14  }
0x3a: {  	s16 =	simm.s32 $0x4;
	s13 =	sor.u32 $0x2000, s31;
	s17 =	sadd.s32 $0x20, s17;
	[tilespmem:s15+$0x810 ss:$0x81] =	vst.msk $0xffff, v1  }
.LBB1_3:
0x3b: {  	v1 =	vld [tilespmem:s17+$0x0];
	p1 =	sne.s32 s16, $0x1FC;
	[tilespmem:s15+$0x0 ss:$0x81] =	vst.msk $0xffff, v0;
	s15 =	smov.u32 s16;
	s16 =	sadd.s32 $0x4, s16  }
.Ltmp3:
0x3c: {  	v0 =	vld [tilespmem:s17+$0xFFFFFFF0];
	(pc) =	sbr.rel @p1 .LBB1_3-.Ltmp3, $4  }
0x3d: {  	_ = 	snop  }
0x3e: {  	s15 =	sshra.s32 s15, $0x2  }
0x3f: {  	s15 =	sadd.s32 s15, s14  }
0x40: {  	s17 =	sadd.s32 $0x20, s17;
	[tilespmem:s15+$0x810 ss:$0x81] =	vst.msk $0xffff, v1  }
0x41: {  	s11 =	sand.u32 $0x1FFFFFF, s11  }
0x42: {  	s14 =	smulhi.u32 $0x2AAAAAB, s11  }
0x43: {  	s12 =	smul.u32 $0x600, s12  }
0x44: {  	s14 =	smul.u32 $0x60, s14  }
.Ltmp4:
0x45: {  	_ = 	snop;
	(pc) =	sbr.rel .LBB1_5-.Ltmp4, $4  }
0x46: {  	s11 =	ssub.s32 s11, s14  }
0x47: {  	s12 =	sadd.s32 s2, s12;
	s11 =	sshll.u32 s11, $0x4  }
0x48: {  	[tilespmem:s15+$0x0 ss:$0x81] =	vst.msk $0xffff, v0;
	s11 =	sadd.s32 s11, s12  }
0x49: {  	[hbm4b:s11+s6] =	stream.strided.scatter [tilespmem:s13], [sflag:$0x2], $0x1000, s7, s6, $0x20;
	[tilespmem:$0x4040] =	vst v63  }
.LBB1_6:
0x4a: {  	_ =	sfence.sel $0x180000  }
0x4b: {  	s2 =	simm.s32 $0x1;
	[bflag:$0x0] =	sbarrier.arrive $0xFFFF  }
0x4c: {  	s31 =	simm.s32 $0x2;
	[sflag:s2] =	ssyncpa.u1 $0x1  }
0x4d: {  	[sflag:s31] =	ssyncpa.u1 $0x1  }
0x4e: {  	p0 =	sne.s32 s1, $0x0;
	_ =	strace $0x9000004A  }
0x4f: {  	s0 =	sadd.s32 @!p0 $0x100000, s0;
	[bflag:$0x2] =	sbarrier.arrive $0xFFFF  }
0x50: {  	[sflag:s0] =	ssyncadd.tile.s32 @!p0 $0x1;
	_ =	shalt  }
.Lfunc_end1:
_tile_overlayer_lowered:
.L_overlay_start_2:
0x51: {  	(tag) =	ssettag $0x2  }
0x52: {  	s0 =	rddreg [dreg:$0x0];
	s2 =	stileid.u32  }
0x53: {  	s1 =	rddreg [dreg:$0x1];
	p0 =	sne.s32 s2, $0x0  }
0x54: {  	s3 =	rddreg [dreg:$0x2];
	[bflag:$0x3] =	sbarrier.arrive $0xFFFF;
	s2 =	simm.s32 @!p0 $0x1C01  }
0x55: {  	[timem:s3], [sflag:s2] =	dma.local @!p0 [hbm:s0], s1  }
0x56: {  	s0 =	simm.s32 @!p0 $0x1  }
0x57: {  	_ =	swait.ge @!p0 [sflag:s0], s1  }
0x58: {  	s1 =	ssub.s32 @!p0 $0x0, s1;
	[sflag:s0] =	ssyncset.done @!p0 $0x0  }
0x59: {  	[sflag:s0] =	ssyncadd.s32 @!p0 s1  }
0x5a: {  	[bflag:$0x3] =	sbarrier.arrive $0xFFFF  }
0x5b: {  	_ =	shalt  }

</sc_bundles>
